<compile_context>
chip_gen: v7x
topology: tpu7x:2x2x1
jax: 0.10.2.dev20260603
libtpu: 0.0.44.dev20260713+nightly
codegen_flags: <defaults>
</compile_context>

<pallas_src>
import functools

import jax
import jax.numpy as jnp
from jax import lax
from jax.experimental import pallas as pl
from jax.experimental.pallas import tpu as pltpu
from jax.experimental.pallas import tpu_sc as plsc

B = 16384
F = 26
D = 16
NT = F + 2
CONCAT = NT * D
HID = 256
FIELD_VOCAB = 100000

NC, NS = 2, 16
NW = NC * NS
BPW = B // NW
CH = 128
NCH = BPW // CH


def _gather_body(idx_hbm, user_tbl, item_tbl, feat_tbl, out_hbm,
                 idx_v, rows_v, isem, gsem):
    wid = lax.axis_index("s") * NC + lax.axis_index("c")
    base = wid * BPW
    pltpu.sync_copy(idx_hbm.at[:, pl.ds(base, BPW)], idx_v)
    for f in range(NT):
        tbl = user_tbl if f == 0 else (item_tbl if f == 1 else feat_tbl)
        cps = [
            pltpu.async_copy(
                tbl.at[idx_v.at[f, pl.ds(c * CH, CH)]],
                rows_v.at[pl.ds(c * CH, CH)],
                gsem,
            )
            for c in range(NCH)
        ]
        for cp in cps:
            cp.wait()
        pltpu.sync_copy(rows_v,
                        out_hbm.at[pl.ds(base, BPW), pl.ds(f * D, D)])


@functools.partial(
    pl.kernel,
    out_type=jax.ShapeDtypeStruct((B, CONCAT), jnp.float32),
    mesh=plsc.VectorSubcoreMesh(core_axis_name="c", subcore_axis_name="s"),
    scratch_types=[
        pltpu.VMEM((NT, BPW), jnp.int32),
        pltpu.VMEM((BPW, D), jnp.float32),
        pltpu.SemaphoreType.DMA,
        pltpu.SemaphoreType.DMA,
    ],
    compiler_params=pltpu.CompilerParams(use_tc_tiling_on_sc=False),
)
def _gather_all(idx, user_tbl, item_tbl, feat_tbl, out,
                idx_v, rows_v, isem, gsem):
    _gather_body(idx, user_tbl, item_tbl, feat_tbl, out,
                 idx_v, rows_v, isem, gsem)


BLK = 512


def _mlp_body(x_ref, w1t_ref, b1_ref, w2_ref, b2_ref, o_ref):
    x = x_ref[...]
    h = jnp.dot(x, w1t_ref[...], preferred_element_type=jnp.float32)
    h = jnp.maximum(h + b1_ref[...], 0.0)
    d = jnp.sum(h * w2_ref[...], axis=1, keepdims=True)
    fm = jnp.sum(x, axis=1, keepdims=True)
    z = fm + d + b2_ref[...]
    o_ref[...] = 10.0 / (1.0 + jnp.exp(-z))


def _mlp(fm_terms, w1t, b1, w2, b2):
    return pl.pallas_call(
        _mlp_body,
        grid=(B // BLK,),
        in_specs=[
            pl.BlockSpec((BLK, CONCAT), lambda i: (i, 0)),
            pl.BlockSpec((CONCAT, HID), lambda i: (0, 0)),
            pl.BlockSpec((1, HID), lambda i: (0, 0)),
            pl.BlockSpec((1, HID), lambda i: (0, 0)),
            pl.BlockSpec((1, 1), lambda i: (0, 0)),
        ],
        out_specs=pl.BlockSpec((BLK, 1), lambda i: (i, 0)),
        out_shape=jax.ShapeDtypeStruct((B, 1), jnp.float32),
    )(fm_terms, w1t, b1, w2, b2)


def kernel(user, item, feature, user_table, item_table, feat_tables,
           W1, b1, W2, b2):
    offs = jnp.arange(F, dtype=jnp.int32) * FIELD_VOCAB
    idx2 = jnp.concatenate(
        [user.astype(jnp.int32)[None],
         item.astype(jnp.int32)[None],
         (feature.astype(jnp.int32) + offs[None, :]).T], axis=0)
    feat_flat = feat_tables.reshape(F * FIELD_VOCAB, D)
    fm_terms = _gather_all(idx2, user_table, item_table, feat_flat)
    return _mlp(fm_terms, W1.T, b1.reshape(1, HID), W2.reshape(1, HID),
                b2.reshape(1, 1))

# --- scband reference (transcript-rebuilt; emitter-appended) ---
"""Pipeline reference for scband-deep-fm-6253472383261 (READ-ONLY COPY).

The authoritative reference and input builder live on the scoring server;
editing this copy changes nothing except your own understanding.
"""

import jax, jax.numpy as jnp
import numpy as np

B = 16384
NUM_USERS = 1000000
NUM_ITEMS = 1000000
NUM_FIELDS = 26
FIELD_VOCAB = 100000
EMBED_DIM = 16
HIDDEN_DIM = 256


def setup_inputs(seed: int = 0) -> dict:
    key = jax.random.key(seed)
    ks = jax.random.split(key, 10)
    user = jax.random.randint(ks[0], (B,), 0, NUM_USERS, dtype=jnp.int64 if jax.config.jax_enable_x64 else jnp.int32)
    item = jax.random.randint(ks[1], (B,), 0, NUM_ITEMS, dtype=jnp.int64 if jax.config.jax_enable_x64 else jnp.int32)
    feature = jax.random.randint(ks[2], (B, NUM_FIELDS), 0, FIELD_VOCAB, dtype=jnp.int64 if jax.config.jax_enable_x64 else jnp.int32)
    user_table = jax.random.normal(ks[3], (NUM_USERS, EMBED_DIM), dtype=jnp.float32) * 0.02
    item_table = jax.random.normal(ks[4], (NUM_ITEMS, EMBED_DIM), dtype=jnp.float32) * 0.02
    feat_tables = jax.random.normal(ks[5], (NUM_FIELDS, FIELD_VOCAB, EMBED_DIM), dtype=jnp.float32) * 0.02
    W1 = jax.random.normal(ks[6], (HIDDEN_DIM, EMBED_DIM * (2 + NUM_FIELDS)), dtype=jnp.float32) * 0.02
    b1 = jnp.zeros((HIDDEN_DIM,), dtype=jnp.float32)
    W2 = jax.random.normal(ks[7], (1, HIDDEN_DIM), dtype=jnp.float32) * 0.02
    b2 = jnp.zeros((1,), dtype=jnp.float32)
    return {"user": user, "item": item, "feature": feature,
            "user_table": user_table, "item_table": item_table, "feat_tables": feat_tables,
            "W1": W1, "b1": b1, "W2": W2, "b2": b2}


def reference(user, item, feature, user_table, item_table, feat_tables, W1, b1, W2, b2):
    user_emb = jnp.take(user_table, user, axis=0)            # [B, D]
    item_emb = jnp.take(item_table, item, axis=0)            # [B, D]
    # per-field embedding lookups: feat_tables[i][feature[:, i]]
    feat_embs = jax.vmap(lambda tbl, idx: jnp.take(tbl, idx, axis=0), in_axes=(0, 1))(feat_tables, feature)  # [F, B, D]
    feat_embs = jnp.transpose(feat_embs, (1, 0, 2)).reshape(user.shape[0], NUM_FIELDS * EMBED_DIM)  # [B, F*D]
    fm_terms = jnp.concatenate([user_emb, item_emb, feat_embs], axis=1)  # [B, (2+F)*D]
    fm_interactions = jnp.sum(fm_terms, axis=1, keepdims=True)           # [B, 1]
    deep_input = fm_terms
    deep_out = jax.nn.relu(deep_input @ W1.T + b1)
    deep_out = deep_out @ W2.T + b2
    prediction = jax.nn.sigmoid(fm_interactions + deep_out)
    prediction = prediction * 10.0
    return prediction

if __name__ == "__main__":
    import jax
    _d = setup_inputs()
    print(jax.jit(kernel)(*tuple(_d.values())))

</pallas_src>

<mosaic_0001>
#map = affine_map<(d0, d1) -> (0, 0)>
module attributes {stable_mosaic.version = 14 : i64} {
  func.func @_gather_all(%arg0: i32, %arg1: i32, %arg2: memref<28x16384xi32, #tpu.memory_space<hbm>>, %arg3: memref<1000000x16xf32, #tpu.memory_space<hbm>>, %arg4: memref<1000000x16xf32, #tpu.memory_space<hbm>>, %arg5: memref<2600000x16xf32, #tpu.memory_space<hbm>>, %arg6: memref<16384x448xf32, #tpu.memory_space<hbm>>, %arg7: memref<28x512xi32, #tpu.memory_space<vmem>>, %arg8: memref<512x16xf32, #tpu.memory_space<vmem>>, %arg9: memref<!tpu.dma_semaphore, #tpu.memory_space<semaphore_mem>>, %arg10: memref<!tpu.dma_semaphore, #tpu.memory_space<semaphore_mem>>) attributes {dimension_semantics = [#tpu.dimension_semantics<core_parallel>, #tpu.dimension_semantics<subcore_parallel>], iteration_bounds = array<i64: 2, 16>, scalar_prefetch = 0 : i64, scratch_operands = 4 : i64, tpu.core_type = #tpu.core_type<sc_vector_subcore>, window_params = [{transform_indices = #map}, {transform_indices = #map}, {transform_indices = #map}, {transform_indices = #map}, {transform_indices = #map}]} {
    %mul3A = arith.constant 2 : i32
    %mul3A_0 = arith.muli %arg1, %mul3A : i32
    %add3A = arith.addi %mul3A_0, %arg0 : i32
    %mul3A_1 = arith.constant 512 : i32
    %mul3A_2 = arith.muli %add3A, %mul3A_1 : i32
    "tpu.region"() ({
      %run_scoped3A = tpu.sem_alloc : memref<!tpu.dma_semaphore, #tpu.memory_space<semaphore_mem>>
      %dma_start3A_2241 = arith.constant 0 : i32
      %dma_start3A_2242 = tpu.memref_slice %arg2[%dma_start3A_2241, %mul3A_2] : memref<28x16384xi32, #tpu.memory_space<hbm>> -> memref<28x512xi32, #tpu.memory_space<hbm>>
      %dma_start3A_2243 = arith.constant 0 : i32
      %dma_start3A_2244 = tpu.memref_slice %arg2[%dma_start3A_2243, %mul3A_2] : memref<28x16384xi32, #tpu.memory_space<hbm>> -> memref<28x512xi32, #tpu.memory_space<hbm>>
      tpu.enqueue_dma source(%dma_start3A_2244 : memref<28x512xi32, #tpu.memory_space<hbm>>) target(%arg7 : memref<28x512xi32, #tpu.memory_space<vmem>>) target_semaphore(%run_scoped3A : memref<!tpu.dma_semaphore, #tpu.memory_space<semaphore_mem>>)
      %dma_wait3A_2245 = arith.constant 0 : i32
      %dma_wait3A_2246 = tpu.memref_slice %arg2[%dma_wait3A_2245, %mul3A_2] : memref<28x16384xi32, #tpu.memory_space<hbm>> -> memref<28x512xi32, #tpu.memory_space<hbm>>
      %dma_wait3A_2247 = arith.constant 0 : i32
      %dma_wait3A_2248 = tpu.memref_slice %arg2[%dma_wait3A_2247, %mul3A_2] : memref<28x16384xi32, #tpu.memory_space<hbm>> -> memref<28x512xi32, #tpu.memory_space<hbm>>
      tpu.wait_dma2 semaphore(%run_scoped3A : memref<!tpu.dma_semaphore, #tpu.memory_space<semaphore_mem>>) src(%dma_wait3A_2248 : memref<28x512xi32, #tpu.memory_space<hbm>>) dst(%arg7 : memref<28x512xi32, #tpu.memory_space<vmem>>)
      tpu.yield
    }) : () -> ()
    %dma_start3A = arith.constant 0 : i32
    %dma_start3A_3 = arith.constant 0 : i32
    %dma_start3A_4 = arith.constant 0 : i32
    %dma_start3A_5 = tpu.memref_slice %arg8[%dma_start3A_3, %dma_start3A_4] : memref<512x16xf32, #tpu.memory_space<vmem>> -> memref<128x16xf32, #tpu.memory_space<vmem>>
    %dma_start3A_6 = arith.constant 0 : i32
    %dma_start3A_7 = tpu.memref_slice %arg7[%dma_start3A, %dma_start3A_6] : memref<28x512xi32, #tpu.memory_space<vmem>> -> memref<1x128xi32, #tpu.memory_space<vmem>>
    %dma_start3A_8 = tpu.memref_squeeze %dma_start3A_7 : memref<1x128xi32, #tpu.memory_space<vmem>> -> memref<128xi32, #tpu.memory_space<vmem>>
    %dma_start3A_9 = arith.constant 0 : i32
    %dma_start3A_10 = arith.constant 0 : i32
    %dma_start3A_11 = tpu.memref_slice %arg3[%dma_start3A_9, %dma_start3A_10] : memref<1000000x16xf32, #tpu.memory_space<hbm>> -> memref<1000000x16xf32, #tpu.memory_space<hbm>>
    tpu.enqueue_indirect_dma source(%dma_start3A_11 : memref<1000000x16xf32, #tpu.memory_space<hbm>>) target(%dma_start3A_5 : memref<128x16xf32, #tpu.memory_space<vmem>>) offsets(%dma_start3A_8 : memref<128xi32, #tpu.memory_space<vmem>>) semaphore(%arg10 : memref<!tpu.dma_semaphore, #tpu.memory_space<semaphore_mem>>)
    %dma_start3A_12 = arith.constant 0 : i32
    %dma_start3A_13 = arith.constant 128 : i32
    %dma_start3A_14 = arith.constant 0 : i32
    %dma_start3A_15 = tpu.memref_slice %arg8[%dma_start3A_13, %dma_start3A_14] : memref<512x16xf32, #tpu.memory_space<vmem>> -> memref<128x16xf32, #tpu.memory_space<vmem>>
    %dma_start3A_16 = arith.constant 128 : i32
    %dma_start3A_17 = tpu.memref_slice %arg7[%dma_start3A_12, %dma_start3A_16] : memref<28x512xi32, #tpu.memory_space<vmem>> -> memref<1x128xi32, #tpu.memory_space<vmem>>
    %dma_start3A_18 = tpu.memref_squeeze %dma_start3A_17 : memref<1x128xi32, #tpu.memory_space<vmem>> -> memref<128xi32, #tpu.memory_space<vmem>>
    %dma_start3A_19 = arith.constant 0 : i32
    %dma_start3A_20 = arith.constant 0 : i32
    %dma_start3A_21 = tpu.memref_slice %arg3[%dma_start3A_19, %dma_start3A_20] : memref<1000000x16xf32, #tpu.memory_space<hbm>> -> memref<1000000x16xf32, #tpu.memory_space<hbm>>
    tpu.enqueue_indirect_dma source(%dma_start3A_21 : memref<1000000x16xf32, #tpu.memory_space<hbm>>) target(%dma_start3A_15 : memref<128x16xf32, #tpu.memory_space<vmem>>) offsets(%dma_start3A_18 : memref<128xi32, #tpu.memory_space<vmem>>) semaphore(%arg10 : memref<!tpu.dma_semaphore, #tpu.memory_space<semaphore_mem>>)
    %dma_start3A_22 = arith.constant 0 : i32
    %dma_start3A_23 = arith.constant 256 : i32
    %dma_start3A_24 = arith.constant 0 : i32
    %dma_start3A_25 = tpu.memref_slice %arg8[%dma_start3A_23, %dma_start3A_24] : memref<512x16xf32, #tpu.memory_space<vmem>> -> memref<128x16xf32, #tpu.memory_space<vmem>>
    %dma_start3A_26 = arith.constant 256 : i32
    %dma_start3A_27 = tpu.memref_slice %arg7[%dma_start3A_22, %dma_start3A_26] : memref<28x512xi32, #tpu.memory_space<vmem>> -> memref<1x128xi32, #tpu.memory_space<vmem>>
    %dma_start3A_28 = tpu.memref_squeeze %dma_start3A_27 : memref<1x128xi32, #tpu.memory_space<vmem>> -> memref<128xi32, #tpu.memory_space<vmem>>
    %dma_start3A_29 = arith.constant 0 : i32
    %dma_start3A_30 = arith.constant 0 : i32
    %dma_start3A_31 = tpu.memref_slice %arg3[%dma_start3A_29, %dma_start3A_30] : memref<1000000x16xf32, #tpu.memory_space<hbm>> -> memref<1000000x16xf32, #tpu.memory_space<hbm>>
    tpu.enqueue_indirect_dma source(%dma_start3A_31 : memref<1000000x16xf32, #tpu.memory_space<hbm>>) target(%dma_start3A_25 : memref<128x16xf32, #tpu.memory_space<vmem>>) offsets(%dma_start3A_28 : memref<128xi32, #tpu.memory_space<vmem>>) semaphore(%arg10 : memref<!tpu.dma_semaphore, #tpu.memory_space<semaphore_mem>>)
    %dma_start3A_32 = arith.constant 0 : i32
    %dma_start3A_33 = arith.constant 384 : i32
    %dma_start3A_34 = arith.constant 0 : i32
    %dma_start3A_35 = tpu.memref_slice %arg8[%dma_start3A_33, %dma_start3A_34] : memref<512x16xf32, #tpu.memory_space<vmem>> -> memref<128x16xf32, #tpu.memory_space<vmem>>
    %dma_start3A_36 = arith.constant 384 : i32
    %dma_start3A_37 = tpu.memref_slice %arg7[%dma_start3A_32, %dma_start3A_36] : memref<28x512xi32, #tpu.memory_space<vmem>> -> memref<1x128xi32, #tpu.memory_space<vmem>>
    %dma_start3A_38 = tpu.memref_squeeze %dma_start3A_37 : memref<1x128xi32, #tpu.memory_space<vmem>> -> memref<128xi32, #tpu.memory_space<vmem>>
    %dma_start3A_39 = arith.constant 0 : i32
    %dma_start3A_40 = arith.constant 0 : i32
    %dma_start3A_41 = tpu.memref_slice %arg3[%dma_start3A_39, %dma_start3A_40] : memref<1000000x16xf32, #tpu.memory_space<hbm>> -> memref<1000000x16xf32, #tpu.memory_space<hbm>>
    tpu.enqueue_indirect_dma source(%dma_start3A_41 : memref<1000000x16xf32, #tpu.memory_space<hbm>>) target(%dma_start3A_35 : memref<128x16xf32, #tpu.memory_space<vmem>>) offsets(%dma_start3A_38 : memref<128xi32, #tpu.memory_space<vmem>>) semaphore(%arg10 : memref<!tpu.dma_semaphore, #tpu.memory_space<semaphore_mem>>)
    %dma_wait3A = arith.constant 0 : i32
    %dma_wait3A_42 = arith.constant 0 : i32
    %dma_wait3A_43 = arith.constant 0 : i32
    %dma_wait3A_44 = tpu.memref_slice %arg8[%dma_wait3A_42, %dma_wait3A_43] : memref<512x16xf32, #tpu.memory_space<vmem>> -> memref<128x16xf32, #tpu.memory_space<vmem>>
    %dma_wait3A_45 = arith.constant 0 : i32
    %dma_wait3A_46 = tpu.memref_slice %arg7[%dma_wait3A, %dma_wait3A_45] : memref<28x512xi32, #tpu.memory_space<vmem>> -> memref<1x128xi32, #tpu.memory_space<vmem>>
    %dma_wait3A_47 = tpu.memref_squeeze %dma_wait3A_46 : memref<1x128xi32, #tpu.memory_space<vmem>> -> memref<128xi32, #tpu.memory_space<vmem>>
    %dma_wait3A_48 = arith.constant 0 : i32
    %dma_wait3A_49 = arith.constant 0 : i32
    %dma_wait3A_50 = tpu.memref_slice %arg3[%dma_wait3A_48, %dma_wait3A_49] : memref<1000000x16xf32, #tpu.memory_space<hbm>> -> memref<1000000x16xf32, #tpu.memory_space<hbm>>
    tpu.wait_indirect_dma semaphore(%arg10 : memref<!tpu.dma_semaphore, #tpu.memory_space<semaphore_mem>>) src(%dma_wait3A_50 : memref<1000000x16xf32, #tpu.memory_space<hbm>>) dst(%dma_wait3A_44 : memref<128x16xf32, #tpu.memory_space<vmem>>)
    %dma_wait3A_51 = arith.constant 0 : i32
    %dma_wait3A_52 = arith.constant 128 : i32
    %dma_wait3A_53 = arith.constant 0 : i32
    %dma_wait3A_54 = tpu.memref_slice %arg8[%dma_wait3A_52, %dma_wait3A_53] : memref<512x16xf32, #tpu.memory_space<vmem>> -> memref<128x16xf32, #tpu.memory_space<vmem>>
    %dma_wait3A_55 = arith.constant 128 : i32
    %dma_wait3A_56 = tpu.memref_slice %arg7[%dma_wait3A_51, %dma_wait3A_55] : memref<28x512xi32, #tpu.memory_space<vmem>> -> memref<1x128xi32, #tpu.memory_space<vmem>>
    %dma_wait3A_57 = tpu.memref_squeeze %dma_wait3A_56 : memref<1x128xi32, #tpu.memory_space<vmem>> -> memref<128xi32, #tpu.memory_space<vmem>>
    %dma_wait3A_58 = arith.constant 0 : i32
    %dma_wait3A_59 = arith.constant 0 : i32
    %dma_wait3A_60 = tpu.memref_slice %arg3[%dma_wait3A_58, %dma_wait3A_59] : memref<1000000x16xf32, #tpu.memory_space<hbm>> -> memref<1000000x16xf32, #tpu.memory_space<hbm>>
    tpu.wait_indirect_dma semaphore(%arg10 : memref<!tpu.dma_semaphore, #tpu.memory_space<semaphore_mem>>) src(%dma_wait3A_60 : memref<1000000x16xf32, #tpu.memory_space<hbm>>) dst(%dma_wait3A_54 : memref<128x16xf32, #tpu.memory_space<vmem>>)
    %dma_wait3A_61 = arith.constant 0 : i32
    %dma_wait3A_62 = arith.constant 256 : i32
    %dma_wait3A_63 = arith.constant 0 : i32
    %dma_wait3A_64 = tpu.memref_slice %arg8[%dma_wait3A_62, %dma_wait3A_63] : memref<512x16xf32, #tpu.memory_space<vmem>> -> memref<128x16xf32, #tpu.memory_space<vmem>>
    %dma_wait3A_65 = arith.constant 256 : i32
    %dma_wait3A_66 = tpu.memref_slice %arg7[%dma_wait3A_61, %dma_wait3A_65] : memref<28x512xi32, #tpu.memory_space<vmem>> -> memref<1x128xi32, #tpu.memory_space<vmem>>
    %dma_wait3A_67 = tpu.memref_squeeze %dma_wait3A_66 : memref<1x128xi32, #tpu.memory_space<vmem>> -> memref<128xi32, #tpu.memory_space<vmem>>
    %dma_wait3A_68 = arith.constant 0 : i32
    %dma_wait3A_69 = arith.constant 0 : i32
    %dma_wait3A_70 = tpu.memref_slice %arg3[%dma_wait3A_68, %dma_wait3A_69] : memref<1000000x16xf32, #tpu.memory_space<hbm>> -> memref<1000000x16xf32, #tpu.memory_space<hbm>>
    tpu.wait_indirect_dma semaphore(%arg10 : memref<!tpu.dma_semaphore, #tpu.memory_space<semaphore_mem>>) src(%dma_wait3A_70 : memref<1000000x16xf32, #tpu.memory_space<hbm>>) dst(%dma_wait3A_64 : memref<128x16xf32, #tpu.memory_space<vmem>>)
    %dma_wait3A_71 = arith.constant 0 : i32
    %dma_wait3A_72 = arith.constant 384 : i32
    %dma_wait3A_73 = arith.constant 0 : i32
    %dma_wait3A_74 = tpu.memref_slice %arg8[%dma_wait3A_72, %dma_wait3A_73] : memref<512x16xf32, #tpu.memory_space<vmem>> -> memref<128x16xf32, #tpu.memory_space<vmem>>
    %dma_wait3A_75 = arith.constant 384 : i32
    %dma_wait3A_76 = tpu.memref_slice %arg7[%dma_wait3A_71, %dma_wait3A_75] : memref<28x512xi32, #tpu.memory_space<vmem>> -> memref<1x128xi32, #tpu.memory_space<vmem>>
    %dma_wait3A_77 = tpu.memref_squeeze %dma_wait3A_76 : memref<1x128xi32, #tpu.memory_space<vmem>> -> memref<128xi32, #tpu.memory_space<vmem>>
    %dma_wait3A_78 = arith.constant 0 : i32
    %dma_wait3A_79 = arith.constant 0 : i32
    %dma_wait3A_80 = tpu.memref_slice %arg3[%dma_wait3A_78, %dma_wait3A_79] : memref<1000000x16xf32, #tpu.memory_space<hbm>> -> memref<1000000x16xf32, #tpu.memory_space<hbm>>
    tpu.wait_indirect_dma semaphore(%arg10 : memref<!tpu.dma_semaphore, #tpu.memory_space<semaphore_mem>>) src(%dma_wait3A_80 : memref<1000000x16xf32, #tpu.memory_space<hbm>>) dst(%dma_wait3A_74 : memref<128x16xf32, #tpu.memory_space<vmem>>)
    "tpu.region"() ({
      %run_scoped3A = tpu.sem_alloc : memref<!tpu.dma_semaphore, #tpu.memory_space<semaphore_mem>>
      %dma_start3A_2241 = arith.constant 0 : i32
      %dma_start3A_2242 = tpu.memref_slice %arg6[%mul3A_2, %dma_start3A_2241] : memref<16384x448xf32, #tpu.memory_space<hbm>> -> memref<512x16xf32, #tpu.memory_space<hbm>>
      %dma_start3A_2243 = arith.constant 0 : i32
      %dma_start3A_2244 = tpu.memref_slice %arg6[%mul3A_2, %dma_start3A_2243] : memref<16384x448xf32, #tpu.memory_space<hbm>> -> memref<512x16xf32, #tpu.memory_space<hbm>>
      tpu.enqueue_dma source(%arg8 : memref<512x16xf32, #tpu.memory_space<vmem>>) target(%dma_start3A_2244 : memref<512x16xf32, #tpu.memory_space<hbm>>) target_semaphore(%run_scoped3A : memref<!tpu.dma_semaphore, #tpu.memory_space<semaphore_mem>>)
      %dma_wait3A_2245 = arith.constant 0 : i32
      %dma_wait3A_2246 = tpu.memref_slice %arg6[%mul3A_2, %dma_wait3A_2245] : memref<16384x448xf32, #tpu.memory_space<hbm>> -> memref<512x16xf32, #tpu.memory_space<hbm>>
      %dma_wait3A_2247 = arith.constant 0 : i32
      %dma_wait3A_2248 = tpu.memref_slice %arg6[%mul3A_2, %dma_wait3A_2247] : memref<16384x448xf32, #tpu.memory_space<hbm>> -> memref<512x16xf32, #tpu.memory_space<hbm>>
      tpu.wait_dma2 semaphore(%run_scoped3A : memref<!tpu.dma_semaphore, #tpu.memory_space<semaphore_mem>>) src(%arg8 : memref<512x16xf32, #tpu.memory_space<vmem>>) dst(%dma_wait3A_2248 : memref<512x16xf32, #tpu.memory_space<hbm>>)
      tpu.yield
    }) : () -> ()
    %dma_start3A_81 = arith.constant 1 : i32
    %dma_start3A_82 = arith.constant 0 : i32
    %dma_start3A_83 = arith.constant 0 : i32
    %dma_start3A_84 = tpu.memref_slice %arg8[%dma_start3A_82, %dma_start3A_83] : memref<512x16xf32, #tpu.memory_space<vmem>> -> memref<128x16xf32, #tpu.memory_space<vmem>>
    %dma_start3A_85 = arith.constant 0 : i32
    %dma_start3A_86 = tpu.memref_slice %arg7[%dma_start3A_81, %dma_start3A_85] : memref<28x512xi32, #tpu.memory_space<vmem>> -> memref<1x128xi32, #tpu.memory_space<vmem>>
    %dma_start3A_87 = tpu.memref_squeeze %dma_start3A_86 : memref<1x128xi32, #tpu.memory_space<vmem>> -> memref<128xi32, #tpu.memory_space<vmem>>
    %dma_start3A_88 = arith.constant 0 : i32
    %dma_start3A_89 = arith.constant 0 : i32
    %dma_start3A_90 = tpu.memref_slice %arg4[%dma_start3A_88, %dma_start3A_89] : memref<1000000x16xf32, #tpu.memory_space<hbm>> -> memref<1000000x16xf32, #tpu.memory_space<hbm>>
    tpu.enqueue_indirect_dma source(%dma_start3A_90 : memref<1000000x16xf32, #tpu.memory_space<hbm>>) target(%dma_start3A_84 : memref<128x16xf32, #tpu.memory_space<vmem>>) offsets(%dma_start3A_87 : memref<128xi32, #tpu.memory_space<vmem>>) semaphore(%arg10 : memref<!tpu.dma_semaphore, #tpu.memory_space<semaphore_mem>>)
    %dma_start3A_91 = arith.constant 1 : i32
    %dma_start3A_92 = arith.constant 128 : i32
    %dma_start3A_93 = arith.constant 0 : i32
    %dma_start3A_94 = tpu.memref_slice %arg8[%dma_start3A_92, %dma_start3A_93] : memref<512x16xf32, #tpu.memory_space<vmem>> -> memref<128x16xf32, #tpu.memory_space<vmem>>
    %dma_start3A_95 = arith.constant 128 : i32
    %dma_start3A_96 = tpu.memref_slice %arg7[%dma_start3A_91, %dma_start3A_95] : memref<28x512xi32, #tpu.memory_space<vmem>> -> memref<1x128xi32, #tpu.memory_space<vmem>>
    %dma_start3A_97 = tpu.memref_squeeze %dma_start3A_96 : memref<1x128xi32, #tpu.memory_space<vmem>> -> memref<128xi32, #tpu.memory_space<vmem>>
    %dma_start3A_98 = arith.constant 0 : i32
    %dma_start3A_99 = arith.constant 0 : i32
    %dma_start3A_100 = tpu.memref_slice %arg4[%dma_start3A_98, %dma_start3A_99] : memref<1000000x16xf32, #tpu.memory_space<hbm>> -> memref<1000000x16xf32, #tpu.memory_space<hbm>>
    tpu.enqueue_indirect_dma source(%dma_start3A_100 : memref<1000000x16xf32, #tpu.memory_space<hbm>>) target(%dma_start3A_94 : memref<128x16xf32, #tpu.memory_space<vmem>>) offsets(%dma_start3A_97 : memref<128xi32, #tpu.memory_space<vmem>>) semaphore(%arg10 : memref<!tpu.dma_semaphore, #tpu.memory_space<semaphore_mem>>)
    %dma_start3A_101 = arith.constant 1 : i32
    %dma_start3A_102 = arith.constant 256 : i32
    %dma_start3A_103 = arith.constant 0 : i32
    %dma_start3A_104 = tpu.memref_slice %arg8[%dma_start3A_102, %dma_start3A_103] : memref<512x16xf32, #tpu.memory_space<vmem>> -> memref<128x16xf32, #tpu.memory_space<vmem>>
    %dma_start3A_105 = arith.constant 256 : i32
    %dma_start3A_106 = tpu.memref_slice %arg7[%dma_start3A_101, %dma_start3A_105] : memref<28x512xi32, #tpu.memory_space<vmem>> -> memref<1x128xi32, #tpu.memory_space<vmem>>
    %dma_start3A_107 = tpu.memref_squeeze %dma_start3A_106 : memref<1x128xi32, #tpu.memory_space<vmem>> -> memref<128xi32, #tpu.memory_space<vmem>>
    %dma_start3A_108 = arith.constant 0 : i32
    %dma_start3A_109 = arith.constant 0 : i32
    %dma_start3A_110 = tpu.memref_slice %arg4[%dma_start3A_108, %dma_start3A_109] : memref<1000000x16xf32, #tpu.memory_space<hbm>> -> memref<1000000x16xf32, #tpu.memory_space<hbm>>
    tpu.enqueue_indirect_dma source(%dma_start3A_110 : memref<1000000x16xf32, #tpu.memory_space<hbm>>) target(%dma_start3A_104 : memref<128x16xf32, #tpu.memory_space<vmem>>) offsets(%dma_start3A_107 : memref<128xi32, #tpu.memory_space<vmem>>) semaphore(%arg10 : memref<!tpu.dma_semaphore, #tpu.memory_space<semaphore_mem>>)
    %dma_start3A_111 = arith.constant 1 : i32
    %dma_start3A_112 = arith.constant 384 : i32
    %dma_start3A_113 = arith.constant 0 : i32
    %dma_start3A_114 = tpu.memref_slice %arg8[%dma_start3A_112, %dma_start3A_113] : memref<512x16xf32, #tpu.memory_space<vmem>> -> memref<128x16xf32, #tpu.memory_space<vmem>>
    %dma_start3A_115 = arith.constant 384 : i32
    %dma_start3A_116 = tpu.memref_slice %arg7[%dma_start3A_111, %dma_start3A_115] : memref<28x512xi32, #tpu.memory_space<vmem>> -> memref<1x128xi32, #tpu.memory_space<vmem>>
    %dma_start3A_117 = tpu.memref_squeeze %dma_start3A_116 : memref<1x128xi32, #tpu.memory_space<vmem>> -> memref<128xi32, #tpu.memory_space<vmem>>
    %dma_start3A_118 = arith.constant 0 : i32
    %dma_start3A_119 = arith.constant 0 : i32
    %dma_start3A_120 = tpu.memref_slice %arg4[%dma_start3A_118, %dma_start3A_119] : memref<1000000x16xf32, #tpu.memory_space<hbm>> -> memref<1000000x16xf32, #tpu.memory_space<hbm>>
    tpu.enqueue_indirect_dma source(%dma_start3A_120 : memref<1000000x16xf32, #tpu.memory_space<hbm>>) target(%dma_start3A_114 : memref<128x16xf32, #tpu.memory_space<vmem>>) offsets(%dma_start3A_117 : memref<128xi32, #tpu.memory_space<vmem>>) semaphore(%arg10 : memref<!tpu.dma_semaphore, #tpu.memory_space<semaphore_mem>>)
    %dma_wait3A_121 = arith.constant 1 : i32
    %dma_wait3A_122 = arith.constant 0 : i32
    %dma_wait3A_123 = arith.constant 0 : i32
    %dma_wait3A_124 = tpu.memref_slice %arg8[%dma_wait3A_122, %dma_wait3A_123] : memref<512x16xf32, #tpu.memory_space<vmem>> -> memref<128x16xf32, #tpu.memory_space<vmem>>
    %dma_wait3A_125 = arith.constant 0 : i32
    %dma_wait3A_126 = tpu.memref_slice %arg7[%dma_wait3A_121, %dma_wait3A_125] : memref<28x512xi32, #tpu.memory_space<vmem>> -> memref<1x128xi32, #tpu.memory_space<vmem>>
    %dma_wait3A_127 = tpu.memref_squeeze %dma_wait3A_126 : memref<1x128xi32, #tpu.memory_space<vmem>> -> memref<128xi32, #tpu.memory_space<vmem>>
    %dma_wait3A_128 = arith.constant 0 : i32
    %dma_wait3A_129 = arith.constant 0 : i32
    %dma_wait3A_130 = tpu.memref_slice %arg4[%dma_wait3A_128, %dma_wait3A_129] : memref<1000000x16xf32, #tpu.memory_space<hbm>> -> memref<1000000x16xf32, #tpu.memory_space<hbm>>
    tpu.wait_indirect_dma semaphore(%arg10 : memref<!tpu.dma_semaphore, #tpu.memory_space<semaphore_mem>>) src(%dma_wait3A_130 : memref<1000000x16xf32, #tpu.memory_space<hbm>>) dst(%dma_wait3A_124 : memref<128x16xf32, #tpu.memory_space<vmem>>)
    %dma_wait3A_131 = arith.constant 1 : i32
    %dma_wait3A_132 = arith.constant 128 : i32
    %dma_wait3A_133 = arith.constant 0 : i32
    %dma_wait3A_134 = tpu.memref_slice %arg8[%dma_wait3A_132, %dma_wait3A_133] : memref<512x16xf32, #tpu.memory_space<vmem>> -> memref<128x16xf32, #tpu.memory_space<vmem>>
    %dma_wait3A_135 = arith.constant 128 : i32
    %dma_wait3A_136 = tpu.memref_slice %arg7[%dma_wait3A_131, %dma_wait3A_135] : memref<28x512xi32, #tpu.memory_space<vmem>> -> memref<1x128xi32, #tpu.memory_space<vmem>>
    %dma_wait3A_137 = tpu.memref_squeeze %dma_wait3A_136 : memref<1x128xi32, #tpu.memory_space<vmem>> -> memref<128xi32, #tpu.memory_space<vmem>>
    %dma_wait3A_138 = arith.constant 0 : i32
    %dma_wait3A_139 = arith.constant 0 : i32
    %dma_wait3A_140 = tpu.memref_slice %arg4[%dma_wait3A_138, %dma_wait3A_139] : memref<1000000x16xf32, #tpu.memory_space<hbm>> -> memref<1000000x16xf32, #tpu.memory_space<hbm>>
    tpu.wait_indirect_dma semaphore(%arg10 : memref<!tpu.dma_semaphore, #tpu.memory_space<semaphore_mem>>) src(%dma_wait3A_140 : memref<1000000x16xf32, #tpu.memory_space<hbm>>) dst(%dma_wait3A_134 : memref<128x16xf32, #tpu.memory_space<vmem>>)
    %dma_wait3A_141 = arith.constant 1 : i32
    %dma_wait3A_142 = arith.constant 256 : i32
    %dma_wait3A_143 = arith.constant 0 : i32
    %dma_wait3A_144 = tpu.memref_slice %arg8[%dma_wait3A_142, %dma_wait3A_143] : memref<512x16xf32, #tpu.memory_space<vmem>> -> memref<128x16xf32, #tpu.memory_space<vmem>>
    %dma_wait3A_145 = arith.constant 256 : i32
    %dma_wait3A_146 = tpu.memref_slice %arg7[%dma_wait3A_141, %dma_wait3A_145] : memref<28x512xi32, #tpu.memory_space<vmem>> -> memref<1x128xi32, #tpu.memory_space<vmem>>
    %dma_wait3A_147 = tpu.memref_squeeze %dma_wait3A_146 : memref<1x128xi32, #tpu.memory_space<vmem>> -> memref<128xi32, #tpu.memory_space<vmem>>
    %dma_wait3A_148 = arith.constant 0 : i32
    %dma_wait3A_149 = arith.constant 0 : i32
    %dma_wait3A_150 = tpu.memref_slice %arg4[%dma_wait3A_148, %dma_wait3A_149] : memref<1000000x16xf32, #tpu.memory_space<hbm>> -> memref<1000000x16xf32, #tpu.memory_space<hbm>>
    tpu.wait_indirect_dma semaphore(%arg10 : memref<!tpu.dma_semaphore, #tpu.memory_space<semaphore_mem>>) src(%dma_wait3A_150 : memref<1000000x16xf32, #tpu.memory_space<hbm>>) dst(%dma_wait3A_144 : memref<128x16xf32, #tpu.memory_space<vmem>>)
    %dma_wait3A_151 = arith.constant 1 : i32
    %dma_wait3A_152 = arith.constant 384 : i32
    %dma_wait3A_153 = arith.constant 0 : i32
    %dma_wait3A_154 = tpu.memref_slice %arg8[%dma_wait3A_152, %dma_wait3A_153] : memref<512x16xf32, #tpu.memory_space<vmem>> -> memref<128x16xf32, #tpu.memory_space<vmem>>
    %dma_wait3A_155 = arith.constant 384 : i32
    %dma_wait3A_156 = tpu.memref_slice %arg7[%dma_wait3A_151, %dma_wait3A_155] : memref<28x512xi32, #tpu.memory_space<vmem>> -> memref<1x128xi32, #tpu.memory_space<vmem>>
    %dma_wait3A_157 = tpu.memref_squeeze %dma_wait3A_156 : memref<1x128xi32, #tpu.memory_space<vmem>> -> memref<128xi32, #tpu.memory_space<vmem>>
    %dma_wait3A_158 = arith.constant 0 : i32
    %dma_wait3A_159 = arith.constant 0 : i32
    %dma_wait3A_160 = tpu.memref_slice %arg4[%dma_wait3A_158, %dma_wait3A_159] : memref<1000000x16xf32, #tpu.memory_space<hbm>> -> memref<1000000x16xf32, #tpu.memory_space<hbm>>
    tpu.wait_indirect_dma semaphore(%arg10 : memref<!tpu.dma_semaphore, #tpu.memory_space<semaphore_mem>>) src(%dma_wait3A_160 : memref<1000000x16xf32, #tpu.memory_space<hbm>>) dst(%dma_wait3A_154 : memref<128x16xf32, #tpu.memory_space<vmem>>)
    "tpu.region"() ({
      %run_scoped3A = tpu.sem_alloc : memref<!tpu.dma_semaphore, #tpu.memory_space<semaphore_mem>>
      %dma_start3A_2241 = arith.constant 16 : i32
      %dma_start3A_2242 = tpu.memref_slice %arg6[%mul3A_2, %dma_start3A_2241] : memref<16384x448xf32, #tpu.memory_space<hbm>> -> memref<512x16xf32, #tpu.memory_space<hbm>>
      %dma_start3A_2243 = arith.constant 16 : i32
      %dma_start3A_2244 = tpu.memref_slice %arg6[%mul3A_2, %dma_start3A_2243] : memref<16384x448xf32, #tpu.memory_space<hbm>> -> memref<512x16xf32, #tpu.memory_space<hbm>>
      tpu.enqueue_dma source(%arg8 : memref<512x16xf32, #tpu.memory_space<vmem>>) target(%dma_start3A_2244 : memref<512x16xf32, #tpu.memory_space<hbm>>) target_semaphore(%run_scoped3A : memref<!tpu.dma_semaphore, #tpu.memory_space<semaphore_mem>>)
      %dma_wait3A_2245 = arith.constant 16 : i32
      %dma_wait3A_2246 = tpu.memref_slice %arg6[%mul3A_2, %dma_wait3A_2245] : memref<16384x448xf32, #tpu.memory_space<hbm>> -> memref<512x16xf32, #tpu.memory_space<hbm>>
      %dma_wait3A_2247 = arith.constant 16 : i32
      %dma_wait3A_2248 = tpu.memref_slice %arg6[%mul3A_2, %dma_wait3A_2247] : memref<16384x448xf32, #tpu.memory_space<hbm>> -> memref<512x16xf32, #tpu.memory_space<hbm>>
      tpu.wait_dma2 semaphore(%run_scoped3A : memref<!tpu.dma_semaphore, #tpu.memory_space<semaphore_mem>>) src(%arg8 : memref<512x16xf32, #tpu.memory_space<vmem>>) dst(%dma_wait3A_2248 : memref<512x16xf32, #tpu.memory_space<hbm>>)
      tpu.yield
    }) : () -> ()
    %dma_start3A_161 = arith.constant 2 : i32
    %dma_start3A_162 = arith.constant 0 : i32
    %dma_start3A_163 = arith.constant 0 : i32
    %dma_start3A_164 = tpu.memref_slice %arg8[%dma_start3A_162, %dma_start3A_163] : memref<512x16xf32, #tpu.memory_space<vmem>> -> memref<128x16xf32, #tpu.memory_space<vmem>>
    %dma_start3A_165 = arith.constant 0 : i32
    %dma_start3A_166 = tpu.memref_slice %arg7[%dma_start3A_161, %dma_start3A_165] : memref<28x512xi32, #tpu.memory_space<vmem>> -> memref<1x128xi32, #tpu.memory_space<vmem>>
    %dma_start3A_167 = tpu.memref_squeeze %dma_start3A_166 : memref<1x128xi32, #tpu.memory_space<vmem>> -> memref<128xi32, #tpu.memory_space<vmem>>
    %dma_start3A_168 = arith.constant 0 : i32
    %dma_start3A_169 = arith.constant 0 : i32
    %dma_start3A_170 = tpu.memref_slice %arg5[%dma_start3A_168, %dma_start3A_169] : memref<2600000x16xf32, #tpu.memory_space<hbm>> -> memref<2600000x16xf32, #tpu.memory_space<hbm>>
    tpu.enqueue_indirect_dma source(%dma_start3A_170 : memref<2600000x16xf32, #tpu.memory_space<hbm>>) target(%dma_start3A_164 : memref<128x16xf32, #tpu.memory_space<vmem>>) offsets(%dma_start3A_167 : memref<128xi32, #tpu.memory_space<vmem>>) semaphore(%arg10 : memref<!tpu.dma_semaphore, #tpu.memory_space<semaphore_mem>>)
    %dma_start3A_171 = arith.constant 2 : i32
    %dma_start3A_172 = arith.constant 128 : i32
    %dma_start3A_173 = arith.constant 0 : i32
    %dma_start3A_174 = tpu.memref_slice %arg8[%dma_start3A_172, %dma_start3A_173] : memref<512x16xf32, #tpu.memory_space<vmem>> -> memref<128x16xf32, #tpu.memory_space<vmem>>
    %dma_start3A_175 = arith.constant 128 : i32
    %dma_start3A_176 = tpu.memref_slice %arg7[%dma_start3A_171, %dma_start3A_175] : memref<28x512xi32, #tpu.memory_space<vmem>> -> memref<1x128xi32, #tpu.memory_space<vmem>>
    %dma_start3A_177 = tpu.memref_squeeze %dma_start3A_176 : memref<1x128xi32, #tpu.memory_space<vmem>> -> memref<128xi32, #tpu.memory_space<vmem>>
    %dma_start3A_178 = arith.constant 0 : i32
    %dma_start3A_179 = arith.constant 0 : i32
    %dma_start3A_180 = tpu.memref_slice %arg5[%dma_start3A_178, %dma_start3A_179] : memref<2600000x16xf32, #tpu.memory_space<hbm>> -> memref<2600000x16xf32, #tpu.memory_space<hbm>>
    tpu.enqueue_indirect_dma source(%dma_start3A_180 : memref<2600000x16xf32, #tpu.memory_space<hbm>>) target(%dma_start3A_174 : memref<128x16xf32, #tpu.memory_space<vmem>>) offsets(%dma_start3A_177 : memref<128xi32, #tpu.memory_space<vmem>>) semaphore(%arg10 : memref<!tpu.dma_semaphore, #tpu.memory_space<semaphore_mem>>)
    %dma_start3A_181 = arith.constant 2 : i32
    %dma_start3A_182 = arith.constant 256 : i32
    %dma_start3A_183 = arith.constant 0 : i32
    %dma_start3A_184 = tpu.memref_slice %arg8[%dma_start3A_182, %dma_start3A_183] : memref<512x16xf32, #tpu.memory_space<vmem>> -> memref<128x16xf32, #tpu.memory_space<vmem>>
    %dma_start3A_185 = arith.constant 256 : i32
    %dma_start3A_186 = tpu.memref_slice %arg7[%dma_start3A_181, %dma_start3A_185] : memref<28x512xi32, #tpu.memory_space<vmem>> -> memref<1x128xi32, #tpu.memory_space<vmem>>
    %dma_start3A_187 = tpu.memref_squeeze %dma_start3A_186 : memref<1x128xi32, #tpu.memory_space<vmem>> -> memref<128xi32, #tpu.memory_space<vmem>>
    %dma_start3A_188 = arith.constant 0 : i32
    %dma_start3A_189 = arith.constant 0 : i32
    %dma_start3A_190 = tpu.memref_slice %arg5[%dma_start3A_188, %dma_start3A_189] : memref<2600000x16xf32, #tpu.memory_space<hbm>> -> memref<2600000x16xf32, #tpu.memory_space<hbm>>
    tpu.enqueue_indirect_dma source(%dma_start3A_190 : memref<2600000x16xf32, #tpu.memory_space<hbm>>) target(%dma_start3A_184 : memref<128x16xf32, #tpu.memory_space<vmem>>) offsets(%dma_start3A_187 : memref<128xi32, #tpu.memory_space<vmem>>) semaphore(%arg10 : memref<!tpu.dma_semaphore, #tpu.memory_space<semaphore_mem>>)
    %dma_start3A_191 = arith.constant 2 : i32
    %dma_start3A_192 = arith.constant 384 : i32
    %dma_start3A_193 = arith.constant 0 : i32
    %dma_start3A_194 = tpu.memref_slice %arg8[%dma_start3A_192, %dma_start3A_193] : memref<512x16xf32, #tpu.memory_space<vmem>> -> memref<128x16xf32, #tpu.memory_space<vmem>>
    %dma_start3A_195 = arith.constant 384 : i32
    %dma_start3A_196 = tpu.memref_slice %arg7[%dma_start3A_191, %dma_start3A_195] : memref<28x512xi32, #tpu.memory_space<vmem>> -> memref<1x128xi32, #tpu.memory_space<vmem>>
    %dma_start3A_197 = tpu.memref_squeeze %dma_start3A_196 : memref<1x128xi32, #tpu.memory_space<vmem>> -> memref<128xi32, #tpu.memory_space<vmem>>
    %dma_start3A_198 = arith.constant 0 : i32
    %dma_start3A_199 = arith.constant 0 : i32
    %dma_start3A_200 = tpu.memref_slice %arg5[%dma_start3A_198, %dma_start3A_199] : memref<2600000x16xf32, #tpu.memory_space<hbm>> -> memref<2600000x16xf32, #tpu.memory_space<hbm>>
    tpu.enqueue_indirect_dma source(%dma_start3A_200 : memref<2600000x16xf32, #tpu.memory_space<hbm>>) target(%dma_start3A_194 : memref<128x16xf32, #tpu.memory_space<vmem>>) offsets(%dma_start3A_197 : memref<128xi32, #tpu.memory_space<vmem>>) semaphore(%arg10 : memref<!tpu.dma_semaphore, #tpu.memory_space<semaphore_mem>>)
    %dma_wait3A_201 = arith.constant 2 : i32
    %dma_wait3A_202 = arith.constant 0 : i32
    %dma_wait3A_203 = arith.constant 0 : i32
    %dma_wait3A_204 = tpu.memref_slice %arg8[%dma_wait3A_202, %dma_wait3A_203] : memref<512x16xf32, #tpu.memory_space<vmem>> -> memref<128x16xf32, #tpu.memory_space<vmem>>
    %dma_wait3A_205 = arith.constant 0 : i32
    %dma_wait3A_206 = tpu.memref_slice %arg7[%dma_wait3A_201, %dma_wait3A_205] : memref<28x512xi32, #tpu.memory_space<vmem>> -> memref<1x128xi32, #tpu.memory_space<vmem>>
    %dma_wait3A_207 = tpu.memref_squeeze %dma_wait3A_206 : memref<1x128xi32, #tpu.memory_space<vmem>> -> memref<128xi32, #tpu.memory_space<vmem>>
    %dma_wait3A_208 = arith.constant 0 : i32
    %dma_wait3A_209 = arith.constant 0 : i32
    %dma_wait3A_210 = tpu.memref_slice %arg5[%dma_wait3A_208, %dma_wait3A_209] : memref<2600000x16xf32, #tpu.memory_space<hbm>> -> memref<2600000x16xf32, #tpu.memory_space<hbm>>
    tpu.wait_indirect_dma semaphore(%arg10 : memref<!tpu.dma_semaphore, #tpu.memory_space<semaphore_mem>>) src(%dma_wait3A_210 : memref<2600000x16xf32, #tpu.memory_space<hbm>>) dst(%dma_wait3A_204 : memref<128x16xf32, #tpu.memory_space<vmem>>)
    %dma_wait3A_211 = arith.constant 2 : i32
    %dma_wait3A_212 = arith.constant 128 : i32
    %dma_wait3A_213 = arith.constant 0 : i32
    %dma_wait3A_214 = tpu.memref_slice %arg8[%dma_wait3A_212, %dma_wait3A_213] : memref<512x16xf32, #tpu.memory_space<vmem>> -> memref<128x16xf32, #tpu.memory_space<vmem>>
    %dma_wait3A_215 = arith.constant 128 : i32
    %dma_wait3A_216 = tpu.memref_slice %arg7[%dma_wait3A_211, %dma_wait3A_215] : memref<28x512xi32, #tpu.memory_space<vmem>> -> memref<1x128xi32, #tpu.memory_space<vmem>>
    %dma_wait3A_217 = tpu.memref_squeeze %dma_wait3A_216 : memref<1x128xi32, #tpu.memory_space<vmem>> -> memref<128xi32, #tpu.memory_space<vmem>>
    %dma_wait3A_218 = arith.constant 0 : i32
    %dma_wait3A_219 = arith.constant 0 : i32
    %dma_wait3A_220 = tpu.memref_slice %arg5[%dma_wait3A_218, %dma_wait3A_219] : memref<2600000x16xf32, #tpu.memory_space<hbm>> -> memref<2600000x16xf32, #tpu.memory_space<hbm>>
    tpu.wait_indirect_dma semaphore(%arg10 : memref<!tpu.dma_semaphore, #tpu.memory_space<semaphore_mem>>) src(%dma_wait3A_220 : memref<2600000x16xf32, #tpu.memory_space<hbm>>) dst(%dma_wait3A_214 : memref<128x16xf32, #tpu.memory_space<vmem>>)
    %dma_wait3A_221 = arith.constant 2 : i32
    %dma_wait3A_222 = arith.constant 256 : i32
    %dma_wait3A_223 = arith.constant 0 : i32
    %dma_wait3A_224 = tpu.memref_slice %arg8[%dma_wait3A_222, %dma_wait3A_223] : memref<512x16xf32, #tpu.memory_space<vmem>> -> memref<128x16xf32, #tpu.memory_space<vmem>>
    %dma_wait3A_225 = arith.constant 256 : i32
    %dma_wait3A_226 = tpu.memref_slice %arg7[%dma_wait3A_221, %dma_wait3A_225] : memref<28x512xi32, #tpu.memory_space<vmem>> -> memref<1x128xi32, #tpu.memory_space<vmem>>
    %dma_wait3A_227 = tpu.memref_squeeze %dma_wait3A_226 : memref<1x128xi32, #tpu.memory_space<vmem>> -> memref<128xi32, #tpu.memory_space<vmem>>
    %dma_wait3A_228 = arith.constant 0 : i32
    %dma_wait3A_229 = arith.constant 0 : i32
    %dma_wait3A_230 = tpu.memref_slice %arg5[%dma_wait3A_228, %dma_wait3A_229] : memref<2600000x16xf32, #tpu.memory_space<hbm>> -> memref<2600000x16xf32, #tpu.memory_space<hbm>>
    tpu.wait_indirect_dma semaphore(%arg10 : memref<!tpu.dma_semaphore, #tpu.memory_space<semaphore_mem>>) src(%dma_wait3A_230 : memref<2600000x16xf32, #tpu.memory_space<hbm>>) dst(%dma_wait3A_224 : memref<128x16xf32, #tpu.memory_space<vmem>>)
    %dma_wait3A_231 = arith.constant 2 : i32
    %dma_wait3A_232 = arith.constant 384 : i32
    %dma_wait3A_233 = arith.constant 0 : i32
    %dma_wait3A_234 = tpu.memref_slice %arg8[%dma_wait3A_232, %dma_wait3A_233] : memref<512x16xf32, #tpu.memory_space<vmem>> -> memref<128x16xf32, #tpu.memory_space<vmem>>
    %dma_wait3A_235 = arith.constant 384 : i32
    %dma_wait3A_236 = tpu.memref_slice %arg7[%dma_wait3A_231, %dma_wait3A_235] : memref<28x512xi32, #tpu.memory_space<vmem>> -> memref<1x128xi32, #tpu.memory_space<vmem>>
    %dma_wait3A_237 = tpu.memref_squeeze %dma_wait3A_236 : memref<1x128xi32, #tpu.memory_space<vmem>> -> memref<128xi32, #tpu.memory_space<vmem>>
    %dma_wait3A_238 = arith.constant 0 : i32
    %dma_wait3A_239 = arith.constant 0 : i32
    %dma_wait3A_240 = tpu.memref_slice %arg5[%dma_wait3A_238, %dma_wait3A_239] : memref<2600000x16xf32, #tpu.memory_space<hbm>> -> memref<2600000x16xf32, #tpu.memory_space<hbm>>
    tpu.wait_indirect_dma semaphore(%arg10 : memref<!tpu.dma_semaphore, #tpu.memory_space<semaphore_mem>>) src(%dma_wait3A_240 : memref<2600000x16xf32, #tpu.memory_space<hbm>>) dst(%dma_wait3A_234 : memref<128x16xf32, #tpu.memory_space<vmem>>)
    "tpu.region"() ({
      %run_scoped3A = tpu.sem_alloc : memref<!tpu.dma_semaphore, #tpu.memory_space<semaphore_mem>>
      %dma_start3A_2241 = arith.constant 32 : i32
      %dma_start3A_2242 = tpu.memref_slice %arg6[%mul3A_2, %dma_start3A_2241] : memref<16384x448xf32, #tpu.memory_space<hbm>> -> memref<512x16xf32, #tpu.memory_space<hbm>>
      %dma_start3A_2243 = arith.constant 32 : i32
      %dma_start3A_2244 = tpu.memref_slice %arg6[%mul3A_2, %dma_start3A_2243] : memref<16384x448xf32, #tpu.memory_space<hbm>> -> memref<512x16xf32, #tpu.memory_space<hbm>>
      tpu.enqueue_dma source(%arg8 : memref<512x16xf32, #tpu.memory_space<vmem>>) target(%dma_start3A_2244 : memref<512x16xf32, #tpu.memory_space<hbm>>) target_semaphore(%run_scoped3A : memref<!tpu.dma_semaphore, #tpu.memory_space<semaphore_mem>>)
      %dma_wait3A_2245 = arith.constant 32 : i32
      %dma_wait3A_2246 = tpu.memref_slice %arg6[%mul3A_2, %dma_wait3A_2245] : memref<16384x448xf32, #tpu.memory_space<hbm>> -> memref<512x16xf32, #tpu.memory_space<hbm>>
      %dma_wait3A_2247 = arith.constant 32 : i32
      %dma_wait3A_2248 = tpu.memref_slice %arg6[%mul3A_2, %dma_wait3A_2247] : memref<16384x448xf32, #tpu.memory_space<hbm>> -> memref<512x16xf32, #tpu.memory_space<hbm>>
      tpu.wait_dma2 semaphore(%run_scoped3A : memref<!tpu.dma_semaphore, #tpu.memory_space<semaphore_mem>>) src(%arg8 : memref<512x16xf32, #tpu.memory_space<vmem>>) dst(%dma_wait3A_2248 : memref<512x16xf32, #tpu.memory_space<hbm>>)
      tpu.yield
    }) : () -> ()
    %dma_start3A_241 = arith.constant 3 : i32
    %dma_start3A_242 = arith.constant 0 : i32
    %dma_start3A_243 = arith.constant 0 : i32
    %dma_start3A_244 = tpu.memref_slice %arg8[%dma_start3A_242, %dma_start3A_243] : memref<512x16xf32, #tpu.memory_space<vmem>> -> memref<128x16xf32, #tpu.memory_space<vmem>>
    %dma_start3A_245 = arith.constant 0 : i32
    %dma_start3A_246 = tpu.memref_slice %arg7[%dma_start3A_241, %dma_start3A_245] : memref<28x512xi32, #tpu.memory_space<vmem>> -> memref<1x128xi32, #tpu.memory_space<vmem>>
    %dma_start3A_247 = tpu.memref_squeeze %dma_start3A_246 : memref<1x128xi32, #tpu.memory_space<vmem>> -> memref<128xi32, #tpu.memory_space<vmem>>
    %dma_start3A_248 = arith.constant 0 : i32
    %dma_start3A_249 = arith.constant 0 : i32
    %dma_start3A_250 = tpu.memref_slice %arg5[%dma_start3A_248, %dma_start3A_249] : memref<2600000x16xf32, #tpu.memory_space<hbm>> -> memref<2600000x16xf32, #tpu.memory_space<hbm>>
    tpu.enqueue_indirect_dma source(%dma_start3A_250 : memref<2600000x16xf32, #tpu.memory_space<hbm>>) target(%dma_start3A_244 : memref<128x16xf32, #tpu.memory_space<vmem>>) offsets(%dma_start3A_247 : memref<128xi32, #tpu.memory_space<vmem>>) semaphore(%arg10 : memref<!tpu.dma_semaphore, #tpu.memory_space<semaphore_mem>>)
    %dma_start3A_251 = arith.constant 3 : i32
    %dma_start3A_252 = arith.constant 128 : i32
    %dma_start3A_253 = arith.constant 0 : i32
    %dma_start3A_254 = tpu.memref_slice %arg8[%dma_start3A_252, %dma_start3A_253] : memref<512x16xf32, #tpu.memory_space<vmem>> -> memref<128x16xf32, #tpu.memory_space<vmem>>
    %dma_start3A_255 = arith.constant 128 : i32
    %dma_start3A_256 = tpu.memref_slice %arg7[%dma_start3A_251, %dma_start3A_255] : memref<28x512xi32, #tpu.memory_space<vmem>> -> memref<1x128xi32, #tpu.memory_space<vmem>>
    %dma_start3A_257 = tpu.memref_squeeze %dma_start3A_256 : memref<1x128xi32, #tpu.memory_space<vmem>> -> memref<128xi32, #tpu.memory_space<vmem>>
    %dma_start3A_258 = arith.constant 0 : i32
    %dma_start3A_259 = arith.constant 0 : i32
    %dma_start3A_260 = tpu.memref_slice %arg5[%dma_start3A_258, %dma_start3A_259] : memref<2600000x16xf32, #tpu.memory_space<hbm>> -> memref<2600000x16xf32, #tpu.memory_space<hbm>>
    tpu.enqueue_indirect_dma source(%dma_start3A_260 : memref<2600000x16xf32, #tpu.memory_space<hbm>>) target(%dma_start3A_254 : memref<128x16xf32, #tpu.memory_space<vmem>>) offsets(%dma_start3A_257 : memref<128xi32, #tpu.memory_space<vmem>>) semaphore(%arg10 : memref<!tpu.dma_semaphore, #tpu.memory_space<semaphore_mem>>)
    %dma_start3A_261 = arith.constant 3 : i32
    %dma_start3A_262 = arith.constant 256 : i32
    %dma_start3A_263 = arith.constant 0 : i32
    %dma_start3A_264 = tpu.memref_slice %arg8[%dma_start3A_262, %dma_start3A_263] : memref<512x16xf32, #tpu.memory_space<vmem>> -> memref<128x16xf32, #tpu.memory_space<vmem>>
    %dma_start3A_265 = arith.constant 256 : i32
    %dma_start3A_266 = tpu.memref_slice %arg7[%dma_start3A_261, %dma_start3A_265] : memref<28x512xi32, #tpu.memory_space<vmem>> -> memref<1x128xi32, #tpu.memory_space<vmem>>
    %dma_start3A_267 = tpu.memref_squeeze %dma_start3A_266 : memref<1x128xi32, #tpu.memory_space<vmem>> -> memref<128xi32, #tpu.memory_space<vmem>>
    %dma_start3A_268 = arith.constant 0 : i32
    %dma_start3A_269 = arith.constant 0 : i32
    %dma_start3A_270 = tpu.memref_slice %arg5[%dma_start3A_268, %dma_start3A_269] : memref<2600000x16xf32, #tpu.memory_space<hbm>> -> memref<2600000x16xf32, #tpu.memory_space<hbm>>
    tpu.enqueue_indirect_dma source(%dma_start3A_270 : memref<2600000x16xf32, #tpu.memory_space<hbm>>) target(%dma_start3A_264 : memref<128x16xf32, #tpu.memory_space<vmem>>) offsets(%dma_start3A_267 : memref<128xi32, #tpu.memory_space<vmem>>) semaphore(%arg10 : memref<!tpu.dma_semaphore, #tpu.memory_space<semaphore_mem>>)
    %dma_start3A_271 = arith.constant 3 : i32
    %dma_start3A_272 = arith.constant 384 : i32
    %dma_start3A_273 = arith.constant 0 : i32
    %dma_start3A_274 = tpu.memref_slice %arg8[%dma_start3A_272, %dma_start3A_273] : memref<512x16xf32, #tpu.memory_space<vmem>> -> memref<128x16xf32, #tpu.memory_space<vmem>>
    %dma_start3A_275 = arith.constant 384 : i32
    %dma_start3A_276 = tpu.memref_slice %arg7[%dma_start3A_271, %dma_start3A_275] : memref<28x512xi32, #tpu.memory_space<vmem>> -> memref<1x128xi32, #tpu.memory_space<vmem>>
    %dma_start3A_277 = tpu.memref_squeeze %dma_start3A_276 : memref<1x128xi32, #tpu.memory_space<vmem>> -> memref<128xi32, #tpu.memory_space<vmem>>
    %dma_start3A_278 = arith.constant 0 : i32
    %dma_start3A_279 = arith.constant 0 : i32
    %dma_start3A_280 = tpu.memref_slice %arg5[%dma_start3A_278, %dma_start3A_279] : memref<2600000x16xf32, #tpu.memory_space<hbm>> -> memref<2600000x16xf32, #tpu.memory_space<hbm>>
    tpu.enqueue_indirect_dma source(%dma_start3A_280 : memref<2600000x16xf32, #tpu.memory_space<hbm>>) target(%dma_start3A_274 : memref<128x16xf32, #tpu.memory_space<vmem>>) offsets(%dma_start3A_277 : memref<128xi32, #tpu.memory_space<vmem>>) semaphore(%arg10 : memref<!tpu.dma_semaphore, #tpu.memory_space<semaphore_mem>>)
    %dma_wait3A_281 = arith.constant 3 : i32
    %dma_wait3A_282 = arith.constant 0 : i32
    %dma_wait3A_283 = arith.constant 0 : i32
    %dma_wait3A_284 = tpu.memref_slice %arg8[%dma_wait3A_282, %dma_wait3A_283] : memref<512x16xf32, #tpu.memory_space<vmem>> -> memref<128x16xf32, #tpu.memory_space<vmem>>
    %dma_wait3A_285 = arith.constant 0 : i32
    %dma_wait3A_286 = tpu.memref_slice %arg7[%dma_wait3A_281, %dma_wait3A_285] : memref<28x512xi32, #tpu.memory_space<vmem>> -> memref<1x128xi32, #tpu.memory_space<vmem>>
    %dma_wait3A_287 = tpu.memref_squeeze %dma_wait3A_286 : memref<1x128xi32, #tpu.memory_space<vmem>> -> memref<128xi32, #tpu.memory_space<vmem>>
    %dma_wait3A_288 = arith.constant 0 : i32
    %dma_wait3A_289 = arith.constant 0 : i32
    %dma_wait3A_290 = tpu.memref_slice %arg5[%dma_wait3A_288, %dma_wait3A_289] : memref<2600000x16xf32, #tpu.memory_space<hbm>> -> memref<2600000x16xf32, #tpu.memory_space<hbm>>
    tpu.wait_indirect_dma semaphore(%arg10 : memref<!tpu.dma_semaphore, #tpu.memory_space<semaphore_mem>>) src(%dma_wait3A_290 : memref<2600000x16xf32, #tpu.memory_space<hbm>>) dst(%dma_wait3A_284 : memref<128x16xf32, #tpu.memory_space<vmem>>)
    %dma_wait3A_291 = arith.constant 3 : i32
    %dma_wait3A_292 = arith.constant 128 : i32
    %dma_wait3A_293 = arith.constant 0 : i32
    %dma_wait3A_294 = tpu.memref_slice %arg8[%dma_wait3A_292, %dma_wait3A_293] : memref<512x16xf32, #tpu.memory_space<vmem>> -> memref<128x16xf32, #tpu.memory_space<vmem>>
    %dma_wait3A_295 = arith.constant 128 : i32
    %dma_wait3A_296 = tpu.memref_slice %arg7[%dma_wait3A_291, %dma_wait3A_295] : memref<28x512xi32, #tpu.memory_space<vmem>> -> memref<1x128xi32, #tpu.memory_space<vmem>>
    %dma_wait3A_297 = tpu.memref_squeeze %dma_wait3A_296 : memref<1x128xi32, #tpu.memory_space<vmem>> -> memref<128xi32, #tpu.memory_space<vmem>>
    %dma_wait3A_298 = arith.constant 0 : i32
    %dma_wait3A_299 = arith.constant 0 : i32
    %dma_wait3A_300 = tpu.memref_slice %arg5[%dma_wait3A_298, %dma_wait3A_299] : memref<2600000x16xf32, #tpu.memory_space<hbm>> -> memref<2600000x16xf32, #tpu.memory_space<hbm>>
    tpu.wait_indirect_dma semaphore(%arg10 : memref<!tpu.dma_semaphore, #tpu.memory_space<semaphore_mem>>) src(%dma_wait3A_300 : memref<2600000x16xf32, #tpu.memory_space<hbm>>) dst(%dma_wait3A_294 : memref<128x16xf32, #tpu.memory_space<vmem>>)
    %dma_wait3A_301 = arith.constant 3 : i32
    %dma_wait3A_302 = arith.constant 256 : i32
    %dma_wait3A_303 = arith.constant 0 : i32
    %dma_wait3A_304 = tpu.memref_slice %arg8[%dma_wait3A_302, %dma_wait3A_303] : memref<512x16xf32, #tpu.memory_space<vmem>> -> memref<128x16xf32, #tpu.memory_space<vmem>>
    %dma_wait3A_305 = arith.constant 256 : i32
    %dma_wait3A_306 = tpu.memref_slice %arg7[%dma_wait3A_301, %dma_wait3A_305] : memref<28x512xi32, #tpu.memory_space<vmem>> -> memref<1x128xi32, #tpu.memory_space<vmem>>
    %dma_wait3A_307 = tpu.memref_squeeze %dma_wait3A_306 : memref<1x128xi32, #tpu.memory_space<vmem>> -> memref<128xi32, #tpu.memory_space<vmem>>
    %dma_wait3A_308 = arith.constant 0 : i32
    %dma_wait3A_309 = arith.constant 0 : i32
    %dma_wait3A_310 = tpu.memref_slice %arg5[%dma_wait3A_308, %dma_wait3A_309] : memref<2600000x16xf32, #tpu.memory_space<hbm>> -> memref<2600000x16xf32, #tpu.memory_space<hbm>>
    tpu.wait_indirect_dma semaphore(%arg10 : memref<!tpu.dma_semaphore, #tpu.memory_space<semaphore_mem>>) src(%dma_wait3A_310 : memref<2600000x16xf32, #tpu.memory_space<hbm>>) dst(%dma_wait3A_304 : memref<128x16xf32, #tpu.memory_space<vmem>>)
    %dma_wait3A_311 = arith.constant 3 : i32
    %dma_wait3A_312 = arith.constant 384 : i32
    %dma_wait3A_313 = arith.constant 0 : i32
    %dma_wait3A_314 = tpu.memref_slice %arg8[%dma_wait3A_312, %dma_wait3A_313] : memref<512x16xf32, #tpu.memory_space<vmem>> -> memref<128x16xf32, #tpu.memory_space<vmem>>
    %dma_wait3A_315 = arith.constant 384 : i32
    %dma_wait3A_316 = tpu.memref_slice %arg7[%dma_wait3A_311, %dma_wait3A_315] : memref<28x512xi32, #tpu.memory_space<vmem>> -> memref<1x128xi32, #tpu.memory_space<vmem>>
    %dma_wait3A_317 = tpu.memref_squeeze %dma_wait3A_316 : memref<1x128xi32, #tpu.memory_space<vmem>> -> memref<128xi32, #tpu.memory_space<vmem>>
    %dma_wait3A_318 = arith.constant 0 : i32
    %dma_wait3A_319 = arith.constant 0 : i32
    %dma_wait3A_320 = tpu.memref_slice %arg5[%dma_wait3A_318, %dma_wait3A_319] : memref<2600000x16xf32, #tpu.memory_space<hbm>> -> memref<2600000x16xf32, #tpu.memory_space<hbm>>
    tpu.wait_indirect_dma semaphore(%arg10 : memref<!tpu.dma_semaphore, #tpu.memory_space<semaphore_mem>>) src(%dma_wait3A_320 : memref<2600000x16xf32, #tpu.memory_space<hbm>>) dst(%dma_wait3A_314 : memref<128x16xf32, #tpu.memory_space<vmem>>)
    "tpu.region"() ({
      %run_scoped3A = tpu.sem_alloc : memref<!tpu.dma_semaphore, #tpu.memory_space<semaphore_mem>>
      %dma_start3A_2241 = arith.constant 48 : i32
      %dma_start3A_2242 = tpu.memref_slice %arg6[%mul3A_2, %dma_start3A_2241] : memref<16384x448xf32, #tpu.memory_space<hbm>> -> memref<512x16xf32, #tpu.memory_space<hbm>>
      %dma_start3A_2243 = arith.constant 48 : i32
      %dma_start3A_2244 = tpu.memref_slice %arg6[%mul3A_2, %dma_start3A_2243] : memref<16384x448xf32, #tpu.memory_space<hbm>> -> memref<512x16xf32, #tpu.memory_space<hbm>>
      tpu.enqueue_dma source(%arg8 : memref<512x16xf32, #tpu.memory_space<vmem>>) target(%dma_start3A_2244 : memref<512x16xf32, #tpu.memory_space<hbm>>) target_semaphore(%run_scoped3A : memref<!tpu.dma_semaphore, #tpu.memory_space<semaphore_mem>>)
      %dma_wait3A_2245 = arith.constant 48 : i32
      %dma_wait3A_2246 = tpu.memref_slice %arg6[%mul3A_2, %dma_wait3A_2245] : memref<16384x448xf32, #tpu.memory_space<hbm>> -> memref<512x16xf32, #tpu.memory_space<hbm>>
      %dma_wait3A_2247 = arith.constant 48 : i32
      %dma_wait3A_2248 = tpu.memref_slice %arg6[%mul3A_2, %dma_wait3A_2247] : memref<16384x448xf32, #tpu.memory_space<hbm>> -> memref<512x16xf32, #tpu.memory_space<hbm>>
      tpu.wait_dma2 semaphore(%run_scoped3A : memref<!tpu.dma_semaphore, #tpu.memory_space<semaphore_mem>>) src(%arg8 : memref<512x16xf32, #tpu.memory_space<vmem>>) dst(%dma_wait3A_2248 : memref<512x16xf32, #tpu.memory_space<hbm>>)
      tpu.yield
    }) : () -> ()
    %dma_start3A_321 = arith.constant 4 : i32
    %dma_start3A_322 = arith.constant 0 : i32
    %dma_start3A_323 = arith.constant 0 : i32
    %dma_start3A_324 = tpu.memref_slice %arg8[%dma_start3A_322, %dma_start3A_323] : memref<512x16xf32, #tpu.memory_space<vmem>> -> memref<128x16xf32, #tpu.memory_space<vmem>>
    %dma_start3A_325 = arith.constant 0 : i32
    %dma_start3A_326 = tpu.memref_slice %arg7[%dma_start3A_321, %dma_start3A_325] : memref<28x512xi32, #tpu.memory_space<vmem>> -> memref<1x128xi32, #tpu.memory_space<vmem>>
    %dma_start3A_327 = tpu.memref_squeeze %dma_start3A_326 : memref<1x128xi32, #tpu.memory_space<vmem>> -> memref<128xi32, #tpu.memory_space<vmem>>
    %dma_start3A_328 = arith.constant 0 : i32
    %dma_start3A_329 = arith.constant 0 : i32
    %dma_start3A_330 = tpu.memref_slice %arg5[%dma_start3A_328, %dma_start3A_329] : memref<2600000x16xf32, #tpu.memory_space<hbm>> -> memref<2600000x16xf32, #tpu.memory_space<hbm>>
    tpu.enqueue_indirect_dma source(%dma_start3A_330 : memref<2600000x16xf32, #tpu.memory_space<hbm>>) target(%dma_start3A_324 : memref<128x16xf32, #tpu.memory_space<vmem>>) offsets(%dma_start3A_327 : memref<128xi32, #tpu.memory_space<vmem>>) semaphore(%arg10 : memref<!tpu.dma_semaphore, #tpu.memory_space<semaphore_mem>>)
    %dma_start3A_331 = arith.constant 4 : i32
    %dma_start3A_332 = arith.constant 128 : i32
    %dma_start3A_333 = arith.constant 0 : i32
    %dma_start3A_334 = tpu.memref_slice %arg8[%dma_start3A_332, %dma_start3A_333] : memref<512x16xf32, #tpu.memory_space<vmem>> -> memref<128x16xf32, #tpu.memory_space<vmem>>
    %dma_start3A_335 = arith.constant 128 : i32
    %dma_start3A_336 = tpu.memref_slice %arg7[%dma_start3A_331, %dma_start3A_335] : memref<28x512xi32, #tpu.memory_space<vmem>> -> memref<1x128xi32, #tpu.memory_space<vmem>>
    %dma_start3A_337 = tpu.memref_squeeze %dma_start3A_336 : memref<1x128xi32, #tpu.memory_space<vmem>> -> memref<128xi32, #tpu.memory_space<vmem>>
    %dma_start3A_338 = arith.constant 0 : i32
    %dma_start3A_339 = arith.constant 0 : i32
    %dma_start3A_340 = tpu.memref_slice %arg5[%dma_start3A_338, %dma_start3A_339] : memref<2600000x16xf32, #tpu.memory_space<hbm>> -> memref<2600000x16xf32, #tpu.memory_space<hbm>>
    tpu.enqueue_indirect_dma source(%dma_start3A_340 : memref<2600000x16xf32, #tpu.memory_space<hbm>>) target(%dma_start3A_334 : memref<128x16xf32, #tpu.memory_space<vmem>>) offsets(%dma_start3A_337 : memref<128xi32, #tpu.memory_space<vmem>>) semaphore(%arg10 : memref<!tpu.dma_semaphore, #tpu.memory_space<semaphore_mem>>)
    %dma_start3A_341 = arith.constant 4 : i32
    %dma_start3A_342 = arith.constant 256 : i32
    %dma_start3A_343 = arith.constant 0 : i32
    %dma_start3A_344 = tpu.memref_slice %arg8[%dma_start3A_342, %dma_start3A_343] : memref<512x16xf32, #tpu.memory_space<vmem>> -> memref<128x16xf32, #tpu.memory_space<vmem>>
    %dma_start3A_345 = arith.constant 256 : i32
    %dma_start3A_346 = tpu.memref_slice %arg7[%dma_start3A_341, %dma_start3A_345] : memref<28x512xi32, #tpu.memory_space<vmem>> -> memref<1x128xi32, #tpu.memory_space<vmem>>
    %dma_start3A_347 = tpu.memref_squeeze %dma_start3A_346 : memref<1x128xi32, #tpu.memory_space<vmem>> -> memref<128xi32, #tpu.memory_space<vmem>>
    %dma_start3A_348 = arith.constant 0 : i32
    %dma_start3A_349 = arith.constant 0 : i32
    %dma_start3A_350 = tpu.memref_slice %arg5[%dma_start3A_348, %dma_start3A_349] : memref<2600000x16xf32, #tpu.memory_space<hbm>> -> memref<2600000x16xf32, #tpu.memory_space<hbm>>
    tpu.enqueue_indirect_dma source(%dma_start3A_350 : memref<2600000x16xf32, #tpu.memory_space<hbm>>) target(%dma_start3A_344 : memref<128x16xf32, #tpu.memory_space<vmem>>) offsets(%dma_start3A_347 : memref<128xi32, #tpu.memory_space<vmem>>) semaphore(%arg10 : memref<!tpu.dma_semaphore, #tpu.memory_space<semaphore_mem>>)
    %dma_start3A_351 = arith.constant 4 : i32
    %dma_start3A_352 = arith.constant 384 : i32
    %dma_start3A_353 = arith.constant 0 : i32
    %dma_start3A_354 = tpu.memref_slice %arg8[%dma_start3A_352, %dma_start3A_353] : memref<512x16xf32, #tpu.memory_space<vmem>> -> memref<128x16xf32, #tpu.memory_space<vmem>>
    %dma_start3A_355 = arith.constant 384 : i32
    %dma_start3A_356 = tpu.memref_slice %arg7[%dma_start3A_351, %dma_start3A_355] : memref<28x512xi32, #tpu.memory_space<vmem>> -> memref<1x128xi32, #tpu.memory_space<vmem>>
    %dma_start3A_357 = tpu.memref_squeeze %dma_start3A_356 : memref<1x128xi32, #tpu.memory_space<vmem>> -> memref<128xi32, #tpu.memory_space<vmem>>
    %dma_start3A_358 = arith.constant 0 : i32
    %dma_start3A_359 = arith.constant 0 : i32
    %dma_start3A_360 = tpu.memref_slice %arg5[%dma_start3A_358, %dma_start3A_359] : memref<2600000x16xf32, #tpu.memory_space<hbm>> -> memref<2600000x16xf32, #tpu.memory_space<hbm>>
    tpu.enqueue_indirect_dma source(%dma_start3A_360 : memref<2600000x16xf32, #tpu.memory_space<hbm>>) target(%dma_start3A_354 : memref<128x16xf32, #tpu.memory_space<vmem>>) offsets(%dma_start3A_357 : memref<128xi32, #tpu.memory_space<vmem>>) semaphore(%arg10 : memref<!tpu.dma_semaphore, #tpu.memory_space<semaphore_mem>>)
    %dma_wait3A_361 = arith.constant 4 : i32
    %dma_wait3A_362 = arith.constant 0 : i32
    %dma_wait3A_363 = arith.constant 0 : i32
    %dma_wait3A_364 = tpu.memref_slice %arg8[%dma_wait3A_362, %dma_wait3A_363] : memref<512x16xf32, #tpu.memory_space<vmem>> -> memref<128x16xf32, #tpu.memory_space<vmem>>
    %dma_wait3A_365 = arith.constant 0 : i32
    %dma_wait3A_366 = tpu.memref_slice %arg7[%dma_wait3A_361, %dma_wait3A_365] : memref<28x512xi32, #tpu.memory_space<vmem>> -> memref<1x128xi32, #tpu.memory_space<vmem>>
    %dma_wait3A_367 = tpu.memref_squeeze %dma_wait3A_366 : memref<1x128xi32, #tpu.memory_space<vmem>> -> memref<128xi32, #tpu.memory_space<vmem>>
    %dma_wait3A_368 = arith.constant 0 : i32
    %dma_wait3A_369 = arith.constant 0 : i32
    %dma_wait3A_370 = tpu.memref_slice %arg5[%dma_wait3A_368, %dma_wait3A_369] : memref<2600000x16xf32, #tpu.memory_space<hbm>> -> memref<2600000x16xf32, #tpu.memory_space<hbm>>
    tpu.wait_indirect_dma semaphore(%arg10 : memref<!tpu.dma_semaphore, #tpu.memory_space<semaphore_mem>>) src(%dma_wait3A_370 : memref<2600000x16xf32, #tpu.memory_space<hbm>>) dst(%dma_wait3A_364 : memref<128x16xf32, #tpu.memory_space<vmem>>)
    %dma_wait3A_371 = arith.constant 4 : i32
    %dma_wait3A_372 = arith.constant 128 : i32
    %dma_wait3A_373 = arith.constant 0 : i32
    %dma_wait3A_374 = tpu.memref_slice %arg8[%dma_wait3A_372, %dma_wait3A_373] : memref<512x16xf32, #tpu.memory_space<vmem>> -> memref<128x16xf32, #tpu.memory_space<vmem>>
    %dma_wait3A_375 = arith.constant 128 : i32
    %dma_wait3A_376 = tpu.memref_slice %arg7[%dma_wait3A_371, %dma_wait3A_375] : memref<28x512xi32, #tpu.memory_space<vmem>> -> memref<1x128xi32, #tpu.memory_space<vmem>>
    %dma_wait3A_377 = tpu.memref_squeeze %dma_wait3A_376 : memref<1x128xi32, #tpu.memory_space<vmem>> -> memref<128xi32, #tpu.memory_space<vmem>>
    %dma_wait3A_378 = arith.constant 0 : i32
    %dma_wait3A_379 = arith.constant 0 : i32
    %dma_wait3A_380 = tpu.memref_slice %arg5[%dma_wait3A_378, %dma_wait3A_379] : memref<2600000x16xf32, #tpu.memory_space<hbm>> -> memref<2600000x16xf32, #tpu.memory_space<hbm>>
    tpu.wait_indirect_dma semaphore(%arg10 : memref<!tpu.dma_semaphore, #tpu.memory_space<semaphore_mem>>) src(%dma_wait3A_380 : memref<2600000x16xf32, #tpu.memory_space<hbm>>) dst(%dma_wait3A_374 : memref<128x16xf32, #tpu.memory_space<vmem>>)
    %dma_wait3A_381 = arith.constant 4 : i32
    %dma_wait3A_382 = arith.constant 256 : i32
    %dma_wait3A_383 = arith.constant 0 : i32
    %dma_wait3A_384 = tpu.memref_slice %arg8[%dma_wait3A_382, %dma_wait3A_383] : memref<512x16xf32, #tpu.memory_space<vmem>> -> memref<128x16xf32, #tpu.memory_space<vmem>>
    %dma_wait3A_385 = arith.constant 256 : i32
    %dma_wait3A_386 = tpu.memref_slice %arg7[%dma_wait3A_381, %dma_wait3A_385] : memref<28x512xi32, #tpu.memory_space<vmem>> -> memref<1x128xi32, #tpu.memory_space<vmem>>
    %dma_wait3A_387 = tpu.memref_squeeze %dma_wait3A_386 : memref<1x128xi32, #tpu.memory_space<vmem>> -> memref<128xi32, #tpu.memory_space<vmem>>
    %dma_wait3A_388 = arith.constant 0 : i32
    %dma_wait3A_389 = arith.constant 0 : i32
    %dma_wait3A_390 = tpu.memref_slice %arg5[%dma_wait3A_388, %dma_wait3A_389] : memref<2600000x16xf32, #tpu.memory_space<hbm>> -> memref<2600000x16xf32, #tpu.memory_space<hbm>>
    tpu.wait_indirect_dma semaphore(%arg10 : memref<!tpu.dma_semaphore, #tpu.memory_space<semaphore_mem>>) src(%dma_wait3A_390 : memref<2600000x16xf32, #tpu.memory_space<hbm>>) dst(%dma_wait3A_384 : memref<128x16xf32, #tpu.memory_space<vmem>>)
    %dma_wait3A_391 = arith.constant 4 : i32
    %dma_wait3A_392 = arith.constant 384 : i32
    %dma_wait3A_393 = arith.constant 0 : i32
    %dma_wait3A_394 = tpu.memref_slice %arg8[%dma_wait3A_392, %dma_wait3A_393] : memref<512x16xf32, #tpu.memory_space<vmem>> -> memref<128x16xf32, #tpu.memory_space<vmem>>
    %dma_wait3A_395 = arith.constant 384 : i32
    %dma_wait3A_396 = tpu.memref_slice %arg7[%dma_wait3A_391, %dma_wait3A_395] : memref<28x512xi32, #tpu.memory_space<vmem>> -> memref<1x128xi32, #tpu.memory_space<vmem>>
    %dma_wait3A_397 = tpu.memref_squeeze %dma_wait3A_396 : memref<1x128xi32, #tpu.memory_space<vmem>> -> memref<128xi32, #tpu.memory_space<vmem>>
    %dma_wait3A_398 = arith.constant 0 : i32
    %dma_wait3A_399 = arith.constant 0 : i32
    %dma_wait3A_400 = tpu.memref_slice %arg5[%dma_wait3A_398, %dma_wait3A_399] : memref<2600000x16xf32, #tpu.memory_space<hbm>> -> memref<2600000x16xf32, #tpu.memory_space<hbm>>
    tpu.wait_indirect_dma semaphore(%arg10 : memref<!tpu.dma_semaphore, #tpu.memory_space<semaphore_mem>>) src(%dma_wait3A_400 : memref<2600000x16xf32, #tpu.memory_space<hbm>>) dst(%dma_wait3A_394 : memref<128x16xf32, #tpu.memory_space<vmem>>)
    "tpu.region"() ({
      %run_scoped3A = tpu.sem_alloc : memref<!tpu.dma_semaphore, #tpu.memory_space<semaphore_mem>>
      %dma_start3A_2241 = arith.constant 64 : i32
      %dma_start3A_2242 = tpu.memref_slice %arg6[%mul3A_2, %dma_start3A_2241] : memref<16384x448xf32, #tpu.memory_space<hbm>> -> memref<512x16xf32, #tpu.memory_space<hbm>>
      %dma_start3A_2243 = arith.constant 64 : i32
      %dma_start3A_2244 = tpu.memref_slice %arg6[%mul3A_2, %dma_start3A_2243] : memref<16384x448xf32, #tpu.memory_space<hbm>> -> memref<512x16xf32, #tpu.memory_space<hbm>>
      tpu.enqueue_dma source(%arg8 : memref<512x16xf32, #tpu.memory_space<vmem>>) target(%dma_start3A_2244 : memref<512x16xf32, #tpu.memory_space<hbm>>) target_semaphore(%run_scoped3A : memref<!tpu.dma_semaphore, #tpu.memory_space<semaphore_mem>>)
      %dma_wait3A_2245 = arith.constant 64 : i32
      %dma_wait3A_2246 = tpu.memref_slice %arg6[%mul3A_2, %dma_wait3A_2245] : memref<16384x448xf32, #tpu.memory_space<hbm>> -> memref<512x16xf32, #tpu.memory_space<hbm>>
      %dma_wait3A_2247 = arith.constant 64 : i32
      %dma_wait3A_2248 = tpu.memref_slice %arg6[%mul3A_2, %dma_wait3A_2247] : memref<16384x448xf32, #tpu.memory_space<hbm>> -> memref<512x16xf32, #tpu.memory_space<hbm>>
      tpu.wait_dma2 semaphore(%run_scoped3A : memref<!tpu.dma_semaphore, #tpu.memory_space<semaphore_mem>>) src(%arg8 : memref<512x16xf32, #tpu.memory_space<vmem>>) dst(%dma_wait3A_2248 : memref<512x16xf32, #tpu.memory_space<hbm>>)
      tpu.yield
    }) : () -> ()
    %dma_start3A_401 = arith.constant 5 : i32
    %dma_start3A_402 = arith.constant 0 : i32
    %dma_start3A_403 = arith.constant 0 : i32
    %dma_start3A_404 = tpu.memref_slice %arg8[%dma_start3A_402, %dma_start3A_403] : memref<512x16xf32, #tpu.memory_space<vmem>> -> memref<128x16xf32, #tpu.memory_space<vmem>>
    %dma_start3A_405 = arith.constant 0 : i32
    %dma_start3A_406 = tpu.memref_slice %arg7[%dma_start3A_401, %dma_start3A_405] : memref<28x512xi32, #tpu.memory_space<vmem>> -> memref<1x128xi32, #tpu.memory_space<vmem>>
    %dma_start3A_407 = tpu.memref_squeeze %dma_start3A_406 : memref<1x128xi32, #tpu.memory_space<vmem>> -> memref<128xi32, #tpu.memory_space<vmem>>
    %dma_start3A_408 = arith.constant 0 : i32
    %dma_start3A_409 = arith.constant 0 : i32
    %dma_start3A_410 = tpu.memref_slice %arg5[%dma_start3A_408, %dma_start3A_409] : memref<2600000x16xf32, #tpu.memory_space<hbm>> -> memref<2600000x16xf32, #tpu.memory_space<hbm>>
    tpu.enqueue_indirect_dma source(%dma_start3A_410 : memref<2600000x16xf32, #tpu.memory_space<hbm>>) target(%dma_start3A_404 : memref<128x16xf32, #tpu.memory_space<vmem>>) offsets(%dma_start3A_407 : memref<128xi32, #tpu.memory_space<vmem>>) semaphore(%arg10 : memref<!tpu.dma_semaphore, #tpu.memory_space<semaphore_mem>>)
    %dma_start3A_411 = arith.constant 5 : i32
    %dma_start3A_412 = arith.constant 128 : i32
    %dma_start3A_413 = arith.constant 0 : i32
    %dma_start3A_414 = tpu.memref_slice %arg8[%dma_start3A_412, %dma_start3A_413] : memref<512x16xf32, #tpu.memory_space<vmem>> -> memref<128x16xf32, #tpu.memory_space<vmem>>
    %dma_start3A_415 = arith.constant 128 : i32
    %dma_start3A_416 = tpu.memref_slice %arg7[%dma_start3A_411, %dma_start3A_415] : memref<28x512xi32, #tpu.memory_space<vmem>> -> memref<1x128xi32, #tpu.memory_space<vmem>>
    %dma_start3A_417 = tpu.memref_squeeze %dma_start3A_416 : memref<1x128xi32, #tpu.memory_space<vmem>> -> memref<128xi32, #tpu.memory_space<vmem>>
    %dma_start3A_418 = arith.constant 0 : i32
    %dma_start3A_419 = arith.constant 0 : i32
    %dma_start3A_420 = tpu.memref_slice %arg5[%dma_start3A_418, %dma_start3A_419] : memref<2600000x16xf32, #tpu.memory_space<hbm>> -> memref<2600000x16xf32, #tpu.memory_space<hbm>>
    tpu.enqueue_indirect_dma source(%dma_start3A_420 : memref<2600000x16xf32, #tpu.memory_space<hbm>>) target(%dma_start3A_414 : memref<128x16xf32, #tpu.memory_space<vmem>>) offsets(%dma_start3A_417 : memref<128xi32, #tpu.memory_space<vmem>>) semaphore(%arg10 : memref<!tpu.dma_semaphore, #tpu.memory_space<semaphore_mem>>)
    %dma_start3A_421 = arith.constant 5 : i32
    %dma_start3A_422 = arith.constant 256 : i32
    %dma_start3A_423 = arith.constant 0 : i32
    %dma_start3A_424 = tpu.memref_slice %arg8[%dma_start3A_422, %dma_start3A_423] : memref<512x16xf32, #tpu.memory_space<vmem>> -> memref<128x16xf32, #tpu.memory_space<vmem>>
    %dma_start3A_425 = arith.constant 256 : i32
    %dma_start3A_426 = tpu.memref_slice %arg7[%dma_start3A_421, %dma_start3A_425] : memref<28x512xi32, #tpu.memory_space<vmem>> -> memref<1x128xi32, #tpu.memory_space<vmem>>
    %dma_start3A_427 = tpu.memref_squeeze %dma_start3A_426 : memref<1x128xi32, #tpu.memory_space<vmem>> -> memref<128xi32, #tpu.memory_space<vmem>>
    %dma_start3A_428 = arith.constant 0 : i32
    %dma_start3A_429 = arith.constant 0 : i32
    %dma_start3A_430 = tpu.memref_slice %arg5[%dma_start3A_428, %dma_start3A_429] : memref<2600000x16xf32, #tpu.memory_space<hbm>> -> memref<2600000x16xf32, #tpu.memory_space<hbm>>
    tpu.enqueue_indirect_dma source(%dma_start3A_430 : memref<2600000x16xf32, #tpu.memory_space<hbm>>) target(%dma_start3A_424 : memref<128x16xf32, #tpu.memory_space<vmem>>) offsets(%dma_start3A_427 : memref<128xi32, #tpu.memory_space<vmem>>) semaphore(%arg10 : memref<!tpu.dma_semaphore, #tpu.memory_space<semaphore_mem>>)
    %dma_start3A_431 = arith.constant 5 : i32
    %dma_start3A_432 = arith.constant 384 : i32
    %dma_start3A_433 = arith.constant 0 : i32
    %dma_start3A_434 = tpu.memref_slice %arg8[%dma_start3A_432, %dma_start3A_433] : memref<512x16xf32, #tpu.memory_space<vmem>> -> memref<128x16xf32, #tpu.memory_space<vmem>>
    %dma_start3A_435 = arith.constant 384 : i32
    %dma_start3A_436 = tpu.memref_slice %arg7[%dma_start3A_431, %dma_start3A_435] : memref<28x512xi32, #tpu.memory_space<vmem>> -> memref<1x128xi32, #tpu.memory_space<vmem>>
    %dma_start3A_437 = tpu.memref_squeeze %dma_start3A_436 : memref<1x128xi32, #tpu.memory_space<vmem>> -> memref<128xi32, #tpu.memory_space<vmem>>
    %dma_start3A_438 = arith.constant 0 : i32
    %dma_start3A_439 = arith.constant 0 : i32
    %dma_start3A_440 = tpu.memref_slice %arg5[%dma_start3A_438, %dma_start3A_439] : memref<2600000x16xf32, #tpu.memory_space<hbm>> -> memref<2600000x16xf32, #tpu.memory_space<hbm>>
    tpu.enqueue_indirect_dma source(%dma_start3A_440 : memref<2600000x16xf32, #tpu.memory_space<hbm>>) target(%dma_start3A_434 : memref<128x16xf32, #tpu.memory_space<vmem>>) offsets(%dma_start3A_437 : memref<128xi32, #tpu.memory_space<vmem>>) semaphore(%arg10 : memref<!tpu.dma_semaphore, #tpu.memory_space<semaphore_mem>>)
    %dma_wait3A_441 = arith.constant 5 : i32
    %dma_wait3A_442 = arith.constant 0 : i32
    %dma_wait3A_443 = arith.constant 0 : i32
    %dma_wait3A_444 = tpu.memref_slice %arg8[%dma_wait3A_442, %dma_wait3A_443] : memref<512x16xf32, #tpu.memory_space<vmem>> -> memref<128x16xf32, #tpu.memory_space<vmem>>
    %dma_wait3A_445 = arith.constant 0 : i32
    %dma_wait3A_446 = tpu.memref_slice %arg7[%dma_wait3A_441, %dma_wait3A_445] : memref<28x512xi32, #tpu.memory_space<vmem>> -> memref<1x128xi32, #tpu.memory_space<vmem>>
    %dma_wait3A_447 = tpu.memref_squeeze %dma_wait3A_446 : memref<1x128xi32, #tpu.memory_space<vmem>> -> memref<128xi32, #tpu.memory_space<vmem>>
    %dma_wait3A_448 = arith.constant 0 : i32
    %dma_wait3A_449 = arith.constant 0 : i32
    %dma_wait3A_450 = tpu.memref_slice %arg5[%dma_wait3A_448, %dma_wait3A_449] : memref<2600000x16xf32, #tpu.memory_space<hbm>> -> memref<2600000x16xf32, #tpu.memory_space<hbm>>
    tpu.wait_indirect_dma semaphore(%arg10 : memref<!tpu.dma_semaphore, #tpu.memory_space<semaphore_mem>>) src(%dma_wait3A_450 : memref<2600000x16xf32, #tpu.memory_space<hbm>>) dst(%dma_wait3A_444 : memref<128x16xf32, #tpu.memory_space<vmem>>)
    %dma_wait3A_451 = arith.constant 5 : i32
    %dma_wait3A_452 = arith.constant 128 : i32
    %dma_wait3A_453 = arith.constant 0 : i32
    %dma_wait3A_454 = tpu.memref_slice %arg8[%dma_wait3A_452, %dma_wait3A_453] : memref<512x16xf32, #tpu.memory_space<vmem>> -> memref<128x16xf32, #tpu.memory_space<vmem>>
    %dma_wait3A_455 = arith.constant 128 : i32
    %dma_wait3A_456 = tpu.memref_slice %arg7[%dma_wait3A_451, %dma_wait3A_455] : memref<28x512xi32, #tpu.memory_space<vmem>> -> memref<1x128xi32, #tpu.memory_space<vmem>>
    %dma_wait3A_457 = tpu.memref_squeeze %dma_wait3A_456 : memref<1x128xi32, #tpu.memory_space<vmem>> -> memref<128xi32, #tpu.memory_space<vmem>>
    %dma_wait3A_458 = arith.constant 0 : i32
    %dma_wait3A_459 = arith.constant 0 : i32
    %dma_wait3A_460 = tpu.memref_slice %arg5[%dma_wait3A_458, %dma_wait3A_459] : memref<2600000x16xf32, #tpu.memory_space<hbm>> -> memref<2600000x16xf32, #tpu.memory_space<hbm>>
    tpu.wait_indirect_dma semaphore(%arg10 : memref<!tpu.dma_semaphore, #tpu.memory_space<semaphore_mem>>) src(%dma_wait3A_460 : memref<2600000x16xf32, #tpu.memory_space<hbm>>) dst(%dma_wait3A_454 : memref<128x16xf32, #tpu.memory_space<vmem>>)
    %dma_wait3A_461 = arith.constant 5 : i32
    %dma_wait3A_462 = arith.constant 256 : i32
    %dma_wait3A_463 = arith.constant 0 : i32
    %dma_wait3A_464 = tpu.memref_slice %arg8[%dma_wait3A_462, %dma_wait3A_463] : memref<512x16xf32, #tpu.memory_space<vmem>> -> memref<128x16xf32, #tpu.memory_space<vmem>>
    %dma_wait3A_465 = arith.constant 256 : i32
    %dma_wait3A_466 = tpu.memref_slice %arg7[%dma_wait3A_461, %dma_wait3A_465] : memref<28x512xi32, #tpu.memory_space<vmem>> -> memref<1x128xi32, #tpu.memory_space<vmem>>
    %dma_wait3A_467 = tpu.memref_squeeze %dma_wait3A_466 : memref<1x128xi32, #tpu.memory_space<vmem>> -> memref<128xi32, #tpu.memory_space<vmem>>
    %dma_wait3A_468 = arith.constant 0 : i32
    %dma_wait3A_469 = arith.constant 0 : i32
    %dma_wait3A_470 = tpu.memref_slice %arg5[%dma_wait3A_468, %dma_wait3A_469] : memref<2600000x16xf32, #tpu.memory_space<hbm>> -> memref<2600000x16xf32, #tpu.memory_space<hbm>>
    tpu.wait_indirect_dma semaphore(%arg10 : memref<!tpu.dma_semaphore, #tpu.memory_space<semaphore_mem>>) src(%dma_wait3A_470 : memref<2600000x16xf32, #tpu.memory_space<hbm>>) dst(%dma_wait3A_464 : memref<128x16xf32, #tpu.memory_space<vmem>>)
    %dma_wait3A_471 = arith.constant 5 : i32
    %dma_wait3A_472 = arith.constant 384 : i32
    %dma_wait3A_473 = arith.constant 0 : i32
    %dma_wait3A_474 = tpu.memref_slice %arg8[%dma_wait3A_472, %dma_wait3A_473] : memref<512x16xf32, #tpu.memory_space<vmem>> -> memref<128x16xf32, #tpu.memory_space<vmem>>
    %dma_wait3A_475 = arith.constant 384 : i32
    %dma_wait3A_476 = tpu.memref_slice %arg7[%dma_wait3A_471, %dma_wait3A_475] : memref<28x512xi32, #tpu.memory_space<vmem>> -> memref<1x128xi32, #tpu.memory_space<vmem>>
    %dma_wait3A_477 = tpu.memref_squeeze %dma_wait3A_476 : memref<1x128xi32, #tpu.memory_space<vmem>> -> memref<128xi32, #tpu.memory_space<vmem>>
    %dma_wait3A_478 = arith.constant 0 : i32
    %dma_wait3A_479 = arith.constant 0 : i32
    %dma_wait3A_480 = tpu.memref_slice %arg5[%dma_wait3A_478, %dma_wait3A_479] : memref<2600000x16xf32, #tpu.memory_space<hbm>> -> memref<2600000x16xf32, #tpu.memory_space<hbm>>
    tpu.wait_indirect_dma semaphore(%arg10 : memref<!tpu.dma_semaphore, #tpu.memory_space<semaphore_mem>>) src(%dma_wait3A_480 : memref<2600000x16xf32, #tpu.memory_space<hbm>>) dst(%dma_wait3A_474 : memref<128x16xf32, #tpu.memory_space<vmem>>)
    "tpu.region"() ({
      %run_scoped3A = tpu.sem_alloc : memref<!tpu.dma_semaphore, #tpu.memory_space<semaphore_mem>>
      %dma_start3A_2241 = arith.constant 80 : i32
      %dma_start3A_2242 = tpu.memref_slice %arg6[%mul3A_2, %dma_start3A_2241] : memref<16384x448xf32, #tpu.memory_space<hbm>> -> memref<512x16xf32, #tpu.memory_space<hbm>>
      %dma_start3A_2243 = arith.constant 80 : i32
      %dma_start3A_2244 = tpu.memref_slice %arg6[%mul3A_2, %dma_start3A_2243] : memref<16384x448xf32, #tpu.memory_space<hbm>> -> memref<512x16xf32, #tpu.memory_space<hbm>>
      tpu.enqueue_dma source(%arg8 : memref<512x16xf32, #tpu.memory_space<vmem>>) target(%dma_start3A_2244 : memref<512x16xf32, #tpu.memory_space<hbm>>) target_semaphore(%run_scoped3A : memref<!tpu.dma_semaphore, #tpu.memory_space<semaphore_mem>>)
      %dma_wait3A_2245 = arith.constant 80 : i32
      %dma_wait3A_2246 = tpu.memref_slice %arg6[%mul3A_2, %dma_wait3A_2245] : memref<16384x448xf32, #tpu.memory_space<hbm>> -> memref<512x16xf32, #tpu.memory_space<hbm>>
      %dma_wait3A_2247 = arith.constant 80 : i32
      %dma_wait3A_2248 = tpu.memref_slice %arg6[%mul3A_2, %dma_wait3A_2247] : memref<16384x448xf32, #tpu.memory_space<hbm>> -> memref<512x16xf32, #tpu.memory_space<hbm>>
      tpu.wait_dma2 semaphore(%run_scoped3A : memref<!tpu.dma_semaphore, #tpu.memory_space<semaphore_mem>>) src(%arg8 : memref<512x16xf32, #tpu.memory_space<vmem>>) dst(%dma_wait3A_2248 : memref<512x16xf32, #tpu.memory_space<hbm>>)
      tpu.yield
    }) : () -> ()
    %dma_start3A_481 = arith.constant 6 : i32
    %dma_start3A_482 = arith.constant 0 : i32
    %dma_start3A_483 = arith.constant 0 : i32
    %dma_start3A_484 = tpu.memref_slice %arg8[%dma_start3A_482, %dma_start3A_483] : memref<512x16xf32, #tpu.memory_space<vmem>> -> memref<128x16xf32, #tpu.memory_space<vmem>>
    %dma_start3A_485 = arith.constant 0 : i32
    %dma_start3A_486 = tpu.memref_slice %arg7[%dma_start3A_481, %dma_start3A_485] : memref<28x512xi32, #tpu.memory_space<vmem>> -> memref<1x128xi32, #tpu.memory_space<vmem>>
    %dma_start3A_487 = tpu.memref_squeeze %dma_start3A_486 : memref<1x128xi32, #tpu.memory_space<vmem>> -> memref<128xi32, #tpu.memory_space<vmem>>
    %dma_start3A_488 = arith.constant 0 : i32
    %dma_start3A_489 = arith.constant 0 : i32
    %dma_start3A_490 = tpu.memref_slice %arg5[%dma_start3A_488, %dma_start3A_489] : memref<2600000x16xf32, #tpu.memory_space<hbm>> -> memref<2600000x16xf32, #tpu.memory_space<hbm>>
    tpu.enqueue_indirect_dma source(%dma_start3A_490 : memref<2600000x16xf32, #tpu.memory_space<hbm>>) target(%dma_start3A_484 : memref<128x16xf32, #tpu.memory_space<vmem>>) offsets(%dma_start3A_487 : memref<128xi32, #tpu.memory_space<vmem>>) semaphore(%arg10 : memref<!tpu.dma_semaphore, #tpu.memory_space<semaphore_mem>>)
    %dma_start3A_491 = arith.constant 6 : i32
    %dma_start3A_492 = arith.constant 128 : i32
    %dma_start3A_493 = arith.constant 0 : i32
    %dma_start3A_494 = tpu.memref_slice %arg8[%dma_start3A_492, %dma_start3A_493] : memref<512x16xf32, #tpu.memory_space<vmem>> -> memref<128x16xf32, #tpu.memory_space<vmem>>
    %dma_start3A_495 = arith.constant 128 : i32
    %dma_start3A_496 = tpu.memref_slice %arg7[%dma_start3A_491, %dma_start3A_495] : memref<28x512xi32, #tpu.memory_space<vmem>> -> memref<1x128xi32, #tpu.memory_space<vmem>>
    %dma_start3A_497 = tpu.memref_squeeze %dma_start3A_496 : memref<1x128xi32, #tpu.memory_space<vmem>> -> memref<128xi32, #tpu.memory_space<vmem>>
    %dma_start3A_498 = arith.constant 0 : i32
    %dma_start3A_499 = arith.constant 0 : i32
    %dma_start3A_500 = tpu.memref_slice %arg5[%dma_start3A_498, %dma_start3A_499] : memref<2600000x16xf32, #tpu.memory_space<hbm>> -> memref<2600000x16xf32, #tpu.memory_space<hbm>>
    tpu.enqueue_indirect_dma source(%dma_start3A_500 : memref<2600000x16xf32, #tpu.memory_space<hbm>>) target(%dma_start3A_494 : memref<128x16xf32, #tpu.memory_space<vmem>>) offsets(%dma_start3A_497 : memref<128xi32, #tpu.memory_space<vmem>>) semaphore(%arg10 : memref<!tpu.dma_semaphore, #tpu.memory_space<semaphore_mem>>)
    %dma_start3A_501 = arith.constant 6 : i32
    %dma_start3A_502 = arith.constant 256 : i32
    %dma_start3A_503 = arith.constant 0 : i32
    %dma_start3A_504 = tpu.memref_slice %arg8[%dma_start3A_502, %dma_start3A_503] : memref<512x16xf32, #tpu.memory_space<vmem>> -> memref<128x16xf32, #tpu.memory_space<vmem>>
    %dma_start3A_505 = arith.constant 256 : i32
    %dma_start3A_506 = tpu.memref_slice %arg7[%dma_start3A_501, %dma_start3A_505] : memref<28x512xi32, #tpu.memory_space<vmem>> -> memref<1x128xi32, #tpu.memory_space<vmem>>
    %dma_start3A_507 = tpu.memref_squeeze %dma_start3A_506 : memref<1x128xi32, #tpu.memory_space<vmem>> -> memref<128xi32, #tpu.memory_space<vmem>>
    %dma_start3A_508 = arith.constant 0 : i32
    %dma_start3A_509 = arith.constant 0 : i32
    %dma_start3A_510 = tpu.memref_slice %arg5[%dma_start3A_508, %dma_start3A_509] : memref<2600000x16xf32, #tpu.memory_space<hbm>> -> memref<2600000x16xf32, #tpu.memory_space<hbm>>
    tpu.enqueue_indirect_dma source(%dma_start3A_510 : memref<2600000x16xf32, #tpu.memory_space<hbm>>) target(%dma_start3A_504 : memref<128x16xf32, #tpu.memory_space<vmem>>) offsets(%dma_start3A_507 : memref<128xi32, #tpu.memory_space<vmem>>) semaphore(%arg10 : memref<!tpu.dma_semaphore, #tpu.memory_space<semaphore_mem>>)
    %dma_start3A_511 = arith.constant 6 : i32
    %dma_start3A_512 = arith.constant 384 : i32
    %dma_start3A_513 = arith.constant 0 : i32
    %dma_start3A_514 = tpu.memref_slice %arg8[%dma_start3A_512, %dma_start3A_513] : memref<512x16xf32, #tpu.memory_space<vmem>> -> memref<128x16xf32, #tpu.memory_space<vmem>>
    %dma_start3A_515 = arith.constant 384 : i32
    %dma_start3A_516 = tpu.memref_slice %arg7[%dma_start3A_511, %dma_start3A_515] : memref<28x512xi32, #tpu.memory_space<vmem>> -> memref<1x128xi32, #tpu.memory_space<vmem>>
    %dma_start3A_517 = tpu.memref_squeeze %dma_start3A_516 : memref<1x128xi32, #tpu.memory_space<vmem>> -> memref<128xi32, #tpu.memory_space<vmem>>
    %dma_start3A_518 = arith.constant 0 : i32
    %dma_start3A_519 = arith.constant 0 : i32
    %dma_start3A_520 = tpu.memref_slice %arg5[%dma_start3A_518, %dma_start3A_519] : memref<2600000x16xf32, #tpu.memory_space<hbm>> -> memref<2600000x16xf32, #tpu.memory_space<hbm>>
    tpu.enqueue_indirect_dma source(%dma_start3A_520 : memref<2600000x16xf32, #tpu.memory_space<hbm>>) target(%dma_start3A_514 : memref<128x16xf32, #tpu.memory_space<vmem>>) offsets(%dma_start3A_517 : memref<128xi32, #tpu.memory_space<vmem>>) semaphore(%arg10 : memref<!tpu.dma_semaphore, #tpu.memory_space<semaphore_mem>>)
    %dma_wait3A_521 = arith.constant 6 : i32
    %dma_wait3A_522 = arith.constant 0 : i32
    %dma_wait3A_523 = arith.constant 0 : i32
    %dma_wait3A_524 = tpu.memref_slice %arg8[%dma_wait3A_522, %dma_wait3A_523] : memref<512x16xf32, #tpu.memory_space<vmem>> -> memref<128x16xf32, #tpu.memory_space<vmem>>
    %dma_wait3A_525 = arith.constant 0 : i32
    %dma_wait3A_526 = tpu.memref_slice %arg7[%dma_wait3A_521, %dma_wait3A_525] : memref<28x512xi32, #tpu.memory_space<vmem>> -> memref<1x128xi32, #tpu.memory_space<vmem>>
    %dma_wait3A_527 = tpu.memref_squeeze %dma_wait3A_526 : memref<1x128xi32, #tpu.memory_space<vmem>> -> memref<128xi32, #tpu.memory_space<vmem>>
    %dma_wait3A_528 = arith.constant 0 : i32
    %dma_wait3A_529 = arith.constant 0 : i32
    %dma_wait3A_530 = tpu.memref_slice %arg5[%dma_wait3A_528, %dma_wait3A_529] : memref<2600000x16xf32, #tpu.memory_space<hbm>> -> memref<2600000x16xf32, #tpu.memory_space<hbm>>
    tpu.wait_indirect_dma semaphore(%arg10 : memref<!tpu.dma_semaphore, #tpu.memory_space<semaphore_mem>>) src(%dma_wait3A_530 : memref<2600000x16xf32, #tpu.memory_space<hbm>>) dst(%dma_wait3A_524 : memref<128x16xf32, #tpu.memory_space<vmem>>)
    %dma_wait3A_531 = arith.constant 6 : i32
    %dma_wait3A_532 = arith.constant 128 : i32
    %dma_wait3A_533 = arith.constant 0 : i32
    %dma_wait3A_534 = tpu.memref_slice %arg8[%dma_wait3A_532, %dma_wait3A_533] : memref<512x16xf32, #tpu.memory_space<vmem>> -> memref<128x16xf32, #tpu.memory_space<vmem>>
    %dma_wait3A_535 = arith.constant 128 : i32
    %dma_wait3A_536 = tpu.memref_slice %arg7[%dma_wait3A_531, %dma_wait3A_535] : memref<28x512xi32, #tpu.memory_space<vmem>> -> memref<1x128xi32, #tpu.memory_space<vmem>>
    %dma_wait3A_537 = tpu.memref_squeeze %dma_wait3A_536 : memref<1x128xi32, #tpu.memory_space<vmem>> -> memref<128xi32, #tpu.memory_space<vmem>>
    %dma_wait3A_538 = arith.constant 0 : i32
    %dma_wait3A_539 = arith.constant 0 : i32
    %dma_wait3A_540 = tpu.memref_slice %arg5[%dma_wait3A_538, %dma_wait3A_539] : memref<2600000x16xf32, #tpu.memory_space<hbm>> -> memref<2600000x16xf32, #tpu.memory_space<hbm>>
    tpu.wait_indirect_dma semaphore(%arg10 : memref<!tpu.dma_semaphore, #tpu.memory_space<semaphore_mem>>) src(%dma_wait3A_540 : memref<2600000x16xf32, #tpu.memory_space<hbm>>) dst(%dma_wait3A_534 : memref<128x16xf32, #tpu.memory_space<vmem>>)
    %dma_wait3A_541 = arith.constant 6 : i32
    %dma_wait3A_542 = arith.constant 256 : i32
    %dma_wait3A_543 = arith.constant 0 : i32
    %dma_wait3A_544 = tpu.memref_slice %arg8[%dma_wait3A_542, %dma_wait3A_543] : memref<512x16xf32, #tpu.memory_space<vmem>> -> memref<128x16xf32, #tpu.memory_space<vmem>>
    %dma_wait3A_545 = arith.constant 256 : i32
    %dma_wait3A_546 = tpu.memref_slice %arg7[%dma_wait3A_541, %dma_wait3A_545] : memref<28x512xi32, #tpu.memory_space<vmem>> -> memref<1x128xi32, #tpu.memory_space<vmem>>
    %dma_wait3A_547 = tpu.memref_squeeze %dma_wait3A_546 : memref<1x128xi32, #tpu.memory_space<vmem>> -> memref<128xi32, #tpu.memory_space<vmem>>
    %dma_wait3A_548 = arith.constant 0 : i32
    %dma_wait3A_549 = arith.constant 0 : i32
    %dma_wait3A_550 = tpu.memref_slice %arg5[%dma_wait3A_548, %dma_wait3A_549] : memref<2600000x16xf32, #tpu.memory_space<hbm>> -> memref<2600000x16xf32, #tpu.memory_space<hbm>>
    tpu.wait_indirect_dma semaphore(%arg10 : memref<!tpu.dma_semaphore, #tpu.memory_space<semaphore_mem>>) src(%dma_wait3A_550 : memref<2600000x16xf32, #tpu.memory_space<hbm>>) dst(%dma_wait3A_544 : memref<128x16xf32, #tpu.memory_space<vmem>>)
    %dma_wait3A_551 = arith.constant 6 : i32
    %dma_wait3A_552 = arith.constant 384 : i32
    %dma_wait3A_553 = arith.constant 0 : i32
    %dma_wait3A_554 = tpu.memref_slice %arg8[%dma_wait3A_552, %dma_wait3A_553] : memref<512x16xf32, #tpu.memory_space<vmem>> -> memref<128x16xf32, #tpu.memory_space<vmem>>
    %dma_wait3A_555 = arith.constant 384 : i32
    %dma_wait3A_556 = tpu.memref_slice %arg7[%dma_wait3A_551, %dma_wait3A_555] : memref<28x512xi32, #tpu.memory_space<vmem>> -> memref<1x128xi32, #tpu.memory_space<vmem>>
    %dma_wait3A_557 = tpu.memref_squeeze %dma_wait3A_556 : memref<1x128xi32, #tpu.memory_space<vmem>> -> memref<128xi32, #tpu.memory_space<vmem>>
    %dma_wait3A_558 = arith.constant 0 : i32
    %dma_wait3A_559 = arith.constant 0 : i32
    %dma_wait3A_560 = tpu.memref_slice %arg5[%dma_wait3A_558, %dma_wait3A_559] : memref<2600000x16xf32, #tpu.memory_space<hbm>> -> memref<2600000x16xf32, #tpu.memory_space<hbm>>
    tpu.wait_indirect_dma semaphore(%arg10 : memref<!tpu.dma_semaphore, #tpu.memory_space<semaphore_mem>>) src(%dma_wait3A_560 : memref<2600000x16xf32, #tpu.memory_space<hbm>>) dst(%dma_wait3A_554 : memref<128x16xf32, #tpu.memory_space<vmem>>)
    "tpu.region"() ({
      %run_scoped3A = tpu.sem_alloc : memref<!tpu.dma_semaphore, #tpu.memory_space<semaphore_mem>>
      %dma_start3A_2241 = arith.constant 96 : i32
      %dma_start3A_2242 = tpu.memref_slice %arg6[%mul3A_2, %dma_start3A_2241] : memref<16384x448xf32, #tpu.memory_space<hbm>> -> memref<512x16xf32, #tpu.memory_space<hbm>>
      %dma_start3A_2243 = arith.constant 96 : i32
      %dma_start3A_2244 = tpu.memref_slice %arg6[%mul3A_2, %dma_start3A_2243] : memref<16384x448xf32, #tpu.memory_space<hbm>> -> memref<512x16xf32, #tpu.memory_space<hbm>>
      tpu.enqueue_dma source(%arg8 : memref<512x16xf32, #tpu.memory_space<vmem>>) target(%dma_start3A_2244 : memref<512x16xf32, #tpu.memory_space<hbm>>) target_semaphore(%run_scoped3A : memref<!tpu.dma_semaphore, #tpu.memory_space<semaphore_mem>>)
      %dma_wait3A_2245 = arith.constant 96 : i32
      %dma_wait3A_2246 = tpu.memref_slice %arg6[%mul3A_2, %dma_wait3A_2245] : memref<16384x448xf32, #tpu.memory_space<hbm>> -> memref<512x16xf32, #tpu.memory_space<hbm>>
      %dma_wait3A_2247 = arith.constant 96 : i32
      %dma_wait3A_2248 = tpu.memref_slice %arg6[%mul3A_2, %dma_wait3A_2247] : memref<16384x448xf32, #tpu.memory_space<hbm>> -> memref<512x16xf32, #tpu.memory_space<hbm>>
      tpu.wait_dma2 semaphore(%run_scoped3A : memref<!tpu.dma_semaphore, #tpu.memory_space<semaphore_mem>>) src(%arg8 : memref<512x16xf32, #tpu.memory_space<vmem>>) dst(%dma_wait3A_2248 : memref<512x16xf32, #tpu.memory_space<hbm>>)
      tpu.yield
    }) : () -> ()
    %dma_start3A_561 = arith.constant 7 : i32
    %dma_start3A_562 = arith.constant 0 : i32
    %dma_start3A_563 = arith.constant 0 : i32
    %dma_start3A_564 = tpu.memref_slice %arg8[%dma_start3A_562, %dma_start3A_563] : memref<512x16xf32, #tpu.memory_space<vmem>> -> memref<128x16xf32, #tpu.memory_space<vmem>>
    %dma_start3A_565 = arith.constant 0 : i32
    %dma_start3A_566 = tpu.memref_slice %arg7[%dma_start3A_561, %dma_start3A_565] : memref<28x512xi32, #tpu.memory_space<vmem>> -> memref<1x128xi32, #tpu.memory_space<vmem>>
    %dma_start3A_567 = tpu.memref_squeeze %dma_start3A_566 : memref<1x128xi32, #tpu.memory_space<vmem>> -> memref<128xi32, #tpu.memory_space<vmem>>
    %dma_start3A_568 = arith.constant 0 : i32
    %dma_start3A_569 = arith.constant 0 : i32
    %dma_start3A_570 = tpu.memref_slice %arg5[%dma_start3A_568, %dma_start3A_569] : memref<2600000x16xf32, #tpu.memory_space<hbm>> -> memref<2600000x16xf32, #tpu.memory_space<hbm>>
    tpu.enqueue_indirect_dma source(%dma_start3A_570 : memref<2600000x16xf32, #tpu.memory_space<hbm>>) target(%dma_start3A_564 : memref<128x16xf32, #tpu.memory_space<vmem>>) offsets(%dma_start3A_567 : memref<128xi32, #tpu.memory_space<vmem>>) semaphore(%arg10 : memref<!tpu.dma_semaphore, #tpu.memory_space<semaphore_mem>>)
    %dma_start3A_571 = arith.constant 7 : i32
    %dma_start3A_572 = arith.constant 128 : i32
    %dma_start3A_573 = arith.constant 0 : i32
    %dma_start3A_574 = tpu.memref_slice %arg8[%dma_start3A_572, %dma_start3A_573] : memref<512x16xf32, #tpu.memory_space<vmem>> -> memref<128x16xf32, #tpu.memory_space<vmem>>
    %dma_start3A_575 = arith.constant 128 : i32
    %dma_start3A_576 = tpu.memref_slice %arg7[%dma_start3A_571, %dma_start3A_575] : memref<28x512xi32, #tpu.memory_space<vmem>> -> memref<1x128xi32, #tpu.memory_space<vmem>>
    %dma_start3A_577 = tpu.memref_squeeze %dma_start3A_576 : memref<1x128xi32, #tpu.memory_space<vmem>> -> memref<128xi32, #tpu.memory_space<vmem>>
    %dma_start3A_578 = arith.constant 0 : i32
    %dma_start3A_579 = arith.constant 0 : i32
    %dma_start3A_580 = tpu.memref_slice %arg5[%dma_start3A_578, %dma_start3A_579] : memref<2600000x16xf32, #tpu.memory_space<hbm>> -> memref<2600000x16xf32, #tpu.memory_space<hbm>>
    tpu.enqueue_indirect_dma source(%dma_start3A_580 : memref<2600000x16xf32, #tpu.memory_space<hbm>>) target(%dma_start3A_574 : memref<128x16xf32, #tpu.memory_space<vmem>>) offsets(%dma_start3A_577 : memref<128xi32, #tpu.memory_space<vmem>>) semaphore(%arg10 : memref<!tpu.dma_semaphore, #tpu.memory_space<semaphore_mem>>)
    %dma_start3A_581 = arith.constant 7 : i32
    %dma_start3A_582 = arith.constant 256 : i32
    %dma_start3A_583 = arith.constant 0 : i32
    %dma_start3A_584 = tpu.memref_slice %arg8[%dma_start3A_582, %dma_start3A_583] : memref<512x16xf32, #tpu.memory_space<vmem>> -> memref<128x16xf32, #tpu.memory_space<vmem>>
    %dma_start3A_585 = arith.constant 256 : i32
    %dma_start3A_586 = tpu.memref_slice %arg7[%dma_start3A_581, %dma_start3A_585] : memref<28x512xi32, #tpu.memory_space<vmem>> -> memref<1x128xi32, #tpu.memory_space<vmem>>
    %dma_start3A_587 = tpu.memref_squeeze %dma_start3A_586 : memref<1x128xi32, #tpu.memory_space<vmem>> -> memref<128xi32, #tpu.memory_space<vmem>>
    %dma_start3A_588 = arith.constant 0 : i32
    %dma_start3A_589 = arith.constant 0 : i32
    %dma_start3A_590 = tpu.memref_slice %arg5[%dma_start3A_588, %dma_start3A_589] : memref<2600000x16xf32, #tpu.memory_space<hbm>> -> memref<2600000x16xf32, #tpu.memory_space<hbm>>
    tpu.enqueue_indirect_dma source(%dma_start3A_590 : memref<2600000x16xf32, #tpu.memory_space<hbm>>) target(%dma_start3A_584 : memref<128x16xf32, #tpu.memory_space<vmem>>) offsets(%dma_start3A_587 : memref<128xi32, #tpu.memory_space<vmem>>) semaphore(%arg10 : memref<!tpu.dma_semaphore, #tpu.memory_space<semaphore_mem>>)
    %dma_start3A_591 = arith.constant 7 : i32
    %dma_start3A_592 = arith.constant 384 : i32
    %dma_start3A_593 = arith.constant 0 : i32
    %dma_start3A_594 = tpu.memref_slice %arg8[%dma_start3A_592, %dma_start3A_593] : memref<512x16xf32, #tpu.memory_space<vmem>> -> memref<128x16xf32, #tpu.memory_space<vmem>>
    %dma_start3A_595 = arith.constant 384 : i32
    %dma_start3A_596 = tpu.memref_slice %arg7[%dma_start3A_591, %dma_start3A_595] : memref<28x512xi32, #tpu.memory_space<vmem>> -> memref<1x128xi32, #tpu.memory_space<vmem>>
    %dma_start3A_597 = tpu.memref_squeeze %dma_start3A_596 : memref<1x128xi32, #tpu.memory_space<vmem>> -> memref<128xi32, #tpu.memory_space<vmem>>
    %dma_start3A_598 = arith.constant 0 : i32
    %dma_start3A_599 = arith.constant 0 : i32
    %dma_start3A_600 = tpu.memref_slice %arg5[%dma_start3A_598, %dma_start3A_599] : memref<2600000x16xf32, #tpu.memory_space<hbm>> -> memref<2600000x16xf32, #tpu.memory_space<hbm>>
    tpu.enqueue_indirect_dma source(%dma_start3A_600 : memref<2600000x16xf32, #tpu.memory_space<hbm>>) target(%dma_start3A_594 : memref<128x16xf32, #tpu.memory_space<vmem>>) offsets(%dma_start3A_597 : memref<128xi32, #tpu.memory_space<vmem>>) semaphore(%arg10 : memref<!tpu.dma_semaphore, #tpu.memory_space<semaphore_mem>>)
    %dma_wait3A_601 = arith.constant 7 : i32
    %dma_wait3A_602 = arith.constant 0 : i32
    %dma_wait3A_603 = arith.constant 0 : i32
    %dma_wait3A_604 = tpu.memref_slice %arg8[%dma_wait3A_602, %dma_wait3A_603] : memref<512x16xf32, #tpu.memory_space<vmem>> -> memref<128x16xf32, #tpu.memory_space<vmem>>
    %dma_wait3A_605 = arith.constant 0 : i32
    %dma_wait3A_606 = tpu.memref_slice %arg7[%dma_wait3A_601, %dma_wait3A_605] : memref<28x512xi32, #tpu.memory_space<vmem>> -> memref<1x128xi32, #tpu.memory_space<vmem>>
    %dma_wait3A_607 = tpu.memref_squeeze %dma_wait3A_606 : memref<1x128xi32, #tpu.memory_space<vmem>> -> memref<128xi32, #tpu.memory_space<vmem>>
    %dma_wait3A_608 = arith.constant 0 : i32
    %dma_wait3A_609 = arith.constant 0 : i32
    %dma_wait3A_610 = tpu.memref_slice %arg5[%dma_wait3A_608, %dma_wait3A_609] : memref<2600000x16xf32, #tpu.memory_space<hbm>> -> memref<2600000x16xf32, #tpu.memory_space<hbm>>
    tpu.wait_indirect_dma semaphore(%arg10 : memref<!tpu.dma_semaphore, #tpu.memory_space<semaphore_mem>>) src(%dma_wait3A_610 : memref<2600000x16xf32, #tpu.memory_space<hbm>>) dst(%dma_wait3A_604 : memref<128x16xf32, #tpu.memory_space<vmem>>)
    %dma_wait3A_611 = arith.constant 7 : i32
    %dma_wait3A_612 = arith.constant 128 : i32
    %dma_wait3A_613 = arith.constant 0 : i32
    %dma_wait3A_614 = tpu.memref_slice %arg8[%dma_wait3A_612, %dma_wait3A_613] : memref<512x16xf32, #tpu.memory_space<vmem>> -> memref<128x16xf32, #tpu.memory_space<vmem>>
    %dma_wait3A_615 = arith.constant 128 : i32
    %dma_wait3A_616 = tpu.memref_slice %arg7[%dma_wait3A_611, %dma_wait3A_615] : memref<28x512xi32, #tpu.memory_space<vmem>> -> memref<1x128xi32, #tpu.memory_space<vmem>>
    %dma_wait3A_617 = tpu.memref_squeeze %dma_wait3A_616 : memref<1x128xi32, #tpu.memory_space<vmem>> -> memref<128xi32, #tpu.memory_space<vmem>>
    %dma_wait3A_618 = arith.constant 0 : i32
    %dma_wait3A_619 = arith.constant 0 : i32
    %dma_wait3A_620 = tpu.memref_slice %arg5[%dma_wait3A_618, %dma_wait3A_619] : memref<2600000x16xf32, #tpu.memory_space<hbm>> -> memref<2600000x16xf32, #tpu.memory_space<hbm>>
    tpu.wait_indirect_dma semaphore(%arg10 : memref<!tpu.dma_semaphore, #tpu.memory_space<semaphore_mem>>) src(%dma_wait3A_620 : memref<2600000x16xf32, #tpu.memory_space<hbm>>) dst(%dma_wait3A_614 : memref<128x16xf32, #tpu.memory_space<vmem>>)
    %dma_wait3A_621 = arith.constant 7 : i32
    %dma_wait3A_622 = arith.constant 256 : i32
    %dma_wait3A_623 = arith.constant 0 : i32
    %dma_wait3A_624 = tpu.memref_slice %arg8[%dma_wait3A_622, %dma_wait3A_623] : memref<512x16xf32, #tpu.memory_space<vmem>> -> memref<128x16xf32, #tpu.memory_space<vmem>>
    %dma_wait3A_625 = arith.constant 256 : i32
    %dma_wait3A_626 = tpu.memref_slice %arg7[%dma_wait3A_621, %dma_wait3A_625] : memref<28x512xi32, #tpu.memory_space<vmem>> -> memref<1x128xi32, #tpu.memory_space<vmem>>
    %dma_wait3A_627 = tpu.memref_squeeze %dma_wait3A_626 : memref<1x128xi32, #tpu.memory_space<vmem>> -> memref<128xi32, #tpu.memory_space<vmem>>
    %dma_wait3A_628 = arith.constant 0 : i32
    %dma_wait3A_629 = arith.constant 0 : i32
    %dma_wait3A_630 = tpu.memref_slice %arg5[%dma_wait3A_628, %dma_wait3A_629] : memref<2600000x16xf32, #tpu.memory_space<hbm>> -> memref<2600000x16xf32, #tpu.memory_space<hbm>>
    tpu.wait_indirect_dma semaphore(%arg10 : memref<!tpu.dma_semaphore, #tpu.memory_space<semaphore_mem>>) src(%dma_wait3A_630 : memref<2600000x16xf32, #tpu.memory_space<hbm>>) dst(%dma_wait3A_624 : memref<128x16xf32, #tpu.memory_space<vmem>>)
    %dma_wait3A_631 = arith.constant 7 : i32
    %dma_wait3A_632 = arith.constant 384 : i32
    %dma_wait3A_633 = arith.constant 0 : i32
    %dma_wait3A_634 = tpu.memref_slice %arg8[%dma_wait3A_632, %dma_wait3A_633] : memref<512x16xf32, #tpu.memory_space<vmem>> -> memref<128x16xf32, #tpu.memory_space<vmem>>
    %dma_wait3A_635 = arith.constant 384 : i32
    %dma_wait3A_636 = tpu.memref_slice %arg7[%dma_wait3A_631, %dma_wait3A_635] : memref<28x512xi32, #tpu.memory_space<vmem>> -> memref<1x128xi32, #tpu.memory_space<vmem>>
    %dma_wait3A_637 = tpu.memref_squeeze %dma_wait3A_636 : memref<1x128xi32, #tpu.memory_space<vmem>> -> memref<128xi32, #tpu.memory_space<vmem>>
    %dma_wait3A_638 = arith.constant 0 : i32
    %dma_wait3A_639 = arith.constant 0 : i32
    %dma_wait3A_640 = tpu.memref_slice %arg5[%dma_wait3A_638, %dma_wait3A_639] : memref<2600000x16xf32, #tpu.memory_space<hbm>> -> memref<2600000x16xf32, #tpu.memory_space<hbm>>
    tpu.wait_indirect_dma semaphore(%arg10 : memref<!tpu.dma_semaphore, #tpu.memory_space<semaphore_mem>>) src(%dma_wait3A_640 : memref<2600000x16xf32, #tpu.memory_space<hbm>>) dst(%dma_wait3A_634 : memref<128x16xf32, #tpu.memory_space<vmem>>)
    "tpu.region"() ({
      %run_scoped3A = tpu.sem_alloc : memref<!tpu.dma_semaphore, #tpu.memory_space<semaphore_mem>>
      %dma_start3A_2241 = arith.constant 112 : i32
      %dma_start3A_2242 = tpu.memref_slice %arg6[%mul3A_2, %dma_start3A_2241] : memref<16384x448xf32, #tpu.memory_space<hbm>> -> memref<512x16xf32, #tpu.memory_space<hbm>>
      %dma_start3A_2243 = arith.constant 112 : i32
      %dma_start3A_2244 = tpu.memref_slice %arg6[%mul3A_2, %dma_start3A_2243] : memref<16384x448xf32, #tpu.memory_space<hbm>> -> memref<512x16xf32, #tpu.memory_space<hbm>>
      tpu.enqueue_dma source(%arg8 : memref<512x16xf32, #tpu.memory_space<vmem>>) target(%dma_start3A_2244 : memref<512x16xf32, #tpu.memory_space<hbm>>) target_semaphore(%run_scoped3A : memref<!tpu.dma_semaphore, #tpu.memory_space<semaphore_mem>>)
      %dma_wait3A_2245 = arith.constant 112 : i32
      %dma_wait3A_2246 = tpu.memref_slice %arg6[%mul3A_2, %dma_wait3A_2245] : memref<16384x448xf32, #tpu.memory_space<hbm>> -> memref<512x16xf32, #tpu.memory_space<hbm>>
      %dma_wait3A_2247 = arith.constant 112 : i32
      %dma_wait3A_2248 = tpu.memref_slice %arg6[%mul3A_2, %dma_wait3A_2247] : memref<16384x448xf32, #tpu.memory_space<hbm>> -> memref<512x16xf32, #tpu.memory_space<hbm>>
      tpu.wait_dma2 semaphore(%run_scoped3A : memref<!tpu.dma_semaphore, #tpu.memory_space<semaphore_mem>>) src(%arg8 : memref<512x16xf32, #tpu.memory_space<vmem>>) dst(%dma_wait3A_2248 : memref<512x16xf32, #tpu.memory_space<hbm>>)
      tpu.yield
    }) : () -> ()
    %dma_start3A_641 = arith.constant 8 : i32
    %dma_start3A_642 = arith.constant 0 : i32
    %dma_start3A_643 = arith.constant 0 : i32
    %dma_start3A_644 = tpu.memref_slice %arg8[%dma_start3A_642, %dma_start3A_643] : memref<512x16xf32, #tpu.memory_space<vmem>> -> memref<128x16xf32, #tpu.memory_space<vmem>>
    %dma_start3A_645 = arith.constant 0 : i32
    %dma_start3A_646 = tpu.memref_slice %arg7[%dma_start3A_641, %dma_start3A_645] : memref<28x512xi32, #tpu.memory_space<vmem>> -> memref<1x128xi32, #tpu.memory_space<vmem>>
    %dma_start3A_647 = tpu.memref_squeeze %dma_start3A_646 : memref<1x128xi32, #tpu.memory_space<vmem>> -> memref<128xi32, #tpu.memory_space<vmem>>
    %dma_start3A_648 = arith.constant 0 : i32
    %dma_start3A_649 = arith.constant 0 : i32
    %dma_start3A_650 = tpu.memref_slice %arg5[%dma_start3A_648, %dma_start3A_649] : memref<2600000x16xf32, #tpu.memory_space<hbm>> -> memref<2600000x16xf32, #tpu.memory_space<hbm>>
    tpu.enqueue_indirect_dma source(%dma_start3A_650 : memref<2600000x16xf32, #tpu.memory_space<hbm>>) target(%dma_start3A_644 : memref<128x16xf32, #tpu.memory_space<vmem>>) offsets(%dma_start3A_647 : memref<128xi32, #tpu.memory_space<vmem>>) semaphore(%arg10 : memref<!tpu.dma_semaphore, #tpu.memory_space<semaphore_mem>>)
    %dma_start3A_651 = arith.constant 8 : i32
    %dma_start3A_652 = arith.constant 128 : i32
    %dma_start3A_653 = arith.constant 0 : i32
    %dma_start3A_654 = tpu.memref_slice %arg8[%dma_start3A_652, %dma_start3A_653] : memref<512x16xf32, #tpu.memory_space<vmem>> -> memref<128x16xf32, #tpu.memory_space<vmem>>
    %dma_start3A_655 = arith.constant 128 : i32
    %dma_start3A_656 = tpu.memref_slice %arg7[%dma_start3A_651, %dma_start3A_655] : memref<28x512xi32, #tpu.memory_space<vmem>> -> memref<1x128xi32, #tpu.memory_space<vmem>>
    %dma_start3A_657 = tpu.memref_squeeze %dma_start3A_656 : memref<1x128xi32, #tpu.memory_space<vmem>> -> memref<128xi32, #tpu.memory_space<vmem>>
    %dma_start3A_658 = arith.constant 0 : i32
    %dma_start3A_659 = arith.constant 0 : i32
    %dma_start3A_660 = tpu.memref_slice %arg5[%dma_start3A_658, %dma_start3A_659] : memref<2600000x16xf32, #tpu.memory_space<hbm>> -> memref<2600000x16xf32, #tpu.memory_space<hbm>>
    tpu.enqueue_indirect_dma source(%dma_start3A_660 : memref<2600000x16xf32, #tpu.memory_space<hbm>>) target(%dma_start3A_654 : memref<128x16xf32, #tpu.memory_space<vmem>>) offsets(%dma_start3A_657 : memref<128xi32, #tpu.memory_space<vmem>>) semaphore(%arg10 : memref<!tpu.dma_semaphore, #tpu.memory_space<semaphore_mem>>)
    %dma_start3A_661 = arith.constant 8 : i32
    %dma_start3A_662 = arith.constant 256 : i32
    %dma_start3A_663 = arith.constant 0 : i32
    %dma_start3A_664 = tpu.memref_slice %arg8[%dma_start3A_662, %dma_start3A_663] : memref<512x16xf32, #tpu.memory_space<vmem>> -> memref<128x16xf32, #tpu.memory_space<vmem>>
    %dma_start3A_665 = arith.constant 256 : i32
    %dma_start3A_666 = tpu.memref_slice %arg7[%dma_start3A_661, %dma_start3A_665] : memref<28x512xi32, #tpu.memory_space<vmem>> -> memref<1x128xi32, #tpu.memory_space<vmem>>
    %dma_start3A_667 = tpu.memref_squeeze %dma_start3A_666 : memref<1x128xi32, #tpu.memory_space<vmem>> -> memref<128xi32, #tpu.memory_space<vmem>>
    %dma_start3A_668 = arith.constant 0 : i32
    %dma_start3A_669 = arith.constant 0 : i32
    %dma_start3A_670 = tpu.memref_slice %arg5[%dma_start3A_668, %dma_start3A_669] : memref<2600000x16xf32, #tpu.memory_space<hbm>> -> memref<2600000x16xf32, #tpu.memory_space<hbm>>
    tpu.enqueue_indirect_dma source(%dma_start3A_670 : memref<2600000x16xf32, #tpu.memory_space<hbm>>) target(%dma_start3A_664 : memref<128x16xf32, #tpu.memory_space<vmem>>) offsets(%dma_start3A_667 : memref<128xi32, #tpu.memory_space<vmem>>) semaphore(%arg10 : memref<!tpu.dma_semaphore, #tpu.memory_space<semaphore_mem>>)
    %dma_start3A_671 = arith.constant 8 : i32
    %dma_start3A_672 = arith.constant 384 : i32
    %dma_start3A_673 = arith.constant 0 : i32
    %dma_start3A_674 = tpu.memref_slice %arg8[%dma_start3A_672, %dma_start3A_673] : memref<512x16xf32, #tpu.memory_space<vmem>> -> memref<128x16xf32, #tpu.memory_space<vmem>>
    %dma_start3A_675 = arith.constant 384 : i32
    %dma_start3A_676 = tpu.memref_slice %arg7[%dma_start3A_671, %dma_start3A_675] : memref<28x512xi32, #tpu.memory_space<vmem>> -> memref<1x128xi32, #tpu.memory_space<vmem>>
    %dma_start3A_677 = tpu.memref_squeeze %dma_start3A_676 : memref<1x128xi32, #tpu.memory_space<vmem>> -> memref<128xi32, #tpu.memory_space<vmem>>
    %dma_start3A_678 = arith.constant 0 : i32
    %dma_start3A_679 = arith.constant 0 : i32
    %dma_start3A_680 = tpu.memref_slice %arg5[%dma_start3A_678, %dma_start3A_679] : memref<2600000x16xf32, #tpu.memory_space<hbm>> -> memref<2600000x16xf32, #tpu.memory_space<hbm>>
    tpu.enqueue_indirect_dma source(%dma_start3A_680 : memref<2600000x16xf32, #tpu.memory_space<hbm>>) target(%dma_start3A_674 : memref<128x16xf32, #tpu.memory_space<vmem>>) offsets(%dma_start3A_677 : memref<128xi32, #tpu.memory_space<vmem>>) semaphore(%arg10 : memref<!tpu.dma_semaphore, #tpu.memory_space<semaphore_mem>>)
    %dma_wait3A_681 = arith.constant 8 : i32
    %dma_wait3A_682 = arith.constant 0 : i32
    %dma_wait3A_683 = arith.constant 0 : i32
    %dma_wait3A_684 = tpu.memref_slice %arg8[%dma_wait3A_682, %dma_wait3A_683] : memref<512x16xf32, #tpu.memory_space<vmem>> -> memref<128x16xf32, #tpu.memory_space<vmem>>
    %dma_wait3A_685 = arith.constant 0 : i32
    %dma_wait3A_686 = tpu.memref_slice %arg7[%dma_wait3A_681, %dma_wait3A_685] : memref<28x512xi32, #tpu.memory_space<vmem>> -> memref<1x128xi32, #tpu.memory_space<vmem>>
    %dma_wait3A_687 = tpu.memref_squeeze %dma_wait3A_686 : memref<1x128xi32, #tpu.memory_space<vmem>> -> memref<128xi32, #tpu.memory_space<vmem>>
    %dma_wait3A_688 = arith.constant 0 : i32
    %dma_wait3A_689 = arith.constant 0 : i32
    %dma_wait3A_690 = tpu.memref_slice %arg5[%dma_wait3A_688, %dma_wait3A_689] : memref<2600000x16xf32, #tpu.memory_space<hbm>> -> memref<2600000x16xf32, #tpu.memory_space<hbm>>
    tpu.wait_indirect_dma semaphore(%arg10 : memref<!tpu.dma_semaphore, #tpu.memory_space<semaphore_mem>>) src(%dma_wait3A_690 : memref<2600000x16xf32, #tpu.memory_space<hbm>>) dst(%dma_wait3A_684 : memref<128x16xf32, #tpu.memory_space<vmem>>)
    %dma_wait3A_691 = arith.constant 8 : i32
    %dma_wait3A_692 = arith.constant 128 : i32
    %dma_wait3A_693 = arith.constant 0 : i32
    %dma_wait3A_694 = tpu.memref_slice %arg8[%dma_wait3A_692, %dma_wait3A_693] : memref<512x16xf32, #tpu.memory_space<vmem>> -> memref<128x16xf32, #tpu.memory_space<vmem>>
    %dma_wait3A_695 = arith.constant 128 : i32
    %dma_wait3A_696 = tpu.memref_slice %arg7[%dma_wait3A_691, %dma_wait3A_695] : memref<28x512xi32, #tpu.memory_space<vmem>> -> memref<1x128xi32, #tpu.memory_space<vmem>>
    %dma_wait3A_697 = tpu.memref_squeeze %dma_wait3A_696 : memref<1x128xi32, #tpu.memory_space<vmem>> -> memref<128xi32, #tpu.memory_space<vmem>>
    %dma_wait3A_698 = arith.constant 0 : i32
    %dma_wait3A_699 = arith.constant 0 : i32
    %dma_wait3A_700 = tpu.memref_slice %arg5[%dma_wait3A_698, %dma_wait3A_699] : memref<2600000x16xf32, #tpu.memory_space<hbm>> -> memref<2600000x16xf32, #tpu.memory_space<hbm>>
    tpu.wait_indirect_dma semaphore(%arg10 : memref<!tpu.dma_semaphore, #tpu.memory_space<semaphore_mem>>) src(%dma_wait3A_700 : memref<2600000x16xf32, #tpu.memory_space<hbm>>) dst(%dma_wait3A_694 : memref<128x16xf32, #tpu.memory_space<vmem>>)
    %dma_wait3A_701 = arith.constant 8 : i32
    %dma_wait3A_702 = arith.constant 256 : i32
    %dma_wait3A_703 = arith.constant 0 : i32
    %dma_wait3A_704 = tpu.memref_slice %arg8[%dma_wait3A_702, %dma_wait3A_703] : memref<512x16xf32, #tpu.memory_space<vmem>> -> memref<128x16xf32, #tpu.memory_space<vmem>>
    %dma_wait3A_705 = arith.constant 256 : i32
    %dma_wait3A_706 = tpu.memref_slice %arg7[%dma_wait3A_701, %dma_wait3A_705] : memref<28x512xi32, #tpu.memory_space<vmem>> -> memref<1x128xi32, #tpu.memory_space<vmem>>
    %dma_wait3A_707 = tpu.memref_squeeze %dma_wait3A_706 : memref<1x128xi32, #tpu.memory_space<vmem>> -> memref<128xi32, #tpu.memory_space<vmem>>
    %dma_wait3A_708 = arith.constant 0 : i32
    %dma_wait3A_709 = arith.constant 0 : i32
    %dma_wait3A_710 = tpu.memref_slice %arg5[%dma_wait3A_708, %dma_wait3A_709] : memref<2600000x16xf32, #tpu.memory_space<hbm>> -> memref<2600000x16xf32, #tpu.memory_space<hbm>>
    tpu.wait_indirect_dma semaphore(%arg10 : memref<!tpu.dma_semaphore, #tpu.memory_space<semaphore_mem>>) src(%dma_wait3A_710 : memref<2600000x16xf32, #tpu.memory_space<hbm>>) dst(%dma_wait3A_704 : memref<128x16xf32, #tpu.memory_space<vmem>>)
    %dma_wait3A_711 = arith.constant 8 : i32
    %dma_wait3A_712 = arith.constant 384 : i32
    %dma_wait3A_713 = arith.constant 0 : i32
    %dma_wait3A_714 = tpu.memref_slice %arg8[%dma_wait3A_712, %dma_wait3A_713] : memref<512x16xf32, #tpu.memory_space<vmem>> -> memref<128x16xf32, #tpu.memory_space<vmem>>
    %dma_wait3A_715 = arith.constant 384 : i32
    %dma_wait3A_716 = tpu.memref_slice %arg7[%dma_wait3A_711, %dma_wait3A_715] : memref<28x512xi32, #tpu.memory_space<vmem>> -> memref<1x128xi32, #tpu.memory_space<vmem>>
    %dma_wait3A_717 = tpu.memref_squeeze %dma_wait3A_716 : memref<1x128xi32, #tpu.memory_space<vmem>> -> memref<128xi32, #tpu.memory_space<vmem>>
    %dma_wait3A_718 = arith.constant 0 : i32
    %dma_wait3A_719 = arith.constant 0 : i32
    %dma_wait3A_720 = tpu.memref_slice %arg5[%dma_wait3A_718, %dma_wait3A_719] : memref<2600000x16xf32, #tpu.memory_space<hbm>> -> memref<2600000x16xf32, #tpu.memory_space<hbm>>
    tpu.wait_indirect_dma semaphore(%arg10 : memref<!tpu.dma_semaphore, #tpu.memory_space<semaphore_mem>>) src(%dma_wait3A_720 : memref<2600000x16xf32, #tpu.memory_space<hbm>>) dst(%dma_wait3A_714 : memref<128x16xf32, #tpu.memory_space<vmem>>)
    "tpu.region"() ({
      %run_scoped3A = tpu.sem_alloc : memref<!tpu.dma_semaphore, #tpu.memory_space<semaphore_mem>>
      %dma_start3A_2241 = arith.constant 128 : i32
      %dma_start3A_2242 = tpu.memref_slice %arg6[%mul3A_2, %dma_start3A_2241] : memref<16384x448xf32, #tpu.memory_space<hbm>> -> memref<512x16xf32, #tpu.memory_space<hbm>>
      %dma_start3A_2243 = arith.constant 128 : i32
      %dma_start3A_2244 = tpu.memref_slice %arg6[%mul3A_2, %dma_start3A_2243] : memref<16384x448xf32, #tpu.memory_space<hbm>> -> memref<512x16xf32, #tpu.memory_space<hbm>>
      tpu.enqueue_dma source(%arg8 : memref<512x16xf32, #tpu.memory_space<vmem>>) target(%dma_start3A_2244 : memref<512x16xf32, #tpu.memory_space<hbm>>) target_semaphore(%run_scoped3A : memref<!tpu.dma_semaphore, #tpu.memory_space<semaphore_mem>>)
      %dma_wait3A_2245 = arith.constant 128 : i32
      %dma_wait3A_2246 = tpu.memref_slice %arg6[%mul3A_2, %dma_wait3A_2245] : memref<16384x448xf32, #tpu.memory_space<hbm>> -> memref<512x16xf32, #tpu.memory_space<hbm>>
      %dma_wait3A_2247 = arith.constant 128 : i32
      %dma_wait3A_2248 = tpu.memref_slice %arg6[%mul3A_2, %dma_wait3A_2247] : memref<16384x448xf32, #tpu.memory_space<hbm>> -> memref<512x16xf32, #tpu.memory_space<hbm>>
      tpu.wait_dma2 semaphore(%run_scoped3A : memref<!tpu.dma_semaphore, #tpu.memory_space<semaphore_mem>>) src(%arg8 : memref<512x16xf32, #tpu.memory_space<vmem>>) dst(%dma_wait3A_2248 : memref<512x16xf32, #tpu.memory_space<hbm>>)
      tpu.yield
    }) : () -> ()
    %dma_start3A_721 = arith.constant 9 : i32
    %dma_start3A_722 = arith.constant 0 : i32
    %dma_start3A_723 = arith.constant 0 : i32
    %dma_start3A_724 = tpu.memref_slice %arg8[%dma_start3A_722, %dma_start3A_723] : memref<512x16xf32, #tpu.memory_space<vmem>> -> memref<128x16xf32, #tpu.memory_space<vmem>>
    %dma_start3A_725 = arith.constant 0 : i32
    %dma_start3A_726 = tpu.memref_slice %arg7[%dma_start3A_721, %dma_start3A_725] : memref<28x512xi32, #tpu.memory_space<vmem>> -> memref<1x128xi32, #tpu.memory_space<vmem>>
    %dma_start3A_727 = tpu.memref_squeeze %dma_start3A_726 : memref<1x128xi32, #tpu.memory_space<vmem>> -> memref<128xi32, #tpu.memory_space<vmem>>
    %dma_start3A_728 = arith.constant 0 : i32
    %dma_start3A_729 = arith.constant 0 : i32
    %dma_start3A_730 = tpu.memref_slice %arg5[%dma_start3A_728, %dma_start3A_729] : memref<2600000x16xf32, #tpu.memory_space<hbm>> -> memref<2600000x16xf32, #tpu.memory_space<hbm>>
    tpu.enqueue_indirect_dma source(%dma_start3A_730 : memref<2600000x16xf32, #tpu.memory_space<hbm>>) target(%dma_start3A_724 : memref<128x16xf32, #tpu.memory_space<vmem>>) offsets(%dma_start3A_727 : memref<128xi32, #tpu.memory_space<vmem>>) semaphore(%arg10 : memref<!tpu.dma_semaphore, #tpu.memory_space<semaphore_mem>>)
    %dma_start3A_731 = arith.constant 9 : i32
    %dma_start3A_732 = arith.constant 128 : i32
    %dma_start3A_733 = arith.constant 0 : i32
    %dma_start3A_734 = tpu.memref_slice %arg8[%dma_start3A_732, %dma_start3A_733] : memref<512x16xf32, #tpu.memory_space<vmem>> -> memref<128x16xf32, #tpu.memory_space<vmem>>
    %dma_start3A_735 = arith.constant 128 : i32
    %dma_start3A_736 = tpu.memref_slice %arg7[%dma_start3A_731, %dma_start3A_735] : memref<28x512xi32, #tpu.memory_space<vmem>> -> memref<1x128xi32, #tpu.memory_space<vmem>>
    %dma_start3A_737 = tpu.memref_squeeze %dma_start3A_736 : memref<1x128xi32, #tpu.memory_space<vmem>> -> memref<128xi32, #tpu.memory_space<vmem>>
    %dma_start3A_738 = arith.constant 0 : i32
    %dma_start3A_739 = arith.constant 0 : i32
    %dma_start3A_740 = tpu.memref_slice %arg5[%dma_start3A_738, %dma_start3A_739] : memref<2600000x16xf32, #tpu.memory_space<hbm>> -> memref<2600000x16xf32, #tpu.memory_space<hbm>>
    tpu.enqueue_indirect_dma source(%dma_start3A_740 : memref<2600000x16xf32, #tpu.memory_space<hbm>>) target(%dma_start3A_734 : memref<128x16xf32, #tpu.memory_space<vmem>>) offsets(%dma_start3A_737 : memref<128xi32, #tpu.memory_space<vmem>>) semaphore(%arg10 : memref<!tpu.dma_semaphore, #tpu.memory_space<semaphore_mem>>)
    %dma_start3A_741 = arith.constant 9 : i32
    %dma_start3A_742 = arith.constant 256 : i32
    %dma_start3A_743 = arith.constant 0 : i32
    %dma_start3A_744 = tpu.memref_slice %arg8[%dma_start3A_742, %dma_start3A_743] : memref<512x16xf32, #tpu.memory_space<vmem>> -> memref<128x16xf32, #tpu.memory_space<vmem>>
    %dma_start3A_745 = arith.constant 256 : i32
    %dma_start3A_746 = tpu.memref_slice %arg7[%dma_start3A_741, %dma_start3A_745] : memref<28x512xi32, #tpu.memory_space<vmem>> -> memref<1x128xi32, #tpu.memory_space<vmem>>
    %dma_start3A_747 = tpu.memref_squeeze %dma_start3A_746 : memref<1x128xi32, #tpu.memory_space<vmem>> -> memref<128xi32, #tpu.memory_space<vmem>>
    %dma_start3A_748 = arith.constant 0 : i32
    %dma_start3A_749 = arith.constant 0 : i32
    %dma_start3A_750 = tpu.memref_slice %arg5[%dma_start3A_748, %dma_start3A_749] : memref<2600000x16xf32, #tpu.memory_space<hbm>> -> memref<2600000x16xf32, #tpu.memory_space<hbm>>
    tpu.enqueue_indirect_dma source(%dma_start3A_750 : memref<2600000x16xf32, #tpu.memory_space<hbm>>) target(%dma_start3A_744 : memref<128x16xf32, #tpu.memory_space<vmem>>) offsets(%dma_start3A_747 : memref<128xi32, #tpu.memory_space<vmem>>) semaphore(%arg10 : memref<!tpu.dma_semaphore, #tpu.memory_space<semaphore_mem>>)
    %dma_start3A_751 = arith.constant 9 : i32
    %dma_start3A_752 = arith.constant 384 : i32
    %dma_start3A_753 = arith.constant 0 : i32
    %dma_start3A_754 = tpu.memref_slice %arg8[%dma_start3A_752, %dma_start3A_753] : memref<512x16xf32, #tpu.memory_space<vmem>> -> memref<128x16xf32, #tpu.memory_space<vmem>>
    %dma_start3A_755 = arith.constant 384 : i32
    %dma_start3A_756 = tpu.memref_slice %arg7[%dma_start3A_751, %dma_start3A_755] : memref<28x512xi32, #tpu.memory_space<vmem>> -> memref<1x128xi32, #tpu.memory_space<vmem>>
    %dma_start3A_757 = tpu.memref_squeeze %dma_start3A_756 : memref<1x128xi32, #tpu.memory_space<vmem>> -> memref<128xi32, #tpu.memory_space<vmem>>
    %dma_start3A_758 = arith.constant 0 : i32
    %dma_start3A_759 = arith.constant 0 : i32
    %dma_start3A_760 = tpu.memref_slice %arg5[%dma_start3A_758, %dma_start3A_759] : memref<2600000x16xf32, #tpu.memory_space<hbm>> -> memref<2600000x16xf32, #tpu.memory_space<hbm>>
    tpu.enqueue_indirect_dma source(%dma_start3A_760 : memref<2600000x16xf32, #tpu.memory_space<hbm>>) target(%dma_start3A_754 : memref<128x16xf32, #tpu.memory_space<vmem>>) offsets(%dma_start3A_757 : memref<128xi32, #tpu.memory_space<vmem>>) semaphore(%arg10 : memref<!tpu.dma_semaphore, #tpu.memory_space<semaphore_mem>>)
    %dma_wait3A_761 = arith.constant 9 : i32
    %dma_wait3A_762 = arith.constant 0 : i32
    %dma_wait3A_763 = arith.constant 0 : i32
    %dma_wait3A_764 = tpu.memref_slice %arg8[%dma_wait3A_762, %dma_wait3A_763] : memref<512x16xf32, #tpu.memory_space<vmem>> -> memref<128x16xf32, #tpu.memory_space<vmem>>
    %dma_wait3A_765 = arith.constant 0 : i32
    %dma_wait3A_766 = tpu.memref_slice %arg7[%dma_wait3A_761, %dma_wait3A_765] : memref<28x512xi32, #tpu.memory_space<vmem>> -> memref<1x128xi32, #tpu.memory_space<vmem>>
    %dma_wait3A_767 = tpu.memref_squeeze %dma_wait3A_766 : memref<1x128xi32, #tpu.memory_space<vmem>> -> memref<128xi32, #tpu.memory_space<vmem>>
    %dma_wait3A_768 = arith.constant 0 : i32
    %dma_wait3A_769 = arith.constant 0 : i32
    %dma_wait3A_770 = tpu.memref_slice %arg5[%dma_wait3A_768, %dma_wait3A_769] : memref<2600000x16xf32, #tpu.memory_space<hbm>> -> memref<2600000x16xf32, #tpu.memory_space<hbm>>
    tpu.wait_indirect_dma semaphore(%arg10 : memref<!tpu.dma_semaphore, #tpu.memory_space<semaphore_mem>>) src(%dma_wait3A_770 : memref<2600000x16xf32, #tpu.memory_space<hbm>>) dst(%dma_wait3A_764 : memref<128x16xf32, #tpu.memory_space<vmem>>)
    %dma_wait3A_771 = arith.constant 9 : i32
    %dma_wait3A_772 = arith.constant 128 : i32
    %dma_wait3A_773 = arith.constant 0 : i32
    %dma_wait3A_774 = tpu.memref_slice %arg8[%dma_wait3A_772, %dma_wait3A_773] : memref<512x16xf32, #tpu.memory_space<vmem>> -> memref<128x16xf32, #tpu.memory_space<vmem>>
    %dma_wait3A_775 = arith.constant 128 : i32
    %dma_wait3A_776 = tpu.memref_slice %arg7[%dma_wait3A_771, %dma_wait3A_775] : memref<28x512xi32, #tpu.memory_space<vmem>> -> memref<1x128xi32, #tpu.memory_space<vmem>>
    %dma_wait3A_777 = tpu.memref_squeeze %dma_wait3A_776 : memref<1x128xi32, #tpu.memory_space<vmem>> -> memref<128xi32, #tpu.memory_space<vmem>>
    %dma_wait3A_778 = arith.constant 0 : i32
    %dma_wait3A_779 = arith.constant 0 : i32
    %dma_wait3A_780 = tpu.memref_slice %arg5[%dma_wait3A_778, %dma_wait3A_779] : memref<2600000x16xf32, #tpu.memory_space<hbm>> -> memref<2600000x16xf32, #tpu.memory_space<hbm>>
    tpu.wait_indirect_dma semaphore(%arg10 : memref<!tpu.dma_semaphore, #tpu.memory_space<semaphore_mem>>) src(%dma_wait3A_780 : memref<2600000x16xf32, #tpu.memory_space<hbm>>) dst(%dma_wait3A_774 : memref<128x16xf32, #tpu.memory_space<vmem>>)
    %dma_wait3A_781 = arith.constant 9 : i32
    %dma_wait3A_782 = arith.constant 256 : i32
    %dma_wait3A_783 = arith.constant 0 : i32
    %dma_wait3A_784 = tpu.memref_slice %arg8[%dma_wait3A_782, %dma_wait3A_783] : memref<512x16xf32, #tpu.memory_space<vmem>> -> memref<128x16xf32, #tpu.memory_space<vmem>>
    %dma_wait3A_785 = arith.constant 256 : i32
    %dma_wait3A_786 = tpu.memref_slice %arg7[%dma_wait3A_781, %dma_wait3A_785] : memref<28x512xi32, #tpu.memory_space<vmem>> -> memref<1x128xi32, #tpu.memory_space<vmem>>
    %dma_wait3A_787 = tpu.memref_squeeze %dma_wait3A_786 : memref<1x128xi32, #tpu.memory_space<vmem>> -> memref<128xi32, #tpu.memory_space<vmem>>
    %dma_wait3A_788 = arith.constant 0 : i32
    %dma_wait3A_789 = arith.constant 0 : i32
    %dma_wait3A_790 = tpu.memref_slice %arg5[%dma_wait3A_788, %dma_wait3A_789] : memref<2600000x16xf32, #tpu.memory_space<hbm>> -> memref<2600000x16xf32, #tpu.memory_space<hbm>>
    tpu.wait_indirect_dma semaphore(%arg10 : memref<!tpu.dma_semaphore, #tpu.memory_space<semaphore_mem>>) src(%dma_wait3A_790 : memref<2600000x16xf32, #tpu.memory_space<hbm>>) dst(%dma_wait3A_784 : memref<128x16xf32, #tpu.memory_space<vmem>>)
    %dma_wait3A_791 = arith.constant 9 : i32
    %dma_wait3A_792 = arith.constant 384 : i32
    %dma_wait3A_793 = arith.constant 0 : i32
    %dma_wait3A_794 = tpu.memref_slice %arg8[%dma_wait3A_792, %dma_wait3A_793] : memref<512x16xf32, #tpu.memory_space<vmem>> -> memref<128x16xf32, #tpu.memory_space<vmem>>
    %dma_wait3A_795 = arith.constant 384 : i32
    %dma_wait3A_796 = tpu.memref_slice %arg7[%dma_wait3A_791, %dma_wait3A_795] : memref<28x512xi32, #tpu.memory_space<vmem>> -> memref<1x128xi32, #tpu.memory_space<vmem>>
    %dma_wait3A_797 = tpu.memref_squeeze %dma_wait3A_796 : memref<1x128xi32, #tpu.memory_space<vmem>> -> memref<128xi32, #tpu.memory_space<vmem>>
    %dma_wait3A_798 = arith.constant 0 : i32
    %dma_wait3A_799 = arith.constant 0 : i32
    %dma_wait3A_800 = tpu.memref_slice %arg5[%dma_wait3A_798, %dma_wait3A_799] : memref<2600000x16xf32, #tpu.memory_space<hbm>> -> memref<2600000x16xf32, #tpu.memory_space<hbm>>
    tpu.wait_indirect_dma semaphore(%arg10 : memref<!tpu.dma_semaphore, #tpu.memory_space<semaphore_mem>>) src(%dma_wait3A_800 : memref<2600000x16xf32, #tpu.memory_space<hbm>>) dst(%dma_wait3A_794 : memref<128x16xf32, #tpu.memory_space<vmem>>)
    "tpu.region"() ({
      %run_scoped3A = tpu.sem_alloc : memref<!tpu.dma_semaphore, #tpu.memory_space<semaphore_mem>>
      %dma_start3A_2241 = arith.constant 144 : i32
      %dma_start3A_2242 = tpu.memref_slice %arg6[%mul3A_2, %dma_start3A_2241] : memref<16384x448xf32, #tpu.memory_space<hbm>> -> memref<512x16xf32, #tpu.memory_space<hbm>>
      %dma_start3A_2243 = arith.constant 144 : i32
      %dma_start3A_2244 = tpu.memref_slice %arg6[%mul3A_2, %dma_start3A_2243] : memref<16384x448xf32, #tpu.memory_space<hbm>> -> memref<512x16xf32, #tpu.memory_space<hbm>>
      tpu.enqueue_dma source(%arg8 : memref<512x16xf32, #tpu.memory_space<vmem>>) target(%dma_start3A_2244 : memref<512x16xf32, #tpu.memory_space<hbm>>) target_semaphore(%run_scoped3A : memref<!tpu.dma_semaphore, #tpu.memory_space<semaphore_mem>>)
      %dma_wait3A_2245 = arith.constant 144 : i32
      %dma_wait3A_2246 = tpu.memref_slice %arg6[%mul3A_2, %dma_wait3A_2245] : memref<16384x448xf32, #tpu.memory_space<hbm>> -> memref<512x16xf32, #tpu.memory_space<hbm>>
      %dma_wait3A_2247 = arith.constant 144 : i32
      %dma_wait3A_2248 = tpu.memref_slice %arg6[%mul3A_2, %dma_wait3A_2247] : memref<16384x448xf32, #tpu.memory_space<hbm>> -> memref<512x16xf32, #tpu.memory_space<hbm>>
      tpu.wait_dma2 semaphore(%run_scoped3A : memref<!tpu.dma_semaphore, #tpu.memory_space<semaphore_mem>>) src(%arg8 : memref<512x16xf32, #tpu.memory_space<vmem>>) dst(%dma_wait3A_2248 : memref<512x16xf32, #tpu.memory_space<hbm>>)
      tpu.yield
    }) : () -> ()
    %dma_start3A_801 = arith.constant 10 : i32
    %dma_start3A_802 = arith.constant 0 : i32
    %dma_start3A_803 = arith.constant 0 : i32
    %dma_start3A_804 = tpu.memref_slice %arg8[%dma_start3A_802, %dma_start3A_803] : memref<512x16xf32, #tpu.memory_space<vmem>> -> memref<128x16xf32, #tpu.memory_space<vmem>>
    %dma_start3A_805 = arith.constant 0 : i32
    %dma_start3A_806 = tpu.memref_slice %arg7[%dma_start3A_801, %dma_start3A_805] : memref<28x512xi32, #tpu.memory_space<vmem>> -> memref<1x128xi32, #tpu.memory_space<vmem>>
    %dma_start3A_807 = tpu.memref_squeeze %dma_start3A_806 : memref<1x128xi32, #tpu.memory_space<vmem>> -> memref<128xi32, #tpu.memory_space<vmem>>
    %dma_start3A_808 = arith.constant 0 : i32
    %dma_start3A_809 = arith.constant 0 : i32
    %dma_start3A_810 = tpu.memref_slice %arg5[%dma_start3A_808, %dma_start3A_809] : memref<2600000x16xf32, #tpu.memory_space<hbm>> -> memref<2600000x16xf32, #tpu.memory_space<hbm>>
    tpu.enqueue_indirect_dma source(%dma_start3A_810 : memref<2600000x16xf32, #tpu.memory_space<hbm>>) target(%dma_start3A_804 : memref<128x16xf32, #tpu.memory_space<vmem>>) offsets(%dma_start3A_807 : memref<128xi32, #tpu.memory_space<vmem>>) semaphore(%arg10 : memref<!tpu.dma_semaphore, #tpu.memory_space<semaphore_mem>>)
    %dma_start3A_811 = arith.constant 10 : i32
    %dma_start3A_812 = arith.constant 128 : i32
    %dma_start3A_813 = arith.constant 0 : i32
    %dma_start3A_814 = tpu.memref_slice %arg8[%dma_start3A_812, %dma_start3A_813] : memref<512x16xf32, #tpu.memory_space<vmem>> -> memref<128x16xf32, #tpu.memory_space<vmem>>
    %dma_start3A_815 = arith.constant 128 : i32
    %dma_start3A_816 = tpu.memref_slice %arg7[%dma_start3A_811, %dma_start3A_815] : memref<28x512xi32, #tpu.memory_space<vmem>> -> memref<1x128xi32, #tpu.memory_space<vmem>>
    %dma_start3A_817 = tpu.memref_squeeze %dma_start3A_816 : memref<1x128xi32, #tpu.memory_space<vmem>> -> memref<128xi32, #tpu.memory_space<vmem>>
    %dma_start3A_818 = arith.constant 0 : i32
    %dma_start3A_819 = arith.constant 0 : i32
    %dma_start3A_820 = tpu.memref_slice %arg5[%dma_start3A_818, %dma_start3A_819] : memref<2600000x16xf32, #tpu.memory_space<hbm>> -> memref<2600000x16xf32, #tpu.memory_space<hbm>>
    tpu.enqueue_indirect_dma source(%dma_start3A_820 : memref<2600000x16xf32, #tpu.memory_space<hbm>>) target(%dma_start3A_814 : memref<128x16xf32, #tpu.memory_space<vmem>>) offsets(%dma_start3A_817 : memref<128xi32, #tpu.memory_space<vmem>>) semaphore(%arg10 : memref<!tpu.dma_semaphore, #tpu.memory_space<semaphore_mem>>)
    %dma_start3A_821 = arith.constant 10 : i32
    %dma_start3A_822 = arith.constant 256 : i32
    %dma_start3A_823 = arith.constant 0 : i32
    %dma_start3A_824 = tpu.memref_slice %arg8[%dma_start3A_822, %dma_start3A_823] : memref<512x16xf32, #tpu.memory_space<vmem>> -> memref<128x16xf32, #tpu.memory_space<vmem>>
    %dma_start3A_825 = arith.constant 256 : i32
    %dma_start3A_826 = tpu.memref_slice %arg7[%dma_start3A_821, %dma_start3A_825] : memref<28x512xi32, #tpu.memory_space<vmem>> -> memref<1x128xi32, #tpu.memory_space<vmem>>
    %dma_start3A_827 = tpu.memref_squeeze %dma_start3A_826 : memref<1x128xi32, #tpu.memory_space<vmem>> -> memref<128xi32, #tpu.memory_space<vmem>>
    %dma_start3A_828 = arith.constant 0 : i32
    %dma_start3A_829 = arith.constant 0 : i32
    %dma_start3A_830 = tpu.memref_slice %arg5[%dma_start3A_828, %dma_start3A_829] : memref<2600000x16xf32, #tpu.memory_space<hbm>> -> memref<2600000x16xf32, #tpu.memory_space<hbm>>
    tpu.enqueue_indirect_dma source(%dma_start3A_830 : memref<2600000x16xf32, #tpu.memory_space<hbm>>) target(%dma_start3A_824 : memref<128x16xf32, #tpu.memory_space<vmem>>) offsets(%dma_start3A_827 : memref<128xi32, #tpu.memory_space<vmem>>) semaphore(%arg10 : memref<!tpu.dma_semaphore, #tpu.memory_space<semaphore_mem>>)
    %dma_start3A_831 = arith.constant 10 : i32
    %dma_start3A_832 = arith.constant 384 : i32
    %dma_start3A_833 = arith.constant 0 : i32
    %dma_start3A_834 = tpu.memref_slice %arg8[%dma_start3A_832, %dma_start3A_833] : memref<512x16xf32, #tpu.memory_space<vmem>> -> memref<128x16xf32, #tpu.memory_space<vmem>>
    %dma_start3A_835 = arith.constant 384 : i32
    %dma_start3A_836 = tpu.memref_slice %arg7[%dma_start3A_831, %dma_start3A_835] : memref<28x512xi32, #tpu.memory_space<vmem>> -> memref<1x128xi32, #tpu.memory_space<vmem>>
    %dma_start3A_837 = tpu.memref_squeeze %dma_start3A_836 : memref<1x128xi32, #tpu.memory_space<vmem>> -> memref<128xi32, #tpu.memory_space<vmem>>
    %dma_start3A_838 = arith.constant 0 : i32
    %dma_start3A_839 = arith.constant 0 : i32
    %dma_start3A_840 = tpu.memref_slice %arg5[%dma_start3A_838, %dma_start3A_839] : memref<2600000x16xf32, #tpu.memory_space<hbm>> -> memref<2600000x16xf32, #tpu.memory_space<hbm>>
    tpu.enqueue_indirect_dma source(%dma_start3A_840 : memref<2600000x16xf32, #tpu.memory_space<hbm>>) target(%dma_start3A_834 : memref<128x16xf32, #tpu.memory_space<vmem>>) offsets(%dma_start3A_837 : memref<128xi32, #tpu.memory_space<vmem>>) semaphore(%arg10 : memref<!tpu.dma_semaphore, #tpu.memory_space<semaphore_mem>>)
    %dma_wait3A_841 = arith.constant 10 : i32
    %dma_wait3A_842 = arith.constant 0 : i32
    %dma_wait3A_843 = arith.constant 0 : i32
    %dma_wait3A_844 = tpu.memref_slice %arg8[%dma_wait3A_842, %dma_wait3A_843] : memref<512x16xf32, #tpu.memory_space<vmem>> -> memref<128x16xf32, #tpu.memory_space<vmem>>
    %dma_wait3A_845 = arith.constant 0 : i32
    %dma_wait3A_846 = tpu.memref_slice %arg7[%dma_wait3A_841, %dma_wait3A_845] : memref<28x512xi32, #tpu.memory_space<vmem>> -> memref<1x128xi32, #tpu.memory_space<vmem>>
    %dma_wait3A_847 = tpu.memref_squeeze %dma_wait3A_846 : memref<1x128xi32, #tpu.memory_space<vmem>> -> memref<128xi32, #tpu.memory_space<vmem>>
    %dma_wait3A_848 = arith.constant 0 : i32
    %dma_wait3A_849 = arith.constant 0 : i32
    %dma_wait3A_850 = tpu.memref_slice %arg5[%dma_wait3A_848, %dma_wait3A_849] : memref<2600000x16xf32, #tpu.memory_space<hbm>> -> memref<2600000x16xf32, #tpu.memory_space<hbm>>
    tpu.wait_indirect_dma semaphore(%arg10 : memref<!tpu.dma_semaphore, #tpu.memory_space<semaphore_mem>>) src(%dma_wait3A_850 : memref<2600000x16xf32, #tpu.memory_space<hbm>>) dst(%dma_wait3A_844 : memref<128x16xf32, #tpu.memory_space<vmem>>)
    %dma_wait3A_851 = arith.constant 10 : i32
    %dma_wait3A_852 = arith.constant 128 : i32
    %dma_wait3A_853 = arith.constant 0 : i32
    %dma_wait3A_854 = tpu.memref_slice %arg8[%dma_wait3A_852, %dma_wait3A_853] : memref<512x16xf32, #tpu.memory_space<vmem>> -> memref<128x16xf32, #tpu.memory_space<vmem>>
    %dma_wait3A_855 = arith.constant 128 : i32
    %dma_wait3A_856 = tpu.memref_slice %arg7[%dma_wait3A_851, %dma_wait3A_855] : memref<28x512xi32, #tpu.memory_space<vmem>> -> memref<1x128xi32, #tpu.memory_space<vmem>>
    %dma_wait3A_857 = tpu.memref_squeeze %dma_wait3A_856 : memref<1x128xi32, #tpu.memory_space<vmem>> -> memref<128xi32, #tpu.memory_space<vmem>>
    %dma_wait3A_858 = arith.constant 0 : i32
    %dma_wait3A_859 = arith.constant 0 : i32
    %dma_wait3A_860 = tpu.memref_slice %arg5[%dma_wait3A_858, %dma_wait3A_859] : memref<2600000x16xf32, #tpu.memory_space<hbm>> -> memref<2600000x16xf32, #tpu.memory_space<hbm>>
    tpu.wait_indirect_dma semaphore(%arg10 : memref<!tpu.dma_semaphore, #tpu.memory_space<semaphore_mem>>) src(%dma_wait3A_860 : memref<2600000x16xf32, #tpu.memory_space<hbm>>) dst(%dma_wait3A_854 : memref<128x16xf32, #tpu.memory_space<vmem>>)
    %dma_wait3A_861 = arith.constant 10 : i32
    %dma_wait3A_862 = arith.constant 256 : i32
    %dma_wait3A_863 = arith.constant 0 : i32
    %dma_wait3A_864 = tpu.memref_slice %arg8[%dma_wait3A_862, %dma_wait3A_863] : memref<512x16xf32, #tpu.memory_space<vmem>> -> memref<128x16xf32, #tpu.memory_space<vmem>>
    %dma_wait3A_865 = arith.constant 256 : i32
    %dma_wait3A_866 = tpu.memref_slice %arg7[%dma_wait3A_861, %dma_wait3A_865] : memref<28x512xi32, #tpu.memory_space<vmem>> -> memref<1x128xi32, #tpu.memory_space<vmem>>
    %dma_wait3A_867 = tpu.memref_squeeze %dma_wait3A_866 : memref<1x128xi32, #tpu.memory_space<vmem>> -> memref<128xi32, #tpu.memory_space<vmem>>
    %dma_wait3A_868 = arith.constant 0 : i32
    %dma_wait3A_869 = arith.constant 0 : i32
    %dma_wait3A_870 = tpu.memref_slice %arg5[%dma_wait3A_868, %dma_wait3A_869] : memref<2600000x16xf32, #tpu.memory_space<hbm>> -> memref<2600000x16xf32, #tpu.memory_space<hbm>>
    tpu.wait_indirect_dma semaphore(%arg10 : memref<!tpu.dma_semaphore, #tpu.memory_space<semaphore_mem>>) src(%dma_wait3A_870 : memref<2600000x16xf32, #tpu.memory_space<hbm>>) dst(%dma_wait3A_864 : memref<128x16xf32, #tpu.memory_space<vmem>>)
    %dma_wait3A_871 = arith.constant 10 : i32
    %dma_wait3A_872 = arith.constant 384 : i32
    %dma_wait3A_873 = arith.constant 0 : i32
    %dma_wait3A_874 = tpu.memref_slice %arg8[%dma_wait3A_872, %dma_wait3A_873] : memref<512x16xf32, #tpu.memory_space<vmem>> -> memref<128x16xf32, #tpu.memory_space<vmem>>
    %dma_wait3A_875 = arith.constant 384 : i32
    %dma_wait3A_876 = tpu.memref_slice %arg7[%dma_wait3A_871, %dma_wait3A_875] : memref<28x512xi32, #tpu.memory_space<vmem>> -> memref<1x128xi32, #tpu.memory_space<vmem>>
    %dma_wait3A_877 = tpu.memref_squeeze %dma_wait3A_876 : memref<1x128xi32, #tpu.memory_space<vmem>> -> memref<128xi32, #tpu.memory_space<vmem>>
    %dma_wait3A_878 = arith.constant 0 : i32
    %dma_wait3A_879 = arith.constant 0 : i32
    %dma_wait3A_880 = tpu.memref_slice %arg5[%dma_wait3A_878, %dma_wait3A_879] : memref<2600000x16xf32, #tpu.memory_space<hbm>> -> memref<2600000x16xf32, #tpu.memory_space<hbm>>
    tpu.wait_indirect_dma semaphore(%arg10 : memref<!tpu.dma_semaphore, #tpu.memory_space<semaphore_mem>>) src(%dma_wait3A_880 : memref<2600000x16xf32, #tpu.memory_space<hbm>>) dst(%dma_wait3A_874 : memref<128x16xf32, #tpu.memory_space<vmem>>)
    "tpu.region"() ({
      %run_scoped3A = tpu.sem_alloc : memref<!tpu.dma_semaphore, #tpu.memory_space<semaphore_mem>>
      %dma_start3A_2241 = arith.constant 160 : i32
      %dma_start3A_2242 = tpu.memref_slice %arg6[%mul3A_2, %dma_start3A_2241] : memref<16384x448xf32, #tpu.memory_space<hbm>> -> memref<512x16xf32, #tpu.memory_space<hbm>>
      %dma_start3A_2243 = arith.constant 160 : i32
      %dma_start3A_2244 = tpu.memref_slice %arg6[%mul3A_2, %dma_start3A_2243] : memref<16384x448xf32, #tpu.memory_space<hbm>> -> memref<512x16xf32, #tpu.memory_space<hbm>>
      tpu.enqueue_dma source(%arg8 : memref<512x16xf32, #tpu.memory_space<vmem>>) target(%dma_start3A_2244 : memref<512x16xf32, #tpu.memory_space<hbm>>) target_semaphore(%run_scoped3A : memref<!tpu.dma_semaphore, #tpu.memory_space<semaphore_mem>>)
      %dma_wait3A_2245 = arith.constant 160 : i32
      %dma_wait3A_2246 = tpu.memref_slice %arg6[%mul3A_2, %dma_wait3A_2245] : memref<16384x448xf32, #tpu.memory_space<hbm>> -> memref<512x16xf32, #tpu.memory_space<hbm>>
      %dma_wait3A_2247 = arith.constant 160 : i32
      %dma_wait3A_2248 = tpu.memref_slice %arg6[%mul3A_2, %dma_wait3A_2247] : memref<16384x448xf32, #tpu.memory_space<hbm>> -> memref<512x16xf32, #tpu.memory_space<hbm>>
      tpu.wait_dma2 semaphore(%run_scoped3A : memref<!tpu.dma_semaphore, #tpu.memory_space<semaphore_mem>>) src(%arg8 : memref<512x16xf32, #tpu.memory_space<vmem>>) dst(%dma_wait3A_2248 : memref<512x16xf32, #tpu.memory_space<hbm>>)
      tpu.yield
    }) : () -> ()
    %dma_start3A_881 = arith.constant 11 : i32
    %dma_start3A_882 = arith.constant 0 : i32
    %dma_start3A_883 = arith.constant 0 : i32
    %dma_start3A_884 = tpu.memref_slice %arg8[%dma_start3A_882, %dma_start3A_883] : memref<512x16xf32, #tpu.memory_space<vmem>> -> memref<128x16xf32, #tpu.memory_space<vmem>>
    %dma_start3A_885 = arith.constant 0 : i32
    %dma_start3A_886 = tpu.memref_slice %arg7[%dma_start3A_881, %dma_start3A_885] : memref<28x512xi32, #tpu.memory_space<vmem>> -> memref<1x128xi32, #tpu.memory_space<vmem>>
    %dma_start3A_887 = tpu.memref_squeeze %dma_start3A_886 : memref<1x128xi32, #tpu.memory_space<vmem>> -> memref<128xi32, #tpu.memory_space<vmem>>
    %dma_start3A_888 = arith.constant 0 : i32
    %dma_start3A_889 = arith.constant 0 : i32
    %dma_start3A_890 = tpu.memref_slice %arg5[%dma_start3A_888, %dma_start3A_889] : memref<2600000x16xf32, #tpu.memory_space<hbm>> -> memref<2600000x16xf32, #tpu.memory_space<hbm>>
    tpu.enqueue_indirect_dma source(%dma_start3A_890 : memref<2600000x16xf32, #tpu.memory_space<hbm>>) target(%dma_start3A_884 : memref<128x16xf32, #tpu.memory_space<vmem>>) offsets(%dma_start3A_887 : memref<128xi32, #tpu.memory_space<vmem>>) semaphore(%arg10 : memref<!tpu.dma_semaphore, #tpu.memory_space<semaphore_mem>>)
    %dma_start3A_891 = arith.constant 11 : i32
    %dma_start3A_892 = arith.constant 128 : i32
    %dma_start3A_893 = arith.constant 0 : i32
    %dma_start3A_894 = tpu.memref_slice %arg8[%dma_start3A_892, %dma_start3A_893] : memref<512x16xf32, #tpu.memory_space<vmem>> -> memref<128x16xf32, #tpu.memory_space<vmem>>
    %dma_start3A_895 = arith.constant 128 : i32
    %dma_start3A_896 = tpu.memref_slice %arg7[%dma_start3A_891, %dma_start3A_895] : memref<28x512xi32, #tpu.memory_space<vmem>> -> memref<1x128xi32, #tpu.memory_space<vmem>>
    %dma_start3A_897 = tpu.memref_squeeze %dma_start3A_896 : memref<1x128xi32, #tpu.memory_space<vmem>> -> memref<128xi32, #tpu.memory_space<vmem>>
    %dma_start3A_898 = arith.constant 0 : i32
    %dma_start3A_899 = arith.constant 0 : i32
    %dma_start3A_900 = tpu.memref_slice %arg5[%dma_start3A_898, %dma_start3A_899] : memref<2600000x16xf32, #tpu.memory_space<hbm>> -> memref<2600000x16xf32, #tpu.memory_space<hbm>>
    tpu.enqueue_indirect_dma source(%dma_start3A_900 : memref<2600000x16xf32, #tpu.memory_space<hbm>>) target(%dma_start3A_894 : memref<128x16xf32, #tpu.memory_space<vmem>>) offsets(%dma_start3A_897 : memref<128xi32, #tpu.memory_space<vmem>>) semaphore(%arg10 : memref<!tpu.dma_semaphore, #tpu.memory_space<semaphore_mem>>)
    %dma_start3A_901 = arith.constant 11 : i32
    %dma_start3A_902 = arith.constant 256 : i32
    %dma_start3A_903 = arith.constant 0 : i32
    %dma_start3A_904 = tpu.memref_slice %arg8[%dma_start3A_902, %dma_start3A_903] : memref<512x16xf32, #tpu.memory_space<vmem>> -> memref<128x16xf32, #tpu.memory_space<vmem>>
    %dma_start3A_905 = arith.constant 256 : i32
    %dma_start3A_906 = tpu.memref_slice %arg7[%dma_start3A_901, %dma_start3A_905] : memref<28x512xi32, #tpu.memory_space<vmem>> -> memref<1x128xi32, #tpu.memory_space<vmem>>
    %dma_start3A_907 = tpu.memref_squeeze %dma_start3A_906 : memref<1x128xi32, #tpu.memory_space<vmem>> -> memref<128xi32, #tpu.memory_space<vmem>>
    %dma_start3A_908 = arith.constant 0 : i32
    %dma_start3A_909 = arith.constant 0 : i32
    %dma_start3A_910 = tpu.memref_slice %arg5[%dma_start3A_908, %dma_start3A_909] : memref<2600000x16xf32, #tpu.memory_space<hbm>> -> memref<2600000x16xf32, #tpu.memory_space<hbm>>
    tpu.enqueue_indirect_dma source(%dma_start3A_910 : memref<2600000x16xf32, #tpu.memory_space<hbm>>) target(%dma_start3A_904 : memref<128x16xf32, #tpu.memory_space<vmem>>) offsets(%dma_start3A_907 : memref<128xi32, #tpu.memory_space<vmem>>) semaphore(%arg10 : memref<!tpu.dma_semaphore, #tpu.memory_space<semaphore_mem>>)
    %dma_start3A_911 = arith.constant 11 : i32
    %dma_start3A_912 = arith.constant 384 : i32
    %dma_start3A_913 = arith.constant 0 : i32
    %dma_start3A_914 = tpu.memref_slice %arg8[%dma_start3A_912, %dma_start3A_913] : memref<512x16xf32, #tpu.memory_space<vmem>> -> memref<128x16xf32, #tpu.memory_space<vmem>>
    %dma_start3A_915 = arith.constant 384 : i32
    %dma_start3A_916 = tpu.memref_slice %arg7[%dma_start3A_911, %dma_start3A_915] : memref<28x512xi32, #tpu.memory_space<vmem>> -> memref<1x128xi32, #tpu.memory_space<vmem>>
    %dma_start3A_917 = tpu.memref_squeeze %dma_start3A_916 : memref<1x128xi32, #tpu.memory_space<vmem>> -> memref<128xi32, #tpu.memory_space<vmem>>
    %dma_start3A_918 = arith.constant 0 : i32
    %dma_start3A_919 = arith.constant 0 : i32
    %dma_start3A_920 = tpu.memref_slice %arg5[%dma_start3A_918, %dma_start3A_919] : memref<2600000x16xf32, #tpu.memory_space<hbm>> -> memref<2600000x16xf32, #tpu.memory_space<hbm>>
    tpu.enqueue_indirect_dma source(%dma_start3A_920 : memref<2600000x16xf32, #tpu.memory_space<hbm>>) target(%dma_start3A_914 : memref<128x16xf32, #tpu.memory_space<vmem>>) offsets(%dma_start3A_917 : memref<128xi32, #tpu.memory_space<vmem>>) semaphore(%arg10 : memref<!tpu.dma_semaphore, #tpu.memory_space<semaphore_mem>>)
    %dma_wait3A_921 = arith.constant 11 : i32
    %dma_wait3A_922 = arith.constant 0 : i32
    %dma_wait3A_923 = arith.constant 0 : i32
    %dma_wait3A_924 = tpu.memref_slice %arg8[%dma_wait3A_922, %dma_wait3A_923] : memref<512x16xf32, #tpu.memory_space<vmem>> -> memref<128x16xf32, #tpu.memory_space<vmem>>
    %dma_wait3A_925 = arith.constant 0 : i32
    %dma_wait3A_926 = tpu.memref_slice %arg7[%dma_wait3A_921, %dma_wait3A_925] : memref<28x512xi32, #tpu.memory_space<vmem>> -> memref<1x128xi32, #tpu.memory_space<vmem>>
    %dma_wait3A_927 = tpu.memref_squeeze %dma_wait3A_926 : memref<1x128xi32, #tpu.memory_space<vmem>> -> memref<128xi32, #tpu.memory_space<vmem>>
    %dma_wait3A_928 = arith.constant 0 : i32
    %dma_wait3A_929 = arith.constant 0 : i32
    %dma_wait3A_930 = tpu.memref_slice %arg5[%dma_wait3A_928, %dma_wait3A_929] : memref<2600000x16xf32, #tpu.memory_space<hbm>> -> memref<2600000x16xf32, #tpu.memory_space<hbm>>
    tpu.wait_indirect_dma semaphore(%arg10 : memref<!tpu.dma_semaphore, #tpu.memory_space<semaphore_mem>>) src(%dma_wait3A_930 : memref<2600000x16xf32, #tpu.memory_space<hbm>>) dst(%dma_wait3A_924 : memref<128x16xf32, #tpu.memory_space<vmem>>)
    %dma_wait3A_931 = arith.constant 11 : i32
    %dma_wait3A_932 = arith.constant 128 : i32
    %dma_wait3A_933 = arith.constant 0 : i32
    %dma_wait3A_934 = tpu.memref_slice %arg8[%dma_wait3A_932, %dma_wait3A_933] : memref<512x16xf32, #tpu.memory_space<vmem>> -> memref<128x16xf32, #tpu.memory_space<vmem>>
    %dma_wait3A_935 = arith.constant 128 : i32
    %dma_wait3A_936 = tpu.memref_slice %arg7[%dma_wait3A_931, %dma_wait3A_935] : memref<28x512xi32, #tpu.memory_space<vmem>> -> memref<1x128xi32, #tpu.memory_space<vmem>>
    %dma_wait3A_937 = tpu.memref_squeeze %dma_wait3A_936 : memref<1x128xi32, #tpu.memory_space<vmem>> -> memref<128xi32, #tpu.memory_space<vmem>>
    %dma_wait3A_938 = arith.constant 0 : i32
    %dma_wait3A_939 = arith.constant 0 : i32
    %dma_wait3A_940 = tpu.memref_slice %arg5[%dma_wait3A_938, %dma_wait3A_939] : memref<2600000x16xf32, #tpu.memory_space<hbm>> -> memref<2600000x16xf32, #tpu.memory_space<hbm>>
    tpu.wait_indirect_dma semaphore(%arg10 : memref<!tpu.dma_semaphore, #tpu.memory_space<semaphore_mem>>) src(%dma_wait3A_940 : memref<2600000x16xf32, #tpu.memory_space<hbm>>) dst(%dma_wait3A_934 : memref<128x16xf32, #tpu.memory_space<vmem>>)
    %dma_wait3A_941 = arith.constant 11 : i32
    %dma_wait3A_942 = arith.constant 256 : i32
    %dma_wait3A_943 = arith.constant 0 : i32
    %dma_wait3A_944 = tpu.memref_slice %arg8[%dma_wait3A_942, %dma_wait3A_943] : memref<512x16xf32, #tpu.memory_space<vmem>> -> memref<128x16xf32, #tpu.memory_space<vmem>>
    %dma_wait3A_945 = arith.constant 256 : i32
    %dma_wait3A_946 = tpu.memref_slice %arg7[%dma_wait3A_941, %dma_wait3A_945] : memref<28x512xi32, #tpu.memory_space<vmem>> -> memref<1x128xi32, #tpu.memory_space<vmem>>
    %dma_wait3A_947 = tpu.memref_squeeze %dma_wait3A_946 : memref<1x128xi32, #tpu.memory_space<vmem>> -> memref<128xi32, #tpu.memory_space<vmem>>
    %dma_wait3A_948 = arith.constant 0 : i32
    %dma_wait3A_949 = arith.constant 0 : i32
    %dma_wait3A_950 = tpu.memref_slice %arg5[%dma_wait3A_948, %dma_wait3A_949] : memref<2600000x16xf32, #tpu.memory_space<hbm>> -> memref<2600000x16xf32, #tpu.memory_space<hbm>>
    tpu.wait_indirect_dma semaphore(%arg10 : memref<!tpu.dma_semaphore, #tpu.memory_space<semaphore_mem>>) src(%dma_wait3A_950 : memref<2600000x16xf32, #tpu.memory_space<hbm>>) dst(%dma_wait3A_944 : memref<128x16xf32, #tpu.memory_space<vmem>>)
    %dma_wait3A_951 = arith.constant 11 : i32
    %dma_wait3A_952 = arith.constant 384 : i32
    %dma_wait3A_953 = arith.constant 0 : i32
    %dma_wait3A_954 = tpu.memref_slice %arg8[%dma_wait3A_952, %dma_wait3A_953] : memref<512x16xf32, #tpu.memory_space<vmem>> -> memref<128x16xf32, #tpu.memory_space<vmem>>
    %dma_wait3A_955 = arith.constant 384 : i32
    %dma_wait3A_956 = tpu.memref_slice %arg7[%dma_wait3A_951, %dma_wait3A_955] : memref<28x512xi32, #tpu.memory_space<vmem>> -> memref<1x128xi32, #tpu.memory_space<vmem>>
    %dma_wait3A_957 = tpu.memref_squeeze %dma_wait3A_956 : memref<1x128xi32, #tpu.memory_space<vmem>> -> memref<128xi32, #tpu.memory_space<vmem>>
    %dma_wait3A_958 = arith.constant 0 : i32
    %dma_wait3A_959 = arith.constant 0 : i32
    %dma_wait3A_960 = tpu.memref_slice %arg5[%dma_wait3A_958, %dma_wait3A_959] : memref<2600000x16xf32, #tpu.memory_space<hbm>> -> memref<2600000x16xf32, #tpu.memory_space<hbm>>
    tpu.wait_indirect_dma semaphore(%arg10 : memref<!tpu.dma_semaphore, #tpu.memory_space<semaphore_mem>>) src(%dma_wait3A_960 : memref<2600000x16xf32, #tpu.memory_space<hbm>>) dst(%dma_wait3A_954 : memref<128x16xf32, #tpu.memory_space<vmem>>)
    "tpu.region"() ({
      %run_scoped3A = tpu.sem_alloc : memref<!tpu.dma_semaphore, #tpu.memory_space<semaphore_mem>>
      %dma_start3A_2241 = arith.constant 176 : i32
      %dma_start3A_2242 = tpu.memref_slice %arg6[%mul3A_2, %dma_start3A_2241] : memref<16384x448xf32, #tpu.memory_space<hbm>> -> memref<512x16xf32, #tpu.memory_space<hbm>>
      %dma_start3A_2243 = arith.constant 176 : i32
      %dma_start3A_2244 = tpu.memref_slice %arg6[%mul3A_2, %dma_start3A_2243] : memref<16384x448xf32, #tpu.memory_space<hbm>> -> memref<512x16xf32, #tpu.memory_space<hbm>>
      tpu.enqueue_dma source(%arg8 : memref<512x16xf32, #tpu.memory_space<vmem>>) target(%dma_start3A_2244 : memref<512x16xf32, #tpu.memory_space<hbm>>) target_semaphore(%run_scoped3A : memref<!tpu.dma_semaphore, #tpu.memory_space<semaphore_mem>>)
      %dma_wait3A_2245 = arith.constant 176 : i32
      %dma_wait3A_2246 = tpu.memref_slice %arg6[%mul3A_2, %dma_wait3A_2245] : memref<16384x448xf32, #tpu.memory_space<hbm>> -> memref<512x16xf32, #tpu.memory_space<hbm>>
      %dma_wait3A_2247 = arith.constant 176 : i32
      %dma_wait3A_2248 = tpu.memref_slice %arg6[%mul3A_2, %dma_wait3A_2247] : memref<16384x448xf32, #tpu.memory_space<hbm>> -> memref<512x16xf32, #tpu.memory_space<hbm>>
      tpu.wait_dma2 semaphore(%run_scoped3A : memref<!tpu.dma_semaphore, #tpu.memory_space<semaphore_mem>>) src(%arg8 : memref<512x16xf32, #tpu.memory_space<vmem>>) dst(%dma_wait3A_2248 : memref<512x16xf32, #tpu.memory_space<hbm>>)
      tpu.yield
    }) : () -> ()
    %dma_start3A_961 = arith.constant 12 : i32
    %dma_start3A_962 = arith.constant 0 : i32
    %dma_start3A_963 = arith.constant 0 : i32
    %dma_start3A_964 = tpu.memref_slice %arg8[%dma_start3A_962, %dma_start3A_963] : memref<512x16xf32, #tpu.memory_space<vmem>> -> memref<128x16xf32, #tpu.memory_space<vmem>>
    %dma_start3A_965 = arith.constant 0 : i32
    %dma_start3A_966 = tpu.memref_slice %arg7[%dma_start3A_961, %dma_start3A_965] : memref<28x512xi32, #tpu.memory_space<vmem>> -> memref<1x128xi32, #tpu.memory_space<vmem>>
    %dma_start3A_967 = tpu.memref_squeeze %dma_start3A_966 : memref<1x128xi32, #tpu.memory_space<vmem>> -> memref<128xi32, #tpu.memory_space<vmem>>
    %dma_start3A_968 = arith.constant 0 : i32
    %dma_start3A_969 = arith.constant 0 : i32
    %dma_start3A_970 = tpu.memref_slice %arg5[%dma_start3A_968, %dma_start3A_969] : memref<2600000x16xf32, #tpu.memory_space<hbm>> -> memref<2600000x16xf32, #tpu.memory_space<hbm>>
    tpu.enqueue_indirect_dma source(%dma_start3A_970 : memref<2600000x16xf32, #tpu.memory_space<hbm>>) target(%dma_start3A_964 : memref<128x16xf32, #tpu.memory_space<vmem>>) offsets(%dma_start3A_967 : memref<128xi32, #tpu.memory_space<vmem>>) semaphore(%arg10 : memref<!tpu.dma_semaphore, #tpu.memory_space<semaphore_mem>>)
    %dma_start3A_971 = arith.constant 12 : i32
    %dma_start3A_972 = arith.constant 128 : i32
    %dma_start3A_973 = arith.constant 0 : i32
    %dma_start3A_974 = tpu.memref_slice %arg8[%dma_start3A_972, %dma_start3A_973] : memref<512x16xf32, #tpu.memory_space<vmem>> -> memref<128x16xf32, #tpu.memory_space<vmem>>
    %dma_start3A_975 = arith.constant 128 : i32
    %dma_start3A_976 = tpu.memref_slice %arg7[%dma_start3A_971, %dma_start3A_975] : memref<28x512xi32, #tpu.memory_space<vmem>> -> memref<1x128xi32, #tpu.memory_space<vmem>>
    %dma_start3A_977 = tpu.memref_squeeze %dma_start3A_976 : memref<1x128xi32, #tpu.memory_space<vmem>> -> memref<128xi32, #tpu.memory_space<vmem>>
    %dma_start3A_978 = arith.constant 0 : i32
    %dma_start3A_979 = arith.constant 0 : i32
    %dma_start3A_980 = tpu.memref_slice %arg5[%dma_start3A_978, %dma_start3A_979] : memref<2600000x16xf32, #tpu.memory_space<hbm>> -> memref<2600000x16xf32, #tpu.memory_space<hbm>>
    tpu.enqueue_indirect_dma source(%dma_start3A_980 : memref<2600000x16xf32, #tpu.memory_space<hbm>>) target(%dma_start3A_974 : memref<128x16xf32, #tpu.memory_space<vmem>>) offsets(%dma_start3A_977 : memref<128xi32, #tpu.memory_space<vmem>>) semaphore(%arg10 : memref<!tpu.dma_semaphore, #tpu.memory_space<semaphore_mem>>)
    %dma_start3A_981 = arith.constant 12 : i32
    %dma_start3A_982 = arith.constant 256 : i32
    %dma_start3A_983 = arith.constant 0 : i32
    %dma_start3A_984 = tpu.memref_slice %arg8[%dma_start3A_982, %dma_start3A_983] : memref<512x16xf32, #tpu.memory_space<vmem>> -> memref<128x16xf32, #tpu.memory_space<vmem>>
    %dma_start3A_985 = arith.constant 256 : i32
    %dma_start3A_986 = tpu.memref_slice %arg7[%dma_start3A_981, %dma_start3A_985] : memref<28x512xi32, #tpu.memory_space<vmem>> -> memref<1x128xi32, #tpu.memory_space<vmem>>
    %dma_start3A_987 = tpu.memref_squeeze %dma_start3A_986 : memref<1x128xi32, #tpu.memory_space<vmem>> -> memref<128xi32, #tpu.memory_space<vmem>>
    %dma_start3A_988 = arith.constant 0 : i32
    %dma_start3A_989 = arith.constant 0 : i32
    %dma_start3A_990 = tpu.memref_slice %arg5[%dma_start3A_988, %dma_start3A_989] : memref<2600000x16xf32, #tpu.memory_space<hbm>> -> memref<2600000x16xf32, #tpu.memory_space<hbm>>
    tpu.enqueue_indirect_dma source(%dma_start3A_990 : memref<2600000x16xf32, #tpu.memory_space<hbm>>) target(%dma_start3A_984 : memref<128x16xf32, #tpu.memory_space<vmem>>) offsets(%dma_start3A_987 : memref<128xi32, #tpu.memory_space<vmem>>) semaphore(%arg10 : memref<!tpu.dma_semaphore, #tpu.memory_space<semaphore_mem>>)
    %dma_start3A_991 = arith.constant 12 : i32
    %dma_start3A_992 = arith.constant 384 : i32
    %dma_start3A_993 = arith.constant 0 : i32
    %dma_start3A_994 = tpu.memref_slice %arg8[%dma_start3A_992, %dma_start3A_993] : memref<512x16xf32, #tpu.memory_space<vmem>> -> memref<128x16xf32, #tpu.memory_space<vmem>>
    %dma_start3A_995 = arith.constant 384 : i32
    %dma_start3A_996 = tpu.memref_slice %arg7[%dma_start3A_991, %dma_start3A_995] : memref<28x512xi32, #tpu.memory_space<vmem>> -> memref<1x128xi32, #tpu.memory_space<vmem>>
    %dma_start3A_997 = tpu.memref_squeeze %dma_start3A_996 : memref<1x128xi32, #tpu.memory_space<vmem>> -> memref<128xi32, #tpu.memory_space<vmem>>
    %dma_start3A_998 = arith.constant 0 : i32
    %dma_start3A_999 = arith.constant 0 : i32
    %dma_start3A_1000 = tpu.memref_slice %arg5[%dma_start3A_998, %dma_start3A_999] : memref<2600000x16xf32, #tpu.memory_space<hbm>> -> memref<2600000x16xf32, #tpu.memory_space<hbm>>
    tpu.enqueue_indirect_dma source(%dma_start3A_1000 : memref<2600000x16xf32, #tpu.memory_space<hbm>>) target(%dma_start3A_994 : memref<128x16xf32, #tpu.memory_space<vmem>>) offsets(%dma_start3A_997 : memref<128xi32, #tpu.memory_space<vmem>>) semaphore(%arg10 : memref<!tpu.dma_semaphore, #tpu.memory_space<semaphore_mem>>)
    %dma_wait3A_1001 = arith.constant 12 : i32
    %dma_wait3A_1002 = arith.constant 0 : i32
    %dma_wait3A_1003 = arith.constant 0 : i32
    %dma_wait3A_1004 = tpu.memref_slice %arg8[%dma_wait3A_1002, %dma_wait3A_1003] : memref<512x16xf32, #tpu.memory_space<vmem>> -> memref<128x16xf32, #tpu.memory_space<vmem>>
    %dma_wait3A_1005 = arith.constant 0 : i32
    %dma_wait3A_1006 = tpu.memref_slice %arg7[%dma_wait3A_1001, %dma_wait3A_1005] : memref<28x512xi32, #tpu.memory_space<vmem>> -> memref<1x128xi32, #tpu.memory_space<vmem>>
    %dma_wait3A_1007 = tpu.memref_squeeze %dma_wait3A_1006 : memref<1x128xi32, #tpu.memory_space<vmem>> -> memref<128xi32, #tpu.memory_space<vmem>>
    %dma_wait3A_1008 = arith.constant 0 : i32
    %dma_wait3A_1009 = arith.constant 0 : i32
    %dma_wait3A_1010 = tpu.memref_slice %arg5[%dma_wait3A_1008, %dma_wait3A_1009] : memref<2600000x16xf32, #tpu.memory_space<hbm>> -> memref<2600000x16xf32, #tpu.memory_space<hbm>>
    tpu.wait_indirect_dma semaphore(%arg10 : memref<!tpu.dma_semaphore, #tpu.memory_space<semaphore_mem>>) src(%dma_wait3A_1010 : memref<2600000x16xf32, #tpu.memory_space<hbm>>) dst(%dma_wait3A_1004 : memref<128x16xf32, #tpu.memory_space<vmem>>)
    %dma_wait3A_1011 = arith.constant 12 : i32
    %dma_wait3A_1012 = arith.constant 128 : i32
    %dma_wait3A_1013 = arith.constant 0 : i32
    %dma_wait3A_1014 = tpu.memref_slice %arg8[%dma_wait3A_1012, %dma_wait3A_1013] : memref<512x16xf32, #tpu.memory_space<vmem>> -> memref<128x16xf32, #tpu.memory_space<vmem>>
    %dma_wait3A_1015 = arith.constant 128 : i32
    %dma_wait3A_1016 = tpu.memref_slice %arg7[%dma_wait3A_1011, %dma_wait3A_1015] : memref<28x512xi32, #tpu.memory_space<vmem>> -> memref<1x128xi32, #tpu.memory_space<vmem>>
    %dma_wait3A_1017 = tpu.memref_squeeze %dma_wait3A_1016 : memref<1x128xi32, #tpu.memory_space<vmem>> -> memref<128xi32, #tpu.memory_space<vmem>>
    %dma_wait3A_1018 = arith.constant 0 : i32
    %dma_wait3A_1019 = arith.constant 0 : i32
    %dma_wait3A_1020 = tpu.memref_slice %arg5[%dma_wait3A_1018, %dma_wait3A_1019] : memref<2600000x16xf32, #tpu.memory_space<hbm>> -> memref<2600000x16xf32, #tpu.memory_space<hbm>>
    tpu.wait_indirect_dma semaphore(%arg10 : memref<!tpu.dma_semaphore, #tpu.memory_space<semaphore_mem>>) src(%dma_wait3A_1020 : memref<2600000x16xf32, #tpu.memory_space<hbm>>) dst(%dma_wait3A_1014 : memref<128x16xf32, #tpu.memory_space<vmem>>)
    %dma_wait3A_1021 = arith.constant 12 : i32
    %dma_wait3A_1022 = arith.constant 256 : i32
    %dma_wait3A_1023 = arith.constant 0 : i32
    %dma_wait3A_1024 = tpu.memref_slice %arg8[%dma_wait3A_1022, %dma_wait3A_1023] : memref<512x16xf32, #tpu.memory_space<vmem>> -> memref<128x16xf32, #tpu.memory_space<vmem>>
    %dma_wait3A_1025 = arith.constant 256 : i32
    %dma_wait3A_1026 = tpu.memref_slice %arg7[%dma_wait3A_1021, %dma_wait3A_1025] : memref<28x512xi32, #tpu.memory_space<vmem>> -> memref<1x128xi32, #tpu.memory_space<vmem>>
    %dma_wait3A_1027 = tpu.memref_squeeze %dma_wait3A_1026 : memref<1x128xi32, #tpu.memory_space<vmem>> -> memref<128xi32, #tpu.memory_space<vmem>>
    %dma_wait3A_1028 = arith.constant 0 : i32
    %dma_wait3A_1029 = arith.constant 0 : i32
    %dma_wait3A_1030 = tpu.memref_slice %arg5[%dma_wait3A_1028, %dma_wait3A_1029] : memref<2600000x16xf32, #tpu.memory_space<hbm>> -> memref<2600000x16xf32, #tpu.memory_space<hbm>>
    tpu.wait_indirect_dma semaphore(%arg10 : memref<!tpu.dma_semaphore, #tpu.memory_space<semaphore_mem>>) src(%dma_wait3A_1030 : memref<2600000x16xf32, #tpu.memory_space<hbm>>) dst(%dma_wait3A_1024 : memref<128x16xf32, #tpu.memory_space<vmem>>)
    %dma_wait3A_1031 = arith.constant 12 : i32
    %dma_wait3A_1032 = arith.constant 384 : i32
    %dma_wait3A_1033 = arith.constant 0 : i32
    %dma_wait3A_1034 = tpu.memref_slice %arg8[%dma_wait3A_1032, %dma_wait3A_1033] : memref<512x16xf32, #tpu.memory_space<vmem>> -> memref<128x16xf32, #tpu.memory_space<vmem>>
    %dma_wait3A_1035 = arith.constant 384 : i32
    %dma_wait3A_1036 = tpu.memref_slice %arg7[%dma_wait3A_1031, %dma_wait3A_1035] : memref<28x512xi32, #tpu.memory_space<vmem>> -> memref<1x128xi32, #tpu.memory_space<vmem>>
    %dma_wait3A_1037 = tpu.memref_squeeze %dma_wait3A_1036 : memref<1x128xi32, #tpu.memory_space<vmem>> -> memref<128xi32, #tpu.memory_space<vmem>>
    %dma_wait3A_1038 = arith.constant 0 : i32
    %dma_wait3A_1039 = arith.constant 0 : i32
    %dma_wait3A_1040 = tpu.memref_slice %arg5[%dma_wait3A_1038, %dma_wait3A_1039] : memref<2600000x16xf32, #tpu.memory_space<hbm>> -> memref<2600000x16xf32, #tpu.memory_space<hbm>>
    tpu.wait_indirect_dma semaphore(%arg10 : memref<!tpu.dma_semaphore, #tpu.memory_space<semaphore_mem>>) src(%dma_wait3A_1040 : memref<2600000x16xf32, #tpu.memory_space<hbm>>) dst(%dma_wait3A_1034 : memref<128x16xf32, #tpu.memory_space<vmem>>)
    "tpu.region"() ({
      %run_scoped3A = tpu.sem_alloc : memref<!tpu.dma_semaphore, #tpu.memory_space<semaphore_mem>>
      %dma_start3A_2241 = arith.constant 192 : i32
      %dma_start3A_2242 = tpu.memref_slice %arg6[%mul3A_2, %dma_start3A_2241] : memref<16384x448xf32, #tpu.memory_space<hbm>> -> memref<512x16xf32, #tpu.memory_space<hbm>>
      %dma_start3A_2243 = arith.constant 192 : i32
      %dma_start3A_2244 = tpu.memref_slice %arg6[%mul3A_2, %dma_start3A_2243] : memref<16384x448xf32, #tpu.memory_space<hbm>> -> memref<512x16xf32, #tpu.memory_space<hbm>>
      tpu.enqueue_dma source(%arg8 : memref<512x16xf32, #tpu.memory_space<vmem>>) target(%dma_start3A_2244 : memref<512x16xf32, #tpu.memory_space<hbm>>) target_semaphore(%run_scoped3A : memref<!tpu.dma_semaphore, #tpu.memory_space<semaphore_mem>>)
      %dma_wait3A_2245 = arith.constant 192 : i32
      %dma_wait3A_2246 = tpu.memref_slice %arg6[%mul3A_2, %dma_wait3A_2245] : memref<16384x448xf32, #tpu.memory_space<hbm>> -> memref<512x16xf32, #tpu.memory_space<hbm>>
      %dma_wait3A_2247 = arith.constant 192 : i32
      %dma_wait3A_2248 = tpu.memref_slice %arg6[%mul3A_2, %dma_wait3A_2247] : memref<16384x448xf32, #tpu.memory_space<hbm>> -> memref<512x16xf32, #tpu.memory_space<hbm>>
      tpu.wait_dma2 semaphore(%run_scoped3A : memref<!tpu.dma_semaphore, #tpu.memory_space<semaphore_mem>>) src(%arg8 : memref<512x16xf32, #tpu.memory_space<vmem>>) dst(%dma_wait3A_2248 : memref<512x16xf32, #tpu.memory_space<hbm>>)
      tpu.yield
    }) : () -> ()
    %dma_start3A_1041 = arith.constant 13 : i32
    %dma_start3A_1042 = arith.constant 0 : i32
    %dma_start3A_1043 = arith.constant 0 : i32
    %dma_start3A_1044 = tpu.memref_slice %arg8[%dma_start3A_1042, %dma_start3A_1043] : memref<512x16xf32, #tpu.memory_space<vmem>> -> memref<128x16xf32, #tpu.memory_space<vmem>>
    %dma_start3A_1045 = arith.constant 0 : i32
    %dma_start3A_1046 = tpu.memref_slice %arg7[%dma_start3A_1041, %dma_start3A_1045] : memref<28x512xi32, #tpu.memory_space<vmem>> -> memref<1x128xi32, #tpu.memory_space<vmem>>
    %dma_start3A_1047 = tpu.memref_squeeze %dma_start3A_1046 : memref<1x128xi32, #tpu.memory_space<vmem>> -> memref<128xi32, #tpu.memory_space<vmem>>
    %dma_start3A_1048 = arith.constant 0 : i32
    %dma_start3A_1049 = arith.constant 0 : i32
    %dma_start3A_1050 = tpu.memref_slice %arg5[%dma_start3A_1048, %dma_start3A_1049] : memref<2600000x16xf32, #tpu.memory_space<hbm>> -> memref<2600000x16xf32, #tpu.memory_space<hbm>>
    tpu.enqueue_indirect_dma source(%dma_start3A_1050 : memref<2600000x16xf32, #tpu.memory_space<hbm>>) target(%dma_start3A_1044 : memref<128x16xf32, #tpu.memory_space<vmem>>) offsets(%dma_start3A_1047 : memref<128xi32, #tpu.memory_space<vmem>>) semaphore(%arg10 : memref<!tpu.dma_semaphore, #tpu.memory_space<semaphore_mem>>)
    %dma_start3A_1051 = arith.constant 13 : i32
    %dma_start3A_1052 = arith.constant 128 : i32
    %dma_start3A_1053 = arith.constant 0 : i32
    %dma_start3A_1054 = tpu.memref_slice %arg8[%dma_start3A_1052, %dma_start3A_1053] : memref<512x16xf32, #tpu.memory_space<vmem>> -> memref<128x16xf32, #tpu.memory_space<vmem>>
    %dma_start3A_1055 = arith.constant 128 : i32
    %dma_start3A_1056 = tpu.memref_slice %arg7[%dma_start3A_1051, %dma_start3A_1055] : memref<28x512xi32, #tpu.memory_space<vmem>> -> memref<1x128xi32, #tpu.memory_space<vmem>>
    %dma_start3A_1057 = tpu.memref_squeeze %dma_start3A_1056 : memref<1x128xi32, #tpu.memory_space<vmem>> -> memref<128xi32, #tpu.memory_space<vmem>>
    %dma_start3A_1058 = arith.constant 0 : i32
    %dma_start3A_1059 = arith.constant 0 : i32
    %dma_start3A_1060 = tpu.memref_slice %arg5[%dma_start3A_1058, %dma_start3A_1059] : memref<2600000x16xf32, #tpu.memory_space<hbm>> -> memref<2600000x16xf32, #tpu.memory_space<hbm>>
    tpu.enqueue_indirect_dma source(%dma_start3A_1060 : memref<2600000x16xf32, #tpu.memory_space<hbm>>) target(%dma_start3A_1054 : memref<128x16xf32, #tpu.memory_space<vmem>>) offsets(%dma_start3A_1057 : memref<128xi32, #tpu.memory_space<vmem>>) semaphore(%arg10 : memref<!tpu.dma_semaphore, #tpu.memory_space<semaphore_mem>>)
    %dma_start3A_1061 = arith.constant 13 : i32
    %dma_start3A_1062 = arith.constant 256 : i32
    %dma_start3A_1063 = arith.constant 0 : i32
    %dma_start3A_1064 = tpu.memref_slice %arg8[%dma_start3A_1062, %dma_start3A_1063] : memref<512x16xf32, #tpu.memory_space<vmem>> -> memref<128x16xf32, #tpu.memory_space<vmem>>
    %dma_start3A_1065 = arith.constant 256 : i32
    %dma_start3A_1066 = tpu.memref_slice %arg7[%dma_start3A_1061, %dma_start3A_1065] : memref<28x512xi32, #tpu.memory_space<vmem>> -> memref<1x128xi32, #tpu.memory_space<vmem>>
    %dma_start3A_1067 = tpu.memref_squeeze %dma_start3A_1066 : memref<1x128xi32, #tpu.memory_space<vmem>> -> memref<128xi32, #tpu.memory_space<vmem>>
    %dma_start3A_1068 = arith.constant 0 : i32
    %dma_start3A_1069 = arith.constant 0 : i32
    %dma_start3A_1070 = tpu.memref_slice %arg5[%dma_start3A_1068, %dma_start3A_1069] : memref<2600000x16xf32, #tpu.memory_space<hbm>> -> memref<2600000x16xf32, #tpu.memory_space<hbm>>
    tpu.enqueue_indirect_dma source(%dma_start3A_1070 : memref<2600000x16xf32, #tpu.memory_space<hbm>>) target(%dma_start3A_1064 : memref<128x16xf32, #tpu.memory_space<vmem>>) offsets(%dma_start3A_1067 : memref<128xi32, #tpu.memory_space<vmem>>) semaphore(%arg10 : memref<!tpu.dma_semaphore, #tpu.memory_space<semaphore_mem>>)
    %dma_start3A_1071 = arith.constant 13 : i32
    %dma_start3A_1072 = arith.constant 384 : i32
    %dma_start3A_1073 = arith.constant 0 : i32
    %dma_start3A_1074 = tpu.memref_slice %arg8[%dma_start3A_1072, %dma_start3A_1073] : memref<512x16xf32, #tpu.memory_space<vmem>> -> memref<128x16xf32, #tpu.memory_space<vmem>>
    %dma_start3A_1075 = arith.constant 384 : i32
    %dma_start3A_1076 = tpu.memref_slice %arg7[%dma_start3A_1071, %dma_start3A_1075] : memref<28x512xi32, #tpu.memory_space<vmem>> -> memref<1x128xi32, #tpu.memory_space<vmem>>
    %dma_start3A_1077 = tpu.memref_squeeze %dma_start3A_1076 : memref<1x128xi32, #tpu.memory_space<vmem>> -> memref<128xi32, #tpu.memory_space<vmem>>
    %dma_start3A_1078 = arith.constant 0 : i32
    %dma_start3A_1079 = arith.constant 0 : i32
    %dma_start3A_1080 = tpu.memref_slice %arg5[%dma_start3A_1078, %dma_start3A_1079] : memref<2600000x16xf32, #tpu.memory_space<hbm>> -> memref<2600000x16xf32, #tpu.memory_space<hbm>>
    tpu.enqueue_indirect_dma source(%dma_start3A_1080 : memref<2600000x16xf32, #tpu.memory_space<hbm>>) target(%dma_start3A_1074 : memref<128x16xf32, #tpu.memory_space<vmem>>) offsets(%dma_start3A_1077 : memref<128xi32, #tpu.memory_space<vmem>>) semaphore(%arg10 : memref<!tpu.dma_semaphore, #tpu.memory_space<semaphore_mem>>)
    %dma_wait3A_1081 = arith.constant 13 : i32
    %dma_wait3A_1082 = arith.constant 0 : i32
    %dma_wait3A_1083 = arith.constant 0 : i32
    %dma_wait3A_1084 = tpu.memref_slice %arg8[%dma_wait3A_1082, %dma_wait3A_1083] : memref<512x16xf32, #tpu.memory_space<vmem>> -> memref<128x16xf32, #tpu.memory_space<vmem>>
    %dma_wait3A_1085 = arith.constant 0 : i32
    %dma_wait3A_1086 = tpu.memref_slice %arg7[%dma_wait3A_1081, %dma_wait3A_1085] : memref<28x512xi32, #tpu.memory_space<vmem>> -> memref<1x128xi32, #tpu.memory_space<vmem>>
    %dma_wait3A_1087 = tpu.memref_squeeze %dma_wait3A_1086 : memref<1x128xi32, #tpu.memory_space<vmem>> -> memref<128xi32, #tpu.memory_space<vmem>>
    %dma_wait3A_1088 = arith.constant 0 : i32
    %dma_wait3A_1089 = arith.constant 0 : i32
    %dma_wait3A_1090 = tpu.memref_slice %arg5[%dma_wait3A_1088, %dma_wait3A_1089] : memref<2600000x16xf32, #tpu.memory_space<hbm>> -> memref<2600000x16xf32, #tpu.memory_space<hbm>>
    tpu.wait_indirect_dma semaphore(%arg10 : memref<!tpu.dma_semaphore, #tpu.memory_space<semaphore_mem>>) src(%dma_wait3A_1090 : memref<2600000x16xf32, #tpu.memory_space<hbm>>) dst(%dma_wait3A_1084 : memref<128x16xf32, #tpu.memory_space<vmem>>)
    %dma_wait3A_1091 = arith.constant 13 : i32
    %dma_wait3A_1092 = arith.constant 128 : i32
    %dma_wait3A_1093 = arith.constant 0 : i32
    %dma_wait3A_1094 = tpu.memref_slice %arg8[%dma_wait3A_1092, %dma_wait3A_1093] : memref<512x16xf32, #tpu.memory_space<vmem>> -> memref<128x16xf32, #tpu.memory_space<vmem>>
    %dma_wait3A_1095 = arith.constant 128 : i32
    %dma_wait3A_1096 = tpu.memref_slice %arg7[%dma_wait3A_1091, %dma_wait3A_1095] : memref<28x512xi32, #tpu.memory_space<vmem>> -> memref<1x128xi32, #tpu.memory_space<vmem>>
    %dma_wait3A_1097 = tpu.memref_squeeze %dma_wait3A_1096 : memref<1x128xi32, #tpu.memory_space<vmem>> -> memref<128xi32, #tpu.memory_space<vmem>>
    %dma_wait3A_1098 = arith.constant 0 : i32
    %dma_wait3A_1099 = arith.constant 0 : i32
    %dma_wait3A_1100 = tpu.memref_slice %arg5[%dma_wait3A_1098, %dma_wait3A_1099] : memref<2600000x16xf32, #tpu.memory_space<hbm>> -> memref<2600000x16xf32, #tpu.memory_space<hbm>>
    tpu.wait_indirect_dma semaphore(%arg10 : memref<!tpu.dma_semaphore, #tpu.memory_space<semaphore_mem>>) src(%dma_wait3A_1100 : memref<2600000x16xf32, #tpu.memory_space<hbm>>) dst(%dma_wait3A_1094 : memref<128x16xf32, #tpu.memory_space<vmem>>)
    %dma_wait3A_1101 = arith.constant 13 : i32
    %dma_wait3A_1102 = arith.constant 256 : i32
    %dma_wait3A_1103 = arith.constant 0 : i32
    %dma_wait3A_1104 = tpu.memref_slice %arg8[%dma_wait3A_1102, %dma_wait3A_1103] : memref<512x16xf32, #tpu.memory_space<vmem>> -> memref<128x16xf32, #tpu.memory_space<vmem>>
    %dma_wait3A_1105 = arith.constant 256 : i32
    %dma_wait3A_1106 = tpu.memref_slice %arg7[%dma_wait3A_1101, %dma_wait3A_1105] : memref<28x512xi32, #tpu.memory_space<vmem>> -> memref<1x128xi32, #tpu.memory_space<vmem>>
    %dma_wait3A_1107 = tpu.memref_squeeze %dma_wait3A_1106 : memref<1x128xi32, #tpu.memory_space<vmem>> -> memref<128xi32, #tpu.memory_space<vmem>>
    %dma_wait3A_1108 = arith.constant 0 : i32
    %dma_wait3A_1109 = arith.constant 0 : i32
    %dma_wait3A_1110 = tpu.memref_slice %arg5[%dma_wait3A_1108, %dma_wait3A_1109] : memref<2600000x16xf32, #tpu.memory_space<hbm>> -> memref<2600000x16xf32, #tpu.memory_space<hbm>>
    tpu.wait_indirect_dma semaphore(%arg10 : memref<!tpu.dma_semaphore, #tpu.memory_space<semaphore_mem>>) src(%dma_wait3A_1110 : memref<2600000x16xf32, #tpu.memory_space<hbm>>) dst(%dma_wait3A_1104 : memref<128x16xf32, #tpu.memory_space<vmem>>)
    %dma_wait3A_1111 = arith.constant 13 : i32
    %dma_wait3A_1112 = arith.constant 384 : i32
    %dma_wait3A_1113 = arith.constant 0 : i32
    %dma_wait3A_1114 = tpu.memref_slice %arg8[%dma_wait3A_1112, %dma_wait3A_1113] : memref<512x16xf32, #tpu.memory_space<vmem>> -> memref<128x16xf32, #tpu.memory_space<vmem>>
    %dma_wait3A_1115 = arith.constant 384 : i32
    %dma_wait3A_1116 = tpu.memref_slice %arg7[%dma_wait3A_1111, %dma_wait3A_1115] : memref<28x512xi32, #tpu.memory_space<vmem>> -> memref<1x128xi32, #tpu.memory_space<vmem>>
    %dma_wait3A_1117 = tpu.memref_squeeze %dma_wait3A_1116 : memref<1x128xi32, #tpu.memory_space<vmem>> -> memref<128xi32, #tpu.memory_space<vmem>>
    %dma_wait3A_1118 = arith.constant 0 : i32
    %dma_wait3A_1119 = arith.constant 0 : i32
    %dma_wait3A_1120 = tpu.memref_slice %arg5[%dma_wait3A_1118, %dma_wait3A_1119] : memref<2600000x16xf32, #tpu.memory_space<hbm>> -> memref<2600000x16xf32, #tpu.memory_space<hbm>>
    tpu.wait_indirect_dma semaphore(%arg10 : memref<!tpu.dma_semaphore, #tpu.memory_space<semaphore_mem>>) src(%dma_wait3A_1120 : memref<2600000x16xf32, #tpu.memory_space<hbm>>) dst(%dma_wait3A_1114 : memref<128x16xf32, #tpu.memory_space<vmem>>)
    "tpu.region"() ({
      %run_scoped3A = tpu.sem_alloc : memref<!tpu.dma_semaphore, #tpu.memory_space<semaphore_mem>>
      %dma_start3A_2241 = arith.constant 208 : i32
      %dma_start3A_2242 = tpu.memref_slice %arg6[%mul3A_2, %dma_start3A_2241] : memref<16384x448xf32, #tpu.memory_space<hbm>> -> memref<512x16xf32, #tpu.memory_space<hbm>>
      %dma_start3A_2243 = arith.constant 208 : i32
      %dma_start3A_2244 = tpu.memref_slice %arg6[%mul3A_2, %dma_start3A_2243] : memref<16384x448xf32, #tpu.memory_space<hbm>> -> memref<512x16xf32, #tpu.memory_space<hbm>>
      tpu.enqueue_dma source(%arg8 : memref<512x16xf32, #tpu.memory_space<vmem>>) target(%dma_start3A_2244 : memref<512x16xf32, #tpu.memory_space<hbm>>) target_semaphore(%run_scoped3A : memref<!tpu.dma_semaphore, #tpu.memory_space<semaphore_mem>>)
      %dma_wait3A_2245 = arith.constant 208 : i32
      %dma_wait3A_2246 = tpu.memref_slice %arg6[%mul3A_2, %dma_wait3A_2245] : memref<16384x448xf32, #tpu.memory_space<hbm>> -> memref<512x16xf32, #tpu.memory_space<hbm>>
      %dma_wait3A_2247 = arith.constant 208 : i32
      %dma_wait3A_2248 = tpu.memref_slice %arg6[%mul3A_2, %dma_wait3A_2247] : memref<16384x448xf32, #tpu.memory_space<hbm>> -> memref<512x16xf32, #tpu.memory_space<hbm>>
      tpu.wait_dma2 semaphore(%run_scoped3A : memref<!tpu.dma_semaphore, #tpu.memory_space<semaphore_mem>>) src(%arg8 : memref<512x16xf32, #tpu.memory_space<vmem>>) dst(%dma_wait3A_2248 : memref<512x16xf32, #tpu.memory_space<hbm>>)
      tpu.yield
    }) : () -> ()
    %dma_start3A_1121 = arith.constant 14 : i32
    %dma_start3A_1122 = arith.constant 0 : i32
    %dma_start3A_1123 = arith.constant 0 : i32
    %dma_start3A_1124 = tpu.memref_slice %arg8[%dma_start3A_1122, %dma_start3A_1123] : memref<512x16xf32, #tpu.memory_space<vmem>> -> memref<128x16xf32, #tpu.memory_space<vmem>>
    %dma_start3A_1125 = arith.constant 0 : i32
    %dma_start3A_1126 = tpu.memref_slice %arg7[%dma_start3A_1121, %dma_start3A_1125] : memref<28x512xi32, #tpu.memory_space<vmem>> -> memref<1x128xi32, #tpu.memory_space<vmem>>
    %dma_start3A_1127 = tpu.memref_squeeze %dma_start3A_1126 : memref<1x128xi32, #tpu.memory_space<vmem>> -> memref<128xi32, #tpu.memory_space<vmem>>
    %dma_start3A_1128 = arith.constant 0 : i32
    %dma_start3A_1129 = arith.constant 0 : i32
    %dma_start3A_1130 = tpu.memref_slice %arg5[%dma_start3A_1128, %dma_start3A_1129] : memref<2600000x16xf32, #tpu.memory_space<hbm>> -> memref<2600000x16xf32, #tpu.memory_space<hbm>>
    tpu.enqueue_indirect_dma source(%dma_start3A_1130 : memref<2600000x16xf32, #tpu.memory_space<hbm>>) target(%dma_start3A_1124 : memref<128x16xf32, #tpu.memory_space<vmem>>) offsets(%dma_start3A_1127 : memref<128xi32, #tpu.memory_space<vmem>>) semaphore(%arg10 : memref<!tpu.dma_semaphore, #tpu.memory_space<semaphore_mem>>)
    %dma_start3A_1131 = arith.constant 14 : i32
    %dma_start3A_1132 = arith.constant 128 : i32
    %dma_start3A_1133 = arith.constant 0 : i32
    %dma_start3A_1134 = tpu.memref_slice %arg8[%dma_start3A_1132, %dma_start3A_1133] : memref<512x16xf32, #tpu.memory_space<vmem>> -> memref<128x16xf32, #tpu.memory_space<vmem>>
    %dma_start3A_1135 = arith.constant 128 : i32
    %dma_start3A_1136 = tpu.memref_slice %arg7[%dma_start3A_1131, %dma_start3A_1135] : memref<28x512xi32, #tpu.memory_space<vmem>> -> memref<1x128xi32, #tpu.memory_space<vmem>>
    %dma_start3A_1137 = tpu.memref_squeeze %dma_start3A_1136 : memref<1x128xi32, #tpu.memory_space<vmem>> -> memref<128xi32, #tpu.memory_space<vmem>>
    %dma_start3A_1138 = arith.constant 0 : i32
    %dma_start3A_1139 = arith.constant 0 : i32
    %dma_start3A_1140 = tpu.memref_slice %arg5[%dma_start3A_1138, %dma_start3A_1139] : memref<2600000x16xf32, #tpu.memory_space<hbm>> -> memref<2600000x16xf32, #tpu.memory_space<hbm>>
    tpu.enqueue_indirect_dma source(%dma_start3A_1140 : memref<2600000x16xf32, #tpu.memory_space<hbm>>) target(%dma_start3A_1134 : memref<128x16xf32, #tpu.memory_space<vmem>>) offsets(%dma_start3A_1137 : memref<128xi32, #tpu.memory_space<vmem>>) semaphore(%arg10 : memref<!tpu.dma_semaphore, #tpu.memory_space<semaphore_mem>>)
    %dma_start3A_1141 = arith.constant 14 : i32
    %dma_start3A_1142 = arith.constant 256 : i32
    %dma_start3A_1143 = arith.constant 0 : i32
    %dma_start3A_1144 = tpu.memref_slice %arg8[%dma_start3A_1142, %dma_start3A_1143] : memref<512x16xf32, #tpu.memory_space<vmem>> -> memref<128x16xf32, #tpu.memory_space<vmem>>
    %dma_start3A_1145 = arith.constant 256 : i32
    %dma_start3A_1146 = tpu.memref_slice %arg7[%dma_start3A_1141, %dma_start3A_1145] : memref<28x512xi32, #tpu.memory_space<vmem>> -> memref<1x128xi32, #tpu.memory_space<vmem>>
    %dma_start3A_1147 = tpu.memref_squeeze %dma_start3A_1146 : memref<1x128xi32, #tpu.memory_space<vmem>> -> memref<128xi32, #tpu.memory_space<vmem>>
    %dma_start3A_1148 = arith.constant 0 : i32
    %dma_start3A_1149 = arith.constant 0 : i32
    %dma_start3A_1150 = tpu.memref_slice %arg5[%dma_start3A_1148, %dma_start3A_1149] : memref<2600000x16xf32, #tpu.memory_space<hbm>> -> memref<2600000x16xf32, #tpu.memory_space<hbm>>
    tpu.enqueue_indirect_dma source(%dma_start3A_1150 : memref<2600000x16xf32, #tpu.memory_space<hbm>>) target(%dma_start3A_1144 : memref<128x16xf32, #tpu.memory_space<vmem>>) offsets(%dma_start3A_1147 : memref<128xi32, #tpu.memory_space<vmem>>) semaphore(%arg10 : memref<!tpu.dma_semaphore, #tpu.memory_space<semaphore_mem>>)
    %dma_start3A_1151 = arith.constant 14 : i32
    %dma_start3A_1152 = arith.constant 384 : i32
    %dma_start3A_1153 = arith.constant 0 : i32
    %dma_start3A_1154 = tpu.memref_slice %arg8[%dma_start3A_1152, %dma_start3A_1153] : memref<512x16xf32, #tpu.memory_space<vmem>> -> memref<128x16xf32, #tpu.memory_space<vmem>>
    %dma_start3A_1155 = arith.constant 384 : i32
    %dma_start3A_1156 = tpu.memref_slice %arg7[%dma_start3A_1151, %dma_start3A_1155] : memref<28x512xi32, #tpu.memory_space<vmem>> -> memref<1x128xi32, #tpu.memory_space<vmem>>
    %dma_start3A_1157 = tpu.memref_squeeze %dma_start3A_1156 : memref<1x128xi32, #tpu.memory_space<vmem>> -> memref<128xi32, #tpu.memory_space<vmem>>
    %dma_start3A_1158 = arith.constant 0 : i32
    %dma_start3A_1159 = arith.constant 0 : i32
    %dma_start3A_1160 = tpu.memref_slice %arg5[%dma_start3A_1158, %dma_start3A_1159] : memref<2600000x16xf32, #tpu.memory_space<hbm>> -> memref<2600000x16xf32, #tpu.memory_space<hbm>>
    tpu.enqueue_indirect_dma source(%dma_start3A_1160 : memref<2600000x16xf32, #tpu.memory_space<hbm>>) target(%dma_start3A_1154 : memref<128x16xf32, #tpu.memory_space<vmem>>) offsets(%dma_start3A_1157 : memref<128xi32, #tpu.memory_space<vmem>>) semaphore(%arg10 : memref<!tpu.dma_semaphore, #tpu.memory_space<semaphore_mem>>)
    %dma_wait3A_1161 = arith.constant 14 : i32
    %dma_wait3A_1162 = arith.constant 0 : i32
    %dma_wait3A_1163 = arith.constant 0 : i32
    %dma_wait3A_1164 = tpu.memref_slice %arg8[%dma_wait3A_1162, %dma_wait3A_1163] : memref<512x16xf32, #tpu.memory_space<vmem>> -> memref<128x16xf32, #tpu.memory_space<vmem>>
    %dma_wait3A_1165 = arith.constant 0 : i32
    %dma_wait3A_1166 = tpu.memref_slice %arg7[%dma_wait3A_1161, %dma_wait3A_1165] : memref<28x512xi32, #tpu.memory_space<vmem>> -> memref<1x128xi32, #tpu.memory_space<vmem>>
    %dma_wait3A_1167 = tpu.memref_squeeze %dma_wait3A_1166 : memref<1x128xi32, #tpu.memory_space<vmem>> -> memref<128xi32, #tpu.memory_space<vmem>>
    %dma_wait3A_1168 = arith.constant 0 : i32
    %dma_wait3A_1169 = arith.constant 0 : i32
    %dma_wait3A_1170 = tpu.memref_slice %arg5[%dma_wait3A_1168, %dma_wait3A_1169] : memref<2600000x16xf32, #tpu.memory_space<hbm>> -> memref<2600000x16xf32, #tpu.memory_space<hbm>>
    tpu.wait_indirect_dma semaphore(%arg10 : memref<!tpu.dma_semaphore, #tpu.memory_space<semaphore_mem>>) src(%dma_wait3A_1170 : memref<2600000x16xf32, #tpu.memory_space<hbm>>) dst(%dma_wait3A_1164 : memref<128x16xf32, #tpu.memory_space<vmem>>)
    %dma_wait3A_1171 = arith.constant 14 : i32
    %dma_wait3A_1172 = arith.constant 128 : i32
    %dma_wait3A_1173 = arith.constant 0 : i32
    %dma_wait3A_1174 = tpu.memref_slice %arg8[%dma_wait3A_1172, %dma_wait3A_1173] : memref<512x16xf32, #tpu.memory_space<vmem>> -> memref<128x16xf32, #tpu.memory_space<vmem>>
    %dma_wait3A_1175 = arith.constant 128 : i32
    %dma_wait3A_1176 = tpu.memref_slice %arg7[%dma_wait3A_1171, %dma_wait3A_1175] : memref<28x512xi32, #tpu.memory_space<vmem>> -> memref<1x128xi32, #tpu.memory_space<vmem>>
    %dma_wait3A_1177 = tpu.memref_squeeze %dma_wait3A_1176 : memref<1x128xi32, #tpu.memory_space<vmem>> -> memref<128xi32, #tpu.memory_space<vmem>>
    %dma_wait3A_1178 = arith.constant 0 : i32
    %dma_wait3A_1179 = arith.constant 0 : i32
    %dma_wait3A_1180 = tpu.memref_slice %arg5[%dma_wait3A_1178, %dma_wait3A_1179] : memref<2600000x16xf32, #tpu.memory_space<hbm>> -> memref<2600000x16xf32, #tpu.memory_space<hbm>>
    tpu.wait_indirect_dma semaphore(%arg10 : memref<!tpu.dma_semaphore, #tpu.memory_space<semaphore_mem>>) src(%dma_wait3A_1180 : memref<2600000x16xf32, #tpu.memory_space<hbm>>) dst(%dma_wait3A_1174 : memref<128x16xf32, #tpu.memory_space<vmem>>)
    %dma_wait3A_1181 = arith.constant 14 : i32
    %dma_wait3A_1182 = arith.constant 256 : i32
    %dma_wait3A_1183 = arith.constant 0 : i32
    %dma_wait3A_1184 = tpu.memref_slice %arg8[%dma_wait3A_1182, %dma_wait3A_1183] : memref<512x16xf32, #tpu.memory_space<vmem>> -> memref<128x16xf32, #tpu.memory_space<vmem>>
    %dma_wait3A_1185 = arith.constant 256 : i32
    %dma_wait3A_1186 = tpu.memref_slice %arg7[%dma_wait3A_1181, %dma_wait3A_1185] : memref<28x512xi32, #tpu.memory_space<vmem>> -> memref<1x128xi32, #tpu.memory_space<vmem>>
    %dma_wait3A_1187 = tpu.memref_squeeze %dma_wait3A_1186 : memref<1x128xi32, #tpu.memory_space<vmem>> -> memref<128xi32, #tpu.memory_space<vmem>>
    %dma_wait3A_1188 = arith.constant 0 : i32
    %dma_wait3A_1189 = arith.constant 0 : i32
    %dma_wait3A_1190 = tpu.memref_slice %arg5[%dma_wait3A_1188, %dma_wait3A_1189] : memref<2600000x16xf32, #tpu.memory_space<hbm>> -> memref<2600000x16xf32, #tpu.memory_space<hbm>>
    tpu.wait_indirect_dma semaphore(%arg10 : memref<!tpu.dma_semaphore, #tpu.memory_space<semaphore_mem>>) src(%dma_wait3A_1190 : memref<2600000x16xf32, #tpu.memory_space<hbm>>) dst(%dma_wait3A_1184 : memref<128x16xf32, #tpu.memory_space<vmem>>)
    %dma_wait3A_1191 = arith.constant 14 : i32
    %dma_wait3A_1192 = arith.constant 384 : i32
    %dma_wait3A_1193 = arith.constant 0 : i32
    %dma_wait3A_1194 = tpu.memref_slice %arg8[%dma_wait3A_1192, %dma_wait3A_1193] : memref<512x16xf32, #tpu.memory_space<vmem>> -> memref<128x16xf32, #tpu.memory_space<vmem>>
    %dma_wait3A_1195 = arith.constant 384 : i32
    %dma_wait3A_1196 = tpu.memref_slice %arg7[%dma_wait3A_1191, %dma_wait3A_1195] : memref<28x512xi32, #tpu.memory_space<vmem>> -> memref<1x128xi32, #tpu.memory_space<vmem>>
    %dma_wait3A_1197 = tpu.memref_squeeze %dma_wait3A_1196 : memref<1x128xi32, #tpu.memory_space<vmem>> -> memref<128xi32, #tpu.memory_space<vmem>>
    %dma_wait3A_1198 = arith.constant 0 : i32
    %dma_wait3A_1199 = arith.constant 0 : i32
    %dma_wait3A_1200 = tpu.memref_slice %arg5[%dma_wait3A_1198, %dma_wait3A_1199] : memref<2600000x16xf32, #tpu.memory_space<hbm>> -> memref<2600000x16xf32, #tpu.memory_space<hbm>>
    tpu.wait_indirect_dma semaphore(%arg10 : memref<!tpu.dma_semaphore, #tpu.memory_space<semaphore_mem>>) src(%dma_wait3A_1200 : memref<2600000x16xf32, #tpu.memory_space<hbm>>) dst(%dma_wait3A_1194 : memref<128x16xf32, #tpu.memory_space<vmem>>)
    "tpu.region"() ({
      %run_scoped3A = tpu.sem_alloc : memref<!tpu.dma_semaphore, #tpu.memory_space<semaphore_mem>>
      %dma_start3A_2241 = arith.constant 224 : i32
      %dma_start3A_2242 = tpu.memref_slice %arg6[%mul3A_2, %dma_start3A_2241] : memref<16384x448xf32, #tpu.memory_space<hbm>> -> memref<512x16xf32, #tpu.memory_space<hbm>>
      %dma_start3A_2243 = arith.constant 224 : i32
      %dma_start3A_2244 = tpu.memref_slice %arg6[%mul3A_2, %dma_start3A_2243] : memref<16384x448xf32, #tpu.memory_space<hbm>> -> memref<512x16xf32, #tpu.memory_space<hbm>>
      tpu.enqueue_dma source(%arg8 : memref<512x16xf32, #tpu.memory_space<vmem>>) target(%dma_start3A_2244 : memref<512x16xf32, #tpu.memory_space<hbm>>) target_semaphore(%run_scoped3A : memref<!tpu.dma_semaphore, #tpu.memory_space<semaphore_mem>>)
      %dma_wait3A_2245 = arith.constant 224 : i32
      %dma_wait3A_2246 = tpu.memref_slice %arg6[%mul3A_2, %dma_wait3A_2245] : memref<16384x448xf32, #tpu.memory_space<hbm>> -> memref<512x16xf32, #tpu.memory_space<hbm>>
      %dma_wait3A_2247 = arith.constant 224 : i32
      %dma_wait3A_2248 = tpu.memref_slice %arg6[%mul3A_2, %dma_wait3A_2247] : memref<16384x448xf32, #tpu.memory_space<hbm>> -> memref<512x16xf32, #tpu.memory_space<hbm>>
      tpu.wait_dma2 semaphore(%run_scoped3A : memref<!tpu.dma_semaphore, #tpu.memory_space<semaphore_mem>>) src(%arg8 : memref<512x16xf32, #tpu.memory_space<vmem>>) dst(%dma_wait3A_2248 : memref<512x16xf32, #tpu.memory_space<hbm>>)
      tpu.yield
    }) : () -> ()
    %dma_start3A_1201 = arith.constant 15 : i32
    %dma_start3A_1202 = arith.constant 0 : i32
    %dma_start3A_1203 = arith.constant 0 : i32
    %dma_start3A_1204 = tpu.memref_slice %arg8[%dma_start3A_1202, %dma_start3A_1203] : memref<512x16xf32, #tpu.memory_space<vmem>> -> memref<128x16xf32, #tpu.memory_space<vmem>>
    %dma_start3A_1205 = arith.constant 0 : i32
    %dma_start3A_1206 = tpu.memref_slice %arg7[%dma_start3A_1201, %dma_start3A_1205] : memref<28x512xi32, #tpu.memory_space<vmem>> -> memref<1x128xi32, #tpu.memory_space<vmem>>
    %dma_start3A_1207 = tpu.memref_squeeze %dma_start3A_1206 : memref<1x128xi32, #tpu.memory_space<vmem>> -> memref<128xi32, #tpu.memory_space<vmem>>
    %dma_start3A_1208 = arith.constant 0 : i32
    %dma_start3A_1209 = arith.constant 0 : i32
    %dma_start3A_1210 = tpu.memref_slice %arg5[%dma_start3A_1208, %dma_start3A_1209] : memref<2600000x16xf32, #tpu.memory_space<hbm>> -> memref<2600000x16xf32, #tpu.memory_space<hbm>>
    tpu.enqueue_indirect_dma source(%dma_start3A_1210 : memref<2600000x16xf32, #tpu.memory_space<hbm>>) target(%dma_start3A_1204 : memref<128x16xf32, #tpu.memory_space<vmem>>) offsets(%dma_start3A_1207 : memref<128xi32, #tpu.memory_space<vmem>>) semaphore(%arg10 : memref<!tpu.dma_semaphore, #tpu.memory_space<semaphore_mem>>)
    %dma_start3A_1211 = arith.constant 15 : i32
    %dma_start3A_1212 = arith.constant 128 : i32
    %dma_start3A_1213 = arith.constant 0 : i32
    %dma_start3A_1214 = tpu.memref_slice %arg8[%dma_start3A_1212, %dma_start3A_1213] : memref<512x16xf32, #tpu.memory_space<vmem>> -> memref<128x16xf32, #tpu.memory_space<vmem>>
    %dma_start3A_1215 = arith.constant 128 : i32
    %dma_start3A_1216 = tpu.memref_slice %arg7[%dma_start3A_1211, %dma_start3A_1215] : memref<28x512xi32, #tpu.memory_space<vmem>> -> memref<1x128xi32, #tpu.memory_space<vmem>>
    %dma_start3A_1217 = tpu.memref_squeeze %dma_start3A_1216 : memref<1x128xi32, #tpu.memory_space<vmem>> -> memref<128xi32, #tpu.memory_space<vmem>>
    %dma_start3A_1218 = arith.constant 0 : i32
    %dma_start3A_1219 = arith.constant 0 : i32
    %dma_start3A_1220 = tpu.memref_slice %arg5[%dma_start3A_1218, %dma_start3A_1219] : memref<2600000x16xf32, #tpu.memory_space<hbm>> -> memref<2600000x16xf32, #tpu.memory_space<hbm>>
    tpu.enqueue_indirect_dma source(%dma_start3A_1220 : memref<2600000x16xf32, #tpu.memory_space<hbm>>) target(%dma_start3A_1214 : memref<128x16xf32, #tpu.memory_space<vmem>>) offsets(%dma_start3A_1217 : memref<128xi32, #tpu.memory_space<vmem>>) semaphore(%arg10 : memref<!tpu.dma_semaphore, #tpu.memory_space<semaphore_mem>>)
    %dma_start3A_1221 = arith.constant 15 : i32
    %dma_start3A_1222 = arith.constant 256 : i32
    %dma_start3A_1223 = arith.constant 0 : i32
    %dma_start3A_1224 = tpu.memref_slice %arg8[%dma_start3A_1222, %dma_start3A_1223] : memref<512x16xf32, #tpu.memory_space<vmem>> -> memref<128x16xf32, #tpu.memory_space<vmem>>
    %dma_start3A_1225 = arith.constant 256 : i32
    %dma_start3A_1226 = tpu.memref_slice %arg7[%dma_start3A_1221, %dma_start3A_1225] : memref<28x512xi32, #tpu.memory_space<vmem>> -> memref<1x128xi32, #tpu.memory_space<vmem>>
    %dma_start3A_1227 = tpu.memref_squeeze %dma_start3A_1226 : memref<1x128xi32, #tpu.memory_space<vmem>> -> memref<128xi32, #tpu.memory_space<vmem>>
    %dma_start3A_1228 = arith.constant 0 : i32
    %dma_start3A_1229 = arith.constant 0 : i32
    %dma_start3A_1230 = tpu.memref_slice %arg5[%dma_start3A_1228, %dma_start3A_1229] : memref<2600000x16xf32, #tpu.memory_space<hbm>> -> memref<2600000x16xf32, #tpu.memory_space<hbm>>
    tpu.enqueue_indirect_dma source(%dma_start3A_1230 : memref<2600000x16xf32, #tpu.memory_space<hbm>>) target(%dma_start3A_1224 : memref<128x16xf32, #tpu.memory_space<vmem>>) offsets(%dma_start3A_1227 : memref<128xi32, #tpu.memory_space<vmem>>) semaphore(%arg10 : memref<!tpu.dma_semaphore, #tpu.memory_space<semaphore_mem>>)
    %dma_start3A_1231 = arith.constant 15 : i32
    %dma_start3A_1232 = arith.constant 384 : i32
    %dma_start3A_1233 = arith.constant 0 : i32
    %dma_start3A_1234 = tpu.memref_slice %arg8[%dma_start3A_1232, %dma_start3A_1233] : memref<512x16xf32, #tpu.memory_space<vmem>> -> memref<128x16xf32, #tpu.memory_space<vmem>>
    %dma_start3A_1235 = arith.constant 384 : i32
    %dma_start3A_1236 = tpu.memref_slice %arg7[%dma_start3A_1231, %dma_start3A_1235] : memref<28x512xi32, #tpu.memory_space<vmem>> -> memref<1x128xi32, #tpu.memory_space<vmem>>
    %dma_start3A_1237 = tpu.memref_squeeze %dma_start3A_1236 : memref<1x128xi32, #tpu.memory_space<vmem>> -> memref<128xi32, #tpu.memory_space<vmem>>
    %dma_start3A_1238 = arith.constant 0 : i32
    %dma_start3A_1239 = arith.constant 0 : i32
    %dma_start3A_1240 = tpu.memref_slice %arg5[%dma_start3A_1238, %dma_start3A_1239] : memref<2600000x16xf32, #tpu.memory_space<hbm>> -> memref<2600000x16xf32, #tpu.memory_space<hbm>>
    tpu.enqueue_indirect_dma source(%dma_start3A_1240 : memref<2600000x16xf32, #tpu.memory_space<hbm>>) target(%dma_start3A_1234 : memref<128x16xf32, #tpu.memory_space<vmem>>) offsets(%dma_start3A_1237 : memref<128xi32, #tpu.memory_space<vmem>>) semaphore(%arg10 : memref<!tpu.dma_semaphore, #tpu.memory_space<semaphore_mem>>)
    %dma_wait3A_1241 = arith.constant 15 : i32
    %dma_wait3A_1242 = arith.constant 0 : i32
    %dma_wait3A_1243 = arith.constant 0 : i32
    %dma_wait3A_1244 = tpu.memref_slice %arg8[%dma_wait3A_1242, %dma_wait3A_1243] : memref<512x16xf32, #tpu.memory_space<vmem>> -> memref<128x16xf32, #tpu.memory_space<vmem>>
    %dma_wait3A_1245 = arith.constant 0 : i32
    %dma_wait3A_1246 = tpu.memref_slice %arg7[%dma_wait3A_1241, %dma_wait3A_1245] : memref<28x512xi32, #tpu.memory_space<vmem>> -> memref<1x128xi32, #tpu.memory_space<vmem>>
    %dma_wait3A_1247 = tpu.memref_squeeze %dma_wait3A_1246 : memref<1x128xi32, #tpu.memory_space<vmem>> -> memref<128xi32, #tpu.memory_space<vmem>>
    %dma_wait3A_1248 = arith.constant 0 : i32
    %dma_wait3A_1249 = arith.constant 0 : i32
    %dma_wait3A_1250 = tpu.memref_slice %arg5[%dma_wait3A_1248, %dma_wait3A_1249] : memref<2600000x16xf32, #tpu.memory_space<hbm>> -> memref<2600000x16xf32, #tpu.memory_space<hbm>>
    tpu.wait_indirect_dma semaphore(%arg10 : memref<!tpu.dma_semaphore, #tpu.memory_space<semaphore_mem>>) src(%dma_wait3A_1250 : memref<2600000x16xf32, #tpu.memory_space<hbm>>) dst(%dma_wait3A_1244 : memref<128x16xf32, #tpu.memory_space<vmem>>)
    %dma_wait3A_1251 = arith.constant 15 : i32
    %dma_wait3A_1252 = arith.constant 128 : i32
    %dma_wait3A_1253 = arith.constant 0 : i32
    %dma_wait3A_1254 = tpu.memref_slice %arg8[%dma_wait3A_1252, %dma_wait3A_1253] : memref<512x16xf32, #tpu.memory_space<vmem>> -> memref<128x16xf32, #tpu.memory_space<vmem>>
    %dma_wait3A_1255 = arith.constant 128 : i32
    %dma_wait3A_1256 = tpu.memref_slice %arg7[%dma_wait3A_1251, %dma_wait3A_1255] : memref<28x512xi32, #tpu.memory_space<vmem>> -> memref<1x128xi32, #tpu.memory_space<vmem>>
    %dma_wait3A_1257 = tpu.memref_squeeze %dma_wait3A_1256 : memref<1x128xi32, #tpu.memory_space<vmem>> -> memref<128xi32, #tpu.memory_space<vmem>>
    %dma_wait3A_1258 = arith.constant 0 : i32
    %dma_wait3A_1259 = arith.constant 0 : i32
    %dma_wait3A_1260 = tpu.memref_slice %arg5[%dma_wait3A_1258, %dma_wait3A_1259] : memref<2600000x16xf32, #tpu.memory_space<hbm>> -> memref<2600000x16xf32, #tpu.memory_space<hbm>>
    tpu.wait_indirect_dma semaphore(%arg10 : memref<!tpu.dma_semaphore, #tpu.memory_space<semaphore_mem>>) src(%dma_wait3A_1260 : memref<2600000x16xf32, #tpu.memory_space<hbm>>) dst(%dma_wait3A_1254 : memref<128x16xf32, #tpu.memory_space<vmem>>)
    %dma_wait3A_1261 = arith.constant 15 : i32
    %dma_wait3A_1262 = arith.constant 256 : i32
    %dma_wait3A_1263 = arith.constant 0 : i32
    %dma_wait3A_1264 = tpu.memref_slice %arg8[%dma_wait3A_1262, %dma_wait3A_1263] : memref<512x16xf32, #tpu.memory_space<vmem>> -> memref<128x16xf32, #tpu.memory_space<vmem>>
    %dma_wait3A_1265 = arith.constant 256 : i32
    %dma_wait3A_1266 = tpu.memref_slice %arg7[%dma_wait3A_1261, %dma_wait3A_1265] : memref<28x512xi32, #tpu.memory_space<vmem>> -> memref<1x128xi32, #tpu.memory_space<vmem>>
    %dma_wait3A_1267 = tpu.memref_squeeze %dma_wait3A_1266 : memref<1x128xi32, #tpu.memory_space<vmem>> -> memref<128xi32, #tpu.memory_space<vmem>>
    %dma_wait3A_1268 = arith.constant 0 : i32
    %dma_wait3A_1269 = arith.constant 0 : i32
    %dma_wait3A_1270 = tpu.memref_slice %arg5[%dma_wait3A_1268, %dma_wait3A_1269] : memref<2600000x16xf32, #tpu.memory_space<hbm>> -> memref<2600000x16xf32, #tpu.memory_space<hbm>>
    tpu.wait_indirect_dma semaphore(%arg10 : memref<!tpu.dma_semaphore, #tpu.memory_space<semaphore_mem>>) src(%dma_wait3A_1270 : memref<2600000x16xf32, #tpu.memory_space<hbm>>) dst(%dma_wait3A_1264 : memref<128x16xf32, #tpu.memory_space<vmem>>)
    %dma_wait3A_1271 = arith.constant 15 : i32
    %dma_wait3A_1272 = arith.constant 384 : i32
    %dma_wait3A_1273 = arith.constant 0 : i32
    %dma_wait3A_1274 = tpu.memref_slice %arg8[%dma_wait3A_1272, %dma_wait3A_1273] : memref<512x16xf32, #tpu.memory_space<vmem>> -> memref<128x16xf32, #tpu.memory_space<vmem>>
    %dma_wait3A_1275 = arith.constant 384 : i32
    %dma_wait3A_1276 = tpu.memref_slice %arg7[%dma_wait3A_1271, %dma_wait3A_1275] : memref<28x512xi32, #tpu.memory_space<vmem>> -> memref<1x128xi32, #tpu.memory_space<vmem>>
    %dma_wait3A_1277 = tpu.memref_squeeze %dma_wait3A_1276 : memref<1x128xi32, #tpu.memory_space<vmem>> -> memref<128xi32, #tpu.memory_space<vmem>>
    %dma_wait3A_1278 = arith.constant 0 : i32
    %dma_wait3A_1279 = arith.constant 0 : i32
    %dma_wait3A_1280 = tpu.memref_slice %arg5[%dma_wait3A_1278, %dma_wait3A_1279] : memref<2600000x16xf32, #tpu.memory_space<hbm>> -> memref<2600000x16xf32, #tpu.memory_space<hbm>>
    tpu.wait_indirect_dma semaphore(%arg10 : memref<!tpu.dma_semaphore, #tpu.memory_space<semaphore_mem>>) src(%dma_wait3A_1280 : memref<2600000x16xf32, #tpu.memory_space<hbm>>) dst(%dma_wait3A_1274 : memref<128x16xf32, #tpu.memory_space<vmem>>)
    "tpu.region"() ({
      %run_scoped3A = tpu.sem_alloc : memref<!tpu.dma_semaphore, #tpu.memory_space<semaphore_mem>>
      %dma_start3A_2241 = arith.constant 240 : i32
      %dma_start3A_2242 = tpu.memref_slice %arg6[%mul3A_2, %dma_start3A_2241] : memref<16384x448xf32, #tpu.memory_space<hbm>> -> memref<512x16xf32, #tpu.memory_space<hbm>>
      %dma_start3A_2243 = arith.constant 240 : i32
      %dma_start3A_2244 = tpu.memref_slice %arg6[%mul3A_2, %dma_start3A_2243] : memref<16384x448xf32, #tpu.memory_space<hbm>> -> memref<512x16xf32, #tpu.memory_space<hbm>>
      tpu.enqueue_dma source(%arg8 : memref<512x16xf32, #tpu.memory_space<vmem>>) target(%dma_start3A_2244 : memref<512x16xf32, #tpu.memory_space<hbm>>) target_semaphore(%run_scoped3A : memref<!tpu.dma_semaphore, #tpu.memory_space<semaphore_mem>>)
      %dma_wait3A_2245 = arith.constant 240 : i32
      %dma_wait3A_2246 = tpu.memref_slice %arg6[%mul3A_2, %dma_wait3A_2245] : memref<16384x448xf32, #tpu.memory_space<hbm>> -> memref<512x16xf32, #tpu.memory_space<hbm>>
      %dma_wait3A_2247 = arith.constant 240 : i32
      %dma_wait3A_2248 = tpu.memref_slice %arg6[%mul3A_2, %dma_wait3A_2247] : memref<16384x448xf32, #tpu.memory_space<hbm>> -> memref<512x16xf32, #tpu.memory_space<hbm>>
      tpu.wait_dma2 semaphore(%run_scoped3A : memref<!tpu.dma_semaphore, #tpu.memory_space<semaphore_mem>>) src(%arg8 : memref<512x16xf32, #tpu.memory_space<vmem>>) dst(%dma_wait3A_2248 : memref<512x16xf32, #tpu.memory_space<hbm>>)
      tpu.yield
    }) : () -> ()
    %dma_start3A_1281 = arith.constant 16 : i32
    %dma_start3A_1282 = arith.constant 0 : i32
    %dma_start3A_1283 = arith.constant 0 : i32
    %dma_start3A_1284 = tpu.memref_slice %arg8[%dma_start3A_1282, %dma_start3A_1283] : memref<512x16xf32, #tpu.memory_space<vmem>> -> memref<128x16xf32, #tpu.memory_space<vmem>>
    %dma_start3A_1285 = arith.constant 0 : i32
    %dma_start3A_1286 = tpu.memref_slice %arg7[%dma_start3A_1281, %dma_start3A_1285] : memref<28x512xi32, #tpu.memory_space<vmem>> -> memref<1x128xi32, #tpu.memory_space<vmem>>
    %dma_start3A_1287 = tpu.memref_squeeze %dma_start3A_1286 : memref<1x128xi32, #tpu.memory_space<vmem>> -> memref<128xi32, #tpu.memory_space<vmem>>
    %dma_start3A_1288 = arith.constant 0 : i32
    %dma_start3A_1289 = arith.constant 0 : i32
    %dma_start3A_1290 = tpu.memref_slice %arg5[%dma_start3A_1288, %dma_start3A_1289] : memref<2600000x16xf32, #tpu.memory_space<hbm>> -> memref<2600000x16xf32, #tpu.memory_space<hbm>>
    tpu.enqueue_indirect_dma source(%dma_start3A_1290 : memref<2600000x16xf32, #tpu.memory_space<hbm>>) target(%dma_start3A_1284 : memref<128x16xf32, #tpu.memory_space<vmem>>) offsets(%dma_start3A_1287 : memref<128xi32, #tpu.memory_space<vmem>>) semaphore(%arg10 : memref<!tpu.dma_semaphore, #tpu.memory_space<semaphore_mem>>)
    %dma_start3A_1291 = arith.constant 16 : i32
    %dma_start3A_1292 = arith.constant 128 : i32
    %dma_start3A_1293 = arith.constant 0 : i32
    %dma_start3A_1294 = tpu.memref_slice %arg8[%dma_start3A_1292, %dma_start3A_1293] : memref<512x16xf32, #tpu.memory_space<vmem>> -> memref<128x16xf32, #tpu.memory_space<vmem>>
    %dma_start3A_1295 = arith.constant 128 : i32
    %dma_start3A_1296 = tpu.memref_slice %arg7[%dma_start3A_1291, %dma_start3A_1295] : memref<28x512xi32, #tpu.memory_space<vmem>> -> memref<1x128xi32, #tpu.memory_space<vmem>>
    %dma_start3A_1297 = tpu.memref_squeeze %dma_start3A_1296 : memref<1x128xi32, #tpu.memory_space<vmem>> -> memref<128xi32, #tpu.memory_space<vmem>>
    %dma_start3A_1298 = arith.constant 0 : i32
    %dma_start3A_1299 = arith.constant 0 : i32
    %dma_start3A_1300 = tpu.memref_slice %arg5[%dma_start3A_1298, %dma_start3A_1299] : memref<2600000x16xf32, #tpu.memory_space<hbm>> -> memref<2600000x16xf32, #tpu.memory_space<hbm>>
    tpu.enqueue_indirect_dma source(%dma_start3A_1300 : memref<2600000x16xf32, #tpu.memory_space<hbm>>) target(%dma_start3A_1294 : memref<128x16xf32, #tpu.memory_space<vmem>>) offsets(%dma_start3A_1297 : memref<128xi32, #tpu.memory_space<vmem>>) semaphore(%arg10 : memref<!tpu.dma_semaphore, #tpu.memory_space<semaphore_mem>>)
    %dma_start3A_1301 = arith.constant 16 : i32
    %dma_start3A_1302 = arith.constant 256 : i32
    %dma_start3A_1303 = arith.constant 0 : i32
    %dma_start3A_1304 = tpu.memref_slice %arg8[%dma_start3A_1302, %dma_start3A_1303] : memref<512x16xf32, #tpu.memory_space<vmem>> -> memref<128x16xf32, #tpu.memory_space<vmem>>
    %dma_start3A_1305 = arith.constant 256 : i32
    %dma_start3A_1306 = tpu.memref_slice %arg7[%dma_start3A_1301, %dma_start3A_1305] : memref<28x512xi32, #tpu.memory_space<vmem>> -> memref<1x128xi32, #tpu.memory_space<vmem>>
    %dma_start3A_1307 = tpu.memref_squeeze %dma_start3A_1306 : memref<1x128xi32, #tpu.memory_space<vmem>> -> memref<128xi32, #tpu.memory_space<vmem>>
    %dma_start3A_1308 = arith.constant 0 : i32
    %dma_start3A_1309 = arith.constant 0 : i32
    %dma_start3A_1310 = tpu.memref_slice %arg5[%dma_start3A_1308, %dma_start3A_1309] : memref<2600000x16xf32, #tpu.memory_space<hbm>> -> memref<2600000x16xf32, #tpu.memory_space<hbm>>
    tpu.enqueue_indirect_dma source(%dma_start3A_1310 : memref<2600000x16xf32, #tpu.memory_space<hbm>>) target(%dma_start3A_1304 : memref<128x16xf32, #tpu.memory_space<vmem>>) offsets(%dma_start3A_1307 : memref<128xi32, #tpu.memory_space<vmem>>) semaphore(%arg10 : memref<!tpu.dma_semaphore, #tpu.memory_space<semaphore_mem>>)
    %dma_start3A_1311 = arith.constant 16 : i32
    %dma_start3A_1312 = arith.constant 384 : i32
    %dma_start3A_1313 = arith.constant 0 : i32
    %dma_start3A_1314 = tpu.memref_slice %arg8[%dma_start3A_1312, %dma_start3A_1313] : memref<512x16xf32, #tpu.memory_space<vmem>> -> memref<128x16xf32, #tpu.memory_space<vmem>>
    %dma_start3A_1315 = arith.constant 384 : i32
    %dma_start3A_1316 = tpu.memref_slice %arg7[%dma_start3A_1311, %dma_start3A_1315] : memref<28x512xi32, #tpu.memory_space<vmem>> -> memref<1x128xi32, #tpu.memory_space<vmem>>
    %dma_start3A_1317 = tpu.memref_squeeze %dma_start3A_1316 : memref<1x128xi32, #tpu.memory_space<vmem>> -> memref<128xi32, #tpu.memory_space<vmem>>
    %dma_start3A_1318 = arith.constant 0 : i32
    %dma_start3A_1319 = arith.constant 0 : i32
    %dma_start3A_1320 = tpu.memref_slice %arg5[%dma_start3A_1318, %dma_start3A_1319] : memref<2600000x16xf32, #tpu.memory_space<hbm>> -> memref<2600000x16xf32, #tpu.memory_space<hbm>>
    tpu.enqueue_indirect_dma source(%dma_start3A_1320 : memref<2600000x16xf32, #tpu.memory_space<hbm>>) target(%dma_start3A_1314 : memref<128x16xf32, #tpu.memory_space<vmem>>) offsets(%dma_start3A_1317 : memref<128xi32, #tpu.memory_space<vmem>>) semaphore(%arg10 : memref<!tpu.dma_semaphore, #tpu.memory_space<semaphore_mem>>)
    %dma_wait3A_1321 = arith.constant 16 : i32
    %dma_wait3A_1322 = arith.constant 0 : i32
    %dma_wait3A_1323 = arith.constant 0 : i32
    %dma_wait3A_1324 = tpu.memref_slice %arg8[%dma_wait3A_1322, %dma_wait3A_1323] : memref<512x16xf32, #tpu.memory_space<vmem>> -> memref<128x16xf32, #tpu.memory_space<vmem>>
    %dma_wait3A_1325 = arith.constant 0 : i32
    %dma_wait3A_1326 = tpu.memref_slice %arg7[%dma_wait3A_1321, %dma_wait3A_1325] : memref<28x512xi32, #tpu.memory_space<vmem>> -> memref<1x128xi32, #tpu.memory_space<vmem>>
    %dma_wait3A_1327 = tpu.memref_squeeze %dma_wait3A_1326 : memref<1x128xi32, #tpu.memory_space<vmem>> -> memref<128xi32, #tpu.memory_space<vmem>>
    %dma_wait3A_1328 = arith.constant 0 : i32
    %dma_wait3A_1329 = arith.constant 0 : i32
    %dma_wait3A_1330 = tpu.memref_slice %arg5[%dma_wait3A_1328, %dma_wait3A_1329] : memref<2600000x16xf32, #tpu.memory_space<hbm>> -> memref<2600000x16xf32, #tpu.memory_space<hbm>>
    tpu.wait_indirect_dma semaphore(%arg10 : memref<!tpu.dma_semaphore, #tpu.memory_space<semaphore_mem>>) src(%dma_wait3A_1330 : memref<2600000x16xf32, #tpu.memory_space<hbm>>) dst(%dma_wait3A_1324 : memref<128x16xf32, #tpu.memory_space<vmem>>)
    %dma_wait3A_1331 = arith.constant 16 : i32
    %dma_wait3A_1332 = arith.constant 128 : i32
    %dma_wait3A_1333 = arith.constant 0 : i32
    %dma_wait3A_1334 = tpu.memref_slice %arg8[%dma_wait3A_1332, %dma_wait3A_1333] : memref<512x16xf32, #tpu.memory_space<vmem>> -> memref<128x16xf32, #tpu.memory_space<vmem>>
    %dma_wait3A_1335 = arith.constant 128 : i32
    %dma_wait3A_1336 = tpu.memref_slice %arg7[%dma_wait3A_1331, %dma_wait3A_1335] : memref<28x512xi32, #tpu.memory_space<vmem>> -> memref<1x128xi32, #tpu.memory_space<vmem>>
    %dma_wait3A_1337 = tpu.memref_squeeze %dma_wait3A_1336 : memref<1x128xi32, #tpu.memory_space<vmem>> -> memref<128xi32, #tpu.memory_space<vmem>>
    %dma_wait3A_1338 = arith.constant 0 : i32
    %dma_wait3A_1339 = arith.constant 0 : i32
    %dma_wait3A_1340 = tpu.memref_slice %arg5[%dma_wait3A_1338, %dma_wait3A_1339] : memref<2600000x16xf32, #tpu.memory_space<hbm>> -> memref<2600000x16xf32, #tpu.memory_space<hbm>>
    tpu.wait_indirect_dma semaphore(%arg10 : memref<!tpu.dma_semaphore, #tpu.memory_space<semaphore_mem>>) src(%dma_wait3A_1340 : memref<2600000x16xf32, #tpu.memory_space<hbm>>) dst(%dma_wait3A_1334 : memref<128x16xf32, #tpu.memory_space<vmem>>)
    %dma_wait3A_1341 = arith.constant 16 : i32
    %dma_wait3A_1342 = arith.constant 256 : i32
    %dma_wait3A_1343 = arith.constant 0 : i32
    %dma_wait3A_1344 = tpu.memref_slice %arg8[%dma_wait3A_1342, %dma_wait3A_1343] : memref<512x16xf32, #tpu.memory_space<vmem>> -> memref<128x16xf32, #tpu.memory_space<vmem>>
    %dma_wait3A_1345 = arith.constant 256 : i32
    %dma_wait3A_1346 = tpu.memref_slice %arg7[%dma_wait3A_1341, %dma_wait3A_1345] : memref<28x512xi32, #tpu.memory_space<vmem>> -> memref<1x128xi32, #tpu.memory_space<vmem>>
    %dma_wait3A_1347 = tpu.memref_squeeze %dma_wait3A_1346 : memref<1x128xi32, #tpu.memory_space<vmem>> -> memref<128xi32, #tpu.memory_space<vmem>>
    %dma_wait3A_1348 = arith.constant 0 : i32
    %dma_wait3A_1349 = arith.constant 0 : i32
    %dma_wait3A_1350 = tpu.memref_slice %arg5[%dma_wait3A_1348, %dma_wait3A_1349] : memref<2600000x16xf32, #tpu.memory_space<hbm>> -> memref<2600000x16xf32, #tpu.memory_space<hbm>>
    tpu.wait_indirect_dma semaphore(%arg10 : memref<!tpu.dma_semaphore, #tpu.memory_space<semaphore_mem>>) src(%dma_wait3A_1350 : memref<2600000x16xf32, #tpu.memory_space<hbm>>) dst(%dma_wait3A_1344 : memref<128x16xf32, #tpu.memory_space<vmem>>)
    %dma_wait3A_1351 = arith.constant 16 : i32
    %dma_wait3A_1352 = arith.constant 384 : i32
    %dma_wait3A_1353 = arith.constant 0 : i32
    %dma_wait3A_1354 = tpu.memref_slice %arg8[%dma_wait3A_1352, %dma_wait3A_1353] : memref<512x16xf32, #tpu.memory_space<vmem>> -> memref<128x16xf32, #tpu.memory_space<vmem>>
    %dma_wait3A_1355 = arith.constant 384 : i32
    %dma_wait3A_1356 = tpu.memref_slice %arg7[%dma_wait3A_1351, %dma_wait3A_1355] : memref<28x512xi32, #tpu.memory_space<vmem>> -> memref<1x128xi32, #tpu.memory_space<vmem>>
    %dma_wait3A_1357 = tpu.memref_squeeze %dma_wait3A_1356 : memref<1x128xi32, #tpu.memory_space<vmem>> -> memref<128xi32, #tpu.memory_space<vmem>>
    %dma_wait3A_1358 = arith.constant 0 : i32
    %dma_wait3A_1359 = arith.constant 0 : i32
    %dma_wait3A_1360 = tpu.memref_slice %arg5[%dma_wait3A_1358, %dma_wait3A_1359] : memref<2600000x16xf32, #tpu.memory_space<hbm>> -> memref<2600000x16xf32, #tpu.memory_space<hbm>>
    tpu.wait_indirect_dma semaphore(%arg10 : memref<!tpu.dma_semaphore, #tpu.memory_space<semaphore_mem>>) src(%dma_wait3A_1360 : memref<2600000x16xf32, #tpu.memory_space<hbm>>) dst(%dma_wait3A_1354 : memref<128x16xf32, #tpu.memory_space<vmem>>)
    "tpu.region"() ({
      %run_scoped3A = tpu.sem_alloc : memref<!tpu.dma_semaphore, #tpu.memory_space<semaphore_mem>>
      %dma_start3A_2241 = arith.constant 256 : i32
      %dma_start3A_2242 = tpu.memref_slice %arg6[%mul3A_2, %dma_start3A_2241] : memref<16384x448xf32, #tpu.memory_space<hbm>> -> memref<512x16xf32, #tpu.memory_space<hbm>>
      %dma_start3A_2243 = arith.constant 256 : i32
      %dma_start3A_2244 = tpu.memref_slice %arg6[%mul3A_2, %dma_start3A_2243] : memref<16384x448xf32, #tpu.memory_space<hbm>> -> memref<512x16xf32, #tpu.memory_space<hbm>>
      tpu.enqueue_dma source(%arg8 : memref<512x16xf32, #tpu.memory_space<vmem>>) target(%dma_start3A_2244 : memref<512x16xf32, #tpu.memory_space<hbm>>) target_semaphore(%run_scoped3A : memref<!tpu.dma_semaphore, #tpu.memory_space<semaphore_mem>>)
      %dma_wait3A_2245 = arith.constant 256 : i32
      %dma_wait3A_2246 = tpu.memref_slice %arg6[%mul3A_2, %dma_wait3A_2245] : memref<16384x448xf32, #tpu.memory_space<hbm>> -> memref<512x16xf32, #tpu.memory_space<hbm>>
      %dma_wait3A_2247 = arith.constant 256 : i32
      %dma_wait3A_2248 = tpu.memref_slice %arg6[%mul3A_2, %dma_wait3A_2247] : memref<16384x448xf32, #tpu.memory_space<hbm>> -> memref<512x16xf32, #tpu.memory_space<hbm>>
      tpu.wait_dma2 semaphore(%run_scoped3A : memref<!tpu.dma_semaphore, #tpu.memory_space<semaphore_mem>>) src(%arg8 : memref<512x16xf32, #tpu.memory_space<vmem>>) dst(%dma_wait3A_2248 : memref<512x16xf32, #tpu.memory_space<hbm>>)
      tpu.yield
    }) : () -> ()
    %dma_start3A_1361 = arith.constant 17 : i32
    %dma_start3A_1362 = arith.constant 0 : i32
    %dma_start3A_1363 = arith.constant 0 : i32
    %dma_start3A_1364 = tpu.memref_slice %arg8[%dma_start3A_1362, %dma_start3A_1363] : memref<512x16xf32, #tpu.memory_space<vmem>> -> memref<128x16xf32, #tpu.memory_space<vmem>>
    %dma_start3A_1365 = arith.constant 0 : i32
    %dma_start3A_1366 = tpu.memref_slice %arg7[%dma_start3A_1361, %dma_start3A_1365] : memref<28x512xi32, #tpu.memory_space<vmem>> -> memref<1x128xi32, #tpu.memory_space<vmem>>
    %dma_start3A_1367 = tpu.memref_squeeze %dma_start3A_1366 : memref<1x128xi32, #tpu.memory_space<vmem>> -> memref<128xi32, #tpu.memory_space<vmem>>
    %dma_start3A_1368 = arith.constant 0 : i32
    %dma_start3A_1369 = arith.constant 0 : i32
    %dma_start3A_1370 = tpu.memref_slice %arg5[%dma_start3A_1368, %dma_start3A_1369] : memref<2600000x16xf32, #tpu.memory_space<hbm>> -> memref<2600000x16xf32, #tpu.memory_space<hbm>>
    tpu.enqueue_indirect_dma source(%dma_start3A_1370 : memref<2600000x16xf32, #tpu.memory_space<hbm>>) target(%dma_start3A_1364 : memref<128x16xf32, #tpu.memory_space<vmem>>) offsets(%dma_start3A_1367 : memref<128xi32, #tpu.memory_space<vmem>>) semaphore(%arg10 : memref<!tpu.dma_semaphore, #tpu.memory_space<semaphore_mem>>)
    %dma_start3A_1371 = arith.constant 17 : i32
    %dma_start3A_1372 = arith.constant 128 : i32
    %dma_start3A_1373 = arith.constant 0 : i32
    %dma_start3A_1374 = tpu.memref_slice %arg8[%dma_start3A_1372, %dma_start3A_1373] : memref<512x16xf32, #tpu.memory_space<vmem>> -> memref<128x16xf32, #tpu.memory_space<vmem>>
    %dma_start3A_1375 = arith.constant 128 : i32
    %dma_start3A_1376 = tpu.memref_slice %arg7[%dma_start3A_1371, %dma_start3A_1375] : memref<28x512xi32, #tpu.memory_space<vmem>> -> memref<1x128xi32, #tpu.memory_space<vmem>>
    %dma_start3A_1377 = tpu.memref_squeeze %dma_start3A_1376 : memref<1x128xi32, #tpu.memory_space<vmem>> -> memref<128xi32, #tpu.memory_space<vmem>>
    %dma_start3A_1378 = arith.constant 0 : i32
    %dma_start3A_1379 = arith.constant 0 : i32
    %dma_start3A_1380 = tpu.memref_slice %arg5[%dma_start3A_1378, %dma_start3A_1379] : memref<2600000x16xf32, #tpu.memory_space<hbm>> -> memref<2600000x16xf32, #tpu.memory_space<hbm>>
    tpu.enqueue_indirect_dma source(%dma_start3A_1380 : memref<2600000x16xf32, #tpu.memory_space<hbm>>) target(%dma_start3A_1374 : memref<128x16xf32, #tpu.memory_space<vmem>>) offsets(%dma_start3A_1377 : memref<128xi32, #tpu.memory_space<vmem>>) semaphore(%arg10 : memref<!tpu.dma_semaphore, #tpu.memory_space<semaphore_mem>>)
    %dma_start3A_1381 = arith.constant 17 : i32
    %dma_start3A_1382 = arith.constant 256 : i32
    %dma_start3A_1383 = arith.constant 0 : i32
    %dma_start3A_1384 = tpu.memref_slice %arg8[%dma_start3A_1382, %dma_start3A_1383] : memref<512x16xf32, #tpu.memory_space<vmem>> -> memref<128x16xf32, #tpu.memory_space<vmem>>
    %dma_start3A_1385 = arith.constant 256 : i32
    %dma_start3A_1386 = tpu.memref_slice %arg7[%dma_start3A_1381, %dma_start3A_1385] : memref<28x512xi32, #tpu.memory_space<vmem>> -> memref<1x128xi32, #tpu.memory_space<vmem>>
    %dma_start3A_1387 = tpu.memref_squeeze %dma_start3A_1386 : memref<1x128xi32, #tpu.memory_space<vmem>> -> memref<128xi32, #tpu.memory_space<vmem>>
    %dma_start3A_1388 = arith.constant 0 : i32
    %dma_start3A_1389 = arith.constant 0 : i32
    %dma_start3A_1390 = tpu.memref_slice %arg5[%dma_start3A_1388, %dma_start3A_1389] : memref<2600000x16xf32, #tpu.memory_space<hbm>> -> memref<2600000x16xf32, #tpu.memory_space<hbm>>
    tpu.enqueue_indirect_dma source(%dma_start3A_1390 : memref<2600000x16xf32, #tpu.memory_space<hbm>>) target(%dma_start3A_1384 : memref<128x16xf32, #tpu.memory_space<vmem>>) offsets(%dma_start3A_1387 : memref<128xi32, #tpu.memory_space<vmem>>) semaphore(%arg10 : memref<!tpu.dma_semaphore, #tpu.memory_space<semaphore_mem>>)
    %dma_start3A_1391 = arith.constant 17 : i32
    %dma_start3A_1392 = arith.constant 384 : i32
    %dma_start3A_1393 = arith.constant 0 : i32
    %dma_start3A_1394 = tpu.memref_slice %arg8[%dma_start3A_1392, %dma_start3A_1393] : memref<512x16xf32, #tpu.memory_space<vmem>> -> memref<128x16xf32, #tpu.memory_space<vmem>>
    %dma_start3A_1395 = arith.constant 384 : i32
    %dma_start3A_1396 = tpu.memref_slice %arg7[%dma_start3A_1391, %dma_start3A_1395] : memref<28x512xi32, #tpu.memory_space<vmem>> -> memref<1x128xi32, #tpu.memory_space<vmem>>
    %dma_start3A_1397 = tpu.memref_squeeze %dma_start3A_1396 : memref<1x128xi32, #tpu.memory_space<vmem>> -> memref<128xi32, #tpu.memory_space<vmem>>
    %dma_start3A_1398 = arith.constant 0 : i32
    %dma_start3A_1399 = arith.constant 0 : i32
    %dma_start3A_1400 = tpu.memref_slice %arg5[%dma_start3A_1398, %dma_start3A_1399] : memref<2600000x16xf32, #tpu.memory_space<hbm>> -> memref<2600000x16xf32, #tpu.memory_space<hbm>>
    tpu.enqueue_indirect_dma source(%dma_start3A_1400 : memref<2600000x16xf32, #tpu.memory_space<hbm>>) target(%dma_start3A_1394 : memref<128x16xf32, #tpu.memory_space<vmem>>) offsets(%dma_start3A_1397 : memref<128xi32, #tpu.memory_space<vmem>>) semaphore(%arg10 : memref<!tpu.dma_semaphore, #tpu.memory_space<semaphore_mem>>)
    %dma_wait3A_1401 = arith.constant 17 : i32
    %dma_wait3A_1402 = arith.constant 0 : i32
    %dma_wait3A_1403 = arith.constant 0 : i32
    %dma_wait3A_1404 = tpu.memref_slice %arg8[%dma_wait3A_1402, %dma_wait3A_1403] : memref<512x16xf32, #tpu.memory_space<vmem>> -> memref<128x16xf32, #tpu.memory_space<vmem>>
    %dma_wait3A_1405 = arith.constant 0 : i32
    %dma_wait3A_1406 = tpu.memref_slice %arg7[%dma_wait3A_1401, %dma_wait3A_1405] : memref<28x512xi32, #tpu.memory_space<vmem>> -> memref<1x128xi32, #tpu.memory_space<vmem>>
    %dma_wait3A_1407 = tpu.memref_squeeze %dma_wait3A_1406 : memref<1x128xi32, #tpu.memory_space<vmem>> -> memref<128xi32, #tpu.memory_space<vmem>>
    %dma_wait3A_1408 = arith.constant 0 : i32
    %dma_wait3A_1409 = arith.constant 0 : i32
    %dma_wait3A_1410 = tpu.memref_slice %arg5[%dma_wait3A_1408, %dma_wait3A_1409] : memref<2600000x16xf32, #tpu.memory_space<hbm>> -> memref<2600000x16xf32, #tpu.memory_space<hbm>>
    tpu.wait_indirect_dma semaphore(%arg10 : memref<!tpu.dma_semaphore, #tpu.memory_space<semaphore_mem>>) src(%dma_wait3A_1410 : memref<2600000x16xf32, #tpu.memory_space<hbm>>) dst(%dma_wait3A_1404 : memref<128x16xf32, #tpu.memory_space<vmem>>)
    %dma_wait3A_1411 = arith.constant 17 : i32
    %dma_wait3A_1412 = arith.constant 128 : i32
    %dma_wait3A_1413 = arith.constant 0 : i32
    %dma_wait3A_1414 = tpu.memref_slice %arg8[%dma_wait3A_1412, %dma_wait3A_1413] : memref<512x16xf32, #tpu.memory_space<vmem>> -> memref<128x16xf32, #tpu.memory_space<vmem>>
    %dma_wait3A_1415 = arith.constant 128 : i32
    %dma_wait3A_1416 = tpu.memref_slice %arg7[%dma_wait3A_1411, %dma_wait3A_1415] : memref<28x512xi32, #tpu.memory_space<vmem>> -> memref<1x128xi32, #tpu.memory_space<vmem>>
    %dma_wait3A_1417 = tpu.memref_squeeze %dma_wait3A_1416 : memref<1x128xi32, #tpu.memory_space<vmem>> -> memref<128xi32, #tpu.memory_space<vmem>>
    %dma_wait3A_1418 = arith.constant 0 : i32
    %dma_wait3A_1419 = arith.constant 0 : i32
    %dma_wait3A_1420 = tpu.memref_slice %arg5[%dma_wait3A_1418, %dma_wait3A_1419] : memref<2600000x16xf32, #tpu.memory_space<hbm>> -> memref<2600000x16xf32, #tpu.memory_space<hbm>>
    tpu.wait_indirect_dma semaphore(%arg10 : memref<!tpu.dma_semaphore, #tpu.memory_space<semaphore_mem>>) src(%dma_wait3A_1420 : memref<2600000x16xf32, #tpu.memory_space<hbm>>) dst(%dma_wait3A_1414 : memref<128x16xf32, #tpu.memory_space<vmem>>)
    %dma_wait3A_1421 = arith.constant 17 : i32
    %dma_wait3A_1422 = arith.constant 256 : i32
    %dma_wait3A_1423 = arith.constant 0 : i32
    %dma_wait3A_1424 = tpu.memref_slice %arg8[%dma_wait3A_1422, %dma_wait3A_1423] : memref<512x16xf32, #tpu.memory_space<vmem>> -> memref<128x16xf32, #tpu.memory_space<vmem>>
    %dma_wait3A_1425 = arith.constant 256 : i32
    %dma_wait3A_1426 = tpu.memref_slice %arg7[%dma_wait3A_1421, %dma_wait3A_1425] : memref<28x512xi32, #tpu.memory_space<vmem>> -> memref<1x128xi32, #tpu.memory_space<vmem>>
    %dma_wait3A_1427 = tpu.memref_squeeze %dma_wait3A_1426 : memref<1x128xi32, #tpu.memory_space<vmem>> -> memref<128xi32, #tpu.memory_space<vmem>>
    %dma_wait3A_1428 = arith.constant 0 : i32
    %dma_wait3A_1429 = arith.constant 0 : i32
    %dma_wait3A_1430 = tpu.memref_slice %arg5[%dma_wait3A_1428, %dma_wait3A_1429] : memref<2600000x16xf32, #tpu.memory_space<hbm>> -> memref<2600000x16xf32, #tpu.memory_space<hbm>>
    tpu.wait_indirect_dma semaphore(%arg10 : memref<!tpu.dma_semaphore, #tpu.memory_space<semaphore_mem>>) src(%dma_wait3A_1430 : memref<2600000x16xf32, #tpu.memory_space<hbm>>) dst(%dma_wait3A_1424 : memref<128x16xf32, #tpu.memory_space<vmem>>)
    %dma_wait3A_1431 = arith.constant 17 : i32
    %dma_wait3A_1432 = arith.constant 384 : i32
    %dma_wait3A_1433 = arith.constant 0 : i32
    %dma_wait3A_1434 = tpu.memref_slice %arg8[%dma_wait3A_1432, %dma_wait3A_1433] : memref<512x16xf32, #tpu.memory_space<vmem>> -> memref<128x16xf32, #tpu.memory_space<vmem>>
    %dma_wait3A_1435 = arith.constant 384 : i32
    %dma_wait3A_1436 = tpu.memref_slice %arg7[%dma_wait3A_1431, %dma_wait3A_1435] : memref<28x512xi32, #tpu.memory_space<vmem>> -> memref<1x128xi32, #tpu.memory_space<vmem>>
    %dma_wait3A_1437 = tpu.memref_squeeze %dma_wait3A_1436 : memref<1x128xi32, #tpu.memory_space<vmem>> -> memref<128xi32, #tpu.memory_space<vmem>>
    %dma_wait3A_1438 = arith.constant 0 : i32
    %dma_wait3A_1439 = arith.constant 0 : i32
    %dma_wait3A_1440 = tpu.memref_slice %arg5[%dma_wait3A_1438, %dma_wait3A_1439] : memref<2600000x16xf32, #tpu.memory_space<hbm>> -> memref<2600000x16xf32, #tpu.memory_space<hbm>>
    tpu.wait_indirect_dma semaphore(%arg10 : memref<!tpu.dma_semaphore, #tpu.memory_space<semaphore_mem>>) src(%dma_wait3A_1440 : memref<2600000x16xf32, #tpu.memory_space<hbm>>) dst(%dma_wait3A_1434 : memref<128x16xf32, #tpu.memory_space<vmem>>)
    "tpu.region"() ({
      %run_scoped3A = tpu.sem_alloc : memref<!tpu.dma_semaphore, #tpu.memory_space<semaphore_mem>>
      %dma_start3A_2241 = arith.constant 272 : i32
      %dma_start3A_2242 = tpu.memref_slice %arg6[%mul3A_2, %dma_start3A_2241] : memref<16384x448xf32, #tpu.memory_space<hbm>> -> memref<512x16xf32, #tpu.memory_space<hbm>>
      %dma_start3A_2243 = arith.constant 272 : i32
      %dma_start3A_2244 = tpu.memref_slice %arg6[%mul3A_2, %dma_start3A_2243] : memref<16384x448xf32, #tpu.memory_space<hbm>> -> memref<512x16xf32, #tpu.memory_space<hbm>>
      tpu.enqueue_dma source(%arg8 : memref<512x16xf32, #tpu.memory_space<vmem>>) target(%dma_start3A_2244 : memref<512x16xf32, #tpu.memory_space<hbm>>) target_semaphore(%run_scoped3A : memref<!tpu.dma_semaphore, #tpu.memory_space<semaphore_mem>>)
      %dma_wait3A_2245 = arith.constant 272 : i32
      %dma_wait3A_2246 = tpu.memref_slice %arg6[%mul3A_2, %dma_wait3A_2245] : memref<16384x448xf32, #tpu.memory_space<hbm>> -> memref<512x16xf32, #tpu.memory_space<hbm>>
      %dma_wait3A_2247 = arith.constant 272 : i32
      %dma_wait3A_2248 = tpu.memref_slice %arg6[%mul3A_2, %dma_wait3A_2247] : memref<16384x448xf32, #tpu.memory_space<hbm>> -> memref<512x16xf32, #tpu.memory_space<hbm>>
      tpu.wait_dma2 semaphore(%run_scoped3A : memref<!tpu.dma_semaphore, #tpu.memory_space<semaphore_mem>>) src(%arg8 : memref<512x16xf32, #tpu.memory_space<vmem>>) dst(%dma_wait3A_2248 : memref<512x16xf32, #tpu.memory_space<hbm>>)
      tpu.yield
    }) : () -> ()
    %dma_start3A_1441 = arith.constant 18 : i32
    %dma_start3A_1442 = arith.constant 0 : i32
    %dma_start3A_1443 = arith.constant 0 : i32
    %dma_start3A_1444 = tpu.memref_slice %arg8[%dma_start3A_1442, %dma_start3A_1443] : memref<512x16xf32, #tpu.memory_space<vmem>> -> memref<128x16xf32, #tpu.memory_space<vmem>>
    %dma_start3A_1445 = arith.constant 0 : i32
    %dma_start3A_1446 = tpu.memref_slice %arg7[%dma_start3A_1441, %dma_start3A_1445] : memref<28x512xi32, #tpu.memory_space<vmem>> -> memref<1x128xi32, #tpu.memory_space<vmem>>
    %dma_start3A_1447 = tpu.memref_squeeze %dma_start3A_1446 : memref<1x128xi32, #tpu.memory_space<vmem>> -> memref<128xi32, #tpu.memory_space<vmem>>
    %dma_start3A_1448 = arith.constant 0 : i32
    %dma_start3A_1449 = arith.constant 0 : i32
    %dma_start3A_1450 = tpu.memref_slice %arg5[%dma_start3A_1448, %dma_start3A_1449] : memref<2600000x16xf32, #tpu.memory_space<hbm>> -> memref<2600000x16xf32, #tpu.memory_space<hbm>>
    tpu.enqueue_indirect_dma source(%dma_start3A_1450 : memref<2600000x16xf32, #tpu.memory_space<hbm>>) target(%dma_start3A_1444 : memref<128x16xf32, #tpu.memory_space<vmem>>) offsets(%dma_start3A_1447 : memref<128xi32, #tpu.memory_space<vmem>>) semaphore(%arg10 : memref<!tpu.dma_semaphore, #tpu.memory_space<semaphore_mem>>)
    %dma_start3A_1451 = arith.constant 18 : i32
    %dma_start3A_1452 = arith.constant 128 : i32
    %dma_start3A_1453 = arith.constant 0 : i32
    %dma_start3A_1454 = tpu.memref_slice %arg8[%dma_start3A_1452, %dma_start3A_1453] : memref<512x16xf32, #tpu.memory_space<vmem>> -> memref<128x16xf32, #tpu.memory_space<vmem>>
    %dma_start3A_1455 = arith.constant 128 : i32
    %dma_start3A_1456 = tpu.memref_slice %arg7[%dma_start3A_1451, %dma_start3A_1455] : memref<28x512xi32, #tpu.memory_space<vmem>> -> memref<1x128xi32, #tpu.memory_space<vmem>>
    %dma_start3A_1457 = tpu.memref_squeeze %dma_start3A_1456 : memref<1x128xi32, #tpu.memory_space<vmem>> -> memref<128xi32, #tpu.memory_space<vmem>>
    %dma_start3A_1458 = arith.constant 0 : i32
    %dma_start3A_1459 = arith.constant 0 : i32
    %dma_start3A_1460 = tpu.memref_slice %arg5[%dma_start3A_1458, %dma_start3A_1459] : memref<2600000x16xf32, #tpu.memory_space<hbm>> -> memref<2600000x16xf32, #tpu.memory_space<hbm>>
    tpu.enqueue_indirect_dma source(%dma_start3A_1460 : memref<2600000x16xf32, #tpu.memory_space<hbm>>) target(%dma_start3A_1454 : memref<128x16xf32, #tpu.memory_space<vmem>>) offsets(%dma_start3A_1457 : memref<128xi32, #tpu.memory_space<vmem>>) semaphore(%arg10 : memref<!tpu.dma_semaphore, #tpu.memory_space<semaphore_mem>>)
    %dma_start3A_1461 = arith.constant 18 : i32
    %dma_start3A_1462 = arith.constant 256 : i32
    %dma_start3A_1463 = arith.constant 0 : i32
    %dma_start3A_1464 = tpu.memref_slice %arg8[%dma_start3A_1462, %dma_start3A_1463] : memref<512x16xf32, #tpu.memory_space<vmem>> -> memref<128x16xf32, #tpu.memory_space<vmem>>
    %dma_start3A_1465 = arith.constant 256 : i32
    %dma_start3A_1466 = tpu.memref_slice %arg7[%dma_start3A_1461, %dma_start3A_1465] : memref<28x512xi32, #tpu.memory_space<vmem>> -> memref<1x128xi32, #tpu.memory_space<vmem>>
    %dma_start3A_1467 = tpu.memref_squeeze %dma_start3A_1466 : memref<1x128xi32, #tpu.memory_space<vmem>> -> memref<128xi32, #tpu.memory_space<vmem>>
    %dma_start3A_1468 = arith.constant 0 : i32
    %dma_start3A_1469 = arith.constant 0 : i32
    %dma_start3A_1470 = tpu.memref_slice %arg5[%dma_start3A_1468, %dma_start3A_1469] : memref<2600000x16xf32, #tpu.memory_space<hbm>> -> memref<2600000x16xf32, #tpu.memory_space<hbm>>
    tpu.enqueue_indirect_dma source(%dma_start3A_1470 : memref<2600000x16xf32, #tpu.memory_space<hbm>>) target(%dma_start3A_1464 : memref<128x16xf32, #tpu.memory_space<vmem>>) offsets(%dma_start3A_1467 : memref<128xi32, #tpu.memory_space<vmem>>) semaphore(%arg10 : memref<!tpu.dma_semaphore, #tpu.memory_space<semaphore_mem>>)
    %dma_start3A_1471 = arith.constant 18 : i32
    %dma_start3A_1472 = arith.constant 384 : i32
    %dma_start3A_1473 = arith.constant 0 : i32
    %dma_start3A_1474 = tpu.memref_slice %arg8[%dma_start3A_1472, %dma_start3A_1473] : memref<512x16xf32, #tpu.memory_space<vmem>> -> memref<128x16xf32, #tpu.memory_space<vmem>>
    %dma_start3A_1475 = arith.constant 384 : i32
    %dma_start3A_1476 = tpu.memref_slice %arg7[%dma_start3A_1471, %dma_start3A_1475] : memref<28x512xi32, #tpu.memory_space<vmem>> -> memref<1x128xi32, #tpu.memory_space<vmem>>
    %dma_start3A_1477 = tpu.memref_squeeze %dma_start3A_1476 : memref<1x128xi32, #tpu.memory_space<vmem>> -> memref<128xi32, #tpu.memory_space<vmem>>
    %dma_start3A_1478 = arith.constant 0 : i32
    %dma_start3A_1479 = arith.constant 0 : i32
    %dma_start3A_1480 = tpu.memref_slice %arg5[%dma_start3A_1478, %dma_start3A_1479] : memref<2600000x16xf32, #tpu.memory_space<hbm>> -> memref<2600000x16xf32, #tpu.memory_space<hbm>>
    tpu.enqueue_indirect_dma source(%dma_start3A_1480 : memref<2600000x16xf32, #tpu.memory_space<hbm>>) target(%dma_start3A_1474 : memref<128x16xf32, #tpu.memory_space<vmem>>) offsets(%dma_start3A_1477 : memref<128xi32, #tpu.memory_space<vmem>>) semaphore(%arg10 : memref<!tpu.dma_semaphore, #tpu.memory_space<semaphore_mem>>)
    %dma_wait3A_1481 = arith.constant 18 : i32
    %dma_wait3A_1482 = arith.constant 0 : i32
    %dma_wait3A_1483 = arith.constant 0 : i32
    %dma_wait3A_1484 = tpu.memref_slice %arg8[%dma_wait3A_1482, %dma_wait3A_1483] : memref<512x16xf32, #tpu.memory_space<vmem>> -> memref<128x16xf32, #tpu.memory_space<vmem>>
    %dma_wait3A_1485 = arith.constant 0 : i32
    %dma_wait3A_1486 = tpu.memref_slice %arg7[%dma_wait3A_1481, %dma_wait3A_1485] : memref<28x512xi32, #tpu.memory_space<vmem>> -> memref<1x128xi32, #tpu.memory_space<vmem>>
    %dma_wait3A_1487 = tpu.memref_squeeze %dma_wait3A_1486 : memref<1x128xi32, #tpu.memory_space<vmem>> -> memref<128xi32, #tpu.memory_space<vmem>>
    %dma_wait3A_1488 = arith.constant 0 : i32
    %dma_wait3A_1489 = arith.constant 0 : i32
    %dma_wait3A_1490 = tpu.memref_slice %arg5[%dma_wait3A_1488, %dma_wait3A_1489] : memref<2600000x16xf32, #tpu.memory_space<hbm>> -> memref<2600000x16xf32, #tpu.memory_space<hbm>>
    tpu.wait_indirect_dma semaphore(%arg10 : memref<!tpu.dma_semaphore, #tpu.memory_space<semaphore_mem>>) src(%dma_wait3A_1490 : memref<2600000x16xf32, #tpu.memory_space<hbm>>) dst(%dma_wait3A_1484 : memref<128x16xf32, #tpu.memory_space<vmem>>)
    %dma_wait3A_1491 = arith.constant 18 : i32
    %dma_wait3A_1492 = arith.constant 128 : i32
    %dma_wait3A_1493 = arith.constant 0 : i32
    %dma_wait3A_1494 = tpu.memref_slice %arg8[%dma_wait3A_1492, %dma_wait3A_1493] : memref<512x16xf32, #tpu.memory_space<vmem>> -> memref<128x16xf32, #tpu.memory_space<vmem>>
    %dma_wait3A_1495 = arith.constant 128 : i32
    %dma_wait3A_1496 = tpu.memref_slice %arg7[%dma_wait3A_1491, %dma_wait3A_1495] : memref<28x512xi32, #tpu.memory_space<vmem>> -> memref<1x128xi32, #tpu.memory_space<vmem>>
    %dma_wait3A_1497 = tpu.memref_squeeze %dma_wait3A_1496 : memref<1x128xi32, #tpu.memory_space<vmem>> -> memref<128xi32, #tpu.memory_space<vmem>>
    %dma_wait3A_1498 = arith.constant 0 : i32
    %dma_wait3A_1499 = arith.constant 0 : i32
    %dma_wait3A_1500 = tpu.memref_slice %arg5[%dma_wait3A_1498, %dma_wait3A_1499] : memref<2600000x16xf32, #tpu.memory_space<hbm>> -> memref<2600000x16xf32, #tpu.memory_space<hbm>>
    tpu.wait_indirect_dma semaphore(%arg10 : memref<!tpu.dma_semaphore, #tpu.memory_space<semaphore_mem>>) src(%dma_wait3A_1500 : memref<2600000x16xf32, #tpu.memory_space<hbm>>) dst(%dma_wait3A_1494 : memref<128x16xf32, #tpu.memory_space<vmem>>)
    %dma_wait3A_1501 = arith.constant 18 : i32
    %dma_wait3A_1502 = arith.constant 256 : i32
    %dma_wait3A_1503 = arith.constant 0 : i32
    %dma_wait3A_1504 = tpu.memref_slice %arg8[%dma_wait3A_1502, %dma_wait3A_1503] : memref<512x16xf32, #tpu.memory_space<vmem>> -> memref<128x16xf32, #tpu.memory_space<vmem>>
    %dma_wait3A_1505 = arith.constant 256 : i32
    %dma_wait3A_1506 = tpu.memref_slice %arg7[%dma_wait3A_1501, %dma_wait3A_1505] : memref<28x512xi32, #tpu.memory_space<vmem>> -> memref<1x128xi32, #tpu.memory_space<vmem>>
    %dma_wait3A_1507 = tpu.memref_squeeze %dma_wait3A_1506 : memref<1x128xi32, #tpu.memory_space<vmem>> -> memref<128xi32, #tpu.memory_space<vmem>>
    %dma_wait3A_1508 = arith.constant 0 : i32
    %dma_wait3A_1509 = arith.constant 0 : i32
    %dma_wait3A_1510 = tpu.memref_slice %arg5[%dma_wait3A_1508, %dma_wait3A_1509] : memref<2600000x16xf32, #tpu.memory_space<hbm>> -> memref<2600000x16xf32, #tpu.memory_space<hbm>>
    tpu.wait_indirect_dma semaphore(%arg10 : memref<!tpu.dma_semaphore, #tpu.memory_space<semaphore_mem>>) src(%dma_wait3A_1510 : memref<2600000x16xf32, #tpu.memory_space<hbm>>) dst(%dma_wait3A_1504 : memref<128x16xf32, #tpu.memory_space<vmem>>)
    %dma_wait3A_1511 = arith.constant 18 : i32
    %dma_wait3A_1512 = arith.constant 384 : i32
    %dma_wait3A_1513 = arith.constant 0 : i32
    %dma_wait3A_1514 = tpu.memref_slice %arg8[%dma_wait3A_1512, %dma_wait3A_1513] : memref<512x16xf32, #tpu.memory_space<vmem>> -> memref<128x16xf32, #tpu.memory_space<vmem>>
    %dma_wait3A_1515 = arith.constant 384 : i32
    %dma_wait3A_1516 = tpu.memref_slice %arg7[%dma_wait3A_1511, %dma_wait3A_1515] : memref<28x512xi32, #tpu.memory_space<vmem>> -> memref<1x128xi32, #tpu.memory_space<vmem>>
    %dma_wait3A_1517 = tpu.memref_squeeze %dma_wait3A_1516 : memref<1x128xi32, #tpu.memory_space<vmem>> -> memref<128xi32, #tpu.memory_space<vmem>>
    %dma_wait3A_1518 = arith.constant 0 : i32
    %dma_wait3A_1519 = arith.constant 0 : i32
    %dma_wait3A_1520 = tpu.memref_slice %arg5[%dma_wait3A_1518, %dma_wait3A_1519] : memref<2600000x16xf32, #tpu.memory_space<hbm>> -> memref<2600000x16xf32, #tpu.memory_space<hbm>>
    tpu.wait_indirect_dma semaphore(%arg10 : memref<!tpu.dma_semaphore, #tpu.memory_space<semaphore_mem>>) src(%dma_wait3A_1520 : memref<2600000x16xf32, #tpu.memory_space<hbm>>) dst(%dma_wait3A_1514 : memref<128x16xf32, #tpu.memory_space<vmem>>)
    "tpu.region"() ({
      %run_scoped3A = tpu.sem_alloc : memref<!tpu.dma_semaphore, #tpu.memory_space<semaphore_mem>>
      %dma_start3A_2241 = arith.constant 288 : i32
      %dma_start3A_2242 = tpu.memref_slice %arg6[%mul3A_2, %dma_start3A_2241] : memref<16384x448xf32, #tpu.memory_space<hbm>> -> memref<512x16xf32, #tpu.memory_space<hbm>>
      %dma_start3A_2243 = arith.constant 288 : i32
      %dma_start3A_2244 = tpu.memref_slice %arg6[%mul3A_2, %dma_start3A_2243] : memref<16384x448xf32, #tpu.memory_space<hbm>> -> memref<512x16xf32, #tpu.memory_space<hbm>>
      tpu.enqueue_dma source(%arg8 : memref<512x16xf32, #tpu.memory_space<vmem>>) target(%dma_start3A_2244 : memref<512x16xf32, #tpu.memory_space<hbm>>) target_semaphore(%run_scoped3A : memref<!tpu.dma_semaphore, #tpu.memory_space<semaphore_mem>>)
      %dma_wait3A_2245 = arith.constant 288 : i32
      %dma_wait3A_2246 = tpu.memref_slice %arg6[%mul3A_2, %dma_wait3A_2245] : memref<16384x448xf32, #tpu.memory_space<hbm>> -> memref<512x16xf32, #tpu.memory_space<hbm>>
      %dma_wait3A_2247 = arith.constant 288 : i32
      %dma_wait3A_2248 = tpu.memref_slice %arg6[%mul3A_2, %dma_wait3A_2247] : memref<16384x448xf32, #tpu.memory_space<hbm>> -> memref<512x16xf32, #tpu.memory_space<hbm>>
      tpu.wait_dma2 semaphore(%run_scoped3A : memref<!tpu.dma_semaphore, #tpu.memory_space<semaphore_mem>>) src(%arg8 : memref<512x16xf32, #tpu.memory_space<vmem>>) dst(%dma_wait3A_2248 : memref<512x16xf32, #tpu.memory_space<hbm>>)
      tpu.yield
    }) : () -> ()
    %dma_start3A_1521 = arith.constant 19 : i32
    %dma_start3A_1522 = arith.constant 0 : i32
    %dma_start3A_1523 = arith.constant 0 : i32
    %dma_start3A_1524 = tpu.memref_slice %arg8[%dma_start3A_1522, %dma_start3A_1523] : memref<512x16xf32, #tpu.memory_space<vmem>> -> memref<128x16xf32, #tpu.memory_space<vmem>>
    %dma_start3A_1525 = arith.constant 0 : i32
    %dma_start3A_1526 = tpu.memref_slice %arg7[%dma_start3A_1521, %dma_start3A_1525] : memref<28x512xi32, #tpu.memory_space<vmem>> -> memref<1x128xi32, #tpu.memory_space<vmem>>
    %dma_start3A_1527 = tpu.memref_squeeze %dma_start3A_1526 : memref<1x128xi32, #tpu.memory_space<vmem>> -> memref<128xi32, #tpu.memory_space<vmem>>
    %dma_start3A_1528 = arith.constant 0 : i32
    %dma_start3A_1529 = arith.constant 0 : i32
    %dma_start3A_1530 = tpu.memref_slice %arg5[%dma_start3A_1528, %dma_start3A_1529] : memref<2600000x16xf32, #tpu.memory_space<hbm>> -> memref<2600000x16xf32, #tpu.memory_space<hbm>>
    tpu.enqueue_indirect_dma source(%dma_start3A_1530 : memref<2600000x16xf32, #tpu.memory_space<hbm>>) target(%dma_start3A_1524 : memref<128x16xf32, #tpu.memory_space<vmem>>) offsets(%dma_start3A_1527 : memref<128xi32, #tpu.memory_space<vmem>>) semaphore(%arg10 : memref<!tpu.dma_semaphore, #tpu.memory_space<semaphore_mem>>)
    %dma_start3A_1531 = arith.constant 19 : i32
    %dma_start3A_1532 = arith.constant 128 : i32
    %dma_start3A_1533 = arith.constant 0 : i32
    %dma_start3A_1534 = tpu.memref_slice %arg8[%dma_start3A_1532, %dma_start3A_1533] : memref<512x16xf32, #tpu.memory_space<vmem>> -> memref<128x16xf32, #tpu.memory_space<vmem>>
    %dma_start3A_1535 = arith.constant 128 : i32
    %dma_start3A_1536 = tpu.memref_slice %arg7[%dma_start3A_1531, %dma_start3A_1535] : memref<28x512xi32, #tpu.memory_space<vmem>> -> memref<1x128xi32, #tpu.memory_space<vmem>>
    %dma_start3A_1537 = tpu.memref_squeeze %dma_start3A_1536 : memref<1x128xi32, #tpu.memory_space<vmem>> -> memref<128xi32, #tpu.memory_space<vmem>>
    %dma_start3A_1538 = arith.constant 0 : i32
    %dma_start3A_1539 = arith.constant 0 : i32
    %dma_start3A_1540 = tpu.memref_slice %arg5[%dma_start3A_1538, %dma_start3A_1539] : memref<2600000x16xf32, #tpu.memory_space<hbm>> -> memref<2600000x16xf32, #tpu.memory_space<hbm>>
    tpu.enqueue_indirect_dma source(%dma_start3A_1540 : memref<2600000x16xf32, #tpu.memory_space<hbm>>) target(%dma_start3A_1534 : memref<128x16xf32, #tpu.memory_space<vmem>>) offsets(%dma_start3A_1537 : memref<128xi32, #tpu.memory_space<vmem>>) semaphore(%arg10 : memref<!tpu.dma_semaphore, #tpu.memory_space<semaphore_mem>>)
    %dma_start3A_1541 = arith.constant 19 : i32
    %dma_start3A_1542 = arith.constant 256 : i32
    %dma_start3A_1543 = arith.constant 0 : i32
    %dma_start3A_1544 = tpu.memref_slice %arg8[%dma_start3A_1542, %dma_start3A_1543] : memref<512x16xf32, #tpu.memory_space<vmem>> -> memref<128x16xf32, #tpu.memory_space<vmem>>
    %dma_start3A_1545 = arith.constant 256 : i32
    %dma_start3A_1546 = tpu.memref_slice %arg7[%dma_start3A_1541, %dma_start3A_1545] : memref<28x512xi32, #tpu.memory_space<vmem>> -> memref<1x128xi32, #tpu.memory_space<vmem>>
    %dma_start3A_1547 = tpu.memref_squeeze %dma_start3A_1546 : memref<1x128xi32, #tpu.memory_space<vmem>> -> memref<128xi32, #tpu.memory_space<vmem>>
    %dma_start3A_1548 = arith.constant 0 : i32
    %dma_start3A_1549 = arith.constant 0 : i32
    %dma_start3A_1550 = tpu.memref_slice %arg5[%dma_start3A_1548, %dma_start3A_1549] : memref<2600000x16xf32, #tpu.memory_space<hbm>> -> memref<2600000x16xf32, #tpu.memory_space<hbm>>
    tpu.enqueue_indirect_dma source(%dma_start3A_1550 : memref<2600000x16xf32, #tpu.memory_space<hbm>>) target(%dma_start3A_1544 : memref<128x16xf32, #tpu.memory_space<vmem>>) offsets(%dma_start3A_1547 : memref<128xi32, #tpu.memory_space<vmem>>) semaphore(%arg10 : memref<!tpu.dma_semaphore, #tpu.memory_space<semaphore_mem>>)
    %dma_start3A_1551 = arith.constant 19 : i32
    %dma_start3A_1552 = arith.constant 384 : i32
    %dma_start3A_1553 = arith.constant 0 : i32
    %dma_start3A_1554 = tpu.memref_slice %arg8[%dma_start3A_1552, %dma_start3A_1553] : memref<512x16xf32, #tpu.memory_space<vmem>> -> memref<128x16xf32, #tpu.memory_space<vmem>>
    %dma_start3A_1555 = arith.constant 384 : i32
    %dma_start3A_1556 = tpu.memref_slice %arg7[%dma_start3A_1551, %dma_start3A_1555] : memref<28x512xi32, #tpu.memory_space<vmem>> -> memref<1x128xi32, #tpu.memory_space<vmem>>
    %dma_start3A_1557 = tpu.memref_squeeze %dma_start3A_1556 : memref<1x128xi32, #tpu.memory_space<vmem>> -> memref<128xi32, #tpu.memory_space<vmem>>
    %dma_start3A_1558 = arith.constant 0 : i32
    %dma_start3A_1559 = arith.constant 0 : i32
    %dma_start3A_1560 = tpu.memref_slice %arg5[%dma_start3A_1558, %dma_start3A_1559] : memref<2600000x16xf32, #tpu.memory_space<hbm>> -> memref<2600000x16xf32, #tpu.memory_space<hbm>>
    tpu.enqueue_indirect_dma source(%dma_start3A_1560 : memref<2600000x16xf32, #tpu.memory_space<hbm>>) target(%dma_start3A_1554 : memref<128x16xf32, #tpu.memory_space<vmem>>) offsets(%dma_start3A_1557 : memref<128xi32, #tpu.memory_space<vmem>>) semaphore(%arg10 : memref<!tpu.dma_semaphore, #tpu.memory_space<semaphore_mem>>)
    %dma_wait3A_1561 = arith.constant 19 : i32
    %dma_wait3A_1562 = arith.constant 0 : i32
    %dma_wait3A_1563 = arith.constant 0 : i32
    %dma_wait3A_1564 = tpu.memref_slice %arg8[%dma_wait3A_1562, %dma_wait3A_1563] : memref<512x16xf32, #tpu.memory_space<vmem>> -> memref<128x16xf32, #tpu.memory_space<vmem>>
    %dma_wait3A_1565 = arith.constant 0 : i32
    %dma_wait3A_1566 = tpu.memref_slice %arg7[%dma_wait3A_1561, %dma_wait3A_1565] : memref<28x512xi32, #tpu.memory_space<vmem>> -> memref<1x128xi32, #tpu.memory_space<vmem>>
    %dma_wait3A_1567 = tpu.memref_squeeze %dma_wait3A_1566 : memref<1x128xi32, #tpu.memory_space<vmem>> -> memref<128xi32, #tpu.memory_space<vmem>>
    %dma_wait3A_1568 = arith.constant 0 : i32
    %dma_wait3A_1569 = arith.constant 0 : i32
    %dma_wait3A_1570 = tpu.memref_slice %arg5[%dma_wait3A_1568, %dma_wait3A_1569] : memref<2600000x16xf32, #tpu.memory_space<hbm>> -> memref<2600000x16xf32, #tpu.memory_space<hbm>>
    tpu.wait_indirect_dma semaphore(%arg10 : memref<!tpu.dma_semaphore, #tpu.memory_space<semaphore_mem>>) src(%dma_wait3A_1570 : memref<2600000x16xf32, #tpu.memory_space<hbm>>) dst(%dma_wait3A_1564 : memref<128x16xf32, #tpu.memory_space<vmem>>)
    %dma_wait3A_1571 = arith.constant 19 : i32
    %dma_wait3A_1572 = arith.constant 128 : i32
    %dma_wait3A_1573 = arith.constant 0 : i32
    %dma_wait3A_1574 = tpu.memref_slice %arg8[%dma_wait3A_1572, %dma_wait3A_1573] : memref<512x16xf32, #tpu.memory_space<vmem>> -> memref<128x16xf32, #tpu.memory_space<vmem>>
    %dma_wait3A_1575 = arith.constant 128 : i32
    %dma_wait3A_1576 = tpu.memref_slice %arg7[%dma_wait3A_1571, %dma_wait3A_1575] : memref<28x512xi32, #tpu.memory_space<vmem>> -> memref<1x128xi32, #tpu.memory_space<vmem>>
    %dma_wait3A_1577 = tpu.memref_squeeze %dma_wait3A_1576 : memref<1x128xi32, #tpu.memory_space<vmem>> -> memref<128xi32, #tpu.memory_space<vmem>>
    %dma_wait3A_1578 = arith.constant 0 : i32
    %dma_wait3A_1579 = arith.constant 0 : i32
    %dma_wait3A_1580 = tpu.memref_slice %arg5[%dma_wait3A_1578, %dma_wait3A_1579] : memref<2600000x16xf32, #tpu.memory_space<hbm>> -> memref<2600000x16xf32, #tpu.memory_space<hbm>>
    tpu.wait_indirect_dma semaphore(%arg10 : memref<!tpu.dma_semaphore, #tpu.memory_space<semaphore_mem>>) src(%dma_wait3A_1580 : memref<2600000x16xf32, #tpu.memory_space<hbm>>) dst(%dma_wait3A_1574 : memref<128x16xf32, #tpu.memory_space<vmem>>)
    %dma_wait3A_1581 = arith.constant 19 : i32
    %dma_wait3A_1582 = arith.constant 256 : i32
    %dma_wait3A_1583 = arith.constant 0 : i32
    %dma_wait3A_1584 = tpu.memref_slice %arg8[%dma_wait3A_1582, %dma_wait3A_1583] : memref<512x16xf32, #tpu.memory_space<vmem>> -> memref<128x16xf32, #tpu.memory_space<vmem>>
    %dma_wait3A_1585 = arith.constant 256 : i32
    %dma_wait3A_1586 = tpu.memref_slice %arg7[%dma_wait3A_1581, %dma_wait3A_1585] : memref<28x512xi32, #tpu.memory_space<vmem>> -> memref<1x128xi32, #tpu.memory_space<vmem>>
    %dma_wait3A_1587 = tpu.memref_squeeze %dma_wait3A_1586 : memref<1x128xi32, #tpu.memory_space<vmem>> -> memref<128xi32, #tpu.memory_space<vmem>>
    %dma_wait3A_1588 = arith.constant 0 : i32
    %dma_wait3A_1589 = arith.constant 0 : i32
    %dma_wait3A_1590 = tpu.memref_slice %arg5[%dma_wait3A_1588, %dma_wait3A_1589] : memref<2600000x16xf32, #tpu.memory_space<hbm>> -> memref<2600000x16xf32, #tpu.memory_space<hbm>>
    tpu.wait_indirect_dma semaphore(%arg10 : memref<!tpu.dma_semaphore, #tpu.memory_space<semaphore_mem>>) src(%dma_wait3A_1590 : memref<2600000x16xf32, #tpu.memory_space<hbm>>) dst(%dma_wait3A_1584 : memref<128x16xf32, #tpu.memory_space<vmem>>)
    %dma_wait3A_1591 = arith.constant 19 : i32
    %dma_wait3A_1592 = arith.constant 384 : i32
    %dma_wait3A_1593 = arith.constant 0 : i32
    %dma_wait3A_1594 = tpu.memref_slice %arg8[%dma_wait3A_1592, %dma_wait3A_1593] : memref<512x16xf32, #tpu.memory_space<vmem>> -> memref<128x16xf32, #tpu.memory_space<vmem>>
    %dma_wait3A_1595 = arith.constant 384 : i32
    %dma_wait3A_1596 = tpu.memref_slice %arg7[%dma_wait3A_1591, %dma_wait3A_1595] : memref<28x512xi32, #tpu.memory_space<vmem>> -> memref<1x128xi32, #tpu.memory_space<vmem>>
    %dma_wait3A_1597 = tpu.memref_squeeze %dma_wait3A_1596 : memref<1x128xi32, #tpu.memory_space<vmem>> -> memref<128xi32, #tpu.memory_space<vmem>>
    %dma_wait3A_1598 = arith.constant 0 : i32
    %dma_wait3A_1599 = arith.constant 0 : i32
    %dma_wait3A_1600 = tpu.memref_slice %arg5[%dma_wait3A_1598, %dma_wait3A_1599] : memref<2600000x16xf32, #tpu.memory_space<hbm>> -> memref<2600000x16xf32, #tpu.memory_space<hbm>>
    tpu.wait_indirect_dma semaphore(%arg10 : memref<!tpu.dma_semaphore, #tpu.memory_space<semaphore_mem>>) src(%dma_wait3A_1600 : memref<2600000x16xf32, #tpu.memory_space<hbm>>) dst(%dma_wait3A_1594 : memref<128x16xf32, #tpu.memory_space<vmem>>)
    "tpu.region"() ({
      %run_scoped3A = tpu.sem_alloc : memref<!tpu.dma_semaphore, #tpu.memory_space<semaphore_mem>>
      %dma_start3A_2241 = arith.constant 304 : i32
      %dma_start3A_2242 = tpu.memref_slice %arg6[%mul3A_2, %dma_start3A_2241] : memref<16384x448xf32, #tpu.memory_space<hbm>> -> memref<512x16xf32, #tpu.memory_space<hbm>>
      %dma_start3A_2243 = arith.constant 304 : i32
      %dma_start3A_2244 = tpu.memref_slice %arg6[%mul3A_2, %dma_start3A_2243] : memref<16384x448xf32, #tpu.memory_space<hbm>> -> memref<512x16xf32, #tpu.memory_space<hbm>>
      tpu.enqueue_dma source(%arg8 : memref<512x16xf32, #tpu.memory_space<vmem>>) target(%dma_start3A_2244 : memref<512x16xf32, #tpu.memory_space<hbm>>) target_semaphore(%run_scoped3A : memref<!tpu.dma_semaphore, #tpu.memory_space<semaphore_mem>>)
      %dma_wait3A_2245 = arith.constant 304 : i32
      %dma_wait3A_2246 = tpu.memref_slice %arg6[%mul3A_2, %dma_wait3A_2245] : memref<16384x448xf32, #tpu.memory_space<hbm>> -> memref<512x16xf32, #tpu.memory_space<hbm>>
      %dma_wait3A_2247 = arith.constant 304 : i32
      %dma_wait3A_2248 = tpu.memref_slice %arg6[%mul3A_2, %dma_wait3A_2247] : memref<16384x448xf32, #tpu.memory_space<hbm>> -> memref<512x16xf32, #tpu.memory_space<hbm>>
      tpu.wait_dma2 semaphore(%run_scoped3A : memref<!tpu.dma_semaphore, #tpu.memory_space<semaphore_mem>>) src(%arg8 : memref<512x16xf32, #tpu.memory_space<vmem>>) dst(%dma_wait3A_2248 : memref<512x16xf32, #tpu.memory_space<hbm>>)
      tpu.yield
    }) : () -> ()
    %dma_start3A_1601 = arith.constant 20 : i32
    %dma_start3A_1602 = arith.constant 0 : i32
    %dma_start3A_1603 = arith.constant 0 : i32
    %dma_start3A_1604 = tpu.memref_slice %arg8[%dma_start3A_1602, %dma_start3A_1603] : memref<512x16xf32, #tpu.memory_space<vmem>> -> memref<128x16xf32, #tpu.memory_space<vmem>>
    %dma_start3A_1605 = arith.constant 0 : i32
    %dma_start3A_1606 = tpu.memref_slice %arg7[%dma_start3A_1601, %dma_start3A_1605] : memref<28x512xi32, #tpu.memory_space<vmem>> -> memref<1x128xi32, #tpu.memory_space<vmem>>
    %dma_start3A_1607 = tpu.memref_squeeze %dma_start3A_1606 : memref<1x128xi32, #tpu.memory_space<vmem>> -> memref<128xi32, #tpu.memory_space<vmem>>
    %dma_start3A_1608 = arith.constant 0 : i32
    %dma_start3A_1609 = arith.constant 0 : i32
    %dma_start3A_1610 = tpu.memref_slice %arg5[%dma_start3A_1608, %dma_start3A_1609] : memref<2600000x16xf32, #tpu.memory_space<hbm>> -> memref<2600000x16xf32, #tpu.memory_space<hbm>>
    tpu.enqueue_indirect_dma source(%dma_start3A_1610 : memref<2600000x16xf32, #tpu.memory_space<hbm>>) target(%dma_start3A_1604 : memref<128x16xf32, #tpu.memory_space<vmem>>) offsets(%dma_start3A_1607 : memref<128xi32, #tpu.memory_space<vmem>>) semaphore(%arg10 : memref<!tpu.dma_semaphore, #tpu.memory_space<semaphore_mem>>)
    %dma_start3A_1611 = arith.constant 20 : i32
    %dma_start3A_1612 = arith.constant 128 : i32
    %dma_start3A_1613 = arith.constant 0 : i32
    %dma_start3A_1614 = tpu.memref_slice %arg8[%dma_start3A_1612, %dma_start3A_1613] : memref<512x16xf32, #tpu.memory_space<vmem>> -> memref<128x16xf32, #tpu.memory_space<vmem>>
    %dma_start3A_1615 = arith.constant 128 : i32
    %dma_start3A_1616 = tpu.memref_slice %arg7[%dma_start3A_1611, %dma_start3A_1615] : memref<28x512xi32, #tpu.memory_space<vmem>> -> memref<1x128xi32, #tpu.memory_space<vmem>>
    %dma_start3A_1617 = tpu.memref_squeeze %dma_start3A_1616 : memref<1x128xi32, #tpu.memory_space<vmem>> -> memref<128xi32, #tpu.memory_space<vmem>>
    %dma_start3A_1618 = arith.constant 0 : i32
    %dma_start3A_1619 = arith.constant 0 : i32
    %dma_start3A_1620 = tpu.memref_slice %arg5[%dma_start3A_1618, %dma_start3A_1619] : memref<2600000x16xf32, #tpu.memory_space<hbm>> -> memref<2600000x16xf32, #tpu.memory_space<hbm>>
    tpu.enqueue_indirect_dma source(%dma_start3A_1620 : memref<2600000x16xf32, #tpu.memory_space<hbm>>) target(%dma_start3A_1614 : memref<128x16xf32, #tpu.memory_space<vmem>>) offsets(%dma_start3A_1617 : memref<128xi32, #tpu.memory_space<vmem>>) semaphore(%arg10 : memref<!tpu.dma_semaphore, #tpu.memory_space<semaphore_mem>>)
    %dma_start3A_1621 = arith.constant 20 : i32
    %dma_start3A_1622 = arith.constant 256 : i32
    %dma_start3A_1623 = arith.constant 0 : i32
    %dma_start3A_1624 = tpu.memref_slice %arg8[%dma_start3A_1622, %dma_start3A_1623] : memref<512x16xf32, #tpu.memory_space<vmem>> -> memref<128x16xf32, #tpu.memory_space<vmem>>
    %dma_start3A_1625 = arith.constant 256 : i32
    %dma_start3A_1626 = tpu.memref_slice %arg7[%dma_start3A_1621, %dma_start3A_1625] : memref<28x512xi32, #tpu.memory_space<vmem>> -> memref<1x128xi32, #tpu.memory_space<vmem>>
    %dma_start3A_1627 = tpu.memref_squeeze %dma_start3A_1626 : memref<1x128xi32, #tpu.memory_space<vmem>> -> memref<128xi32, #tpu.memory_space<vmem>>
    %dma_start3A_1628 = arith.constant 0 : i32
    %dma_start3A_1629 = arith.constant 0 : i32
    %dma_start3A_1630 = tpu.memref_slice %arg5[%dma_start3A_1628, %dma_start3A_1629] : memref<2600000x16xf32, #tpu.memory_space<hbm>> -> memref<2600000x16xf32, #tpu.memory_space<hbm>>
    tpu.enqueue_indirect_dma source(%dma_start3A_1630 : memref<2600000x16xf32, #tpu.memory_space<hbm>>) target(%dma_start3A_1624 : memref<128x16xf32, #tpu.memory_space<vmem>>) offsets(%dma_start3A_1627 : memref<128xi32, #tpu.memory_space<vmem>>) semaphore(%arg10 : memref<!tpu.dma_semaphore, #tpu.memory_space<semaphore_mem>>)
    %dma_start3A_1631 = arith.constant 20 : i32
    %dma_start3A_1632 = arith.constant 384 : i32
    %dma_start3A_1633 = arith.constant 0 : i32
    %dma_start3A_1634 = tpu.memref_slice %arg8[%dma_start3A_1632, %dma_start3A_1633] : memref<512x16xf32, #tpu.memory_space<vmem>> -> memref<128x16xf32, #tpu.memory_space<vmem>>
    %dma_start3A_1635 = arith.constant 384 : i32
    %dma_start3A_1636 = tpu.memref_slice %arg7[%dma_start3A_1631, %dma_start3A_1635] : memref<28x512xi32, #tpu.memory_space<vmem>> -> memref<1x128xi32, #tpu.memory_space<vmem>>
    %dma_start3A_1637 = tpu.memref_squeeze %dma_start3A_1636 : memref<1x128xi32, #tpu.memory_space<vmem>> -> memref<128xi32, #tpu.memory_space<vmem>>
    %dma_start3A_1638 = arith.constant 0 : i32
    %dma_start3A_1639 = arith.constant 0 : i32
    %dma_start3A_1640 = tpu.memref_slice %arg5[%dma_start3A_1638, %dma_start3A_1639] : memref<2600000x16xf32, #tpu.memory_space<hbm>> -> memref<2600000x16xf32, #tpu.memory_space<hbm>>
    tpu.enqueue_indirect_dma source(%dma_start3A_1640 : memref<2600000x16xf32, #tpu.memory_space<hbm>>) target(%dma_start3A_1634 : memref<128x16xf32, #tpu.memory_space<vmem>>) offsets(%dma_start3A_1637 : memref<128xi32, #tpu.memory_space<vmem>>) semaphore(%arg10 : memref<!tpu.dma_semaphore, #tpu.memory_space<semaphore_mem>>)
    %dma_wait3A_1641 = arith.constant 20 : i32
    %dma_wait3A_1642 = arith.constant 0 : i32
    %dma_wait3A_1643 = arith.constant 0 : i32
    %dma_wait3A_1644 = tpu.memref_slice %arg8[%dma_wait3A_1642, %dma_wait3A_1643] : memref<512x16xf32, #tpu.memory_space<vmem>> -> memref<128x16xf32, #tpu.memory_space<vmem>>
    %dma_wait3A_1645 = arith.constant 0 : i32
    %dma_wait3A_1646 = tpu.memref_slice %arg7[%dma_wait3A_1641, %dma_wait3A_1645] : memref<28x512xi32, #tpu.memory_space<vmem>> -> memref<1x128xi32, #tpu.memory_space<vmem>>
    %dma_wait3A_1647 = tpu.memref_squeeze %dma_wait3A_1646 : memref<1x128xi32, #tpu.memory_space<vmem>> -> memref<128xi32, #tpu.memory_space<vmem>>
    %dma_wait3A_1648 = arith.constant 0 : i32
    %dma_wait3A_1649 = arith.constant 0 : i32
    %dma_wait3A_1650 = tpu.memref_slice %arg5[%dma_wait3A_1648, %dma_wait3A_1649] : memref<2600000x16xf32, #tpu.memory_space<hbm>> -> memref<2600000x16xf32, #tpu.memory_space<hbm>>
    tpu.wait_indirect_dma semaphore(%arg10 : memref<!tpu.dma_semaphore, #tpu.memory_space<semaphore_mem>>) src(%dma_wait3A_1650 : memref<2600000x16xf32, #tpu.memory_space<hbm>>) dst(%dma_wait3A_1644 : memref<128x16xf32, #tpu.memory_space<vmem>>)
    %dma_wait3A_1651 = arith.constant 20 : i32
    %dma_wait3A_1652 = arith.constant 128 : i32
    %dma_wait3A_1653 = arith.constant 0 : i32
    %dma_wait3A_1654 = tpu.memref_slice %arg8[%dma_wait3A_1652, %dma_wait3A_1653] : memref<512x16xf32, #tpu.memory_space<vmem>> -> memref<128x16xf32, #tpu.memory_space<vmem>>
    %dma_wait3A_1655 = arith.constant 128 : i32
    %dma_wait3A_1656 = tpu.memref_slice %arg7[%dma_wait3A_1651, %dma_wait3A_1655] : memref<28x512xi32, #tpu.memory_space<vmem>> -> memref<1x128xi32, #tpu.memory_space<vmem>>
    %dma_wait3A_1657 = tpu.memref_squeeze %dma_wait3A_1656 : memref<1x128xi32, #tpu.memory_space<vmem>> -> memref<128xi32, #tpu.memory_space<vmem>>
    %dma_wait3A_1658 = arith.constant 0 : i32
    %dma_wait3A_1659 = arith.constant 0 : i32
    %dma_wait3A_1660 = tpu.memref_slice %arg5[%dma_wait3A_1658, %dma_wait3A_1659] : memref<2600000x16xf32, #tpu.memory_space<hbm>> -> memref<2600000x16xf32, #tpu.memory_space<hbm>>
    tpu.wait_indirect_dma semaphore(%arg10 : memref<!tpu.dma_semaphore, #tpu.memory_space<semaphore_mem>>) src(%dma_wait3A_1660 : memref<2600000x16xf32, #tpu.memory_space<hbm>>) dst(%dma_wait3A_1654 : memref<128x16xf32, #tpu.memory_space<vmem>>)
    %dma_wait3A_1661 = arith.constant 20 : i32
    %dma_wait3A_1662 = arith.constant 256 : i32
    %dma_wait3A_1663 = arith.constant 0 : i32
    %dma_wait3A_1664 = tpu.memref_slice %arg8[%dma_wait3A_1662, %dma_wait3A_1663] : memref<512x16xf32, #tpu.memory_space<vmem>> -> memref<128x16xf32, #tpu.memory_space<vmem>>
    %dma_wait3A_1665 = arith.constant 256 : i32
    %dma_wait3A_1666 = tpu.memref_slice %arg7[%dma_wait3A_1661, %dma_wait3A_1665] : memref<28x512xi32, #tpu.memory_space<vmem>> -> memref<1x128xi32, #tpu.memory_space<vmem>>
    %dma_wait3A_1667 = tpu.memref_squeeze %dma_wait3A_1666 : memref<1x128xi32, #tpu.memory_space<vmem>> -> memref<128xi32, #tpu.memory_space<vmem>>
    %dma_wait3A_1668 = arith.constant 0 : i32
    %dma_wait3A_1669 = arith.constant 0 : i32
    %dma_wait3A_1670 = tpu.memref_slice %arg5[%dma_wait3A_1668, %dma_wait3A_1669] : memref<2600000x16xf32, #tpu.memory_space<hbm>> -> memref<2600000x16xf32, #tpu.memory_space<hbm>>
    tpu.wait_indirect_dma semaphore(%arg10 : memref<!tpu.dma_semaphore, #tpu.memory_space<semaphore_mem>>) src(%dma_wait3A_1670 : memref<2600000x16xf32, #tpu.memory_space<hbm>>) dst(%dma_wait3A_1664 : memref<128x16xf32, #tpu.memory_space<vmem>>)
    %dma_wait3A_1671 = arith.constant 20 : i32
    %dma_wait3A_1672 = arith.constant 384 : i32
    %dma_wait3A_1673 = arith.constant 0 : i32
    %dma_wait3A_1674 = tpu.memref_slice %arg8[%dma_wait3A_1672, %dma_wait3A_1673] : memref<512x16xf32, #tpu.memory_space<vmem>> -> memref<128x16xf32, #tpu.memory_space<vmem>>
    %dma_wait3A_1675 = arith.constant 384 : i32
    %dma_wait3A_1676 = tpu.memref_slice %arg7[%dma_wait3A_1671, %dma_wait3A_1675] : memref<28x512xi32, #tpu.memory_space<vmem>> -> memref<1x128xi32, #tpu.memory_space<vmem>>
    %dma_wait3A_1677 = tpu.memref_squeeze %dma_wait3A_1676 : memref<1x128xi32, #tpu.memory_space<vmem>> -> memref<128xi32, #tpu.memory_space<vmem>>
    %dma_wait3A_1678 = arith.constant 0 : i32
    %dma_wait3A_1679 = arith.constant 0 : i32
    %dma_wait3A_1680 = tpu.memref_slice %arg5[%dma_wait3A_1678, %dma_wait3A_1679] : memref<2600000x16xf32, #tpu.memory_space<hbm>> -> memref<2600000x16xf32, #tpu.memory_space<hbm>>
    tpu.wait_indirect_dma semaphore(%arg10 : memref<!tpu.dma_semaphore, #tpu.memory_space<semaphore_mem>>) src(%dma_wait3A_1680 : memref<2600000x16xf32, #tpu.memory_space<hbm>>) dst(%dma_wait3A_1674 : memref<128x16xf32, #tpu.memory_space<vmem>>)
    "tpu.region"() ({
      %run_scoped3A = tpu.sem_alloc : memref<!tpu.dma_semaphore, #tpu.memory_space<semaphore_mem>>
      %dma_start3A_2241 = arith.constant 320 : i32
      %dma_start3A_2242 = tpu.memref_slice %arg6[%mul3A_2, %dma_start3A_2241] : memref<16384x448xf32, #tpu.memory_space<hbm>> -> memref<512x16xf32, #tpu.memory_space<hbm>>
      %dma_start3A_2243 = arith.constant 320 : i32
      %dma_start3A_2244 = tpu.memref_slice %arg6[%mul3A_2, %dma_start3A_2243] : memref<16384x448xf32, #tpu.memory_space<hbm>> -> memref<512x16xf32, #tpu.memory_space<hbm>>
      tpu.enqueue_dma source(%arg8 : memref<512x16xf32, #tpu.memory_space<vmem>>) target(%dma_start3A_2244 : memref<512x16xf32, #tpu.memory_space<hbm>>) target_semaphore(%run_scoped3A : memref<!tpu.dma_semaphore, #tpu.memory_space<semaphore_mem>>)
      %dma_wait3A_2245 = arith.constant 320 : i32
      %dma_wait3A_2246 = tpu.memref_slice %arg6[%mul3A_2, %dma_wait3A_2245] : memref<16384x448xf32, #tpu.memory_space<hbm>> -> memref<512x16xf32, #tpu.memory_space<hbm>>
      %dma_wait3A_2247 = arith.constant 320 : i32
      %dma_wait3A_2248 = tpu.memref_slice %arg6[%mul3A_2, %dma_wait3A_2247] : memref<16384x448xf32, #tpu.memory_space<hbm>> -> memref<512x16xf32, #tpu.memory_space<hbm>>
      tpu.wait_dma2 semaphore(%run_scoped3A : memref<!tpu.dma_semaphore, #tpu.memory_space<semaphore_mem>>) src(%arg8 : memref<512x16xf32, #tpu.memory_space<vmem>>) dst(%dma_wait3A_2248 : memref<512x16xf32, #tpu.memory_space<hbm>>)
      tpu.yield
    }) : () -> ()
    %dma_start3A_1681 = arith.constant 21 : i32
    %dma_start3A_1682 = arith.constant 0 : i32
    %dma_start3A_1683 = arith.constant 0 : i32
    %dma_start3A_1684 = tpu.memref_slice %arg8[%dma_start3A_1682, %dma_start3A_1683] : memref<512x16xf32, #tpu.memory_space<vmem>> -> memref<128x16xf32, #tpu.memory_space<vmem>>
    %dma_start3A_1685 = arith.constant 0 : i32
    %dma_start3A_1686 = tpu.memref_slice %arg7[%dma_start3A_1681, %dma_start3A_1685] : memref<28x512xi32, #tpu.memory_space<vmem>> -> memref<1x128xi32, #tpu.memory_space<vmem>>
    %dma_start3A_1687 = tpu.memref_squeeze %dma_start3A_1686 : memref<1x128xi32, #tpu.memory_space<vmem>> -> memref<128xi32, #tpu.memory_space<vmem>>
    %dma_start3A_1688 = arith.constant 0 : i32
    %dma_start3A_1689 = arith.constant 0 : i32
    %dma_start3A_1690 = tpu.memref_slice %arg5[%dma_start3A_1688, %dma_start3A_1689] : memref<2600000x16xf32, #tpu.memory_space<hbm>> -> memref<2600000x16xf32, #tpu.memory_space<hbm>>
    tpu.enqueue_indirect_dma source(%dma_start3A_1690 : memref<2600000x16xf32, #tpu.memory_space<hbm>>) target(%dma_start3A_1684 : memref<128x16xf32, #tpu.memory_space<vmem>>) offsets(%dma_start3A_1687 : memref<128xi32, #tpu.memory_space<vmem>>) semaphore(%arg10 : memref<!tpu.dma_semaphore, #tpu.memory_space<semaphore_mem>>)
    %dma_start3A_1691 = arith.constant 21 : i32
    %dma_start3A_1692 = arith.constant 128 : i32
    %dma_start3A_1693 = arith.constant 0 : i32
    %dma_start3A_1694 = tpu.memref_slice %arg8[%dma_start3A_1692, %dma_start3A_1693] : memref<512x16xf32, #tpu.memory_space<vmem>> -> memref<128x16xf32, #tpu.memory_space<vmem>>
    %dma_start3A_1695 = arith.constant 128 : i32
    %dma_start3A_1696 = tpu.memref_slice %arg7[%dma_start3A_1691, %dma_start3A_1695] : memref<28x512xi32, #tpu.memory_space<vmem>> -> memref<1x128xi32, #tpu.memory_space<vmem>>
    %dma_start3A_1697 = tpu.memref_squeeze %dma_start3A_1696 : memref<1x128xi32, #tpu.memory_space<vmem>> -> memref<128xi32, #tpu.memory_space<vmem>>
    %dma_start3A_1698 = arith.constant 0 : i32
    %dma_start3A_1699 = arith.constant 0 : i32
    %dma_start3A_1700 = tpu.memref_slice %arg5[%dma_start3A_1698, %dma_start3A_1699] : memref<2600000x16xf32, #tpu.memory_space<hbm>> -> memref<2600000x16xf32, #tpu.memory_space<hbm>>
    tpu.enqueue_indirect_dma source(%dma_start3A_1700 : memref<2600000x16xf32, #tpu.memory_space<hbm>>) target(%dma_start3A_1694 : memref<128x16xf32, #tpu.memory_space<vmem>>) offsets(%dma_start3A_1697 : memref<128xi32, #tpu.memory_space<vmem>>) semaphore(%arg10 : memref<!tpu.dma_semaphore, #tpu.memory_space<semaphore_mem>>)
    %dma_start3A_1701 = arith.constant 21 : i32
    %dma_start3A_1702 = arith.constant 256 : i32
    %dma_start3A_1703 = arith.constant 0 : i32
    %dma_start3A_1704 = tpu.memref_slice %arg8[%dma_start3A_1702, %dma_start3A_1703] : memref<512x16xf32, #tpu.memory_space<vmem>> -> memref<128x16xf32, #tpu.memory_space<vmem>>
    %dma_start3A_1705 = arith.constant 256 : i32
    %dma_start3A_1706 = tpu.memref_slice %arg7[%dma_start3A_1701, %dma_start3A_1705] : memref<28x512xi32, #tpu.memory_space<vmem>> -> memref<1x128xi32, #tpu.memory_space<vmem>>
    %dma_start3A_1707 = tpu.memref_squeeze %dma_start3A_1706 : memref<1x128xi32, #tpu.memory_space<vmem>> -> memref<128xi32, #tpu.memory_space<vmem>>
    %dma_start3A_1708 = arith.constant 0 : i32
    %dma_start3A_1709 = arith.constant 0 : i32
    %dma_start3A_1710 = tpu.memref_slice %arg5[%dma_start3A_1708, %dma_start3A_1709] : memref<2600000x16xf32, #tpu.memory_space<hbm>> -> memref<2600000x16xf32, #tpu.memory_space<hbm>>
    tpu.enqueue_indirect_dma source(%dma_start3A_1710 : memref<2600000x16xf32, #tpu.memory_space<hbm>>) target(%dma_start3A_1704 : memref<128x16xf32, #tpu.memory_space<vmem>>) offsets(%dma_start3A_1707 : memref<128xi32, #tpu.memory_space<vmem>>) semaphore(%arg10 : memref<!tpu.dma_semaphore, #tpu.memory_space<semaphore_mem>>)
    %dma_start3A_1711 = arith.constant 21 : i32
    %dma_start3A_1712 = arith.constant 384 : i32
    %dma_start3A_1713 = arith.constant 0 : i32
    %dma_start3A_1714 = tpu.memref_slice %arg8[%dma_start3A_1712, %dma_start3A_1713] : memref<512x16xf32, #tpu.memory_space<vmem>> -> memref<128x16xf32, #tpu.memory_space<vmem>>
    %dma_start3A_1715 = arith.constant 384 : i32
    %dma_start3A_1716 = tpu.memref_slice %arg7[%dma_start3A_1711, %dma_start3A_1715] : memref<28x512xi32, #tpu.memory_space<vmem>> -> memref<1x128xi32, #tpu.memory_space<vmem>>
    %dma_start3A_1717 = tpu.memref_squeeze %dma_start3A_1716 : memref<1x128xi32, #tpu.memory_space<vmem>> -> memref<128xi32, #tpu.memory_space<vmem>>
    %dma_start3A_1718 = arith.constant 0 : i32
    %dma_start3A_1719 = arith.constant 0 : i32
    %dma_start3A_1720 = tpu.memref_slice %arg5[%dma_start3A_1718, %dma_start3A_1719] : memref<2600000x16xf32, #tpu.memory_space<hbm>> -> memref<2600000x16xf32, #tpu.memory_space<hbm>>
    tpu.enqueue_indirect_dma source(%dma_start3A_1720 : memref<2600000x16xf32, #tpu.memory_space<hbm>>) target(%dma_start3A_1714 : memref<128x16xf32, #tpu.memory_space<vmem>>) offsets(%dma_start3A_1717 : memref<128xi32, #tpu.memory_space<vmem>>) semaphore(%arg10 : memref<!tpu.dma_semaphore, #tpu.memory_space<semaphore_mem>>)
    %dma_wait3A_1721 = arith.constant 21 : i32
    %dma_wait3A_1722 = arith.constant 0 : i32
    %dma_wait3A_1723 = arith.constant 0 : i32
    %dma_wait3A_1724 = tpu.memref_slice %arg8[%dma_wait3A_1722, %dma_wait3A_1723] : memref<512x16xf32, #tpu.memory_space<vmem>> -> memref<128x16xf32, #tpu.memory_space<vmem>>
    %dma_wait3A_1725 = arith.constant 0 : i32
    %dma_wait3A_1726 = tpu.memref_slice %arg7[%dma_wait3A_1721, %dma_wait3A_1725] : memref<28x512xi32, #tpu.memory_space<vmem>> -> memref<1x128xi32, #tpu.memory_space<vmem>>
    %dma_wait3A_1727 = tpu.memref_squeeze %dma_wait3A_1726 : memref<1x128xi32, #tpu.memory_space<vmem>> -> memref<128xi32, #tpu.memory_space<vmem>>
    %dma_wait3A_1728 = arith.constant 0 : i32
    %dma_wait3A_1729 = arith.constant 0 : i32
    %dma_wait3A_1730 = tpu.memref_slice %arg5[%dma_wait3A_1728, %dma_wait3A_1729] : memref<2600000x16xf32, #tpu.memory_space<hbm>> -> memref<2600000x16xf32, #tpu.memory_space<hbm>>
    tpu.wait_indirect_dma semaphore(%arg10 : memref<!tpu.dma_semaphore, #tpu.memory_space<semaphore_mem>>) src(%dma_wait3A_1730 : memref<2600000x16xf32, #tpu.memory_space<hbm>>) dst(%dma_wait3A_1724 : memref<128x16xf32, #tpu.memory_space<vmem>>)
    %dma_wait3A_1731 = arith.constant 21 : i32
    %dma_wait3A_1732 = arith.constant 128 : i32
    %dma_wait3A_1733 = arith.constant 0 : i32
    %dma_wait3A_1734 = tpu.memref_slice %arg8[%dma_wait3A_1732, %dma_wait3A_1733] : memref<512x16xf32, #tpu.memory_space<vmem>> -> memref<128x16xf32, #tpu.memory_space<vmem>>
    %dma_wait3A_1735 = arith.constant 128 : i32
    %dma_wait3A_1736 = tpu.memref_slice %arg7[%dma_wait3A_1731, %dma_wait3A_1735] : memref<28x512xi32, #tpu.memory_space<vmem>> -> memref<1x128xi32, #tpu.memory_space<vmem>>
    %dma_wait3A_1737 = tpu.memref_squeeze %dma_wait3A_1736 : memref<1x128xi32, #tpu.memory_space<vmem>> -> memref<128xi32, #tpu.memory_space<vmem>>
    %dma_wait3A_1738 = arith.constant 0 : i32
    %dma_wait3A_1739 = arith.constant 0 : i32
    %dma_wait3A_1740 = tpu.memref_slice %arg5[%dma_wait3A_1738, %dma_wait3A_1739] : memref<2600000x16xf32, #tpu.memory_space<hbm>> -> memref<2600000x16xf32, #tpu.memory_space<hbm>>
    tpu.wait_indirect_dma semaphore(%arg10 : memref<!tpu.dma_semaphore, #tpu.memory_space<semaphore_mem>>) src(%dma_wait3A_1740 : memref<2600000x16xf32, #tpu.memory_space<hbm>>) dst(%dma_wait3A_1734 : memref<128x16xf32, #tpu.memory_space<vmem>>)
    %dma_wait3A_1741 = arith.constant 21 : i32
    %dma_wait3A_1742 = arith.constant 256 : i32
    %dma_wait3A_1743 = arith.constant 0 : i32
    %dma_wait3A_1744 = tpu.memref_slice %arg8[%dma_wait3A_1742, %dma_wait3A_1743] : memref<512x16xf32, #tpu.memory_space<vmem>> -> memref<128x16xf32, #tpu.memory_space<vmem>>
    %dma_wait3A_1745 = arith.constant 256 : i32
    %dma_wait3A_1746 = tpu.memref_slice %arg7[%dma_wait3A_1741, %dma_wait3A_1745] : memref<28x512xi32, #tpu.memory_space<vmem>> -> memref<1x128xi32, #tpu.memory_space<vmem>>
    %dma_wait3A_1747 = tpu.memref_squeeze %dma_wait3A_1746 : memref<1x128xi32, #tpu.memory_space<vmem>> -> memref<128xi32, #tpu.memory_space<vmem>>
    %dma_wait3A_1748 = arith.constant 0 : i32
    %dma_wait3A_1749 = arith.constant 0 : i32
    %dma_wait3A_1750 = tpu.memref_slice %arg5[%dma_wait3A_1748, %dma_wait3A_1749] : memref<2600000x16xf32, #tpu.memory_space<hbm>> -> memref<2600000x16xf32, #tpu.memory_space<hbm>>
    tpu.wait_indirect_dma semaphore(%arg10 : memref<!tpu.dma_semaphore, #tpu.memory_space<semaphore_mem>>) src(%dma_wait3A_1750 : memref<2600000x16xf32, #tpu.memory_space<hbm>>) dst(%dma_wait3A_1744 : memref<128x16xf32, #tpu.memory_space<vmem>>)
    %dma_wait3A_1751 = arith.constant 21 : i32
    %dma_wait3A_1752 = arith.constant 384 : i32
    %dma_wait3A_1753 = arith.constant 0 : i32
    %dma_wait3A_1754 = tpu.memref_slice %arg8[%dma_wait3A_1752, %dma_wait3A_1753] : memref<512x16xf32, #tpu.memory_space<vmem>> -> memref<128x16xf32, #tpu.memory_space<vmem>>
    %dma_wait3A_1755 = arith.constant 384 : i32
    %dma_wait3A_1756 = tpu.memref_slice %arg7[%dma_wait3A_1751, %dma_wait3A_1755] : memref<28x512xi32, #tpu.memory_space<vmem>> -> memref<1x128xi32, #tpu.memory_space<vmem>>
    %dma_wait3A_1757 = tpu.memref_squeeze %dma_wait3A_1756 : memref<1x128xi32, #tpu.memory_space<vmem>> -> memref<128xi32, #tpu.memory_space<vmem>>
    %dma_wait3A_1758 = arith.constant 0 : i32
    %dma_wait3A_1759 = arith.constant 0 : i32
    %dma_wait3A_1760 = tpu.memref_slice %arg5[%dma_wait3A_1758, %dma_wait3A_1759] : memref<2600000x16xf32, #tpu.memory_space<hbm>> -> memref<2600000x16xf32, #tpu.memory_space<hbm>>
    tpu.wait_indirect_dma semaphore(%arg10 : memref<!tpu.dma_semaphore, #tpu.memory_space<semaphore_mem>>) src(%dma_wait3A_1760 : memref<2600000x16xf32, #tpu.memory_space<hbm>>) dst(%dma_wait3A_1754 : memref<128x16xf32, #tpu.memory_space<vmem>>)
    "tpu.region"() ({
      %run_scoped3A = tpu.sem_alloc : memref<!tpu.dma_semaphore, #tpu.memory_space<semaphore_mem>>
      %dma_start3A_2241 = arith.constant 336 : i32
      %dma_start3A_2242 = tpu.memref_slice %arg6[%mul3A_2, %dma_start3A_2241] : memref<16384x448xf32, #tpu.memory_space<hbm>> -> memref<512x16xf32, #tpu.memory_space<hbm>>
      %dma_start3A_2243 = arith.constant 336 : i32
      %dma_start3A_2244 = tpu.memref_slice %arg6[%mul3A_2, %dma_start3A_2243] : memref<16384x448xf32, #tpu.memory_space<hbm>> -> memref<512x16xf32, #tpu.memory_space<hbm>>
      tpu.enqueue_dma source(%arg8 : memref<512x16xf32, #tpu.memory_space<vmem>>) target(%dma_start3A_2244 : memref<512x16xf32, #tpu.memory_space<hbm>>) target_semaphore(%run_scoped3A : memref<!tpu.dma_semaphore, #tpu.memory_space<semaphore_mem>>)
      %dma_wait3A_2245 = arith.constant 336 : i32
      %dma_wait3A_2246 = tpu.memref_slice %arg6[%mul3A_2, %dma_wait3A_2245] : memref<16384x448xf32, #tpu.memory_space<hbm>> -> memref<512x16xf32, #tpu.memory_space<hbm>>
      %dma_wait3A_2247 = arith.constant 336 : i32
      %dma_wait3A_2248 = tpu.memref_slice %arg6[%mul3A_2, %dma_wait3A_2247] : memref<16384x448xf32, #tpu.memory_space<hbm>> -> memref<512x16xf32, #tpu.memory_space<hbm>>
      tpu.wait_dma2 semaphore(%run_scoped3A : memref<!tpu.dma_semaphore, #tpu.memory_space<semaphore_mem>>) src(%arg8 : memref<512x16xf32, #tpu.memory_space<vmem>>) dst(%dma_wait3A_2248 : memref<512x16xf32, #tpu.memory_space<hbm>>)
      tpu.yield
    }) : () -> ()
    %dma_start3A_1761 = arith.constant 22 : i32
    %dma_start3A_1762 = arith.constant 0 : i32
    %dma_start3A_1763 = arith.constant 0 : i32
    %dma_start3A_1764 = tpu.memref_slice %arg8[%dma_start3A_1762, %dma_start3A_1763] : memref<512x16xf32, #tpu.memory_space<vmem>> -> memref<128x16xf32, #tpu.memory_space<vmem>>
    %dma_start3A_1765 = arith.constant 0 : i32
    %dma_start3A_1766 = tpu.memref_slice %arg7[%dma_start3A_1761, %dma_start3A_1765] : memref<28x512xi32, #tpu.memory_space<vmem>> -> memref<1x128xi32, #tpu.memory_space<vmem>>
    %dma_start3A_1767 = tpu.memref_squeeze %dma_start3A_1766 : memref<1x128xi32, #tpu.memory_space<vmem>> -> memref<128xi32, #tpu.memory_space<vmem>>
    %dma_start3A_1768 = arith.constant 0 : i32
    %dma_start3A_1769 = arith.constant 0 : i32
    %dma_start3A_1770 = tpu.memref_slice %arg5[%dma_start3A_1768, %dma_start3A_1769] : memref<2600000x16xf32, #tpu.memory_space<hbm>> -> memref<2600000x16xf32, #tpu.memory_space<hbm>>
    tpu.enqueue_indirect_dma source(%dma_start3A_1770 : memref<2600000x16xf32, #tpu.memory_space<hbm>>) target(%dma_start3A_1764 : memref<128x16xf32, #tpu.memory_space<vmem>>) offsets(%dma_start3A_1767 : memref<128xi32, #tpu.memory_space<vmem>>) semaphore(%arg10 : memref<!tpu.dma_semaphore, #tpu.memory_space<semaphore_mem>>)
    %dma_start3A_1771 = arith.constant 22 : i32
    %dma_start3A_1772 = arith.constant 128 : i32
    %dma_start3A_1773 = arith.constant 0 : i32
    %dma_start3A_1774 = tpu.memref_slice %arg8[%dma_start3A_1772, %dma_start3A_1773] : memref<512x16xf32, #tpu.memory_space<vmem>> -> memref<128x16xf32, #tpu.memory_space<vmem>>
    %dma_start3A_1775 = arith.constant 128 : i32
    %dma_start3A_1776 = tpu.memref_slice %arg7[%dma_start3A_1771, %dma_start3A_1775] : memref<28x512xi32, #tpu.memory_space<vmem>> -> memref<1x128xi32, #tpu.memory_space<vmem>>
    %dma_start3A_1777 = tpu.memref_squeeze %dma_start3A_1776 : memref<1x128xi32, #tpu.memory_space<vmem>> -> memref<128xi32, #tpu.memory_space<vmem>>
    %dma_start3A_1778 = arith.constant 0 : i32
    %dma_start3A_1779 = arith.constant 0 : i32
    %dma_start3A_1780 = tpu.memref_slice %arg5[%dma_start3A_1778, %dma_start3A_1779] : memref<2600000x16xf32, #tpu.memory_space<hbm>> -> memref<2600000x16xf32, #tpu.memory_space<hbm>>
    tpu.enqueue_indirect_dma source(%dma_start3A_1780 : memref<2600000x16xf32, #tpu.memory_space<hbm>>) target(%dma_start3A_1774 : memref<128x16xf32, #tpu.memory_space<vmem>>) offsets(%dma_start3A_1777 : memref<128xi32, #tpu.memory_space<vmem>>) semaphore(%arg10 : memref<!tpu.dma_semaphore, #tpu.memory_space<semaphore_mem>>)
    %dma_start3A_1781 = arith.constant 22 : i32
    %dma_start3A_1782 = arith.constant 256 : i32
    %dma_start3A_1783 = arith.constant 0 : i32
    %dma_start3A_1784 = tpu.memref_slice %arg8[%dma_start3A_1782, %dma_start3A_1783] : memref<512x16xf32, #tpu.memory_space<vmem>> -> memref<128x16xf32, #tpu.memory_space<vmem>>
    %dma_start3A_1785 = arith.constant 256 : i32
    %dma_start3A_1786 = tpu.memref_slice %arg7[%dma_start3A_1781, %dma_start3A_1785] : memref<28x512xi32, #tpu.memory_space<vmem>> -> memref<1x128xi32, #tpu.memory_space<vmem>>
    %dma_start3A_1787 = tpu.memref_squeeze %dma_start3A_1786 : memref<1x128xi32, #tpu.memory_space<vmem>> -> memref<128xi32, #tpu.memory_space<vmem>>
    %dma_start3A_1788 = arith.constant 0 : i32
    %dma_start3A_1789 = arith.constant 0 : i32
    %dma_start3A_1790 = tpu.memref_slice %arg5[%dma_start3A_1788, %dma_start3A_1789] : memref<2600000x16xf32, #tpu.memory_space<hbm>> -> memref<2600000x16xf32, #tpu.memory_space<hbm>>
    tpu.enqueue_indirect_dma source(%dma_start3A_1790 : memref<2600000x16xf32, #tpu.memory_space<hbm>>) target(%dma_start3A_1784 : memref<128x16xf32, #tpu.memory_space<vmem>>) offsets(%dma_start3A_1787 : memref<128xi32, #tpu.memory_space<vmem>>) semaphore(%arg10 : memref<!tpu.dma_semaphore, #tpu.memory_space<semaphore_mem>>)
    %dma_start3A_1791 = arith.constant 22 : i32
    %dma_start3A_1792 = arith.constant 384 : i32
    %dma_start3A_1793 = arith.constant 0 : i32
    %dma_start3A_1794 = tpu.memref_slice %arg8[%dma_start3A_1792, %dma_start3A_1793] : memref<512x16xf32, #tpu.memory_space<vmem>> -> memref<128x16xf32, #tpu.memory_space<vmem>>
    %dma_start3A_1795 = arith.constant 384 : i32
    %dma_start3A_1796 = tpu.memref_slice %arg7[%dma_start3A_1791, %dma_start3A_1795] : memref<28x512xi32, #tpu.memory_space<vmem>> -> memref<1x128xi32, #tpu.memory_space<vmem>>
    %dma_start3A_1797 = tpu.memref_squeeze %dma_start3A_1796 : memref<1x128xi32, #tpu.memory_space<vmem>> -> memref<128xi32, #tpu.memory_space<vmem>>
    %dma_start3A_1798 = arith.constant 0 : i32
    %dma_start3A_1799 = arith.constant 0 : i32
    %dma_start3A_1800 = tpu.memref_slice %arg5[%dma_start3A_1798, %dma_start3A_1799] : memref<2600000x16xf32, #tpu.memory_space<hbm>> -> memref<2600000x16xf32, #tpu.memory_space<hbm>>
    tpu.enqueue_indirect_dma source(%dma_start3A_1800 : memref<2600000x16xf32, #tpu.memory_space<hbm>>) target(%dma_start3A_1794 : memref<128x16xf32, #tpu.memory_space<vmem>>) offsets(%dma_start3A_1797 : memref<128xi32, #tpu.memory_space<vmem>>) semaphore(%arg10 : memref<!tpu.dma_semaphore, #tpu.memory_space<semaphore_mem>>)
    %dma_wait3A_1801 = arith.constant 22 : i32
    %dma_wait3A_1802 = arith.constant 0 : i32
    %dma_wait3A_1803 = arith.constant 0 : i32
    %dma_wait3A_1804 = tpu.memref_slice %arg8[%dma_wait3A_1802, %dma_wait3A_1803] : memref<512x16xf32, #tpu.memory_space<vmem>> -> memref<128x16xf32, #tpu.memory_space<vmem>>
    %dma_wait3A_1805 = arith.constant 0 : i32
    %dma_wait3A_1806 = tpu.memref_slice %arg7[%dma_wait3A_1801, %dma_wait3A_1805] : memref<28x512xi32, #tpu.memory_space<vmem>> -> memref<1x128xi32, #tpu.memory_space<vmem>>
    %dma_wait3A_1807 = tpu.memref_squeeze %dma_wait3A_1806 : memref<1x128xi32, #tpu.memory_space<vmem>> -> memref<128xi32, #tpu.memory_space<vmem>>
    %dma_wait3A_1808 = arith.constant 0 : i32
    %dma_wait3A_1809 = arith.constant 0 : i32
    %dma_wait3A_1810 = tpu.memref_slice %arg5[%dma_wait3A_1808, %dma_wait3A_1809] : memref<2600000x16xf32, #tpu.memory_space<hbm>> -> memref<2600000x16xf32, #tpu.memory_space<hbm>>
    tpu.wait_indirect_dma semaphore(%arg10 : memref<!tpu.dma_semaphore, #tpu.memory_space<semaphore_mem>>) src(%dma_wait3A_1810 : memref<2600000x16xf32, #tpu.memory_space<hbm>>) dst(%dma_wait3A_1804 : memref<128x16xf32, #tpu.memory_space<vmem>>)
    %dma_wait3A_1811 = arith.constant 22 : i32
    %dma_wait3A_1812 = arith.constant 128 : i32
    %dma_wait3A_1813 = arith.constant 0 : i32
    %dma_wait3A_1814 = tpu.memref_slice %arg8[%dma_wait3A_1812, %dma_wait3A_1813] : memref<512x16xf32, #tpu.memory_space<vmem>> -> memref<128x16xf32, #tpu.memory_space<vmem>>
    %dma_wait3A_1815 = arith.constant 128 : i32
    %dma_wait3A_1816 = tpu.memref_slice %arg7[%dma_wait3A_1811, %dma_wait3A_1815] : memref<28x512xi32, #tpu.memory_space<vmem>> -> memref<1x128xi32, #tpu.memory_space<vmem>>
    %dma_wait3A_1817 = tpu.memref_squeeze %dma_wait3A_1816 : memref<1x128xi32, #tpu.memory_space<vmem>> -> memref<128xi32, #tpu.memory_space<vmem>>
    %dma_wait3A_1818 = arith.constant 0 : i32
    %dma_wait3A_1819 = arith.constant 0 : i32
    %dma_wait3A_1820 = tpu.memref_slice %arg5[%dma_wait3A_1818, %dma_wait3A_1819] : memref<2600000x16xf32, #tpu.memory_space<hbm>> -> memref<2600000x16xf32, #tpu.memory_space<hbm>>
    tpu.wait_indirect_dma semaphore(%arg10 : memref<!tpu.dma_semaphore, #tpu.memory_space<semaphore_mem>>) src(%dma_wait3A_1820 : memref<2600000x16xf32, #tpu.memory_space<hbm>>) dst(%dma_wait3A_1814 : memref<128x16xf32, #tpu.memory_space<vmem>>)
    %dma_wait3A_1821 = arith.constant 22 : i32
    %dma_wait3A_1822 = arith.constant 256 : i32
    %dma_wait3A_1823 = arith.constant 0 : i32
    %dma_wait3A_1824 = tpu.memref_slice %arg8[%dma_wait3A_1822, %dma_wait3A_1823] : memref<512x16xf32, #tpu.memory_space<vmem>> -> memref<128x16xf32, #tpu.memory_space<vmem>>
    %dma_wait3A_1825 = arith.constant 256 : i32
    %dma_wait3A_1826 = tpu.memref_slice %arg7[%dma_wait3A_1821, %dma_wait3A_1825] : memref<28x512xi32, #tpu.memory_space<vmem>> -> memref<1x128xi32, #tpu.memory_space<vmem>>
    %dma_wait3A_1827 = tpu.memref_squeeze %dma_wait3A_1826 : memref<1x128xi32, #tpu.memory_space<vmem>> -> memref<128xi32, #tpu.memory_space<vmem>>
    %dma_wait3A_1828 = arith.constant 0 : i32
    %dma_wait3A_1829 = arith.constant 0 : i32
    %dma_wait3A_1830 = tpu.memref_slice %arg5[%dma_wait3A_1828, %dma_wait3A_1829] : memref<2600000x16xf32, #tpu.memory_space<hbm>> -> memref<2600000x16xf32, #tpu.memory_space<hbm>>
    tpu.wait_indirect_dma semaphore(%arg10 : memref<!tpu.dma_semaphore, #tpu.memory_space<semaphore_mem>>) src(%dma_wait3A_1830 : memref<2600000x16xf32, #tpu.memory_space<hbm>>) dst(%dma_wait3A_1824 : memref<128x16xf32, #tpu.memory_space<vmem>>)
    %dma_wait3A_1831 = arith.constant 22 : i32
    %dma_wait3A_1832 = arith.constant 384 : i32
    %dma_wait3A_1833 = arith.constant 0 : i32
    %dma_wait3A_1834 = tpu.memref_slice %arg8[%dma_wait3A_1832, %dma_wait3A_1833] : memref<512x16xf32, #tpu.memory_space<vmem>> -> memref<128x16xf32, #tpu.memory_space<vmem>>
    %dma_wait3A_1835 = arith.constant 384 : i32
    %dma_wait3A_1836 = tpu.memref_slice %arg7[%dma_wait3A_1831, %dma_wait3A_1835] : memref<28x512xi32, #tpu.memory_space<vmem>> -> memref<1x128xi32, #tpu.memory_space<vmem>>
    %dma_wait3A_1837 = tpu.memref_squeeze %dma_wait3A_1836 : memref<1x128xi32, #tpu.memory_space<vmem>> -> memref<128xi32, #tpu.memory_space<vmem>>
    %dma_wait3A_1838 = arith.constant 0 : i32
    %dma_wait3A_1839 = arith.constant 0 : i32
    %dma_wait3A_1840 = tpu.memref_slice %arg5[%dma_wait3A_1838, %dma_wait3A_1839] : memref<2600000x16xf32, #tpu.memory_space<hbm>> -> memref<2600000x16xf32, #tpu.memory_space<hbm>>
    tpu.wait_indirect_dma semaphore(%arg10 : memref<!tpu.dma_semaphore, #tpu.memory_space<semaphore_mem>>) src(%dma_wait3A_1840 : memref<2600000x16xf32, #tpu.memory_space<hbm>>) dst(%dma_wait3A_1834 : memref<128x16xf32, #tpu.memory_space<vmem>>)
    "tpu.region"() ({
      %run_scoped3A = tpu.sem_alloc : memref<!tpu.dma_semaphore, #tpu.memory_space<semaphore_mem>>
      %dma_start3A_2241 = arith.constant 352 : i32
      %dma_start3A_2242 = tpu.memref_slice %arg6[%mul3A_2, %dma_start3A_2241] : memref<16384x448xf32, #tpu.memory_space<hbm>> -> memref<512x16xf32, #tpu.memory_space<hbm>>
      %dma_start3A_2243 = arith.constant 352 : i32
      %dma_start3A_2244 = tpu.memref_slice %arg6[%mul3A_2, %dma_start3A_2243] : memref<16384x448xf32, #tpu.memory_space<hbm>> -> memref<512x16xf32, #tpu.memory_space<hbm>>
      tpu.enqueue_dma source(%arg8 : memref<512x16xf32, #tpu.memory_space<vmem>>) target(%dma_start3A_2244 : memref<512x16xf32, #tpu.memory_space<hbm>>) target_semaphore(%run_scoped3A : memref<!tpu.dma_semaphore, #tpu.memory_space<semaphore_mem>>)
      %dma_wait3A_2245 = arith.constant 352 : i32
      %dma_wait3A_2246 = tpu.memref_slice %arg6[%mul3A_2, %dma_wait3A_2245] : memref<16384x448xf32, #tpu.memory_space<hbm>> -> memref<512x16xf32, #tpu.memory_space<hbm>>
      %dma_wait3A_2247 = arith.constant 352 : i32
      %dma_wait3A_2248 = tpu.memref_slice %arg6[%mul3A_2, %dma_wait3A_2247] : memref<16384x448xf32, #tpu.memory_space<hbm>> -> memref<512x16xf32, #tpu.memory_space<hbm>>
      tpu.wait_dma2 semaphore(%run_scoped3A : memref<!tpu.dma_semaphore, #tpu.memory_space<semaphore_mem>>) src(%arg8 : memref<512x16xf32, #tpu.memory_space<vmem>>) dst(%dma_wait3A_2248 : memref<512x16xf32, #tpu.memory_space<hbm>>)
      tpu.yield
    }) : () -> ()
    %dma_start3A_1841 = arith.constant 23 : i32
    %dma_start3A_1842 = arith.constant 0 : i32
    %dma_start3A_1843 = arith.constant 0 : i32
    %dma_start3A_1844 = tpu.memref_slice %arg8[%dma_start3A_1842, %dma_start3A_1843] : memref<512x16xf32, #tpu.memory_space<vmem>> -> memref<128x16xf32, #tpu.memory_space<vmem>>
    %dma_start3A_1845 = arith.constant 0 : i32
    %dma_start3A_1846 = tpu.memref_slice %arg7[%dma_start3A_1841, %dma_start3A_1845] : memref<28x512xi32, #tpu.memory_space<vmem>> -> memref<1x128xi32, #tpu.memory_space<vmem>>
    %dma_start3A_1847 = tpu.memref_squeeze %dma_start3A_1846 : memref<1x128xi32, #tpu.memory_space<vmem>> -> memref<128xi32, #tpu.memory_space<vmem>>
    %dma_start3A_1848 = arith.constant 0 : i32
    %dma_start3A_1849 = arith.constant 0 : i32
    %dma_start3A_1850 = tpu.memref_slice %arg5[%dma_start3A_1848, %dma_start3A_1849] : memref<2600000x16xf32, #tpu.memory_space<hbm>> -> memref<2600000x16xf32, #tpu.memory_space<hbm>>
    tpu.enqueue_indirect_dma source(%dma_start3A_1850 : memref<2600000x16xf32, #tpu.memory_space<hbm>>) target(%dma_start3A_1844 : memref<128x16xf32, #tpu.memory_space<vmem>>) offsets(%dma_start3A_1847 : memref<128xi32, #tpu.memory_space<vmem>>) semaphore(%arg10 : memref<!tpu.dma_semaphore, #tpu.memory_space<semaphore_mem>>)
    %dma_start3A_1851 = arith.constant 23 : i32
    %dma_start3A_1852 = arith.constant 128 : i32
    %dma_start3A_1853 = arith.constant 0 : i32
    %dma_start3A_1854 = tpu.memref_slice %arg8[%dma_start3A_1852, %dma_start3A_1853] : memref<512x16xf32, #tpu.memory_space<vmem>> -> memref<128x16xf32, #tpu.memory_space<vmem>>
    %dma_start3A_1855 = arith.constant 128 : i32
    %dma_start3A_1856 = tpu.memref_slice %arg7[%dma_start3A_1851, %dma_start3A_1855] : memref<28x512xi32, #tpu.memory_space<vmem>> -> memref<1x128xi32, #tpu.memory_space<vmem>>
    %dma_start3A_1857 = tpu.memref_squeeze %dma_start3A_1856 : memref<1x128xi32, #tpu.memory_space<vmem>> -> memref<128xi32, #tpu.memory_space<vmem>>
    %dma_start3A_1858 = arith.constant 0 : i32
    %dma_start3A_1859 = arith.constant 0 : i32
    %dma_start3A_1860 = tpu.memref_slice %arg5[%dma_start3A_1858, %dma_start3A_1859] : memref<2600000x16xf32, #tpu.memory_space<hbm>> -> memref<2600000x16xf32, #tpu.memory_space<hbm>>
    tpu.enqueue_indirect_dma source(%dma_start3A_1860 : memref<2600000x16xf32, #tpu.memory_space<hbm>>) target(%dma_start3A_1854 : memref<128x16xf32, #tpu.memory_space<vmem>>) offsets(%dma_start3A_1857 : memref<128xi32, #tpu.memory_space<vmem>>) semaphore(%arg10 : memref<!tpu.dma_semaphore, #tpu.memory_space<semaphore_mem>>)
    %dma_start3A_1861 = arith.constant 23 : i32
    %dma_start3A_1862 = arith.constant 256 : i32
    %dma_start3A_1863 = arith.constant 0 : i32
    %dma_start3A_1864 = tpu.memref_slice %arg8[%dma_start3A_1862, %dma_start3A_1863] : memref<512x16xf32, #tpu.memory_space<vmem>> -> memref<128x16xf32, #tpu.memory_space<vmem>>
    %dma_start3A_1865 = arith.constant 256 : i32
    %dma_start3A_1866 = tpu.memref_slice %arg7[%dma_start3A_1861, %dma_start3A_1865] : memref<28x512xi32, #tpu.memory_space<vmem>> -> memref<1x128xi32, #tpu.memory_space<vmem>>
    %dma_start3A_1867 = tpu.memref_squeeze %dma_start3A_1866 : memref<1x128xi32, #tpu.memory_space<vmem>> -> memref<128xi32, #tpu.memory_space<vmem>>
    %dma_start3A_1868 = arith.constant 0 : i32
    %dma_start3A_1869 = arith.constant 0 : i32
    %dma_start3A_1870 = tpu.memref_slice %arg5[%dma_start3A_1868, %dma_start3A_1869] : memref<2600000x16xf32, #tpu.memory_space<hbm>> -> memref<2600000x16xf32, #tpu.memory_space<hbm>>
    tpu.enqueue_indirect_dma source(%dma_start3A_1870 : memref<2600000x16xf32, #tpu.memory_space<hbm>>) target(%dma_start3A_1864 : memref<128x16xf32, #tpu.memory_space<vmem>>) offsets(%dma_start3A_1867 : memref<128xi32, #tpu.memory_space<vmem>>) semaphore(%arg10 : memref<!tpu.dma_semaphore, #tpu.memory_space<semaphore_mem>>)
    %dma_start3A_1871 = arith.constant 23 : i32
    %dma_start3A_1872 = arith.constant 384 : i32
    %dma_start3A_1873 = arith.constant 0 : i32
    %dma_start3A_1874 = tpu.memref_slice %arg8[%dma_start3A_1872, %dma_start3A_1873] : memref<512x16xf32, #tpu.memory_space<vmem>> -> memref<128x16xf32, #tpu.memory_space<vmem>>
    %dma_start3A_1875 = arith.constant 384 : i32
    %dma_start3A_1876 = tpu.memref_slice %arg7[%dma_start3A_1871, %dma_start3A_1875] : memref<28x512xi32, #tpu.memory_space<vmem>> -> memref<1x128xi32, #tpu.memory_space<vmem>>
    %dma_start3A_1877 = tpu.memref_squeeze %dma_start3A_1876 : memref<1x128xi32, #tpu.memory_space<vmem>> -> memref<128xi32, #tpu.memory_space<vmem>>
    %dma_start3A_1878 = arith.constant 0 : i32
    %dma_start3A_1879 = arith.constant 0 : i32
    %dma_start3A_1880 = tpu.memref_slice %arg5[%dma_start3A_1878, %dma_start3A_1879] : memref<2600000x16xf32, #tpu.memory_space<hbm>> -> memref<2600000x16xf32, #tpu.memory_space<hbm>>
    tpu.enqueue_indirect_dma source(%dma_start3A_1880 : memref<2600000x16xf32, #tpu.memory_space<hbm>>) target(%dma_start3A_1874 : memref<128x16xf32, #tpu.memory_space<vmem>>) offsets(%dma_start3A_1877 : memref<128xi32, #tpu.memory_space<vmem>>) semaphore(%arg10 : memref<!tpu.dma_semaphore, #tpu.memory_space<semaphore_mem>>)
    %dma_wait3A_1881 = arith.constant 23 : i32
    %dma_wait3A_1882 = arith.constant 0 : i32
    %dma_wait3A_1883 = arith.constant 0 : i32
    %dma_wait3A_1884 = tpu.memref_slice %arg8[%dma_wait3A_1882, %dma_wait3A_1883] : memref<512x16xf32, #tpu.memory_space<vmem>> -> memref<128x16xf32, #tpu.memory_space<vmem>>
    %dma_wait3A_1885 = arith.constant 0 : i32
    %dma_wait3A_1886 = tpu.memref_slice %arg7[%dma_wait3A_1881, %dma_wait3A_1885] : memref<28x512xi32, #tpu.memory_space<vmem>> -> memref<1x128xi32, #tpu.memory_space<vmem>>
    %dma_wait3A_1887 = tpu.memref_squeeze %dma_wait3A_1886 : memref<1x128xi32, #tpu.memory_space<vmem>> -> memref<128xi32, #tpu.memory_space<vmem>>
    %dma_wait3A_1888 = arith.constant 0 : i32
    %dma_wait3A_1889 = arith.constant 0 : i32
    %dma_wait3A_1890 = tpu.memref_slice %arg5[%dma_wait3A_1888, %dma_wait3A_1889] : memref<2600000x16xf32, #tpu.memory_space<hbm>> -> memref<2600000x16xf32, #tpu.memory_space<hbm>>
    tpu.wait_indirect_dma semaphore(%arg10 : memref<!tpu.dma_semaphore, #tpu.memory_space<semaphore_mem>>) src(%dma_wait3A_1890 : memref<2600000x16xf32, #tpu.memory_space<hbm>>) dst(%dma_wait3A_1884 : memref<128x16xf32, #tpu.memory_space<vmem>>)
    %dma_wait3A_1891 = arith.constant 23 : i32
    %dma_wait3A_1892 = arith.constant 128 : i32
    %dma_wait3A_1893 = arith.constant 0 : i32
    %dma_wait3A_1894 = tpu.memref_slice %arg8[%dma_wait3A_1892, %dma_wait3A_1893] : memref<512x16xf32, #tpu.memory_space<vmem>> -> memref<128x16xf32, #tpu.memory_space<vmem>>
    %dma_wait3A_1895 = arith.constant 128 : i32
    %dma_wait3A_1896 = tpu.memref_slice %arg7[%dma_wait3A_1891, %dma_wait3A_1895] : memref<28x512xi32, #tpu.memory_space<vmem>> -> memref<1x128xi32, #tpu.memory_space<vmem>>
    %dma_wait3A_1897 = tpu.memref_squeeze %dma_wait3A_1896 : memref<1x128xi32, #tpu.memory_space<vmem>> -> memref<128xi32, #tpu.memory_space<vmem>>
    %dma_wait3A_1898 = arith.constant 0 : i32
    %dma_wait3A_1899 = arith.constant 0 : i32
    %dma_wait3A_1900 = tpu.memref_slice %arg5[%dma_wait3A_1898, %dma_wait3A_1899] : memref<2600000x16xf32, #tpu.memory_space<hbm>> -> memref<2600000x16xf32, #tpu.memory_space<hbm>>
    tpu.wait_indirect_dma semaphore(%arg10 : memref<!tpu.dma_semaphore, #tpu.memory_space<semaphore_mem>>) src(%dma_wait3A_1900 : memref<2600000x16xf32, #tpu.memory_space<hbm>>) dst(%dma_wait3A_1894 : memref<128x16xf32, #tpu.memory_space<vmem>>)
    %dma_wait3A_1901 = arith.constant 23 : i32
    %dma_wait3A_1902 = arith.constant 256 : i32
    %dma_wait3A_1903 = arith.constant 0 : i32
    %dma_wait3A_1904 = tpu.memref_slice %arg8[%dma_wait3A_1902, %dma_wait3A_1903] : memref<512x16xf32, #tpu.memory_space<vmem>> -> memref<128x16xf32, #tpu.memory_space<vmem>>
    %dma_wait3A_1905 = arith.constant 256 : i32
    %dma_wait3A_1906 = tpu.memref_slice %arg7[%dma_wait3A_1901, %dma_wait3A_1905] : memref<28x512xi32, #tpu.memory_space<vmem>> -> memref<1x128xi32, #tpu.memory_space<vmem>>
    %dma_wait3A_1907 = tpu.memref_squeeze %dma_wait3A_1906 : memref<1x128xi32, #tpu.memory_space<vmem>> -> memref<128xi32, #tpu.memory_space<vmem>>
    %dma_wait3A_1908 = arith.constant 0 : i32
    %dma_wait3A_1909 = arith.constant 0 : i32
    %dma_wait3A_1910 = tpu.memref_slice %arg5[%dma_wait3A_1908, %dma_wait3A_1909] : memref<2600000x16xf32, #tpu.memory_space<hbm>> -> memref<2600000x16xf32, #tpu.memory_space<hbm>>
    tpu.wait_indirect_dma semaphore(%arg10 : memref<!tpu.dma_semaphore, #tpu.memory_space<semaphore_mem>>) src(%dma_wait3A_1910 : memref<2600000x16xf32, #tpu.memory_space<hbm>>) dst(%dma_wait3A_1904 : memref<128x16xf32, #tpu.memory_space<vmem>>)
    %dma_wait3A_1911 = arith.constant 23 : i32
    %dma_wait3A_1912 = arith.constant 384 : i32
    %dma_wait3A_1913 = arith.constant 0 : i32
    %dma_wait3A_1914 = tpu.memref_slice %arg8[%dma_wait3A_1912, %dma_wait3A_1913] : memref<512x16xf32, #tpu.memory_space<vmem>> -> memref<128x16xf32, #tpu.memory_space<vmem>>
    %dma_wait3A_1915 = arith.constant 384 : i32
    %dma_wait3A_1916 = tpu.memref_slice %arg7[%dma_wait3A_1911, %dma_wait3A_1915] : memref<28x512xi32, #tpu.memory_space<vmem>> -> memref<1x128xi32, #tpu.memory_space<vmem>>
    %dma_wait3A_1917 = tpu.memref_squeeze %dma_wait3A_1916 : memref<1x128xi32, #tpu.memory_space<vmem>> -> memref<128xi32, #tpu.memory_space<vmem>>
    %dma_wait3A_1918 = arith.constant 0 : i32
    %dma_wait3A_1919 = arith.constant 0 : i32
    %dma_wait3A_1920 = tpu.memref_slice %arg5[%dma_wait3A_1918, %dma_wait3A_1919] : memref<2600000x16xf32, #tpu.memory_space<hbm>> -> memref<2600000x16xf32, #tpu.memory_space<hbm>>
    tpu.wait_indirect_dma semaphore(%arg10 : memref<!tpu.dma_semaphore, #tpu.memory_space<semaphore_mem>>) src(%dma_wait3A_1920 : memref<2600000x16xf32, #tpu.memory_space<hbm>>) dst(%dma_wait3A_1914 : memref<128x16xf32, #tpu.memory_space<vmem>>)
    "tpu.region"() ({
      %run_scoped3A = tpu.sem_alloc : memref<!tpu.dma_semaphore, #tpu.memory_space<semaphore_mem>>
      %dma_start3A_2241 = arith.constant 368 : i32
      %dma_start3A_2242 = tpu.memref_slice %arg6[%mul3A_2, %dma_start3A_2241] : memref<16384x448xf32, #tpu.memory_space<hbm>> -> memref<512x16xf32, #tpu.memory_space<hbm>>
      %dma_start3A_2243 = arith.constant 368 : i32
      %dma_start3A_2244 = tpu.memref_slice %arg6[%mul3A_2, %dma_start3A_2243] : memref<16384x448xf32, #tpu.memory_space<hbm>> -> memref<512x16xf32, #tpu.memory_space<hbm>>
      tpu.enqueue_dma source(%arg8 : memref<512x16xf32, #tpu.memory_space<vmem>>) target(%dma_start3A_2244 : memref<512x16xf32, #tpu.memory_space<hbm>>) target_semaphore(%run_scoped3A : memref<!tpu.dma_semaphore, #tpu.memory_space<semaphore_mem>>)
      %dma_wait3A_2245 = arith.constant 368 : i32
      %dma_wait3A_2246 = tpu.memref_slice %arg6[%mul3A_2, %dma_wait3A_2245] : memref<16384x448xf32, #tpu.memory_space<hbm>> -> memref<512x16xf32, #tpu.memory_space<hbm>>
      %dma_wait3A_2247 = arith.constant 368 : i32
      %dma_wait3A_2248 = tpu.memref_slice %arg6[%mul3A_2, %dma_wait3A_2247] : memref<16384x448xf32, #tpu.memory_space<hbm>> -> memref<512x16xf32, #tpu.memory_space<hbm>>
      tpu.wait_dma2 semaphore(%run_scoped3A : memref<!tpu.dma_semaphore, #tpu.memory_space<semaphore_mem>>) src(%arg8 : memref<512x16xf32, #tpu.memory_space<vmem>>) dst(%dma_wait3A_2248 : memref<512x16xf32, #tpu.memory_space<hbm>>)
      tpu.yield
    }) : () -> ()
    %dma_start3A_1921 = arith.constant 24 : i32
    %dma_start3A_1922 = arith.constant 0 : i32
    %dma_start3A_1923 = arith.constant 0 : i32
    %dma_start3A_1924 = tpu.memref_slice %arg8[%dma_start3A_1922, %dma_start3A_1923] : memref<512x16xf32, #tpu.memory_space<vmem>> -> memref<128x16xf32, #tpu.memory_space<vmem>>
    %dma_start3A_1925 = arith.constant 0 : i32
    %dma_start3A_1926 = tpu.memref_slice %arg7[%dma_start3A_1921, %dma_start3A_1925] : memref<28x512xi32, #tpu.memory_space<vmem>> -> memref<1x128xi32, #tpu.memory_space<vmem>>
    %dma_start3A_1927 = tpu.memref_squeeze %dma_start3A_1926 : memref<1x128xi32, #tpu.memory_space<vmem>> -> memref<128xi32, #tpu.memory_space<vmem>>
    %dma_start3A_1928 = arith.constant 0 : i32
    %dma_start3A_1929 = arith.constant 0 : i32
    %dma_start3A_1930 = tpu.memref_slice %arg5[%dma_start3A_1928, %dma_start3A_1929] : memref<2600000x16xf32, #tpu.memory_space<hbm>> -> memref<2600000x16xf32, #tpu.memory_space<hbm>>
    tpu.enqueue_indirect_dma source(%dma_start3A_1930 : memref<2600000x16xf32, #tpu.memory_space<hbm>>) target(%dma_start3A_1924 : memref<128x16xf32, #tpu.memory_space<vmem>>) offsets(%dma_start3A_1927 : memref<128xi32, #tpu.memory_space<vmem>>) semaphore(%arg10 : memref<!tpu.dma_semaphore, #tpu.memory_space<semaphore_mem>>)
    %dma_start3A_1931 = arith.constant 24 : i32
    %dma_start3A_1932 = arith.constant 128 : i32
    %dma_start3A_1933 = arith.constant 0 : i32
    %dma_start3A_1934 = tpu.memref_slice %arg8[%dma_start3A_1932, %dma_start3A_1933] : memref<512x16xf32, #tpu.memory_space<vmem>> -> memref<128x16xf32, #tpu.memory_space<vmem>>
    %dma_start3A_1935 = arith.constant 128 : i32
    %dma_start3A_1936 = tpu.memref_slice %arg7[%dma_start3A_1931, %dma_start3A_1935] : memref<28x512xi32, #tpu.memory_space<vmem>> -> memref<1x128xi32, #tpu.memory_space<vmem>>
    %dma_start3A_1937 = tpu.memref_squeeze %dma_start3A_1936 : memref<1x128xi32, #tpu.memory_space<vmem>> -> memref<128xi32, #tpu.memory_space<vmem>>
    %dma_start3A_1938 = arith.constant 0 : i32
    %dma_start3A_1939 = arith.constant 0 : i32
    %dma_start3A_1940 = tpu.memref_slice %arg5[%dma_start3A_1938, %dma_start3A_1939] : memref<2600000x16xf32, #tpu.memory_space<hbm>> -> memref<2600000x16xf32, #tpu.memory_space<hbm>>
    tpu.enqueue_indirect_dma source(%dma_start3A_1940 : memref<2600000x16xf32, #tpu.memory_space<hbm>>) target(%dma_start3A_1934 : memref<128x16xf32, #tpu.memory_space<vmem>>) offsets(%dma_start3A_1937 : memref<128xi32, #tpu.memory_space<vmem>>) semaphore(%arg10 : memref<!tpu.dma_semaphore, #tpu.memory_space<semaphore_mem>>)
    %dma_start3A_1941 = arith.constant 24 : i32
    %dma_start3A_1942 = arith.constant 256 : i32
    %dma_start3A_1943 = arith.constant 0 : i32
    %dma_start3A_1944 = tpu.memref_slice %arg8[%dma_start3A_1942, %dma_start3A_1943] : memref<512x16xf32, #tpu.memory_space<vmem>> -> memref<128x16xf32, #tpu.memory_space<vmem>>
    %dma_start3A_1945 = arith.constant 256 : i32
    %dma_start3A_1946 = tpu.memref_slice %arg7[%dma_start3A_1941, %dma_start3A_1945] : memref<28x512xi32, #tpu.memory_space<vmem>> -> memref<1x128xi32, #tpu.memory_space<vmem>>
    %dma_start3A_1947 = tpu.memref_squeeze %dma_start3A_1946 : memref<1x128xi32, #tpu.memory_space<vmem>> -> memref<128xi32, #tpu.memory_space<vmem>>
    %dma_start3A_1948 = arith.constant 0 : i32
    %dma_start3A_1949 = arith.constant 0 : i32
    %dma_start3A_1950 = tpu.memref_slice %arg5[%dma_start3A_1948, %dma_start3A_1949] : memref<2600000x16xf32, #tpu.memory_space<hbm>> -> memref<2600000x16xf32, #tpu.memory_space<hbm>>
    tpu.enqueue_indirect_dma source(%dma_start3A_1950 : memref<2600000x16xf32, #tpu.memory_space<hbm>>) target(%dma_start3A_1944 : memref<128x16xf32, #tpu.memory_space<vmem>>) offsets(%dma_start3A_1947 : memref<128xi32, #tpu.memory_space<vmem>>) semaphore(%arg10 : memref<!tpu.dma_semaphore, #tpu.memory_space<semaphore_mem>>)
    %dma_start3A_1951 = arith.constant 24 : i32
    %dma_start3A_1952 = arith.constant 384 : i32
    %dma_start3A_1953 = arith.constant 0 : i32
    %dma_start3A_1954 = tpu.memref_slice %arg8[%dma_start3A_1952, %dma_start3A_1953] : memref<512x16xf32, #tpu.memory_space<vmem>> -> memref<128x16xf32, #tpu.memory_space<vmem>>
    %dma_start3A_1955 = arith.constant 384 : i32
    %dma_start3A_1956 = tpu.memref_slice %arg7[%dma_start3A_1951, %dma_start3A_1955] : memref<28x512xi32, #tpu.memory_space<vmem>> -> memref<1x128xi32, #tpu.memory_space<vmem>>
    %dma_start3A_1957 = tpu.memref_squeeze %dma_start3A_1956 : memref<1x128xi32, #tpu.memory_space<vmem>> -> memref<128xi32, #tpu.memory_space<vmem>>
    %dma_start3A_1958 = arith.constant 0 : i32
    %dma_start3A_1959 = arith.constant 0 : i32
    %dma_start3A_1960 = tpu.memref_slice %arg5[%dma_start3A_1958, %dma_start3A_1959] : memref<2600000x16xf32, #tpu.memory_space<hbm>> -> memref<2600000x16xf32, #tpu.memory_space<hbm>>
    tpu.enqueue_indirect_dma source(%dma_start3A_1960 : memref<2600000x16xf32, #tpu.memory_space<hbm>>) target(%dma_start3A_1954 : memref<128x16xf32, #tpu.memory_space<vmem>>) offsets(%dma_start3A_1957 : memref<128xi32, #tpu.memory_space<vmem>>) semaphore(%arg10 : memref<!tpu.dma_semaphore, #tpu.memory_space<semaphore_mem>>)
    %dma_wait3A_1961 = arith.constant 24 : i32
    %dma_wait3A_1962 = arith.constant 0 : i32
    %dma_wait3A_1963 = arith.constant 0 : i32
    %dma_wait3A_1964 = tpu.memref_slice %arg8[%dma_wait3A_1962, %dma_wait3A_1963] : memref<512x16xf32, #tpu.memory_space<vmem>> -> memref<128x16xf32, #tpu.memory_space<vmem>>
    %dma_wait3A_1965 = arith.constant 0 : i32
    %dma_wait3A_1966 = tpu.memref_slice %arg7[%dma_wait3A_1961, %dma_wait3A_1965] : memref<28x512xi32, #tpu.memory_space<vmem>> -> memref<1x128xi32, #tpu.memory_space<vmem>>
    %dma_wait3A_1967 = tpu.memref_squeeze %dma_wait3A_1966 : memref<1x128xi32, #tpu.memory_space<vmem>> -> memref<128xi32, #tpu.memory_space<vmem>>
    %dma_wait3A_1968 = arith.constant 0 : i32
    %dma_wait3A_1969 = arith.constant 0 : i32
    %dma_wait3A_1970 = tpu.memref_slice %arg5[%dma_wait3A_1968, %dma_wait3A_1969] : memref<2600000x16xf32, #tpu.memory_space<hbm>> -> memref<2600000x16xf32, #tpu.memory_space<hbm>>
    tpu.wait_indirect_dma semaphore(%arg10 : memref<!tpu.dma_semaphore, #tpu.memory_space<semaphore_mem>>) src(%dma_wait3A_1970 : memref<2600000x16xf32, #tpu.memory_space<hbm>>) dst(%dma_wait3A_1964 : memref<128x16xf32, #tpu.memory_space<vmem>>)
    %dma_wait3A_1971 = arith.constant 24 : i32
    %dma_wait3A_1972 = arith.constant 128 : i32
    %dma_wait3A_1973 = arith.constant 0 : i32
    %dma_wait3A_1974 = tpu.memref_slice %arg8[%dma_wait3A_1972, %dma_wait3A_1973] : memref<512x16xf32, #tpu.memory_space<vmem>> -> memref<128x16xf32, #tpu.memory_space<vmem>>
    %dma_wait3A_1975 = arith.constant 128 : i32
    %dma_wait3A_1976 = tpu.memref_slice %arg7[%dma_wait3A_1971, %dma_wait3A_1975] : memref<28x512xi32, #tpu.memory_space<vmem>> -> memref<1x128xi32, #tpu.memory_space<vmem>>
    %dma_wait3A_1977 = tpu.memref_squeeze %dma_wait3A_1976 : memref<1x128xi32, #tpu.memory_space<vmem>> -> memref<128xi32, #tpu.memory_space<vmem>>
    %dma_wait3A_1978 = arith.constant 0 : i32
    %dma_wait3A_1979 = arith.constant 0 : i32
    %dma_wait3A_1980 = tpu.memref_slice %arg5[%dma_wait3A_1978, %dma_wait3A_1979] : memref<2600000x16xf32, #tpu.memory_space<hbm>> -> memref<2600000x16xf32, #tpu.memory_space<hbm>>
    tpu.wait_indirect_dma semaphore(%arg10 : memref<!tpu.dma_semaphore, #tpu.memory_space<semaphore_mem>>) src(%dma_wait3A_1980 : memref<2600000x16xf32, #tpu.memory_space<hbm>>) dst(%dma_wait3A_1974 : memref<128x16xf32, #tpu.memory_space<vmem>>)
    %dma_wait3A_1981 = arith.constant 24 : i32
    %dma_wait3A_1982 = arith.constant 256 : i32
    %dma_wait3A_1983 = arith.constant 0 : i32
    %dma_wait3A_1984 = tpu.memref_slice %arg8[%dma_wait3A_1982, %dma_wait3A_1983] : memref<512x16xf32, #tpu.memory_space<vmem>> -> memref<128x16xf32, #tpu.memory_space<vmem>>
    %dma_wait3A_1985 = arith.constant 256 : i32
    %dma_wait3A_1986 = tpu.memref_slice %arg7[%dma_wait3A_1981, %dma_wait3A_1985] : memref<28x512xi32, #tpu.memory_space<vmem>> -> memref<1x128xi32, #tpu.memory_space<vmem>>
    %dma_wait3A_1987 = tpu.memref_squeeze %dma_wait3A_1986 : memref<1x128xi32, #tpu.memory_space<vmem>> -> memref<128xi32, #tpu.memory_space<vmem>>
    %dma_wait3A_1988 = arith.constant 0 : i32
    %dma_wait3A_1989 = arith.constant 0 : i32
    %dma_wait3A_1990 = tpu.memref_slice %arg5[%dma_wait3A_1988, %dma_wait3A_1989] : memref<2600000x16xf32, #tpu.memory_space<hbm>> -> memref<2600000x16xf32, #tpu.memory_space<hbm>>
    tpu.wait_indirect_dma semaphore(%arg10 : memref<!tpu.dma_semaphore, #tpu.memory_space<semaphore_mem>>) src(%dma_wait3A_1990 : memref<2600000x16xf32, #tpu.memory_space<hbm>>) dst(%dma_wait3A_1984 : memref<128x16xf32, #tpu.memory_space<vmem>>)
    %dma_wait3A_1991 = arith.constant 24 : i32
    %dma_wait3A_1992 = arith.constant 384 : i32
    %dma_wait3A_1993 = arith.constant 0 : i32
    %dma_wait3A_1994 = tpu.memref_slice %arg8[%dma_wait3A_1992, %dma_wait3A_1993] : memref<512x16xf32, #tpu.memory_space<vmem>> -> memref<128x16xf32, #tpu.memory_space<vmem>>
    %dma_wait3A_1995 = arith.constant 384 : i32
    %dma_wait3A_1996 = tpu.memref_slice %arg7[%dma_wait3A_1991, %dma_wait3A_1995] : memref<28x512xi32, #tpu.memory_space<vmem>> -> memref<1x128xi32, #tpu.memory_space<vmem>>
    %dma_wait3A_1997 = tpu.memref_squeeze %dma_wait3A_1996 : memref<1x128xi32, #tpu.memory_space<vmem>> -> memref<128xi32, #tpu.memory_space<vmem>>
    %dma_wait3A_1998 = arith.constant 0 : i32
    %dma_wait3A_1999 = arith.constant 0 : i32
    %dma_wait3A_2000 = tpu.memref_slice %arg5[%dma_wait3A_1998, %dma_wait3A_1999] : memref<2600000x16xf32, #tpu.memory_space<hbm>> -> memref<2600000x16xf32, #tpu.memory_space<hbm>>
    tpu.wait_indirect_dma semaphore(%arg10 : memref<!tpu.dma_semaphore, #tpu.memory_space<semaphore_mem>>) src(%dma_wait3A_2000 : memref<2600000x16xf32, #tpu.memory_space<hbm>>) dst(%dma_wait3A_1994 : memref<128x16xf32, #tpu.memory_space<vmem>>)
    "tpu.region"() ({
      %run_scoped3A = tpu.sem_alloc : memref<!tpu.dma_semaphore, #tpu.memory_space<semaphore_mem>>
      %dma_start3A_2241 = arith.constant 384 : i32
      %dma_start3A_2242 = tpu.memref_slice %arg6[%mul3A_2, %dma_start3A_2241] : memref<16384x448xf32, #tpu.memory_space<hbm>> -> memref<512x16xf32, #tpu.memory_space<hbm>>
      %dma_start3A_2243 = arith.constant 384 : i32
      %dma_start3A_2244 = tpu.memref_slice %arg6[%mul3A_2, %dma_start3A_2243] : memref<16384x448xf32, #tpu.memory_space<hbm>> -> memref<512x16xf32, #tpu.memory_space<hbm>>
      tpu.enqueue_dma source(%arg8 : memref<512x16xf32, #tpu.memory_space<vmem>>) target(%dma_start3A_2244 : memref<512x16xf32, #tpu.memory_space<hbm>>) target_semaphore(%run_scoped3A : memref<!tpu.dma_semaphore, #tpu.memory_space<semaphore_mem>>)
      %dma_wait3A_2245 = arith.constant 384 : i32
      %dma_wait3A_2246 = tpu.memref_slice %arg6[%mul3A_2, %dma_wait3A_2245] : memref<16384x448xf32, #tpu.memory_space<hbm>> -> memref<512x16xf32, #tpu.memory_space<hbm>>
      %dma_wait3A_2247 = arith.constant 384 : i32
      %dma_wait3A_2248 = tpu.memref_slice %arg6[%mul3A_2, %dma_wait3A_2247] : memref<16384x448xf32, #tpu.memory_space<hbm>> -> memref<512x16xf32, #tpu.memory_space<hbm>>
      tpu.wait_dma2 semaphore(%run_scoped3A : memref<!tpu.dma_semaphore, #tpu.memory_space<semaphore_mem>>) src(%arg8 : memref<512x16xf32, #tpu.memory_space<vmem>>) dst(%dma_wait3A_2248 : memref<512x16xf32, #tpu.memory_space<hbm>>)
      tpu.yield
    }) : () -> ()
    %dma_start3A_2001 = arith.constant 25 : i32
    %dma_start3A_2002 = arith.constant 0 : i32
    %dma_start3A_2003 = arith.constant 0 : i32
    %dma_start3A_2004 = tpu.memref_slice %arg8[%dma_start3A_2002, %dma_start3A_2003] : memref<512x16xf32, #tpu.memory_space<vmem>> -> memref<128x16xf32, #tpu.memory_space<vmem>>
    %dma_start3A_2005 = arith.constant 0 : i32
    %dma_start3A_2006 = tpu.memref_slice %arg7[%dma_start3A_2001, %dma_start3A_2005] : memref<28x512xi32, #tpu.memory_space<vmem>> -> memref<1x128xi32, #tpu.memory_space<vmem>>
    %dma_start3A_2007 = tpu.memref_squeeze %dma_start3A_2006 : memref<1x128xi32, #tpu.memory_space<vmem>> -> memref<128xi32, #tpu.memory_space<vmem>>
    %dma_start3A_2008 = arith.constant 0 : i32
    %dma_start3A_2009 = arith.constant 0 : i32
    %dma_start3A_2010 = tpu.memref_slice %arg5[%dma_start3A_2008, %dma_start3A_2009] : memref<2600000x16xf32, #tpu.memory_space<hbm>> -> memref<2600000x16xf32, #tpu.memory_space<hbm>>
    tpu.enqueue_indirect_dma source(%dma_start3A_2010 : memref<2600000x16xf32, #tpu.memory_space<hbm>>) target(%dma_start3A_2004 : memref<128x16xf32, #tpu.memory_space<vmem>>) offsets(%dma_start3A_2007 : memref<128xi32, #tpu.memory_space<vmem>>) semaphore(%arg10 : memref<!tpu.dma_semaphore, #tpu.memory_space<semaphore_mem>>)
    %dma_start3A_2011 = arith.constant 25 : i32
    %dma_start3A_2012 = arith.constant 128 : i32
    %dma_start3A_2013 = arith.constant 0 : i32
    %dma_start3A_2014 = tpu.memref_slice %arg8[%dma_start3A_2012, %dma_start3A_2013] : memref<512x16xf32, #tpu.memory_space<vmem>> -> memref<128x16xf32, #tpu.memory_space<vmem>>
    %dma_start3A_2015 = arith.constant 128 : i32
    %dma_start3A_2016 = tpu.memref_slice %arg7[%dma_start3A_2011, %dma_start3A_2015] : memref<28x512xi32, #tpu.memory_space<vmem>> -> memref<1x128xi32, #tpu.memory_space<vmem>>
    %dma_start3A_2017 = tpu.memref_squeeze %dma_start3A_2016 : memref<1x128xi32, #tpu.memory_space<vmem>> -> memref<128xi32, #tpu.memory_space<vmem>>
    %dma_start3A_2018 = arith.constant 0 : i32
    %dma_start3A_2019 = arith.constant 0 : i32
    %dma_start3A_2020 = tpu.memref_slice %arg5[%dma_start3A_2018, %dma_start3A_2019] : memref<2600000x16xf32, #tpu.memory_space<hbm>> -> memref<2600000x16xf32, #tpu.memory_space<hbm>>
    tpu.enqueue_indirect_dma source(%dma_start3A_2020 : memref<2600000x16xf32, #tpu.memory_space<hbm>>) target(%dma_start3A_2014 : memref<128x16xf32, #tpu.memory_space<vmem>>) offsets(%dma_start3A_2017 : memref<128xi32, #tpu.memory_space<vmem>>) semaphore(%arg10 : memref<!tpu.dma_semaphore, #tpu.memory_space<semaphore_mem>>)
    %dma_start3A_2021 = arith.constant 25 : i32
    %dma_start3A_2022 = arith.constant 256 : i32
    %dma_start3A_2023 = arith.constant 0 : i32
    %dma_start3A_2024 = tpu.memref_slice %arg8[%dma_start3A_2022, %dma_start3A_2023] : memref<512x16xf32, #tpu.memory_space<vmem>> -> memref<128x16xf32, #tpu.memory_space<vmem>>
    %dma_start3A_2025 = arith.constant 256 : i32
    %dma_start3A_2026 = tpu.memref_slice %arg7[%dma_start3A_2021, %dma_start3A_2025] : memref<28x512xi32, #tpu.memory_space<vmem>> -> memref<1x128xi32, #tpu.memory_space<vmem>>
    %dma_start3A_2027 = tpu.memref_squeeze %dma_start3A_2026 : memref<1x128xi32, #tpu.memory_space<vmem>> -> memref<128xi32, #tpu.memory_space<vmem>>
    %dma_start3A_2028 = arith.constant 0 : i32
    %dma_start3A_2029 = arith.constant 0 : i32
    %dma_start3A_2030 = tpu.memref_slice %arg5[%dma_start3A_2028, %dma_start3A_2029] : memref<2600000x16xf32, #tpu.memory_space<hbm>> -> memref<2600000x16xf32, #tpu.memory_space<hbm>>
    tpu.enqueue_indirect_dma source(%dma_start3A_2030 : memref<2600000x16xf32, #tpu.memory_space<hbm>>) target(%dma_start3A_2024 : memref<128x16xf32, #tpu.memory_space<vmem>>) offsets(%dma_start3A_2027 : memref<128xi32, #tpu.memory_space<vmem>>) semaphore(%arg10 : memref<!tpu.dma_semaphore, #tpu.memory_space<semaphore_mem>>)
    %dma_start3A_2031 = arith.constant 25 : i32
    %dma_start3A_2032 = arith.constant 384 : i32
    %dma_start3A_2033 = arith.constant 0 : i32
    %dma_start3A_2034 = tpu.memref_slice %arg8[%dma_start3A_2032, %dma_start3A_2033] : memref<512x16xf32, #tpu.memory_space<vmem>> -> memref<128x16xf32, #tpu.memory_space<vmem>>
    %dma_start3A_2035 = arith.constant 384 : i32
    %dma_start3A_2036 = tpu.memref_slice %arg7[%dma_start3A_2031, %dma_start3A_2035] : memref<28x512xi32, #tpu.memory_space<vmem>> -> memref<1x128xi32, #tpu.memory_space<vmem>>
    %dma_start3A_2037 = tpu.memref_squeeze %dma_start3A_2036 : memref<1x128xi32, #tpu.memory_space<vmem>> -> memref<128xi32, #tpu.memory_space<vmem>>
    %dma_start3A_2038 = arith.constant 0 : i32
    %dma_start3A_2039 = arith.constant 0 : i32
    %dma_start3A_2040 = tpu.memref_slice %arg5[%dma_start3A_2038, %dma_start3A_2039] : memref<2600000x16xf32, #tpu.memory_space<hbm>> -> memref<2600000x16xf32, #tpu.memory_space<hbm>>
    tpu.enqueue_indirect_dma source(%dma_start3A_2040 : memref<2600000x16xf32, #tpu.memory_space<hbm>>) target(%dma_start3A_2034 : memref<128x16xf32, #tpu.memory_space<vmem>>) offsets(%dma_start3A_2037 : memref<128xi32, #tpu.memory_space<vmem>>) semaphore(%arg10 : memref<!tpu.dma_semaphore, #tpu.memory_space<semaphore_mem>>)
    %dma_wait3A_2041 = arith.constant 25 : i32
    %dma_wait3A_2042 = arith.constant 0 : i32
    %dma_wait3A_2043 = arith.constant 0 : i32
    %dma_wait3A_2044 = tpu.memref_slice %arg8[%dma_wait3A_2042, %dma_wait3A_2043] : memref<512x16xf32, #tpu.memory_space<vmem>> -> memref<128x16xf32, #tpu.memory_space<vmem>>
    %dma_wait3A_2045 = arith.constant 0 : i32
    %dma_wait3A_2046 = tpu.memref_slice %arg7[%dma_wait3A_2041, %dma_wait3A_2045] : memref<28x512xi32, #tpu.memory_space<vmem>> -> memref<1x128xi32, #tpu.memory_space<vmem>>
    %dma_wait3A_2047 = tpu.memref_squeeze %dma_wait3A_2046 : memref<1x128xi32, #tpu.memory_space<vmem>> -> memref<128xi32, #tpu.memory_space<vmem>>
    %dma_wait3A_2048 = arith.constant 0 : i32
    %dma_wait3A_2049 = arith.constant 0 : i32
    %dma_wait3A_2050 = tpu.memref_slice %arg5[%dma_wait3A_2048, %dma_wait3A_2049] : memref<2600000x16xf32, #tpu.memory_space<hbm>> -> memref<2600000x16xf32, #tpu.memory_space<hbm>>
    tpu.wait_indirect_dma semaphore(%arg10 : memref<!tpu.dma_semaphore, #tpu.memory_space<semaphore_mem>>) src(%dma_wait3A_2050 : memref<2600000x16xf32, #tpu.memory_space<hbm>>) dst(%dma_wait3A_2044 : memref<128x16xf32, #tpu.memory_space<vmem>>)
    %dma_wait3A_2051 = arith.constant 25 : i32
    %dma_wait3A_2052 = arith.constant 128 : i32
    %dma_wait3A_2053 = arith.constant 0 : i32
    %dma_wait3A_2054 = tpu.memref_slice %arg8[%dma_wait3A_2052, %dma_wait3A_2053] : memref<512x16xf32, #tpu.memory_space<vmem>> -> memref<128x16xf32, #tpu.memory_space<vmem>>
    %dma_wait3A_2055 = arith.constant 128 : i32
    %dma_wait3A_2056 = tpu.memref_slice %arg7[%dma_wait3A_2051, %dma_wait3A_2055] : memref<28x512xi32, #tpu.memory_space<vmem>> -> memref<1x128xi32, #tpu.memory_space<vmem>>
    %dma_wait3A_2057 = tpu.memref_squeeze %dma_wait3A_2056 : memref<1x128xi32, #tpu.memory_space<vmem>> -> memref<128xi32, #tpu.memory_space<vmem>>
    %dma_wait3A_2058 = arith.constant 0 : i32
    %dma_wait3A_2059 = arith.constant 0 : i32
    %dma_wait3A_2060 = tpu.memref_slice %arg5[%dma_wait3A_2058, %dma_wait3A_2059] : memref<2600000x16xf32, #tpu.memory_space<hbm>> -> memref<2600000x16xf32, #tpu.memory_space<hbm>>
    tpu.wait_indirect_dma semaphore(%arg10 : memref<!tpu.dma_semaphore, #tpu.memory_space<semaphore_mem>>) src(%dma_wait3A_2060 : memref<2600000x16xf32, #tpu.memory_space<hbm>>) dst(%dma_wait3A_2054 : memref<128x16xf32, #tpu.memory_space<vmem>>)
    %dma_wait3A_2061 = arith.constant 25 : i32
    %dma_wait3A_2062 = arith.constant 256 : i32
    %dma_wait3A_2063 = arith.constant 0 : i32
    %dma_wait3A_2064 = tpu.memref_slice %arg8[%dma_wait3A_2062, %dma_wait3A_2063] : memref<512x16xf32, #tpu.memory_space<vmem>> -> memref<128x16xf32, #tpu.memory_space<vmem>>
    %dma_wait3A_2065 = arith.constant 256 : i32
    %dma_wait3A_2066 = tpu.memref_slice %arg7[%dma_wait3A_2061, %dma_wait3A_2065] : memref<28x512xi32, #tpu.memory_space<vmem>> -> memref<1x128xi32, #tpu.memory_space<vmem>>
    %dma_wait3A_2067 = tpu.memref_squeeze %dma_wait3A_2066 : memref<1x128xi32, #tpu.memory_space<vmem>> -> memref<128xi32, #tpu.memory_space<vmem>>
    %dma_wait3A_2068 = arith.constant 0 : i32
    %dma_wait3A_2069 = arith.constant 0 : i32
    %dma_wait3A_2070 = tpu.memref_slice %arg5[%dma_wait3A_2068, %dma_wait3A_2069] : memref<2600000x16xf32, #tpu.memory_space<hbm>> -> memref<2600000x16xf32, #tpu.memory_space<hbm>>
    tpu.wait_indirect_dma semaphore(%arg10 : memref<!tpu.dma_semaphore, #tpu.memory_space<semaphore_mem>>) src(%dma_wait3A_2070 : memref<2600000x16xf32, #tpu.memory_space<hbm>>) dst(%dma_wait3A_2064 : memref<128x16xf32, #tpu.memory_space<vmem>>)
    %dma_wait3A_2071 = arith.constant 25 : i32
    %dma_wait3A_2072 = arith.constant 384 : i32
    %dma_wait3A_2073 = arith.constant 0 : i32
    %dma_wait3A_2074 = tpu.memref_slice %arg8[%dma_wait3A_2072, %dma_wait3A_2073] : memref<512x16xf32, #tpu.memory_space<vmem>> -> memref<128x16xf32, #tpu.memory_space<vmem>>
    %dma_wait3A_2075 = arith.constant 384 : i32
    %dma_wait3A_2076 = tpu.memref_slice %arg7[%dma_wait3A_2071, %dma_wait3A_2075] : memref<28x512xi32, #tpu.memory_space<vmem>> -> memref<1x128xi32, #tpu.memory_space<vmem>>
    %dma_wait3A_2077 = tpu.memref_squeeze %dma_wait3A_2076 : memref<1x128xi32, #tpu.memory_space<vmem>> -> memref<128xi32, #tpu.memory_space<vmem>>
    %dma_wait3A_2078 = arith.constant 0 : i32
    %dma_wait3A_2079 = arith.constant 0 : i32
    %dma_wait3A_2080 = tpu.memref_slice %arg5[%dma_wait3A_2078, %dma_wait3A_2079] : memref<2600000x16xf32, #tpu.memory_space<hbm>> -> memref<2600000x16xf32, #tpu.memory_space<hbm>>
    tpu.wait_indirect_dma semaphore(%arg10 : memref<!tpu.dma_semaphore, #tpu.memory_space<semaphore_mem>>) src(%dma_wait3A_2080 : memref<2600000x16xf32, #tpu.memory_space<hbm>>) dst(%dma_wait3A_2074 : memref<128x16xf32, #tpu.memory_space<vmem>>)
    "tpu.region"() ({
      %run_scoped3A = tpu.sem_alloc : memref<!tpu.dma_semaphore, #tpu.memory_space<semaphore_mem>>
      %dma_start3A_2241 = arith.constant 400 : i32
      %dma_start3A_2242 = tpu.memref_slice %arg6[%mul3A_2, %dma_start3A_2241] : memref<16384x448xf32, #tpu.memory_space<hbm>> -> memref<512x16xf32, #tpu.memory_space<hbm>>
      %dma_start3A_2243 = arith.constant 400 : i32
      %dma_start3A_2244 = tpu.memref_slice %arg6[%mul3A_2, %dma_start3A_2243] : memref<16384x448xf32, #tpu.memory_space<hbm>> -> memref<512x16xf32, #tpu.memory_space<hbm>>
      tpu.enqueue_dma source(%arg8 : memref<512x16xf32, #tpu.memory_space<vmem>>) target(%dma_start3A_2244 : memref<512x16xf32, #tpu.memory_space<hbm>>) target_semaphore(%run_scoped3A : memref<!tpu.dma_semaphore, #tpu.memory_space<semaphore_mem>>)
      %dma_wait3A_2245 = arith.constant 400 : i32
      %dma_wait3A_2246 = tpu.memref_slice %arg6[%mul3A_2, %dma_wait3A_2245] : memref<16384x448xf32, #tpu.memory_space<hbm>> -> memref<512x16xf32, #tpu.memory_space<hbm>>
      %dma_wait3A_2247 = arith.constant 400 : i32
      %dma_wait3A_2248 = tpu.memref_slice %arg6[%mul3A_2, %dma_wait3A_2247] : memref<16384x448xf32, #tpu.memory_space<hbm>> -> memref<512x16xf32, #tpu.memory_space<hbm>>
      tpu.wait_dma2 semaphore(%run_scoped3A : memref<!tpu.dma_semaphore, #tpu.memory_space<semaphore_mem>>) src(%arg8 : memref<512x16xf32, #tpu.memory_space<vmem>>) dst(%dma_wait3A_2248 : memref<512x16xf32, #tpu.memory_space<hbm>>)
      tpu.yield
    }) : () -> ()
    %dma_start3A_2081 = arith.constant 26 : i32
    %dma_start3A_2082 = arith.constant 0 : i32
    %dma_start3A_2083 = arith.constant 0 : i32
    %dma_start3A_2084 = tpu.memref_slice %arg8[%dma_start3A_2082, %dma_start3A_2083] : memref<512x16xf32, #tpu.memory_space<vmem>> -> memref<128x16xf32, #tpu.memory_space<vmem>>
    %dma_start3A_2085 = arith.constant 0 : i32
    %dma_start3A_2086 = tpu.memref_slice %arg7[%dma_start3A_2081, %dma_start3A_2085] : memref<28x512xi32, #tpu.memory_space<vmem>> -> memref<1x128xi32, #tpu.memory_space<vmem>>
    %dma_start3A_2087 = tpu.memref_squeeze %dma_start3A_2086 : memref<1x128xi32, #tpu.memory_space<vmem>> -> memref<128xi32, #tpu.memory_space<vmem>>
    %dma_start3A_2088 = arith.constant 0 : i32
    %dma_start3A_2089 = arith.constant 0 : i32
    %dma_start3A_2090 = tpu.memref_slice %arg5[%dma_start3A_2088, %dma_start3A_2089] : memref<2600000x16xf32, #tpu.memory_space<hbm>> -> memref<2600000x16xf32, #tpu.memory_space<hbm>>
    tpu.enqueue_indirect_dma source(%dma_start3A_2090 : memref<2600000x16xf32, #tpu.memory_space<hbm>>) target(%dma_start3A_2084 : memref<128x16xf32, #tpu.memory_space<vmem>>) offsets(%dma_start3A_2087 : memref<128xi32, #tpu.memory_space<vmem>>) semaphore(%arg10 : memref<!tpu.dma_semaphore, #tpu.memory_space<semaphore_mem>>)
    %dma_start3A_2091 = arith.constant 26 : i32
    %dma_start3A_2092 = arith.constant 128 : i32
    %dma_start3A_2093 = arith.constant 0 : i32
    %dma_start3A_2094 = tpu.memref_slice %arg8[%dma_start3A_2092, %dma_start3A_2093] : memref<512x16xf32, #tpu.memory_space<vmem>> -> memref<128x16xf32, #tpu.memory_space<vmem>>
    %dma_start3A_2095 = arith.constant 128 : i32
    %dma_start3A_2096 = tpu.memref_slice %arg7[%dma_start3A_2091, %dma_start3A_2095] : memref<28x512xi32, #tpu.memory_space<vmem>> -> memref<1x128xi32, #tpu.memory_space<vmem>>
    %dma_start3A_2097 = tpu.memref_squeeze %dma_start3A_2096 : memref<1x128xi32, #tpu.memory_space<vmem>> -> memref<128xi32, #tpu.memory_space<vmem>>
    %dma_start3A_2098 = arith.constant 0 : i32
    %dma_start3A_2099 = arith.constant 0 : i32
    %dma_start3A_2100 = tpu.memref_slice %arg5[%dma_start3A_2098, %dma_start3A_2099] : memref<2600000x16xf32, #tpu.memory_space<hbm>> -> memref<2600000x16xf32, #tpu.memory_space<hbm>>
    tpu.enqueue_indirect_dma source(%dma_start3A_2100 : memref<2600000x16xf32, #tpu.memory_space<hbm>>) target(%dma_start3A_2094 : memref<128x16xf32, #tpu.memory_space<vmem>>) offsets(%dma_start3A_2097 : memref<128xi32, #tpu.memory_space<vmem>>) semaphore(%arg10 : memref<!tpu.dma_semaphore, #tpu.memory_space<semaphore_mem>>)
    %dma_start3A_2101 = arith.constant 26 : i32
    %dma_start3A_2102 = arith.constant 256 : i32
    %dma_start3A_2103 = arith.constant 0 : i32
    %dma_start3A_2104 = tpu.memref_slice %arg8[%dma_start3A_2102, %dma_start3A_2103] : memref<512x16xf32, #tpu.memory_space<vmem>> -> memref<128x16xf32, #tpu.memory_space<vmem>>
    %dma_start3A_2105 = arith.constant 256 : i32
    %dma_start3A_2106 = tpu.memref_slice %arg7[%dma_start3A_2101, %dma_start3A_2105] : memref<28x512xi32, #tpu.memory_space<vmem>> -> memref<1x128xi32, #tpu.memory_space<vmem>>
    %dma_start3A_2107 = tpu.memref_squeeze %dma_start3A_2106 : memref<1x128xi32, #tpu.memory_space<vmem>> -> memref<128xi32, #tpu.memory_space<vmem>>
    %dma_start3A_2108 = arith.constant 0 : i32
    %dma_start3A_2109 = arith.constant 0 : i32
    %dma_start3A_2110 = tpu.memref_slice %arg5[%dma_start3A_2108, %dma_start3A_2109] : memref<2600000x16xf32, #tpu.memory_space<hbm>> -> memref<2600000x16xf32, #tpu.memory_space<hbm>>
    tpu.enqueue_indirect_dma source(%dma_start3A_2110 : memref<2600000x16xf32, #tpu.memory_space<hbm>>) target(%dma_start3A_2104 : memref<128x16xf32, #tpu.memory_space<vmem>>) offsets(%dma_start3A_2107 : memref<128xi32, #tpu.memory_space<vmem>>) semaphore(%arg10 : memref<!tpu.dma_semaphore, #tpu.memory_space<semaphore_mem>>)
    %dma_start3A_2111 = arith.constant 26 : i32
    %dma_start3A_2112 = arith.constant 384 : i32
    %dma_start3A_2113 = arith.constant 0 : i32
    %dma_start3A_2114 = tpu.memref_slice %arg8[%dma_start3A_2112, %dma_start3A_2113] : memref<512x16xf32, #tpu.memory_space<vmem>> -> memref<128x16xf32, #tpu.memory_space<vmem>>
    %dma_start3A_2115 = arith.constant 384 : i32
    %dma_start3A_2116 = tpu.memref_slice %arg7[%dma_start3A_2111, %dma_start3A_2115] : memref<28x512xi32, #tpu.memory_space<vmem>> -> memref<1x128xi32, #tpu.memory_space<vmem>>
    %dma_start3A_2117 = tpu.memref_squeeze %dma_start3A_2116 : memref<1x128xi32, #tpu.memory_space<vmem>> -> memref<128xi32, #tpu.memory_space<vmem>>
    %dma_start3A_2118 = arith.constant 0 : i32
    %dma_start3A_2119 = arith.constant 0 : i32
    %dma_start3A_2120 = tpu.memref_slice %arg5[%dma_start3A_2118, %dma_start3A_2119] : memref<2600000x16xf32, #tpu.memory_space<hbm>> -> memref<2600000x16xf32, #tpu.memory_space<hbm>>
    tpu.enqueue_indirect_dma source(%dma_start3A_2120 : memref<2600000x16xf32, #tpu.memory_space<hbm>>) target(%dma_start3A_2114 : memref<128x16xf32, #tpu.memory_space<vmem>>) offsets(%dma_start3A_2117 : memref<128xi32, #tpu.memory_space<vmem>>) semaphore(%arg10 : memref<!tpu.dma_semaphore, #tpu.memory_space<semaphore_mem>>)
    %dma_wait3A_2121 = arith.constant 26 : i32
    %dma_wait3A_2122 = arith.constant 0 : i32
    %dma_wait3A_2123 = arith.constant 0 : i32
    %dma_wait3A_2124 = tpu.memref_slice %arg8[%dma_wait3A_2122, %dma_wait3A_2123] : memref<512x16xf32, #tpu.memory_space<vmem>> -> memref<128x16xf32, #tpu.memory_space<vmem>>
    %dma_wait3A_2125 = arith.constant 0 : i32
    %dma_wait3A_2126 = tpu.memref_slice %arg7[%dma_wait3A_2121, %dma_wait3A_2125] : memref<28x512xi32, #tpu.memory_space<vmem>> -> memref<1x128xi32, #tpu.memory_space<vmem>>
    %dma_wait3A_2127 = tpu.memref_squeeze %dma_wait3A_2126 : memref<1x128xi32, #tpu.memory_space<vmem>> -> memref<128xi32, #tpu.memory_space<vmem>>
    %dma_wait3A_2128 = arith.constant 0 : i32
    %dma_wait3A_2129 = arith.constant 0 : i32
    %dma_wait3A_2130 = tpu.memref_slice %arg5[%dma_wait3A_2128, %dma_wait3A_2129] : memref<2600000x16xf32, #tpu.memory_space<hbm>> -> memref<2600000x16xf32, #tpu.memory_space<hbm>>
    tpu.wait_indirect_dma semaphore(%arg10 : memref<!tpu.dma_semaphore, #tpu.memory_space<semaphore_mem>>) src(%dma_wait3A_2130 : memref<2600000x16xf32, #tpu.memory_space<hbm>>) dst(%dma_wait3A_2124 : memref<128x16xf32, #tpu.memory_space<vmem>>)
    %dma_wait3A_2131 = arith.constant 26 : i32
    %dma_wait3A_2132 = arith.constant 128 : i32
    %dma_wait3A_2133 = arith.constant 0 : i32
    %dma_wait3A_2134 = tpu.memref_slice %arg8[%dma_wait3A_2132, %dma_wait3A_2133] : memref<512x16xf32, #tpu.memory_space<vmem>> -> memref<128x16xf32, #tpu.memory_space<vmem>>
    %dma_wait3A_2135 = arith.constant 128 : i32
    %dma_wait3A_2136 = tpu.memref_slice %arg7[%dma_wait3A_2131, %dma_wait3A_2135] : memref<28x512xi32, #tpu.memory_space<vmem>> -> memref<1x128xi32, #tpu.memory_space<vmem>>
    %dma_wait3A_2137 = tpu.memref_squeeze %dma_wait3A_2136 : memref<1x128xi32, #tpu.memory_space<vmem>> -> memref<128xi32, #tpu.memory_space<vmem>>
    %dma_wait3A_2138 = arith.constant 0 : i32
    %dma_wait3A_2139 = arith.constant 0 : i32
    %dma_wait3A_2140 = tpu.memref_slice %arg5[%dma_wait3A_2138, %dma_wait3A_2139] : memref<2600000x16xf32, #tpu.memory_space<hbm>> -> memref<2600000x16xf32, #tpu.memory_space<hbm>>
    tpu.wait_indirect_dma semaphore(%arg10 : memref<!tpu.dma_semaphore, #tpu.memory_space<semaphore_mem>>) src(%dma_wait3A_2140 : memref<2600000x16xf32, #tpu.memory_space<hbm>>) dst(%dma_wait3A_2134 : memref<128x16xf32, #tpu.memory_space<vmem>>)
    %dma_wait3A_2141 = arith.constant 26 : i32
    %dma_wait3A_2142 = arith.constant 256 : i32
    %dma_wait3A_2143 = arith.constant 0 : i32
    %dma_wait3A_2144 = tpu.memref_slice %arg8[%dma_wait3A_2142, %dma_wait3A_2143] : memref<512x16xf32, #tpu.memory_space<vmem>> -> memref<128x16xf32, #tpu.memory_space<vmem>>
    %dma_wait3A_2145 = arith.constant 256 : i32
    %dma_wait3A_2146 = tpu.memref_slice %arg7[%dma_wait3A_2141, %dma_wait3A_2145] : memref<28x512xi32, #tpu.memory_space<vmem>> -> memref<1x128xi32, #tpu.memory_space<vmem>>
    %dma_wait3A_2147 = tpu.memref_squeeze %dma_wait3A_2146 : memref<1x128xi32, #tpu.memory_space<vmem>> -> memref<128xi32, #tpu.memory_space<vmem>>
    %dma_wait3A_2148 = arith.constant 0 : i32
    %dma_wait3A_2149 = arith.constant 0 : i32
    %dma_wait3A_2150 = tpu.memref_slice %arg5[%dma_wait3A_2148, %dma_wait3A_2149] : memref<2600000x16xf32, #tpu.memory_space<hbm>> -> memref<2600000x16xf32, #tpu.memory_space<hbm>>
    tpu.wait_indirect_dma semaphore(%arg10 : memref<!tpu.dma_semaphore, #tpu.memory_space<semaphore_mem>>) src(%dma_wait3A_2150 : memref<2600000x16xf32, #tpu.memory_space<hbm>>) dst(%dma_wait3A_2144 : memref<128x16xf32, #tpu.memory_space<vmem>>)
    %dma_wait3A_2151 = arith.constant 26 : i32
    %dma_wait3A_2152 = arith.constant 384 : i32
    %dma_wait3A_2153 = arith.constant 0 : i32
    %dma_wait3A_2154 = tpu.memref_slice %arg8[%dma_wait3A_2152, %dma_wait3A_2153] : memref<512x16xf32, #tpu.memory_space<vmem>> -> memref<128x16xf32, #tpu.memory_space<vmem>>
    %dma_wait3A_2155 = arith.constant 384 : i32
    %dma_wait3A_2156 = tpu.memref_slice %arg7[%dma_wait3A_2151, %dma_wait3A_2155] : memref<28x512xi32, #tpu.memory_space<vmem>> -> memref<1x128xi32, #tpu.memory_space<vmem>>
    %dma_wait3A_2157 = tpu.memref_squeeze %dma_wait3A_2156 : memref<1x128xi32, #tpu.memory_space<vmem>> -> memref<128xi32, #tpu.memory_space<vmem>>
    %dma_wait3A_2158 = arith.constant 0 : i32
    %dma_wait3A_2159 = arith.constant 0 : i32
    %dma_wait3A_2160 = tpu.memref_slice %arg5[%dma_wait3A_2158, %dma_wait3A_2159] : memref<2600000x16xf32, #tpu.memory_space<hbm>> -> memref<2600000x16xf32, #tpu.memory_space<hbm>>
    tpu.wait_indirect_dma semaphore(%arg10 : memref<!tpu.dma_semaphore, #tpu.memory_space<semaphore_mem>>) src(%dma_wait3A_2160 : memref<2600000x16xf32, #tpu.memory_space<hbm>>) dst(%dma_wait3A_2154 : memref<128x16xf32, #tpu.memory_space<vmem>>)
    "tpu.region"() ({
      %run_scoped3A = tpu.sem_alloc : memref<!tpu.dma_semaphore, #tpu.memory_space<semaphore_mem>>
      %dma_start3A_2241 = arith.constant 416 : i32
      %dma_start3A_2242 = tpu.memref_slice %arg6[%mul3A_2, %dma_start3A_2241] : memref<16384x448xf32, #tpu.memory_space<hbm>> -> memref<512x16xf32, #tpu.memory_space<hbm>>
      %dma_start3A_2243 = arith.constant 416 : i32
      %dma_start3A_2244 = tpu.memref_slice %arg6[%mul3A_2, %dma_start3A_2243] : memref<16384x448xf32, #tpu.memory_space<hbm>> -> memref<512x16xf32, #tpu.memory_space<hbm>>
      tpu.enqueue_dma source(%arg8 : memref<512x16xf32, #tpu.memory_space<vmem>>) target(%dma_start3A_2244 : memref<512x16xf32, #tpu.memory_space<hbm>>) target_semaphore(%run_scoped3A : memref<!tpu.dma_semaphore, #tpu.memory_space<semaphore_mem>>)
      %dma_wait3A_2245 = arith.constant 416 : i32
      %dma_wait3A_2246 = tpu.memref_slice %arg6[%mul3A_2, %dma_wait3A_2245] : memref<16384x448xf32, #tpu.memory_space<hbm>> -> memref<512x16xf32, #tpu.memory_space<hbm>>
      %dma_wait3A_2247 = arith.constant 416 : i32
      %dma_wait3A_2248 = tpu.memref_slice %arg6[%mul3A_2, %dma_wait3A_2247] : memref<16384x448xf32, #tpu.memory_space<hbm>> -> memref<512x16xf32, #tpu.memory_space<hbm>>
      tpu.wait_dma2 semaphore(%run_scoped3A : memref<!tpu.dma_semaphore, #tpu.memory_space<semaphore_mem>>) src(%arg8 : memref<512x16xf32, #tpu.memory_space<vmem>>) dst(%dma_wait3A_2248 : memref<512x16xf32, #tpu.memory_space<hbm>>)
      tpu.yield
    }) : () -> ()
    %dma_start3A_2161 = arith.constant 27 : i32
    %dma_start3A_2162 = arith.constant 0 : i32
    %dma_start3A_2163 = arith.constant 0 : i32
    %dma_start3A_2164 = tpu.memref_slice %arg8[%dma_start3A_2162, %dma_start3A_2163] : memref<512x16xf32, #tpu.memory_space<vmem>> -> memref<128x16xf32, #tpu.memory_space<vmem>>
    %dma_start3A_2165 = arith.constant 0 : i32
    %dma_start3A_2166 = tpu.memref_slice %arg7[%dma_start3A_2161, %dma_start3A_2165] : memref<28x512xi32, #tpu.memory_space<vmem>> -> memref<1x128xi32, #tpu.memory_space<vmem>>
    %dma_start3A_2167 = tpu.memref_squeeze %dma_start3A_2166 : memref<1x128xi32, #tpu.memory_space<vmem>> -> memref<128xi32, #tpu.memory_space<vmem>>
    %dma_start3A_2168 = arith.constant 0 : i32
    %dma_start3A_2169 = arith.constant 0 : i32
    %dma_start3A_2170 = tpu.memref_slice %arg5[%dma_start3A_2168, %dma_start3A_2169] : memref<2600000x16xf32, #tpu.memory_space<hbm>> -> memref<2600000x16xf32, #tpu.memory_space<hbm>>
    tpu.enqueue_indirect_dma source(%dma_start3A_2170 : memref<2600000x16xf32, #tpu.memory_space<hbm>>) target(%dma_start3A_2164 : memref<128x16xf32, #tpu.memory_space<vmem>>) offsets(%dma_start3A_2167 : memref<128xi32, #tpu.memory_space<vmem>>) semaphore(%arg10 : memref<!tpu.dma_semaphore, #tpu.memory_space<semaphore_mem>>)
    %dma_start3A_2171 = arith.constant 27 : i32
    %dma_start3A_2172 = arith.constant 128 : i32
    %dma_start3A_2173 = arith.constant 0 : i32
    %dma_start3A_2174 = tpu.memref_slice %arg8[%dma_start3A_2172, %dma_start3A_2173] : memref<512x16xf32, #tpu.memory_space<vmem>> -> memref<128x16xf32, #tpu.memory_space<vmem>>
    %dma_start3A_2175 = arith.constant 128 : i32
    %dma_start3A_2176 = tpu.memref_slice %arg7[%dma_start3A_2171, %dma_start3A_2175] : memref<28x512xi32, #tpu.memory_space<vmem>> -> memref<1x128xi32, #tpu.memory_space<vmem>>
    %dma_start3A_2177 = tpu.memref_squeeze %dma_start3A_2176 : memref<1x128xi32, #tpu.memory_space<vmem>> -> memref<128xi32, #tpu.memory_space<vmem>>
    %dma_start3A_2178 = arith.constant 0 : i32
    %dma_start3A_2179 = arith.constant 0 : i32
    %dma_start3A_2180 = tpu.memref_slice %arg5[%dma_start3A_2178, %dma_start3A_2179] : memref<2600000x16xf32, #tpu.memory_space<hbm>> -> memref<2600000x16xf32, #tpu.memory_space<hbm>>
    tpu.enqueue_indirect_dma source(%dma_start3A_2180 : memref<2600000x16xf32, #tpu.memory_space<hbm>>) target(%dma_start3A_2174 : memref<128x16xf32, #tpu.memory_space<vmem>>) offsets(%dma_start3A_2177 : memref<128xi32, #tpu.memory_space<vmem>>) semaphore(%arg10 : memref<!tpu.dma_semaphore, #tpu.memory_space<semaphore_mem>>)
    %dma_start3A_2181 = arith.constant 27 : i32
    %dma_start3A_2182 = arith.constant 256 : i32
    %dma_start3A_2183 = arith.constant 0 : i32
    %dma_start3A_2184 = tpu.memref_slice %arg8[%dma_start3A_2182, %dma_start3A_2183] : memref<512x16xf32, #tpu.memory_space<vmem>> -> memref<128x16xf32, #tpu.memory_space<vmem>>
    %dma_start3A_2185 = arith.constant 256 : i32
    %dma_start3A_2186 = tpu.memref_slice %arg7[%dma_start3A_2181, %dma_start3A_2185] : memref<28x512xi32, #tpu.memory_space<vmem>> -> memref<1x128xi32, #tpu.memory_space<vmem>>
    %dma_start3A_2187 = tpu.memref_squeeze %dma_start3A_2186 : memref<1x128xi32, #tpu.memory_space<vmem>> -> memref<128xi32, #tpu.memory_space<vmem>>
    %dma_start3A_2188 = arith.constant 0 : i32
    %dma_start3A_2189 = arith.constant 0 : i32
    %dma_start3A_2190 = tpu.memref_slice %arg5[%dma_start3A_2188, %dma_start3A_2189] : memref<2600000x16xf32, #tpu.memory_space<hbm>> -> memref<2600000x16xf32, #tpu.memory_space<hbm>>
    tpu.enqueue_indirect_dma source(%dma_start3A_2190 : memref<2600000x16xf32, #tpu.memory_space<hbm>>) target(%dma_start3A_2184 : memref<128x16xf32, #tpu.memory_space<vmem>>) offsets(%dma_start3A_2187 : memref<128xi32, #tpu.memory_space<vmem>>) semaphore(%arg10 : memref<!tpu.dma_semaphore, #tpu.memory_space<semaphore_mem>>)
    %dma_start3A_2191 = arith.constant 27 : i32
    %dma_start3A_2192 = arith.constant 384 : i32
    %dma_start3A_2193 = arith.constant 0 : i32
    %dma_start3A_2194 = tpu.memref_slice %arg8[%dma_start3A_2192, %dma_start3A_2193] : memref<512x16xf32, #tpu.memory_space<vmem>> -> memref<128x16xf32, #tpu.memory_space<vmem>>
    %dma_start3A_2195 = arith.constant 384 : i32
    %dma_start3A_2196 = tpu.memref_slice %arg7[%dma_start3A_2191, %dma_start3A_2195] : memref<28x512xi32, #tpu.memory_space<vmem>> -> memref<1x128xi32, #tpu.memory_space<vmem>>
    %dma_start3A_2197 = tpu.memref_squeeze %dma_start3A_2196 : memref<1x128xi32, #tpu.memory_space<vmem>> -> memref<128xi32, #tpu.memory_space<vmem>>
    %dma_start3A_2198 = arith.constant 0 : i32
    %dma_start3A_2199 = arith.constant 0 : i32
    %dma_start3A_2200 = tpu.memref_slice %arg5[%dma_start3A_2198, %dma_start3A_2199] : memref<2600000x16xf32, #tpu.memory_space<hbm>> -> memref<2600000x16xf32, #tpu.memory_space<hbm>>
    tpu.enqueue_indirect_dma source(%dma_start3A_2200 : memref<2600000x16xf32, #tpu.memory_space<hbm>>) target(%dma_start3A_2194 : memref<128x16xf32, #tpu.memory_space<vmem>>) offsets(%dma_start3A_2197 : memref<128xi32, #tpu.memory_space<vmem>>) semaphore(%arg10 : memref<!tpu.dma_semaphore, #tpu.memory_space<semaphore_mem>>)
    %dma_wait3A_2201 = arith.constant 27 : i32
    %dma_wait3A_2202 = arith.constant 0 : i32
    %dma_wait3A_2203 = arith.constant 0 : i32
    %dma_wait3A_2204 = tpu.memref_slice %arg8[%dma_wait3A_2202, %dma_wait3A_2203] : memref<512x16xf32, #tpu.memory_space<vmem>> -> memref<128x16xf32, #tpu.memory_space<vmem>>
    %dma_wait3A_2205 = arith.constant 0 : i32
    %dma_wait3A_2206 = tpu.memref_slice %arg7[%dma_wait3A_2201, %dma_wait3A_2205] : memref<28x512xi32, #tpu.memory_space<vmem>> -> memref<1x128xi32, #tpu.memory_space<vmem>>
    %dma_wait3A_2207 = tpu.memref_squeeze %dma_wait3A_2206 : memref<1x128xi32, #tpu.memory_space<vmem>> -> memref<128xi32, #tpu.memory_space<vmem>>
    %dma_wait3A_2208 = arith.constant 0 : i32
    %dma_wait3A_2209 = arith.constant 0 : i32
    %dma_wait3A_2210 = tpu.memref_slice %arg5[%dma_wait3A_2208, %dma_wait3A_2209] : memref<2600000x16xf32, #tpu.memory_space<hbm>> -> memref<2600000x16xf32, #tpu.memory_space<hbm>>
    tpu.wait_indirect_dma semaphore(%arg10 : memref<!tpu.dma_semaphore, #tpu.memory_space<semaphore_mem>>) src(%dma_wait3A_2210 : memref<2600000x16xf32, #tpu.memory_space<hbm>>) dst(%dma_wait3A_2204 : memref<128x16xf32, #tpu.memory_space<vmem>>)
    %dma_wait3A_2211 = arith.constant 27 : i32
    %dma_wait3A_2212 = arith.constant 128 : i32
    %dma_wait3A_2213 = arith.constant 0 : i32
    %dma_wait3A_2214 = tpu.memref_slice %arg8[%dma_wait3A_2212, %dma_wait3A_2213] : memref<512x16xf32, #tpu.memory_space<vmem>> -> memref<128x16xf32, #tpu.memory_space<vmem>>
    %dma_wait3A_2215 = arith.constant 128 : i32
    %dma_wait3A_2216 = tpu.memref_slice %arg7[%dma_wait3A_2211, %dma_wait3A_2215] : memref<28x512xi32, #tpu.memory_space<vmem>> -> memref<1x128xi32, #tpu.memory_space<vmem>>
    %dma_wait3A_2217 = tpu.memref_squeeze %dma_wait3A_2216 : memref<1x128xi32, #tpu.memory_space<vmem>> -> memref<128xi32, #tpu.memory_space<vmem>>
    %dma_wait3A_2218 = arith.constant 0 : i32
    %dma_wait3A_2219 = arith.constant 0 : i32
    %dma_wait3A_2220 = tpu.memref_slice %arg5[%dma_wait3A_2218, %dma_wait3A_2219] : memref<2600000x16xf32, #tpu.memory_space<hbm>> -> memref<2600000x16xf32, #tpu.memory_space<hbm>>
    tpu.wait_indirect_dma semaphore(%arg10 : memref<!tpu.dma_semaphore, #tpu.memory_space<semaphore_mem>>) src(%dma_wait3A_2220 : memref<2600000x16xf32, #tpu.memory_space<hbm>>) dst(%dma_wait3A_2214 : memref<128x16xf32, #tpu.memory_space<vmem>>)
    %dma_wait3A_2221 = arith.constant 27 : i32
    %dma_wait3A_2222 = arith.constant 256 : i32
    %dma_wait3A_2223 = arith.constant 0 : i32
    %dma_wait3A_2224 = tpu.memref_slice %arg8[%dma_wait3A_2222, %dma_wait3A_2223] : memref<512x16xf32, #tpu.memory_space<vmem>> -> memref<128x16xf32, #tpu.memory_space<vmem>>
    %dma_wait3A_2225 = arith.constant 256 : i32
    %dma_wait3A_2226 = tpu.memref_slice %arg7[%dma_wait3A_2221, %dma_wait3A_2225] : memref<28x512xi32, #tpu.memory_space<vmem>> -> memref<1x128xi32, #tpu.memory_space<vmem>>
    %dma_wait3A_2227 = tpu.memref_squeeze %dma_wait3A_2226 : memref<1x128xi32, #tpu.memory_space<vmem>> -> memref<128xi32, #tpu.memory_space<vmem>>
    %dma_wait3A_2228 = arith.constant 0 : i32
    %dma_wait3A_2229 = arith.constant 0 : i32
    %dma_wait3A_2230 = tpu.memref_slice %arg5[%dma_wait3A_2228, %dma_wait3A_2229] : memref<2600000x16xf32, #tpu.memory_space<hbm>> -> memref<2600000x16xf32, #tpu.memory_space<hbm>>
    tpu.wait_indirect_dma semaphore(%arg10 : memref<!tpu.dma_semaphore, #tpu.memory_space<semaphore_mem>>) src(%dma_wait3A_2230 : memref<2600000x16xf32, #tpu.memory_space<hbm>>) dst(%dma_wait3A_2224 : memref<128x16xf32, #tpu.memory_space<vmem>>)
    %dma_wait3A_2231 = arith.constant 27 : i32
    %dma_wait3A_2232 = arith.constant 384 : i32
    %dma_wait3A_2233 = arith.constant 0 : i32
    %dma_wait3A_2234 = tpu.memref_slice %arg8[%dma_wait3A_2232, %dma_wait3A_2233] : memref<512x16xf32, #tpu.memory_space<vmem>> -> memref<128x16xf32, #tpu.memory_space<vmem>>
    %dma_wait3A_2235 = arith.constant 384 : i32
    %dma_wait3A_2236 = tpu.memref_slice %arg7[%dma_wait3A_2231, %dma_wait3A_2235] : memref<28x512xi32, #tpu.memory_space<vmem>> -> memref<1x128xi32, #tpu.memory_space<vmem>>
    %dma_wait3A_2237 = tpu.memref_squeeze %dma_wait3A_2236 : memref<1x128xi32, #tpu.memory_space<vmem>> -> memref<128xi32, #tpu.memory_space<vmem>>
    %dma_wait3A_2238 = arith.constant 0 : i32
    %dma_wait3A_2239 = arith.constant 0 : i32
    %dma_wait3A_2240 = tpu.memref_slice %arg5[%dma_wait3A_2238, %dma_wait3A_2239] : memref<2600000x16xf32, #tpu.memory_space<hbm>> -> memref<2600000x16xf32, #tpu.memory_space<hbm>>
    tpu.wait_indirect_dma semaphore(%arg10 : memref<!tpu.dma_semaphore, #tpu.memory_space<semaphore_mem>>) src(%dma_wait3A_2240 : memref<2600000x16xf32, #tpu.memory_space<hbm>>) dst(%dma_wait3A_2234 : memref<128x16xf32, #tpu.memory_space<vmem>>)
    "tpu.region"() ({
      %run_scoped3A = tpu.sem_alloc : memref<!tpu.dma_semaphore, #tpu.memory_space<semaphore_mem>>
      %dma_start3A_2241 = arith.constant 432 : i32
      %dma_start3A_2242 = tpu.memref_slice %arg6[%mul3A_2, %dma_start3A_2241] : memref<16384x448xf32, #tpu.memory_space<hbm>> -> memref<512x16xf32, #tpu.memory_space<hbm>>
      %dma_start3A_2243 = arith.constant 432 : i32
      %dma_start3A_2244 = tpu.memref_slice %arg6[%mul3A_2, %dma_start3A_2243] : memref<16384x448xf32, #tpu.memory_space<hbm>> -> memref<512x16xf32, #tpu.memory_space<hbm>>
      tpu.enqueue_dma source(%arg8 : memref<512x16xf32, #tpu.memory_space<vmem>>) target(%dma_start3A_2244 : memref<512x16xf32, #tpu.memory_space<hbm>>) target_semaphore(%run_scoped3A : memref<!tpu.dma_semaphore, #tpu.memory_space<semaphore_mem>>)
      %dma_wait3A_2245 = arith.constant 432 : i32
      %dma_wait3A_2246 = tpu.memref_slice %arg6[%mul3A_2, %dma_wait3A_2245] : memref<16384x448xf32, #tpu.memory_space<hbm>> -> memref<512x16xf32, #tpu.memory_space<hbm>>
      %dma_wait3A_2247 = arith.constant 432 : i32
      %dma_wait3A_2248 = tpu.memref_slice %arg6[%mul3A_2, %dma_wait3A_2247] : memref<16384x448xf32, #tpu.memory_space<hbm>> -> memref<512x16xf32, #tpu.memory_space<hbm>>
      tpu.wait_dma2 semaphore(%run_scoped3A : memref<!tpu.dma_semaphore, #tpu.memory_space<semaphore_mem>>) src(%arg8 : memref<512x16xf32, #tpu.memory_space<vmem>>) dst(%dma_wait3A_2248 : memref<512x16xf32, #tpu.memory_space<hbm>>)
      tpu.yield
    }) : () -> ()
    return
  }
}

module attributes {stable_mosaic.version = 14 : i64} {
  func.func @_mlp_body(%arg0: i32, %arg1: memref<512x448xf32, #tpu.memory_space<vmem>>, %arg2: memref<448x256xf32, #tpu.memory_space<vmem>>, %arg3: memref<1x256xf32, #tpu.memory_space<vmem>>, %arg4: memref<1x256xf32, #tpu.memory_space<vmem>>, %arg5: memref<1x1xf32, #tpu.memory_space<vmem>>, %arg6: memref<512x1xf32, #tpu.memory_space<vmem>>) attributes {dimension_semantics = [#tpu.dimension_semantics<arbitrary>], iteration_bounds = array<i64: 32>, scalar_prefetch = 0 : i64, scratch_operands = 0 : i64, tpu.core_type = #tpu.core_type<tc>, window_params = [{transform_indices = @transform_0, window_bounds = array<i64: 512, 448>}, {pipeline_mode = #tpu.pipeline_mode<synchronous>, transform_indices = @transform_1, window_bounds = array<i64: 448, 256>}, {pipeline_mode = #tpu.pipeline_mode<synchronous>, transform_indices = @transform_2, window_bounds = array<i64: 1, 256>}, {pipeline_mode = #tpu.pipeline_mode<synchronous>, transform_indices = @transform_3, window_bounds = array<i64: 1, 256>}, {pipeline_mode = #tpu.pipeline_mode<synchronous>, transform_indices = @transform_4, window_bounds = array<i64: 1, 1>}, {transform_indices = @transform_5, window_bounds = array<i64: 512, 1>}]} {
    %get3A = arith.constant 0 : index
    %get3A_0 = arith.constant 0 : index
    %get3A_1 = vector.load %arg1[%get3A, %get3A_0] : memref<512x448xf32, #tpu.memory_space<vmem>>, vector<512x448xf32>
    %get3A_2 = arith.constant 0 : index
    %get3A_3 = arith.constant 0 : index
    %get3A_4 = vector.load %arg2[%get3A_2, %get3A_3] : memref<448x256xf32, #tpu.memory_space<vmem>>, vector<448x256xf32>
    %dot_general3A = arith.constant dense<0.000000e+00> : vector<512x256xf32>
    %dot_general3A_5 = tpu.matmul %get3A_1, %get3A_4, %dot_general3A {dimension_numbers = #tpu.dot_dimension_numbers<[1], [0], [0], [1], [0, 0, 1, 1], [], []>, transpose_lhs_hint = false} : vector<512x448xf32>, vector<448x256xf32>, vector<512x256xf32> -> vector<512x256xf32>
    %get3A_6 = arith.constant 0 : index
    %get3A_7 = arith.constant 0 : index
    %get3A_8 = vector.load %arg3[%get3A_6, %get3A_7] : memref<1x256xf32, #tpu.memory_space<vmem>>, vector<1x256xf32>
    %add3A = vector.broadcast %get3A_8 : vector<1x256xf32> to vector<512x256xf32>
    %add3A_9 = arith.addf %dot_general3A_5, %add3A : vector<512x256xf32>
    %max3A = arith.constant 0.000000e+00 : f32
    %max3A_10 = vector.broadcast %max3A : f32 to vector<512x256xf32>
    %max3A_11 = arith.maximumf %add3A_9, %max3A_10 : vector<512x256xf32>
    %get3A_12 = arith.constant 0 : index
    %get3A_13 = arith.constant 0 : index
    %get3A_14 = vector.load %arg4[%get3A_12, %get3A_13] : memref<1x256xf32, #tpu.memory_space<vmem>>, vector<1x256xf32>
    %mul3A = vector.broadcast %get3A_14 : vector<1x256xf32> to vector<512x256xf32>
    %mul3A_15 = arith.mulf %max3A_11, %mul3A : vector<512x256xf32>
    %reduce_sum3A = arith.constant dense<0.000000e+00> : vector<512xf32>
    %reduce_sum3A_16 = vector.multi_reduction <add>, %mul3A_15, %reduce_sum3A [1] : vector<512x256xf32> to vector<512xf32>
    %broadcast_in_dim3A = vector.shape_cast %reduce_sum3A_16 : vector<512xf32> to vector<512x1xf32>
    %reduce_sum3A_17 = arith.constant dense<0.000000e+00> : vector<512xf32>
    %reduce_sum3A_18 = vector.multi_reduction <add>, %get3A_1, %reduce_sum3A_17 [1] : vector<512x448xf32> to vector<512xf32>
    %broadcast_in_dim3A_19 = vector.shape_cast %reduce_sum3A_18 : vector<512xf32> to vector<512x1xf32>
    %add3A_20 = arith.addf %broadcast_in_dim3A_19, %broadcast_in_dim3A : vector<512x1xf32>
    %get3A_21 = arith.constant 0 : index
    %get3A_22 = arith.constant 0 : index
    %get3A_23 = vector.load %arg5[%get3A_21, %get3A_22] : memref<1x1xf32, #tpu.memory_space<vmem>>, vector<1x1xf32>
    %add3A_24 = vector.broadcast %get3A_23 : vector<1x1xf32> to vector<512x1xf32>
    %add3A_25 = arith.addf %add3A_20, %add3A_24 : vector<512x1xf32>
    %neg3A = arith.constant 0.000000e+00 : f32
    %neg3A_26 = vector.broadcast %neg3A : f32 to vector<512x1xf32>
    %neg3A_27 = arith.subf %neg3A_26, %add3A_25 : vector<512x1xf32>
    %exp3A = math.exp %neg3A_27 : vector<512x1xf32>
    %add3A_28 = arith.constant 1.000000e+00 : f32
    %add3A_29 = vector.broadcast %add3A_28 : f32 to vector<512x1xf32>
    %add3A_30 = arith.addf %add3A_29, %exp3A : vector<512x1xf32>
    %div3A = arith.constant 1.000000e+01 : f32
    %div3A_31 = vector.broadcast %div3A : f32 to vector<512x1xf32>
    %div3A_32 = arith.divf %div3A_31, %add3A_30 : vector<512x1xf32>
    %swap3A = arith.constant 0 : index
    %swap3A_33 = arith.constant 0 : index
    %swap3A_34 = vector.load %arg6[%swap3A, %swap3A_33] : memref<512x1xf32, #tpu.memory_space<vmem>>, vector<512x1xf32>
    tpu.vector_store %arg6[%swap3A, %swap3A_33], %div3A_32 {strides = array<i32>} : memref<512x1xf32, #tpu.memory_space<vmem>>, vector<512x1xf32>,
    return
  }
  func.func @transform_0(%arg0: i32) -> (i32, i32) {
    %c0_i32 = arith.constant 0 : i32
    %c0_i32_0 = arith.constant 0 : i32
    return %arg0, %c0_i32 : i32, i32
  }
  func.func @transform_1(%arg0: i32) -> (i32, i32) {
    %c0_i32 = arith.constant 0 : i32
    %c0_i32_0 = arith.constant 0 : i32
    %c0_i32_1 = arith.constant 0 : i32
    return %c0_i32, %c0_i32_0 : i32, i32
  }
  func.func @transform_2(%arg0: i32) -> (i32, i32) {
    %c0_i32 = arith.constant 0 : i32
    %c0_i32_0 = arith.constant 0 : i32
    %c0_i32_1 = arith.constant 0 : i32
    return %c0_i32, %c0_i32_0 : i32, i32
  }
  func.func @transform_3(%arg0: i32) -> (i32, i32) {
    %c0_i32 = arith.constant 0 : i32
    %c0_i32_0 = arith.constant 0 : i32
    %c0_i32_1 = arith.constant 0 : i32
    return %c0_i32, %c0_i32_0 : i32, i32
  }
  func.func @transform_4(%arg0: i32) -> (i32, i32) {
    %c0_i32 = arith.constant 0 : i32
    %c0_i32_0 = arith.constant 0 : i32
    %c0_i32_1 = arith.constant 0 : i32
    return %c0_i32, %c0_i32_0 : i32, i32
  }
  func.func @transform_5(%arg0: i32) -> (i32, i32) {
    %c0_i32 = arith.constant 0 : i32
    %c0_i32_0 = arith.constant 0 : i32
    return %arg0, %c0_i32 : i32, i32
  }
}

</mosaic_0001>

<sc_bundles>
// kernel: kernel.4.cloned.1.call-start
scs
__scs_entry_jumppad:
0x0: {  	(pc) =	sbr.rel $0x88, $3  }
0x1: {  	(tag) =	ssettag $0x0;
	lr =	simm.s32 $0x1  }
0x2: {  	[smem:$0x3F97] =	sst lr;
	_ =	strace $0xD0000000  }
0x3: {  	_ = 	snop  }
0x4: {  	_ = 	snop  }
0x5: {  	_ = 	snop  }
0x6: {  	_ = 	snop  }
0x7: {  	_ = 	snop  }
__scs_overlays_trampoline_lowered:
0x8: {  	[smem:$0x3FA6] =	sst s0  }
0x9: {  	[smem:$0x3FA7] =	sst s1  }
0xa: {  	[smem:$0x3FA8] =	sst s2  }
0xb: {  	[smem:$0x3FA9] =	sst s3  }
0xc: {  	[smem:$0x3FAA] =	sst s4  }
0xd: {  	[smem:$0x3FAB] =	sst s5  }
0xe: {  	[smem:$0x3FAC] =	sst s6  }
0xf: {  	[smem:$0x3FAD] =	sst s7  }
0x10: {  	[smem:$0x3FAE] =	sst s8  }
0x11: {  	[smem:$0x3FAF] =	sst s9;
	s0 =	simm.s32 @!p0 $0x0  }
0x12: {  	s1 =	sld [smem:$0x3F95];
	s0 =	simm.s32 @p0 $0x1  }
0x13: {  	[smem:$0x3FB0] =	sst s0;
	s0 =	simm.s32 @!p1 $0x0  }
0x14: {  	s2 =	sld [smem:$0x3F94];
	s0 =	simm.s32 @p1 $0x1  }
0x15: {  	[smem:$0x3FB1] =	sst s0;
	s0 =	simm.s32 @!p2 $0x0  }
0x16: {  	s3 =	sld [smem:$0x3FDB];
	s0 =	simm.s32 @p2 $0x1  }
0x17: {  	s4 =	simm.s32 $0x1BF5;
	[smem:$0x3FB3] =	sst s0  }
0x18: {  	s0 =	sld [smem:$0x3F96];
	_ =	swait.ge [sflag:s4], $0x0  }
0x19: {  	s7 =	sld [smem:$0x3F97]  }
0x1a: {  	s8 =	sadd.s32 $0xFFFFE003, lr  }
0x1b: {  	s9 =	sadd.s32 $0xFFFFFEF7, lr;
	s5 =	simm.s32 $0xFFFFFFFF;
	p2 =	slt.u32 s8, $0xFFFFF086  }
0x1c: {  	p1 =	slt.u32 s9, $0xF7A;
	s5 =	simm.s32 @!p2 $0x0  }
0x1d: {  	s5 =	simm.s32 @p1 $0x1;
	p0 =	seq.s32 s7, s2  }
0x1e: {  	s7 =	smul.u32 @!p0 $0xF7A, s2;
	p2 =	seq.s32 @!p0 s5, $0x0  }
0x1f: {  	s9 =	smul.u32 $0xF7A, s1;
	s8 =	simm.s32 @!p0 $0x1BF5;
	p2 =	por !p2, p0  }
0x20: {  	[sflag:s8] =	ssyncset.s32 @!p0 $0xFFFFF086;
	s6 =	sadd.s32 @!p0 s3, s7;
	s7 =	simm.s32 @!p0 $0x108  }
0x21: {  	s3 =	sadd.s32 s3, s9;
	s6 =	sadd.s32 @!p0 $0x88, s6;
	s7 =	simm.s32 @p2 $0x1082  }
0x22: {  	[simem:s7], [sflag:s8] =	dma.local @!p0 [hbm:s6], $0xF7A  }
0x23: {  	s9 =	sor.u32 $0xD0000000, s2;
	s6 =	simm.s32 $0x108;
	_ =	swait.ge @!p0 [sflag:s8], $0x0  }
0x24: {  	s3 =	sadd.s32 $0x88, s3;
	s6 =	simm.s32 @!p1 $0x1082;
	[sflag:s4] =	ssyncset.s32 $0xFFFFF086  }
0x25: {  	[simem:s6], [sflag:s4] =	dma.local [hbm:s3], $0xF7A  }
0x26: {  	[smem:$0x3F97] =	sst s1;
	(tag) =	ssettag s2;
	_ =	strace s9  }
0x27: {  	s1 =	sld [smem:$0x3FA7]  }
0x28: {  	s2 =	sld [smem:$0x3FA8]  }
0x29: {  	s4 =	sld [smem:$0x3FAA]  }
0x2a: {  	p0 =	seq.s32 s5, $0x0;
	s5 =	sld [smem:$0x3FAB]  }
0x2b: {  	s6 =	sld [smem:$0x3FAC]  }
0x2c: {  	s7 =	sld [smem:$0x3FAD]  }
0x2d: {  	s3 =	simm.s32 $0x108;
	s8 =	sld [smem:$0x3FAE]  }
0x2e: {  	s3 =	simm.s32 @!p0 $0x1082;
	s9 =	sld [smem:$0x3FAF]  }
0x2f: {  	lr =	sadd.s32 s0, s3;
	s0 =	sld [smem:$0x3FA6]  }
0x30: {  	s3 =	sld [smem:$0x3FA9]  }
0x31: {  	[smem:$0x3FB2] =	sst s10  }
0x32: {  	s10 =	sld [smem:$0x3FB0];
	_ =	sdelay $0x3  }
0x33: {  	p0 =	seq.s32 s10, $0x1;
	s10 =	sld [smem:$0x3FB2];
	_ =	sdelay $0x3  }
0x34: {  	[smem:$0x3FB2] =	sst s10  }
0x35: {  	s10 =	sld [smem:$0x3FB1];
	_ =	sdelay $0x3  }
0x36: {  	p1 =	seq.s32 s10, $0x1;
	s10 =	sld [smem:$0x3FB2];
	_ =	sdelay $0x3  }
0x37: {  	[smem:$0x3FB2] =	sst s10  }
0x38: {  	s10 =	sld [smem:$0x3FB3]  }
0x39: {  	_ = 	snop;
	(pc) =	sbr.ind lr, $3  }
0x3a: {  	_ = 	snop  }
0x3b: {  	_ = 	snop  }
0x3c: {  	p2 =	seq.s32 s10, $0x1;
	s10 =	sld [smem:$0x3FB2]  }
0x3d: {  	_ =	shalt  }
0x3e: {  	_ =	shalt  }
0x3f: {  	_ =	shalt  }
0x40: {  	_ =	shalt  }
0x41: {  	_ =	shalt  }
0x42: {  	_ =	shalt  }
0x43: {  	_ =	shalt  }
0x44: {  	_ =	shalt  }
0x45: {  	_ =	shalt  }
0x46: {  	_ =	shalt  }
0x47: {  	_ =	shalt  }
0x48: {  	_ =	shalt  }
0x49: {  	_ =	shalt  }
0x4a: {  	_ =	shalt  }
0x4b: {  	_ =	shalt  }
0x4c: {  	_ =	shalt  }
0x4d: {  	_ =	shalt  }
0x4e: {  	_ =	shalt  }
0x4f: {  	_ =	shalt  }
0x50: {  	_ =	shalt  }
0x51: {  	_ =	shalt  }
0x52: {  	_ =	shalt  }
0x53: {  	_ =	shalt  }
0x54: {  	_ =	shalt  }
0x55: {  	_ =	shalt  }
0x56: {  	_ =	shalt  }
0x57: {  	_ =	shalt  }
0x58: {  	_ =	shalt  }
0x59: {  	_ =	shalt  }
0x5a: {  	_ =	shalt  }
0x5b: {  	_ =	shalt  }
0x5c: {  	_ =	shalt  }
0x5d: {  	_ =	shalt  }
0x5e: {  	_ =	shalt  }
0x5f: {  	_ =	shalt  }
0x60: {  	_ =	shalt  }
0x61: {  	_ =	shalt  }
0x62: {  	_ =	shalt  }
0x63: {  	_ =	shalt  }
0x64: {  	_ =	shalt  }
0x65: {  	_ =	shalt  }
0x66: {  	_ =	shalt  }
0x67: {  	_ =	shalt  }
0x68: {  	_ =	shalt  }
0x69: {  	_ =	shalt  }
0x6a: {  	_ =	shalt  }
0x6b: {  	_ =	shalt  }
0x6c: {  	_ =	shalt  }
0x6d: {  	_ =	shalt  }
0x6e: {  	_ =	shalt  }
0x6f: {  	_ =	shalt  }
0x70: {  	_ =	shalt  }
0x71: {  	_ =	shalt  }
0x72: {  	_ =	shalt  }
0x73: {  	_ =	shalt  }
0x74: {  	_ =	shalt  }
0x75: {  	_ =	shalt  }
0x76: {  	_ =	shalt  }
0x77: {  	_ =	shalt  }
0x78: {  	_ =	shalt  }
0x79: {  	_ =	shalt  }
0x7a: {  	_ =	shalt  }
0x7b: {  	_ =	shalt  }
0x7c: {  	_ =	shalt  }
0x7d: {  	_ =	shalt  }
0x7e: {  	_ =	shalt  }
0x7f: {  	_ =	shalt  }
0x80: {  	_ =	shalt  }
0x81: {  	_ =	shalt  }
0x82: {  	_ =	shalt  }
0x83: {  	_ =	shalt  }
0x84: {  	_ =	shalt  }
0x85: {  	_ =	shalt  }
0x86: {  	_ =	shalt  }
0x87: {  	_ =	shalt  }
.Lfunc_end0:
.L_simem_size_0:
called_computation_lowered:
.L_overlay_start_0:
0x88: {  	s2 =	sld [smem:$0x3FD9]  }
0x89: {  	s3 =	sld [smem:$0x3FFE];
	_ =	sdelay $0x1  }
0x8a: {  	s1 =	srdreg.scid  }
0x8b: {  	s0 =	sand.u32 $0x1, s1  }
0x8c: {  	s16 =	sshll.u32 s0, $0xA;
	s2 =	sadd.s32 s3, s2  }
0x8d: {  	s2 =	sadd.s32 s2, s16  }
0x8e: {  	[smem:$0x3FBE] =	sst s2  }
0x8f: {  	_ = 	snop  }
0x90: {  	(tm) =	ssettm $0x1  }
0x91: {  	s17 =	sld [smem:$0x3FFB];
	_ =	sdelay $0x3  }
0x92: {  	_ =	strace s17  }
0x93: {  	s2 =	sld [smem:$0x3FFC];
	_ =	sdelay $0x3  }
0x94: {  	_ =	strace s2  }
0x95: {  	s2 =	sld [smem:$0x3FFD];
	_ =	sdelay $0x3  }
0x96: {  	_ =	strace s2  }
0x97: {  	_ =	strace $0x8FFFFFFF  }
0x98: {  	s18 =	sld [smem:$0x3FDB];
	_ =	sdelay $0x1  }
0x99: {  	s19 =	simm.s32 $_scs_section_size  }
0x9a: {  	s4 =	simm.s32 $_size__tile_overlayer_lowered;
	s5 =	simm.s32 $_tile_overlayer_lowered  }
0x9b: {  	s22 =	simm.s32 $0x1BFF;
	s21 =	sshll.u32 s5, $0x1;
	s2 =	sadd.s32 s19, s18  }
0x9c: {  	s6 =	simm.s32 $0x0;
	s20 =	sshll.u32 s4, $0x1;
	s4 =	sadd.s32 s21, s2  }
0x9d: {  	[timem:s6], [sflag:s22] =	dma.local [hbm:s4], s20  }
0x9e: {  	_ =	swait.ge [sflag:s22], s20  }
0x9f: {  	s3 =	ssub.s32 $0x0, s20;
	[sflag:s22] =	ssyncset.done $0x0  }
0xa0: {  	[sflag:s22] =	ssyncadd.s32 s3;
	_ =	sdelay $0x1  }
0xa1: {  	s23 =	simm.s32 $0x1B8B  }
0xa2: {  	_ =	swait.ge [sflag:s23], $0x1  }
0xa3: {  	[sflag:s23] =	ssyncset.done $0x0  }
0xa4: {  	s25 =	simm.s32 $0x1B8E;
	s24 =	sld [smem:$0x3FFE];
	[sflag:s23] =	ssyncadd.s32 $0xFFFFFFFF  }
0xa5: {  	s26 =	simm.s32 $execute0_lowered;
	[smem:$0x3FD2] =	sst s25  }
0xa6: {  	s4 =	sshll.u32 s26, $0x1;
	_ =	strace $0x80000046;
	[dreg:$0x1] =	wrdreg $0xFFFFFFFF  }
0xa7: {  	s28 =	simm.s32 $_size_execute0_lowered;
	s2 =	sadd.s32 s2, s4;
	[dreg:$0x0] =	wrdreg $0x0  }
0xa8: {  	s4 =	sshll.u32 s28, $0x1;
	[dreg:$0x2] =	wrdreg s2  }
0xa9: {  	[dreg:$0x3] =	wrdreg s4  }
0xaa: {  	[dreg:$0x4] =	wrdreg $0xC0  }
0xab: {  	_ =	task [dreg:s6], $0x5FFFF  }
0xac: {  	[dreg:$0x1] =	wrdreg $0xFFFFFFFF  }
0xad: {  	[dreg:$0x0] =	wrdreg $0x60  }
0xae: {  	[dreg:$0x2] =	wrdreg s24  }
0xaf: {  	[dreg:$0x3] =	wrdreg $0x9  }
0xb0: {  	_ =	task.clear_ibuf [dreg:s6], $0x4FFFF;
	_ =	strace $0x90000046  }
0xb1: {  	s29 =	simm.s32 $0x9;
	_ =	strace $0x80000048  }
0xb2: {  	_ =	swait.ge [sflag:s29], $0x1  }
0xb3: {  	[sflag:s29] =	ssyncadd.s32 $0xFFFFFFFF  }
0xb4: {  	_ =	strace $0x90000048  }
0xb5: {  	_ =	sfence  }
0xb6: {  	s30 =	sld [smem:$0x0];
	_ =	sdelay $0x2  }
0xb7: {  	s31 =	sshll.u32 s1, $0xD;
	s1 =	sshrl.u32 s1, $0x2  }
0xb8: {  	s3 =	sand.u32 $0x4000, s31;
	s1 =	sadd.s32 s1, s30  }
0xb9: {  	s0 =	sor.u32 s3, s0;
	s1 =	sshll.u32 s1, $0x11  }
0xba: {  	s0 =	sor.u32 s1, s0  }
0xbb: {  	s0 =	sadd.s32 $0x8F2B, s0  }
0xbc: {  	[sflag:s0] =	ssyncadd.remote.s32 $0x1  }
0xbd: {  	_ =	sfence.sel $0xFFFF  }
0xbe: {  	[dreg:$0x0] =	wrdreg $0xFFFFFFFF;
	(pc) =	sbr.abs _section_cstart, $3  }
0xbf: {  	[dreg:$0x1] =	wrdreg $0xFFFFFFFF  }
0xc0: {  	_ =	task.clear_ibuf [dreg:s6], $0x2FFFF;
	_ =	strace $0x9FFFFFFF  }
0xc1: {  	(tm) =	ssettm $0x7FFFFFFF  }
tec
execute0_lowered:
.L_overlay_start_1:
0x0: {  	(tag) =	ssettag $0x1  }
0x1: {  	s0 =	srdreg.scid  }
0x2: {  	s12 =	stileid.u32;
	s1 =	sand.u32 $0x1, s0  }
0x3: {  	s18 =	sshll.u32 s12, $0xA;
	s3 =	sshll.u32 s1, $0x9  }
0x4: {  	s0 =	sor.u32 s3, s18  }
0x5: {  	s2 =	rddreg [dreg:$0x0];
	s3 =	sshrl.u32 s0, $0x3;
	s0 =	smul.u32 $0x38, s0  }
0x6: {  	s28 =	simm.s32 $0x0;
	s3 =	sadd.s32 s3, s2  }
0x7: {  	[smem:$0x7FF] =	sst s28;
	s0 =	sadd.s32 s0, s2;
	s3 =	sadd.s32 $0x1200, s3  }
0x8: {  	_ =	strace $0x80000047;
	[dreg:$0x2] =	wrdreg s3;
	s19 =	sadd.s32 $0xF200, s0  }
0x9: {  	s20 =	sadd.s32 $0xF202, s0;
	[dreg:$0x3] =	wrdreg s19  }
0xa: {  	s21 =	sadd.s32 $0xF204, s0;
	[dreg:$0x4] =	wrdreg s20  }
0xb: {  	s22 =	sadd.s32 $0xF206, s0;
	[dreg:$0x5] =	wrdreg s21  }
0xc: {  	s23 =	sadd.s32 $0xF208, s0;
	[dreg:$0x6] =	wrdreg s22  }
0xd: {  	s24 =	sadd.s32 $0xF20A, s0;
	[dreg:$0x7] =	wrdreg s23  }
0xe: {  	s25 =	sadd.s32 $0xF20C, s0;
	[dreg:$0x8] =	wrdreg s24  }
0xf: {  	s26 =	sadd.s32 $0xF20E, s0;
	[dreg:$0x9] =	wrdreg s25  }
0x10: {  	s4 =	sadd.s32 $0xF210, s0;
	[dreg:$0xa] =	wrdreg s26  }
0x11: {  	s5 =	sadd.s32 $0xF212, s0;
	[dreg:$0xb] =	wrdreg s4  }
0x12: {  	s6 =	sadd.s32 $0xF214, s0;
	[dreg:$0xc] =	wrdreg s5  }
0x13: {  	s7 =	sadd.s32 $0xF216, s0;
	[dreg:$0xd] =	wrdreg s6  }
0x14: {  	s8 =	sadd.s32 $0xF218, s0;
	[dreg:$0xe] =	wrdreg s7  }
0x15: {  	s9 =	sadd.s32 $0xF21A, s0;
	[dreg:$0xf] =	wrdreg s8  }
0x16: {  	s10 =	sadd.s32 $0xF21C, s0;
	[dreg:$0x10] =	wrdreg s9  }
0x17: {  	s11 =	sadd.s32 $0xF21E, s0;
	[dreg:$0x11] =	wrdreg s10  }
0x18: {  	s13 =	sadd.s32 $0xF220, s0;
	[dreg:$0x12] =	wrdreg s11  }
0x19: {  	s14 =	sadd.s32 $0xF222, s0;
	[dreg:$0x13] =	wrdreg s13  }
0x1a: {  	s15 =	sadd.s32 $0xF224, s0;
	[dreg:$0x14] =	wrdreg s14  }
0x1b: {  	s16 =	sadd.s32 $0xF226, s0;
	[dreg:$0x15] =	wrdreg s15  }
0x1c: {  	s17 =	sadd.s32 $0xF228, s0;
	[dreg:$0x16] =	wrdreg s16  }
0x1d: {  	s18 =	sadd.s32 $0xF22A, s0;
	[dreg:$0x17] =	wrdreg s17  }
0x1e: {  	s3 =	simm.s32 $0x300;
	[dreg:$0x18] =	wrdreg s18  }
0x1f: {  	s19 =	sadd.s32 $0xF22C, s0;
	[smem:$0x7A3] =	sst s3  }
0x20: {  	s20 =	sadd.s32 $0xF22E, s0;
	[dreg:$0x19] =	wrdreg s19  }
0x21: {  	s21 =	sadd.s32 $0xF230, s0;
	[dreg:$0x1a] =	wrdreg s20  }
0x22: {  	s22 =	sadd.s32 $0xF232, s0;
	[dreg:$0x1b] =	wrdreg s21  }
0x23: {  	s23 =	sadd.s32 $0xF234, s0;
	[dreg:$0x1c] =	wrdreg s22  }
0x24: {  	s0 =	sadd.s32 $0xF236, s0;
	[dreg:$0x1d] =	wrdreg s23  }
0x25: {  	s24 =	simm.s32 $0x100;
	[dreg:$0x1e] =	wrdreg s0  }
0x26: {  	s25 =	simm.s32 $0x180;
	[dreg:$0x1f] =	wrdreg s24  }
0x27: {  	s26 =	simm.s32 $0x280;
	[smem:$0x7A1] =	sst s25  }
0x28: {  	s4 =	simm.s32 $0x380;
	[smem:$0x7A2] =	sst s26  }
0x29: {  	s5 =	simm.s32 $0x400;
	[smem:$0x7A4] =	sst s4  }
0x2a: {  	s6 =	simm.s32 $0x480;
	[smem:$0x7A5] =	sst s5  }
0x2b: {  	s7 =	simm.s32 $0x500;
	[smem:$0x7A6] =	sst s6  }
0x2c: {  	s8 =	simm.s32 $0x580;
	[smem:$0x7A7] =	sst s7  }
0x2d: {  	s9 =	simm.s32 $0x600;
	[smem:$0x7A8] =	sst s8  }
0x2e: {  	s10 =	simm.s32 $0x680;
	[smem:$0x7A9] =	sst s9  }
0x2f: {  	s11 =	simm.s32 $0x700;
	[smem:$0x7AA] =	sst s10  }
0x30: {  	s13 =	simm.s32 $0x780;
	[smem:$0x7AB] =	sst s11  }
0x31: {  	s14 =	simm.s32 $0x800;
	[smem:$0x7AC] =	sst s13  }
0x32: {  	s15 =	simm.s32 $0x880;
	[smem:$0x7AD] =	sst s14  }
0x33: {  	s16 =	simm.s32 $0x900;
	[smem:$0x7AE] =	sst s15  }
0x34: {  	s17 =	simm.s32 $0x980;
	[smem:$0x7AF] =	sst s16  }
0x35: {  	s18 =	simm.s32 $0xA00;
	[smem:$0x7B0] =	sst s17  }
0x36: {  	s3 =	simm.s32 $0xE80;
	[smem:$0x7B1] =	sst s18  }
0x37: {  	[smem:$0x7BA] =	sst s3  }
0x38: {  	s19 =	simm.s32 $0xA80;
	s0 =	rddreg [dreg:$0x2]  }
0x39: {  	s20 =	simm.s32 $0xB00;
	[smem:$0x7B2] =	sst s19  }
0x3a: {  	s21 =	simm.s32 $0xB80;
	[smem:$0x7B3] =	sst s20  }
0x3b: {  	s22 =	simm.s32 $0xC00;
	[smem:$0x7B4] =	sst s21  }
0x3c: {  	s23 =	simm.s32 $0xC80;
	[smem:$0x7B5] =	sst s22  }
0x3d: {  	s24 =	simm.s32 $0xD00;
	[smem:$0x7B6] =	sst s23  }
0x3e: {  	s25 =	simm.s32 $0xD80;
	[smem:$0x7B7] =	sst s24  }
0x3f: {  	s26 =	simm.s32 $0xE00;
	[smem:$0x7B8] =	sst s25  }
0x40: {  	s4 =	simm.s32 $0xF00;
	[smem:$0x7B9] =	sst s26  }
0x41: {  	s5 =	simm.s32 $0xF80;
	[smem:$0x7BB] =	sst s4  }
0x42: {  	s6 =	simm.s32 $0x1000;
	[smem:$0x7BC] =	sst s5  }
0x43: {  	s7 =	simm.s32 $0x1080;
	[smem:$0x7BD] =	sst s6  }
0x44: {  	s8 =	simm.s32 $0x1100;
	[smem:$0x7BE] =	sst s7  }
0x45: {  	s9 =	simm.s32 $0x1180;
	[smem:$0x7BF] =	sst s8  }
0x46: {  	s10 =	simm.s32 $0x1200;
	[smem:$0x7C0] =	sst s9  }
0x47: {  	s11 =	simm.s32 $0x1280;
	[smem:$0x7C1] =	sst s10  }
0x48: {  	s13 =	simm.s32 $0x1300;
	[smem:$0x7C2] =	sst s11  }
0x49: {  	s14 =	simm.s32 $0x1380;
	[smem:$0x7C3] =	sst s13  }
0x4a: {  	s15 =	simm.s32 $0x1400;
	[smem:$0x7C4] =	sst s14  }
0x4b: {  	s16 =	simm.s32 $0x1480;
	[smem:$0x7C5] =	sst s15  }
0x4c: {  	s17 =	simm.s32 $0x1500;
	[smem:$0x7C6] =	sst s16  }
0x4d: {  	s18 =	simm.s32 $0x1580;
	[smem:$0x7C7] =	sst s17  }
0x4e: {  	s3 =	simm.s32 $0x1A00;
	[smem:$0x7C8] =	sst s18  }
0x4f: {  	s19 =	simm.s32 $0x1600;
	[smem:$0x7D1] =	sst s3  }
0x50: {  	s20 =	simm.s32 $0x1680;
	[smem:$0x7C9] =	sst s19  }
0x51: {  	s21 =	simm.s32 $0x1700;
	[smem:$0x7CA] =	sst s20  }
0x52: {  	s22 =	simm.s32 $0x1780;
	[smem:$0x7CB] =	sst s21  }
0x53: {  	s23 =	simm.s32 $0x1800;
	[smem:$0x7CC] =	sst s22  }
0x54: {  	s24 =	simm.s32 $0x1880;
	[smem:$0x7CD] =	sst s23  }
0x55: {  	s25 =	simm.s32 $0x1900;
	[smem:$0x7CE] =	sst s24  }
0x56: {  	s26 =	simm.s32 $0x1980;
	[smem:$0x7CF] =	sst s25  }
0x57: {  	s4 =	simm.s32 $0x1A80;
	[smem:$0x7D0] =	sst s26  }
0x58: {  	s5 =	simm.s32 $0x1B00;
	[smem:$0x7D2] =	sst s4  }
0x59: {  	s6 =	simm.s32 $0x1B80;
	[smem:$0x7D3] =	sst s5  }
0x5a: {  	s7 =	simm.s32 $0x1C00;
	[smem:$0x7D4] =	sst s6  }
0x5b: {  	s8 =	simm.s32 $0x1C80;
	[smem:$0x7D5] =	sst s7  }
0x5c: {  	s9 =	simm.s32 $0x1D00;
	[smem:$0x7D6] =	sst s8  }
0x5d: {  	s10 =	simm.s32 $0x1D80;
	[smem:$0x7D7] =	sst s9  }
0x5e: {  	s11 =	simm.s32 $0x1E00;
	[smem:$0x7D8] =	sst s10  }
0x5f: {  	s13 =	simm.s32 $0x1E80;
	[smem:$0x7D9] =	sst s11  }
0x60: {  	s14 =	simm.s32 $0x1F00;
	[smem:$0x7DA] =	sst s13  }
0x61: {  	s15 =	simm.s32 $0x1F80;
	[smem:$0x7DB] =	sst s14  }
0x62: {  	s16 =	simm.s32 $0x2000;
	[smem:$0x7DC] =	sst s15  }
0x63: {  	s17 =	simm.s32 $0x2080;
	[smem:$0x7DD] =	sst s16  }
0x64: {  	s18 =	simm.s32 $0x2100;
	[smem:$0x7DE] =	sst s17  }
0x65: {  	s3 =	simm.s32 $0x2580;
	[smem:$0x7DF] =	sst s18  }
0x66: {  	s19 =	simm.s32 $0x2180;
	[smem:$0x7E8] =	sst s3  }
0x67: {  	s20 =	simm.s32 $0x2200;
	[smem:$0x7E0] =	sst s19  }
0x68: {  	s21 =	simm.s32 $0x2280;
	[smem:$0x7E1] =	sst s20  }
0x69: {  	s22 =	simm.s32 $0x2300;
	[smem:$0x7E2] =	sst s21  }
0x6a: {  	s23 =	simm.s32 $0x2380;
	[smem:$0x7E3] =	sst s22  }
0x6b: {  	s24 =	simm.s32 $0x2400;
	[smem:$0x7E4] =	sst s23  }
0x6c: {  	s25 =	simm.s32 $0x2480;
	[smem:$0x7E5] =	sst s24  }
0x6d: {  	s26 =	simm.s32 $0x2500;
	[smem:$0x7E6] =	sst s25  }
0x6e: {  	s4 =	simm.s32 $0x2600;
	[smem:$0x7E7] =	sst s26  }
0x6f: {  	s5 =	simm.s32 $0x2680;
	[smem:$0x7E9] =	sst s4  }
0x70: {  	s6 =	simm.s32 $0x2700;
	[smem:$0x7EA] =	sst s5  }
0x71: {  	s31 =	simm.s32 $0x200;
	s7 =	simm.s32 $0x2780;
	[smem:$0x7EB] =	sst s6  }
0x72: {  	p0 =	por $0x0, $0x0;
	s8 =	simm.s32 $0x2800;
	[smem:$0x7EC] =	sst s7  }
0x73: {  	s30 =	sadd.s32 $0x112BC00, s2;
	s9 =	simm.s32 $0x2880;
	[smem:$0x7ED] =	sst s8  }
0x74: {  	s29 =	sadd.s32 $0xF43600, s2;
	s10 =	simm.s32 $0x2900;
	[smem:$0x7EE] =	sst s9  }
0x75: {  	s1 =	ssub.s32 $0x2, s1;
	s11 =	simm.s32 $0x2980;
	[smem:$0x7EF] =	sst s10  }
0x76: {  	s2 =	sadd.s32 $0x27AD600, s2;
	s13 =	simm.s32 $0x2A00;
	[smem:$0x7F0] =	sst s11  }
0x77: {  	s14 =	sshrl.u32 s1, $0x1;
	s15 =	simm.s32 $0x2A80;
	[smem:$0x7F1] =	sst s13  }
0x78: {  	s16 =	simm.s32 $0x2B00;
	s17 =	simm.s32 $0x2B80;
	[smem:$0x7F2] =	sst s15  }
0x79: {  	s18 =	simm.s32 $0x2C00;
	s3 =	simm.s32 $0x2;
	[smem:$0x7F3] =	sst s16  }
0x7a: {  	s1 =	ssub.s32 s1, s14;
	[smem:$0x7F4] =	sst s17;
	s5 =	simm.s32 $0x4000  }
0x7b: {  	[smem:$0x7F5] =	sst s18;
	s19 =	simm.s32 $0x2C80;
	s20 =	simm.s32 $0x2D00  }
0x7c: {  	s7 =	simm.s32 $0x80;
	s21 =	simm.s32 $0x2D80;
	s4 =	simm.s32 $0x3800  }
0x7d: {  	s22 =	simm.s32 $0x2E00;
	s10 =	simm.s32 $0x4800;
	s23 =	simm.s32 $0x2E80  }
0x7e: {  	s11 =	simm.s32 $0x5000;
	s24 =	simm.s32 $0x2F00;
	[smem:$0x7F6] =	sst s19  }
0x7f: {  	s6 =	simm.s32 $0x1;
	s25 =	simm.s32 $0x2F80;
	[smem:$0x7F7] =	sst s20  }
0x80: {  	s8 =	simm.s32 $0x10;
	s26 =	simm.s32 $0x3000;
	[smem:$0x7F8] =	sst s21  }
0x81: {  	s9 =	simm.s32 $0x1C0;
	s17 =	simm.s32 $0x3180;
	[smem:$0x7F9] =	sst s22  }
0x82: {  	s18 =	simm.s32 $0x3480;
	s1 =	smax.u32 s1, $0x1;
	[smem:$0x7FA] =	sst s23  }
0x83: {  	s13 =	simm.s32 $0x3600;
	[smem:$0x7FB] =	sst s24;
	p1 =	sne.s32 s1, $0x1  }
.Ltmp0:
0x84: {  	s14 =	simm.s32 $0x3680;
	[smem:$0x7FC] =	sst s25;
	(pc) =	sbr.rel @!p1 .LBB2_1-.Ltmp0, $4  }
0x85: {  	s15 =	simm.s32 $0x3700;
	s16 =	simm.s32 $0x3780;
	[smem:$0x7FD] =	sst s26  }
0x86: {  	s25 =	simm.s32 $0x3080;
	s26 =	simm.s32 $0x3100;
	s21 =	simm.s32 $0x3200  }
0x87: {  	s22 =	simm.s32 $0x3280;
	s23 =	simm.s32 $0x3300;
	s24 =	simm.s32 $0x3380  }
0x88: {  	s19 =	simm.s32 $0x3500;
	s20 =	simm.s32 $0x3580;
	s1 =	sadd.s32 $0xFFFFFFFF, s1  }
0x89: {  	[tilespmem:s28], [sflag:$0x2] =	stream.strided.gather [hbm4b:s0+s31], $0x3800, s5, s31, $0x38;
	[tilespmem:$0x5800] =	vst v63  }
0x8a: {  	_ =	swait.ge [sflag:s3], $0x3800  }
0x8b: {  	[sflag:s3] =	ssyncset.done $0x0  }
0x8c: {  	[sflag:s3] =	ssyncadd.s32 $0xFFFFC800  }
0x8d: {  	[tilespmem:s4], [sflag:$0x1] =	stream.indirect.gather [hbm4b:s30+s7], $0x10, s28, s7, $0xb8;
	[tilespmem:$0x5800] =	vst v63  }
0x8e: {  	s0 =	rddreg [dreg:$0x1f]  }
0x8f: {  	[tilespmem:s5], [sflag:$0x1] =	stream.indirect.gather [hbm4b:s30+s7], $0x10, s7, s7, $0xb8;
	[tilespmem:$0x5800] =	vst v63  }
0x90: {  	s12 =	smov.u32 s1;
	s1 =	sld [smem:$0x7A1]  }
0x91: {  	[tilespmem:s10], [sflag:$0x1] =	stream.indirect.gather [hbm4b:s30+s7], $0x10, s0, s7, $0xb8;
	[tilespmem:$0x5800] =	vst v63  }
0x92: {  	_ = 	snop  }
0x93: {  	[tilespmem:s11], [sflag:$0x1] =	stream.indirect.gather [hbm4b:s30+s7], $0x10, s1, s7, $0xb8;
	[tilespmem:$0x5800] =	vst v63  }
0x94: {  	_ =	swait.ge [sflag:s6], $0x800  }
0x95: {  	[sflag:s6] =	ssyncset.done $0x0  }
0x96: {  	[sflag:s6] =	ssyncadd.s32 $0xFFFFF800  }
0x97: {  	_ =	swait.ge [sflag:s6], $0x800  }
0x98: {  	[sflag:s6] =	ssyncset.done $0x0  }
0x99: {  	[sflag:s6] =	ssyncadd.s32 $0xFFFFF800  }
0x9a: {  	_ =	swait.ge [sflag:s6], $0x800  }
0x9b: {  	[sflag:s6] =	ssyncset.done $0x0  }
0x9c: {  	[sflag:s6] =	ssyncadd.s32 $0xFFFFF800  }
0x9d: {  	_ =	swait.ge [sflag:s6], $0x800  }
0x9e: {  	[sflag:s6] =	ssyncset.done $0x0  }
0x9f: {  	s1 =	rddreg [dreg:$0x3];
	[sflag:s6] =	ssyncadd.s32 $0xFFFFF800  }
0xa0: {  	[hbm4b:s1+s8] =	stream.strided.scatter [tilespmem:s4], [sflag:$0x2], $0x2000, s9, s8, $0x38;
	[tilespmem:$0x5800] =	vst v63  }
0xa1: {  	_ =	swait.ge [sflag:s3], $0x2000  }
0xa2: {  	[sflag:s3] =	ssyncset.done $0x0  }
0xa3: {  	s0 =	sld [smem:$0x7A2];
	[sflag:s3] =	ssyncadd.s32 $0xFFFFE000  }
0xa4: {  	[tilespmem:s4], [sflag:$0x1] =	stream.indirect.gather [hbm4b:s29+s7], $0x10, s31, s7, $0xb8;
	[tilespmem:$0x5800] =	vst v63  }
0xa5: {  	s1 =	sld [smem:$0x7A3]  }
0xa6: {  	[tilespmem:s5], [sflag:$0x1] =	stream.indirect.gather [hbm4b:s29+s7], $0x10, s0, s7, $0xb8;
	[tilespmem:$0x5800] =	vst v63  }
0xa7: {  	s0 =	sld [smem:$0x7A4]  }
0xa8: {  	[tilespmem:s10], [sflag:$0x1] =	stream.indirect.gather [hbm4b:s29+s7], $0x10, s1, s7, $0xb8;
	[tilespmem:$0x5800] =	vst v63  }
0xa9: {  	_ = 	snop  }
0xaa: {  	[tilespmem:s11], [sflag:$0x1] =	stream.indirect.gather [hbm4b:s29+s7], $0x10, s0, s7, $0xb8;
	[tilespmem:$0x5800] =	vst v63  }
0xab: {  	_ =	swait.ge [sflag:s6], $0x800  }
0xac: {  	[sflag:s6] =	ssyncset.done $0x0  }
0xad: {  	[sflag:s6] =	ssyncadd.s32 $0xFFFFF800  }
0xae: {  	_ =	swait.ge [sflag:s6], $0x800  }
0xaf: {  	[sflag:s6] =	ssyncset.done $0x0  }
0xb0: {  	[sflag:s6] =	ssyncadd.s32 $0xFFFFF800  }
0xb1: {  	_ =	swait.ge [sflag:s6], $0x800  }
0xb2: {  	[sflag:s6] =	ssyncset.done $0x0  }
0xb3: {  	[sflag:s6] =	ssyncadd.s32 $0xFFFFF800  }
0xb4: {  	_ =	swait.ge [sflag:s6], $0x800  }
0xb5: {  	[sflag:s6] =	ssyncset.done $0x0  }
0xb6: {  	s1 =	rddreg [dreg:$0x4];
	[sflag:s6] =	ssyncadd.s32 $0xFFFFF800  }
0xb7: {  	[hbm4b:s1+s8] =	stream.strided.scatter [tilespmem:s4], [sflag:$0x2], $0x2000, s9, s8, $0x38;
	[tilespmem:$0x5800] =	vst v63  }
0xb8: {  	_ =	swait.ge [sflag:s3], $0x2000  }
0xb9: {  	s0 =	sld [smem:$0x7A5]  }
0xba: {  	[sflag:s3] =	ssyncset.done $0x0  }
0xbb: {  	s1 =	sld [smem:$0x7A6];
	[sflag:s3] =	ssyncadd.s32 $0xFFFFE000  }
0xbc: {  	[tilespmem:s4], [sflag:$0x1] =	stream.indirect.gather [hbm4b:s2+s7], $0x10, s0, s7, $0xb8;
	[tilespmem:$0x5800] =	vst v63  }
0xbd: {  	s0 =	sld [smem:$0x7A7]  }
0xbe: {  	[tilespmem:s5], [sflag:$0x1] =	stream.indirect.gather [hbm4b:s2+s7], $0x10, s1, s7, $0xb8;
	[tilespmem:$0x5800] =	vst v63  }
0xbf: {  	_ = 	snop  }
0xc0: {  	[tilespmem:s10], [sflag:$0x1] =	stream.indirect.gather [hbm4b:s2+s7], $0x10, s0, s7, $0xb8;
	[tilespmem:$0x5800] =	vst v63  }
0xc1: {  	s0 =	sld [smem:$0x7A8];
	_ =	sdelay $0x2  }
0xc2: {  	[tilespmem:s11], [sflag:$0x1] =	stream.indirect.gather [hbm4b:s2+s7], $0x10, s0, s7, $0xb8;
	[tilespmem:$0x5800] =	vst v63  }
0xc3: {  	_ =	swait.ge [sflag:s6], $0x800  }
0xc4: {  	[sflag:s6] =	ssyncset.done $0x0  }
0xc5: {  	[sflag:s6] =	ssyncadd.s32 $0xFFFFF800  }
0xc6: {  	_ =	swait.ge [sflag:s6], $0x800  }
0xc7: {  	[sflag:s6] =	ssyncset.done $0x0  }
0xc8: {  	[sflag:s6] =	ssyncadd.s32 $0xFFFFF800  }
0xc9: {  	_ =	swait.ge [sflag:s6], $0x800  }
0xca: {  	[sflag:s6] =	ssyncset.done $0x0  }
0xcb: {  	[sflag:s6] =	ssyncadd.s32 $0xFFFFF800  }
0xcc: {  	_ =	swait.ge [sflag:s6], $0x800  }
0xcd: {  	[sflag:s6] =	ssyncset.done $0x0  }
0xce: {  	s1 =	rddreg [dreg:$0x5];
	[sflag:s6] =	ssyncadd.s32 $0xFFFFF800  }
0xcf: {  	[hbm4b:s1+s8] =	stream.strided.scatter [tilespmem:s4], [sflag:$0x2], $0x2000, s9, s8, $0x38;
	[tilespmem:$0x5800] =	vst v63  }
0xd0: {  	_ =	swait.ge [sflag:s3], $0x2000  }
0xd1: {  	s0 =	sld [smem:$0x7A9]  }
0xd2: {  	[sflag:s3] =	ssyncset.done $0x0  }
0xd3: {  	s1 =	sld [smem:$0x7AA];
	[sflag:s3] =	ssyncadd.s32 $0xFFFFE000  }
0xd4: {  	[tilespmem:s4], [sflag:$0x1] =	stream.indirect.gather [hbm4b:s2+s7], $0x10, s0, s7, $0xb8;
	[tilespmem:$0x5800] =	vst v63  }
0xd5: {  	s0 =	sld [smem:$0x7AB]  }
0xd6: {  	[tilespmem:s5], [sflag:$0x1] =	stream.indirect.gather [hbm4b:s2+s7], $0x10, s1, s7, $0xb8;
	[tilespmem:$0x5800] =	vst v63  }
0xd7: {  	s1 =	sld [smem:$0x7AC]  }
0xd8: {  	[tilespmem:s10], [sflag:$0x1] =	stream.indirect.gather [hbm4b:s2+s7], $0x10, s0, s7, $0xb8;
	[tilespmem:$0x5800] =	vst v63  }
0xd9: {  	_ = 	snop  }
0xda: {  	[tilespmem:s11], [sflag:$0x1] =	stream.indirect.gather [hbm4b:s2+s7], $0x10, s1, s7, $0xb8;
	[tilespmem:$0x5800] =	vst v63  }
0xdb: {  	_ =	swait.ge [sflag:s6], $0x800  }
0xdc: {  	[sflag:s6] =	ssyncset.done $0x0  }
0xdd: {  	[sflag:s6] =	ssyncadd.s32 $0xFFFFF800  }
0xde: {  	_ =	swait.ge [sflag:s6], $0x800  }
0xdf: {  	[sflag:s6] =	ssyncset.done $0x0  }
0xe0: {  	[sflag:s6] =	ssyncadd.s32 $0xFFFFF800  }
0xe1: {  	_ =	swait.ge [sflag:s6], $0x800  }
0xe2: {  	[sflag:s6] =	ssyncset.done $0x0  }
0xe3: {  	[sflag:s6] =	ssyncadd.s32 $0xFFFFF800  }
0xe4: {  	_ =	swait.ge [sflag:s6], $0x800  }
0xe5: {  	[sflag:s6] =	ssyncset.done $0x0  }
0xe6: {  	s1 =	rddreg [dreg:$0x6];
	[sflag:s6] =	ssyncadd.s32 $0xFFFFF800  }
0xe7: {  	[hbm4b:s1+s8] =	stream.strided.scatter [tilespmem:s4], [sflag:$0x2], $0x2000, s9, s8, $0x38;
	[tilespmem:$0x5800] =	vst v63  }
0xe8: {  	_ =	swait.ge [sflag:s3], $0x2000  }
0xe9: {  	s0 =	sld [smem:$0x7AD]  }
0xea: {  	[sflag:s3] =	ssyncset.done $0x0  }
0xeb: {  	s1 =	sld [smem:$0x7AE];
	[sflag:s3] =	ssyncadd.s32 $0xFFFFE000  }
0xec: {  	[tilespmem:s4], [sflag:$0x1] =	stream.indirect.gather [hbm4b:s2+s7], $0x10, s0, s7, $0xb8;
	[tilespmem:$0x5800] =	vst v63  }
0xed: {  	s0 =	sld [smem:$0x7AF]  }
0xee: {  	[tilespmem:s5], [sflag:$0x1] =	stream.indirect.gather [hbm4b:s2+s7], $0x10, s1, s7, $0xb8;
	[tilespmem:$0x5800] =	vst v63  }
0xef: {  	s1 =	sld [smem:$0x7B0]  }
0xf0: {  	[tilespmem:s10], [sflag:$0x1] =	stream.indirect.gather [hbm4b:s2+s7], $0x10, s0, s7, $0xb8;
	[tilespmem:$0x5800] =	vst v63  }
0xf1: {  	_ = 	snop  }
0xf2: {  	[tilespmem:s11], [sflag:$0x1] =	stream.indirect.gather [hbm4b:s2+s7], $0x10, s1, s7, $0xb8;
	[tilespmem:$0x5800] =	vst v63  }
0xf3: {  	_ =	swait.ge [sflag:s6], $0x800  }
0xf4: {  	[sflag:s6] =	ssyncset.done $0x0  }
0xf5: {  	[sflag:s6] =	ssyncadd.s32 $0xFFFFF800  }
0xf6: {  	_ =	swait.ge [sflag:s6], $0x800  }
0xf7: {  	[sflag:s6] =	ssyncset.done $0x0  }
0xf8: {  	[sflag:s6] =	ssyncadd.s32 $0xFFFFF800  }
0xf9: {  	_ =	swait.ge [sflag:s6], $0x800  }
0xfa: {  	[sflag:s6] =	ssyncset.done $0x0  }
0xfb: {  	[sflag:s6] =	ssyncadd.s32 $0xFFFFF800  }
0xfc: {  	_ =	swait.ge [sflag:s6], $0x800  }
0xfd: {  	[sflag:s6] =	ssyncset.done $0x0  }
0xfe: {  	s1 =	rddreg [dreg:$0x7];
	[sflag:s6] =	ssyncadd.s32 $0xFFFFF800  }
0xff: {  	[hbm4b:s1+s8] =	stream.strided.scatter [tilespmem:s4], [sflag:$0x2], $0x2000, s9, s8, $0x38;
	[tilespmem:$0x5800] =	vst v63  }
0x100: {  	_ =	swait.ge [sflag:s3], $0x2000  }
0x101: {  	s0 =	sld [smem:$0x7B1]  }
0x102: {  	[sflag:s3] =	ssyncset.done $0x0  }
0x103: {  	s1 =	sld [smem:$0x7B2];
	[sflag:s3] =	ssyncadd.s32 $0xFFFFE000  }
0x104: {  	[tilespmem:s4], [sflag:$0x1] =	stream.indirect.gather [hbm4b:s2+s7], $0x10, s0, s7, $0xb8;
	[tilespmem:$0x5800] =	vst v63  }
0x105: {  	s0 =	sld [smem:$0x7B3]  }
0x106: {  	[tilespmem:s5], [sflag:$0x1] =	stream.indirect.gather [hbm4b:s2+s7], $0x10, s1, s7, $0xb8;
	[tilespmem:$0x5800] =	vst v63  }
0x107: {  	s1 =	sld [smem:$0x7B4]  }
0x108: {  	[tilespmem:s10], [sflag:$0x1] =	stream.indirect.gather [hbm4b:s2+s7], $0x10, s0, s7, $0xb8;
	[tilespmem:$0x5800] =	vst v63  }
0x109: {  	_ = 	snop  }
0x10a: {  	[tilespmem:s11], [sflag:$0x1] =	stream.indirect.gather [hbm4b:s2+s7], $0x10, s1, s7, $0xb8;
	[tilespmem:$0x5800] =	vst v63  }
0x10b: {  	_ =	swait.ge [sflag:s6], $0x800  }
0x10c: {  	[sflag:s6] =	ssyncset.done $0x0  }
0x10d: {  	[sflag:s6] =	ssyncadd.s32 $0xFFFFF800  }
0x10e: {  	_ =	swait.ge [sflag:s6], $0x800  }
0x10f: {  	[sflag:s6] =	ssyncset.done $0x0  }
0x110: {  	[sflag:s6] =	ssyncadd.s32 $0xFFFFF800  }
0x111: {  	_ =	swait.ge [sflag:s6], $0x800  }
0x112: {  	[sflag:s6] =	ssyncset.done $0x0  }
0x113: {  	[sflag:s6] =	ssyncadd.s32 $0xFFFFF800  }
0x114: {  	_ =	swait.ge [sflag:s6], $0x800  }
0x115: {  	[sflag:s6] =	ssyncset.done $0x0  }
0x116: {  	s1 =	rddreg [dreg:$0x8];
	[sflag:s6] =	ssyncadd.s32 $0xFFFFF800  }
0x117: {  	[hbm4b:s1+s8] =	stream.strided.scatter [tilespmem:s4], [sflag:$0x2], $0x2000, s9, s8, $0x38;
	[tilespmem:$0x5800] =	vst v63  }
0x118: {  	_ =	swait.ge [sflag:s3], $0x2000  }
0x119: {  	s0 =	sld [smem:$0x7B5]  }
0x11a: {  	[sflag:s3] =	ssyncset.done $0x0  }
0x11b: {  	s1 =	sld [smem:$0x7B6];
	[sflag:s3] =	ssyncadd.s32 $0xFFFFE000  }
0x11c: {  	[tilespmem:s4], [sflag:$0x1] =	stream.indirect.gather [hbm4b:s2+s7], $0x10, s0, s7, $0xb8;
	[tilespmem:$0x5800] =	vst v63  }
0x11d: {  	s0 =	sld [smem:$0x7B7]  }
0x11e: {  	[tilespmem:s5], [sflag:$0x1] =	stream.indirect.gather [hbm4b:s2+s7], $0x10, s1, s7, $0xb8;
	[tilespmem:$0x5800] =	vst v63  }
0x11f: {  	s1 =	sld [smem:$0x7B8]  }
0x120: {  	[tilespmem:s10], [sflag:$0x1] =	stream.indirect.gather [hbm4b:s2+s7], $0x10, s0, s7, $0xb8;
	[tilespmem:$0x5800] =	vst v63  }
0x121: {  	_ = 	snop  }
0x122: {  	[tilespmem:s11], [sflag:$0x1] =	stream.indirect.gather [hbm4b:s2+s7], $0x10, s1, s7, $0xb8;
	[tilespmem:$0x5800] =	vst v63  }
0x123: {  	_ =	swait.ge [sflag:s6], $0x800  }
0x124: {  	[sflag:s6] =	ssyncset.done $0x0  }
0x125: {  	[sflag:s6] =	ssyncadd.s32 $0xFFFFF800  }
0x126: {  	_ =	swait.ge [sflag:s6], $0x800  }
0x127: {  	[sflag:s6] =	ssyncset.done $0x0  }
0x128: {  	[sflag:s6] =	ssyncadd.s32 $0xFFFFF800  }
0x129: {  	_ =	swait.ge [sflag:s6], $0x800  }
0x12a: {  	[sflag:s6] =	ssyncset.done $0x0  }
0x12b: {  	[sflag:s6] =	ssyncadd.s32 $0xFFFFF800  }
0x12c: {  	_ =	swait.ge [sflag:s6], $0x800  }
0x12d: {  	[sflag:s6] =	ssyncset.done $0x0  }
0x12e: {  	s1 =	rddreg [dreg:$0x9];
	[sflag:s6] =	ssyncadd.s32 $0xFFFFF800  }
0x12f: {  	[hbm4b:s1+s8] =	stream.strided.scatter [tilespmem:s4], [sflag:$0x2], $0x2000, s9, s8, $0x38;
	[tilespmem:$0x5800] =	vst v63  }
0x130: {  	_ =	swait.ge [sflag:s3], $0x2000  }
0x131: {  	s0 =	sld [smem:$0x7B9]  }
0x132: {  	[sflag:s3] =	ssyncset.done $0x0  }
0x133: {  	s1 =	sld [smem:$0x7BA];
	[sflag:s3] =	ssyncadd.s32 $0xFFFFE000  }
0x134: {  	[tilespmem:s4], [sflag:$0x1] =	stream.indirect.gather [hbm4b:s2+s7], $0x10, s0, s7, $0xb8;
	[tilespmem:$0x5800] =	vst v63  }
0x135: {  	s0 =	sld [smem:$0x7BB]  }
0x136: {  	[tilespmem:s5], [sflag:$0x1] =	stream.indirect.gather [hbm4b:s2+s7], $0x10, s1, s7, $0xb8;
	[tilespmem:$0x5800] =	vst v63  }
0x137: {  	s1 =	sld [smem:$0x7BC]  }
0x138: {  	[tilespmem:s10], [sflag:$0x1] =	stream.indirect.gather [hbm4b:s2+s7], $0x10, s0, s7, $0xb8;
	[tilespmem:$0x5800] =	vst v63  }
0x139: {  	_ = 	snop  }
0x13a: {  	[tilespmem:s11], [sflag:$0x1] =	stream.indirect.gather [hbm4b:s2+s7], $0x10, s1, s7, $0xb8;
	[tilespmem:$0x5800] =	vst v63  }
0x13b: {  	_ =	swait.ge [sflag:s6], $0x800  }
0x13c: {  	[sflag:s6] =	ssyncset.done $0x0  }
0x13d: {  	[sflag:s6] =	ssyncadd.s32 $0xFFFFF800  }
0x13e: {  	_ =	swait.ge [sflag:s6], $0x800  }
0x13f: {  	[sflag:s6] =	ssyncset.done $0x0  }
0x140: {  	[sflag:s6] =	ssyncadd.s32 $0xFFFFF800  }
0x141: {  	_ =	swait.ge [sflag:s6], $0x800  }
0x142: {  	[sflag:s6] =	ssyncset.done $0x0  }
0x143: {  	[sflag:s6] =	ssyncadd.s32 $0xFFFFF800  }
0x144: {  	_ =	swait.ge [sflag:s6], $0x800  }
0x145: {  	[sflag:s6] =	ssyncset.done $0x0  }
0x146: {  	s1 =	rddreg [dreg:$0xa];
	[sflag:s6] =	ssyncadd.s32 $0xFFFFF800  }
0x147: {  	[hbm4b:s1+s8] =	stream.strided.scatter [tilespmem:s4], [sflag:$0x2], $0x2000, s9, s8, $0x38;
	[tilespmem:$0x5800] =	vst v63  }
0x148: {  	_ =	swait.ge [sflag:s3], $0x2000  }
0x149: {  	s0 =	sld [smem:$0x7BD]  }
0x14a: {  	[sflag:s3] =	ssyncset.done $0x0  }
0x14b: {  	s1 =	sld [smem:$0x7BE];
	[sflag:s3] =	ssyncadd.s32 $0xFFFFE000  }
0x14c: {  	[tilespmem:s4], [sflag:$0x1] =	stream.indirect.gather [hbm4b:s2+s7], $0x10, s0, s7, $0xb8;
	[tilespmem:$0x5800] =	vst v63  }
0x14d: {  	s0 =	sld [smem:$0x7BF]  }
0x14e: {  	[tilespmem:s5], [sflag:$0x1] =	stream.indirect.gather [hbm4b:s2+s7], $0x10, s1, s7, $0xb8;
	[tilespmem:$0x5800] =	vst v63  }
0x14f: {  	s1 =	sld [smem:$0x7C0]  }
0x150: {  	[tilespmem:s10], [sflag:$0x1] =	stream.indirect.gather [hbm4b:s2+s7], $0x10, s0, s7, $0xb8;
	[tilespmem:$0x5800] =	vst v63  }
0x151: {  	_ = 	snop  }
0x152: {  	[tilespmem:s11], [sflag:$0x1] =	stream.indirect.gather [hbm4b:s2+s7], $0x10, s1, s7, $0xb8;
	[tilespmem:$0x5800] =	vst v63  }
0x153: {  	_ =	swait.ge [sflag:s6], $0x800  }
0x154: {  	[sflag:s6] =	ssyncset.done $0x0  }
0x155: {  	[sflag:s6] =	ssyncadd.s32 $0xFFFFF800  }
0x156: {  	_ =	swait.ge [sflag:s6], $0x800  }
0x157: {  	[sflag:s6] =	ssyncset.done $0x0  }
0x158: {  	[sflag:s6] =	ssyncadd.s32 $0xFFFFF800  }
0x159: {  	_ =	swait.ge [sflag:s6], $0x800  }
0x15a: {  	[sflag:s6] =	ssyncset.done $0x0  }
0x15b: {  	[sflag:s6] =	ssyncadd.s32 $0xFFFFF800  }
0x15c: {  	_ =	swait.ge [sflag:s6], $0x800  }
0x15d: {  	[sflag:s6] =	ssyncset.done $0x0  }
0x15e: {  	s1 =	rddreg [dreg:$0xb];
	[sflag:s6] =	ssyncadd.s32 $0xFFFFF800  }
0x15f: {  	[hbm4b:s1+s8] =	stream.strided.scatter [tilespmem:s4], [sflag:$0x2], $0x2000, s9, s8, $0x38;
	[tilespmem:$0x5800] =	vst v63  }
0x160: {  	_ =	swait.ge [sflag:s3], $0x2000  }
0x161: {  	s0 =	sld [smem:$0x7C1]  }
0x162: {  	[sflag:s3] =	ssyncset.done $0x0  }
0x163: {  	s1 =	sld [smem:$0x7C2];
	[sflag:s3] =	ssyncadd.s32 $0xFFFFE000  }
0x164: {  	[tilespmem:s4], [sflag:$0x1] =	stream.indirect.gather [hbm4b:s2+s7], $0x10, s0, s7, $0xb8;
	[tilespmem:$0x5800] =	vst v63  }
0x165: {  	s0 =	sld [smem:$0x7C3]  }
0x166: {  	[tilespmem:s5], [sflag:$0x1] =	stream.indirect.gather [hbm4b:s2+s7], $0x10, s1, s7, $0xb8;
	[tilespmem:$0x5800] =	vst v63  }
0x167: {  	s1 =	sld [smem:$0x7C4]  }
0x168: {  	[tilespmem:s10], [sflag:$0x1] =	stream.indirect.gather [hbm4b:s2+s7], $0x10, s0, s7, $0xb8;
	[tilespmem:$0x5800] =	vst v63  }
0x169: {  	_ = 	snop  }
0x16a: {  	[tilespmem:s11], [sflag:$0x1] =	stream.indirect.gather [hbm4b:s2+s7], $0x10, s1, s7, $0xb8;
	[tilespmem:$0x5800] =	vst v63  }
0x16b: {  	_ =	swait.ge [sflag:s6], $0x800  }
0x16c: {  	[sflag:s6] =	ssyncset.done $0x0  }
0x16d: {  	[sflag:s6] =	ssyncadd.s32 $0xFFFFF800  }
0x16e: {  	_ =	swait.ge [sflag:s6], $0x800  }
0x16f: {  	[sflag:s6] =	ssyncset.done $0x0  }
0x170: {  	[sflag:s6] =	ssyncadd.s32 $0xFFFFF800  }
0x171: {  	_ =	swait.ge [sflag:s6], $0x800  }
0x172: {  	[sflag:s6] =	ssyncset.done $0x0  }
0x173: {  	[sflag:s6] =	ssyncadd.s32 $0xFFFFF800  }
0x174: {  	_ =	swait.ge [sflag:s6], $0x800  }
0x175: {  	[sflag:s6] =	ssyncset.done $0x0  }
0x176: {  	s1 =	rddreg [dreg:$0xc];
	[sflag:s6] =	ssyncadd.s32 $0xFFFFF800  }
0x177: {  	[hbm4b:s1+s8] =	stream.strided.scatter [tilespmem:s4], [sflag:$0x2], $0x2000, s9, s8, $0x38;
	[tilespmem:$0x5800] =	vst v63  }
0x178: {  	_ =	swait.ge [sflag:s3], $0x2000  }
0x179: {  	s0 =	sld [smem:$0x7C5]  }
0x17a: {  	[sflag:s3] =	ssyncset.done $0x0  }
0x17b: {  	s1 =	sld [smem:$0x7C6];
	[sflag:s3] =	ssyncadd.s32 $0xFFFFE000  }
0x17c: {  	[tilespmem:s4], [sflag:$0x1] =	stream.indirect.gather [hbm4b:s2+s7], $0x10, s0, s7, $0xb8;
	[tilespmem:$0x5800] =	vst v63  }
0x17d: {  	s0 =	sld [smem:$0x7C7]  }
0x17e: {  	[tilespmem:s5], [sflag:$0x1] =	stream.indirect.gather [hbm4b:s2+s7], $0x10, s1, s7, $0xb8;
	[tilespmem:$0x5800] =	vst v63  }
0x17f: {  	s1 =	sld [smem:$0x7C8]  }
0x180: {  	[tilespmem:s10], [sflag:$0x1] =	stream.indirect.gather [hbm4b:s2+s7], $0x10, s0, s7, $0xb8;
	[tilespmem:$0x5800] =	vst v63  }
0x181: {  	_ = 	snop  }
0x182: {  	[tilespmem:s11], [sflag:$0x1] =	stream.indirect.gather [hbm4b:s2+s7], $0x10, s1, s7, $0xb8;
	[tilespmem:$0x5800] =	vst v63  }
0x183: {  	_ =	swait.ge [sflag:s6], $0x800  }
0x184: {  	[sflag:s6] =	ssyncset.done $0x0  }
0x185: {  	[sflag:s6] =	ssyncadd.s32 $0xFFFFF800  }
0x186: {  	_ =	swait.ge [sflag:s6], $0x800  }
0x187: {  	[sflag:s6] =	ssyncset.done $0x0  }
0x188: {  	[sflag:s6] =	ssyncadd.s32 $0xFFFFF800  }
0x189: {  	_ =	swait.ge [sflag:s6], $0x800  }
0x18a: {  	[sflag:s6] =	ssyncset.done $0x0  }
0x18b: {  	[sflag:s6] =	ssyncadd.s32 $0xFFFFF800  }
0x18c: {  	_ =	swait.ge [sflag:s6], $0x800  }
0x18d: {  	[sflag:s6] =	ssyncset.done $0x0  }
0x18e: {  	s1 =	rddreg [dreg:$0xd];
	[sflag:s6] =	ssyncadd.s32 $0xFFFFF800  }
0x18f: {  	[hbm4b:s1+s8] =	stream.strided.scatter [tilespmem:s4], [sflag:$0x2], $0x2000, s9, s8, $0x38;
	[tilespmem:$0x5800] =	vst v63  }
0x190: {  	_ =	swait.ge [sflag:s3], $0x2000  }
0x191: {  	s0 =	sld [smem:$0x7C9]  }
0x192: {  	[sflag:s3] =	ssyncset.done $0x0  }
0x193: {  	s1 =	sld [smem:$0x7CA];
	[sflag:s3] =	ssyncadd.s32 $0xFFFFE000  }
0x194: {  	[tilespmem:s4], [sflag:$0x1] =	stream.indirect.gather [hbm4b:s2+s7], $0x10, s0, s7, $0xb8;
	[tilespmem:$0x5800] =	vst v63  }
0x195: {  	s0 =	sld [smem:$0x7CB]  }
0x196: {  	[tilespmem:s5], [sflag:$0x1] =	stream.indirect.gather [hbm4b:s2+s7], $0x10, s1, s7, $0xb8;
	[tilespmem:$0x5800] =	vst v63  }
0x197: {  	s1 =	sld [smem:$0x7CC]  }
0x198: {  	[tilespmem:s10], [sflag:$0x1] =	stream.indirect.gather [hbm4b:s2+s7], $0x10, s0, s7, $0xb8;
	[tilespmem:$0x5800] =	vst v63  }
0x199: {  	_ = 	snop  }
0x19a: {  	[tilespmem:s11], [sflag:$0x1] =	stream.indirect.gather [hbm4b:s2+s7], $0x10, s1, s7, $0xb8;
	[tilespmem:$0x5800] =	vst v63  }
0x19b: {  	_ =	swait.ge [sflag:s6], $0x800  }
0x19c: {  	[sflag:s6] =	ssyncset.done $0x0  }
0x19d: {  	[sflag:s6] =	ssyncadd.s32 $0xFFFFF800  }
0x19e: {  	_ =	swait.ge [sflag:s6], $0x800  }
0x19f: {  	[sflag:s6] =	ssyncset.done $0x0  }
0x1a0: {  	[sflag:s6] =	ssyncadd.s32 $0xFFFFF800  }
0x1a1: {  	_ =	swait.ge [sflag:s6], $0x800  }
0x1a2: {  	[sflag:s6] =	ssyncset.done $0x0  }
0x1a3: {  	[sflag:s6] =	ssyncadd.s32 $0xFFFFF800  }
0x1a4: {  	_ =	swait.ge [sflag:s6], $0x800  }
0x1a5: {  	[sflag:s6] =	ssyncset.done $0x0  }
0x1a6: {  	s1 =	rddreg [dreg:$0xe];
	[sflag:s6] =	ssyncadd.s32 $0xFFFFF800  }
0x1a7: {  	[hbm4b:s1+s8] =	stream.strided.scatter [tilespmem:s4], [sflag:$0x2], $0x2000, s9, s8, $0x38;
	[tilespmem:$0x5800] =	vst v63  }
0x1a8: {  	_ =	swait.ge [sflag:s3], $0x2000  }
0x1a9: {  	s0 =	sld [smem:$0x7CD]  }
0x1aa: {  	[sflag:s3] =	ssyncset.done $0x0  }
0x1ab: {  	s1 =	sld [smem:$0x7CE];
	[sflag:s3] =	ssyncadd.s32 $0xFFFFE000  }
0x1ac: {  	[tilespmem:s4], [sflag:$0x1] =	stream.indirect.gather [hbm4b:s2+s7], $0x10, s0, s7, $0xb8;
	[tilespmem:$0x5800] =	vst v63  }
0x1ad: {  	s0 =	sld [smem:$0x7CF]  }
0x1ae: {  	[tilespmem:s5], [sflag:$0x1] =	stream.indirect.gather [hbm4b:s2+s7], $0x10, s1, s7, $0xb8;
	[tilespmem:$0x5800] =	vst v63  }
0x1af: {  	s1 =	sld [smem:$0x7D0]  }
0x1b0: {  	[tilespmem:s10], [sflag:$0x1] =	stream.indirect.gather [hbm4b:s2+s7], $0x10, s0, s7, $0xb8;
	[tilespmem:$0x5800] =	vst v63  }
0x1b1: {  	_ = 	snop  }
0x1b2: {  	[tilespmem:s11], [sflag:$0x1] =	stream.indirect.gather [hbm4b:s2+s7], $0x10, s1, s7, $0xb8;
	[tilespmem:$0x5800] =	vst v63  }
0x1b3: {  	_ =	swait.ge [sflag:s6], $0x800  }
0x1b4: {  	[sflag:s6] =	ssyncset.done $0x0  }
0x1b5: {  	[sflag:s6] =	ssyncadd.s32 $0xFFFFF800  }
0x1b6: {  	_ =	swait.ge [sflag:s6], $0x800  }
0x1b7: {  	[sflag:s6] =	ssyncset.done $0x0  }
0x1b8: {  	[sflag:s6] =	ssyncadd.s32 $0xFFFFF800  }
0x1b9: {  	_ =	swait.ge [sflag:s6], $0x800  }
0x1ba: {  	[sflag:s6] =	ssyncset.done $0x0  }
0x1bb: {  	[sflag:s6] =	ssyncadd.s32 $0xFFFFF800  }
0x1bc: {  	_ =	swait.ge [sflag:s6], $0x800  }
0x1bd: {  	[sflag:s6] =	ssyncset.done $0x0  }
0x1be: {  	s1 =	rddreg [dreg:$0xf];
	[sflag:s6] =	ssyncadd.s32 $0xFFFFF800  }
0x1bf: {  	[hbm4b:s1+s8] =	stream.strided.scatter [tilespmem:s4], [sflag:$0x2], $0x2000, s9, s8, $0x38;
	[tilespmem:$0x5800] =	vst v63  }
0x1c0: {  	_ =	swait.ge [sflag:s3], $0x2000  }
0x1c1: {  	s0 =	sld [smem:$0x7D1]  }
0x1c2: {  	[sflag:s3] =	ssyncset.done $0x0  }
0x1c3: {  	s1 =	sld [smem:$0x7D2];
	[sflag:s3] =	ssyncadd.s32 $0xFFFFE000  }
0x1c4: {  	[tilespmem:s4], [sflag:$0x1] =	stream.indirect.gather [hbm4b:s2+s7], $0x10, s0, s7, $0xb8;
	[tilespmem:$0x5800] =	vst v63  }
0x1c5: {  	s0 =	sld [smem:$0x7D3]  }
0x1c6: {  	[tilespmem:s5], [sflag:$0x1] =	stream.indirect.gather [hbm4b:s2+s7], $0x10, s1, s7, $0xb8;
	[tilespmem:$0x5800] =	vst v63  }
0x1c7: {  	s1 =	sld [smem:$0x7D4]  }
0x1c8: {  	[tilespmem:s10], [sflag:$0x1] =	stream.indirect.gather [hbm4b:s2+s7], $0x10, s0, s7, $0xb8;
	[tilespmem:$0x5800] =	vst v63  }
0x1c9: {  	_ = 	snop  }
0x1ca: {  	[tilespmem:s11], [sflag:$0x1] =	stream.indirect.gather [hbm4b:s2+s7], $0x10, s1, s7, $0xb8;
	[tilespmem:$0x5800] =	vst v63  }
0x1cb: {  	_ =	swait.ge [sflag:s6], $0x800  }
0x1cc: {  	[sflag:s6] =	ssyncset.done $0x0  }
0x1cd: {  	[sflag:s6] =	ssyncadd.s32 $0xFFFFF800  }
0x1ce: {  	_ =	swait.ge [sflag:s6], $0x800  }
0x1cf: {  	[sflag:s6] =	ssyncset.done $0x0  }
0x1d0: {  	[sflag:s6] =	ssyncadd.s32 $0xFFFFF800  }
0x1d1: {  	_ =	swait.ge [sflag:s6], $0x800  }
0x1d2: {  	[sflag:s6] =	ssyncset.done $0x0  }
0x1d3: {  	[sflag:s6] =	ssyncadd.s32 $0xFFFFF800  }
0x1d4: {  	_ =	swait.ge [sflag:s6], $0x800  }
0x1d5: {  	[sflag:s6] =	ssyncset.done $0x0  }
0x1d6: {  	s1 =	rddreg [dreg:$0x10];
	[sflag:s6] =	ssyncadd.s32 $0xFFFFF800  }
0x1d7: {  	[hbm4b:s1+s8] =	stream.strided.scatter [tilespmem:s4], [sflag:$0x2], $0x2000, s9, s8, $0x38;
	[tilespmem:$0x5800] =	vst v63  }
0x1d8: {  	_ =	swait.ge [sflag:s3], $0x2000  }
0x1d9: {  	s0 =	sld [smem:$0x7D5]  }
0x1da: {  	[sflag:s3] =	ssyncset.done $0x0  }
0x1db: {  	s1 =	sld [smem:$0x7D6];
	[sflag:s3] =	ssyncadd.s32 $0xFFFFE000  }
0x1dc: {  	[tilespmem:s4], [sflag:$0x1] =	stream.indirect.gather [hbm4b:s2+s7], $0x10, s0, s7, $0xb8;
	[tilespmem:$0x5800] =	vst v63  }
0x1dd: {  	s0 =	sld [smem:$0x7D7]  }
0x1de: {  	[tilespmem:s5], [sflag:$0x1] =	stream.indirect.gather [hbm4b:s2+s7], $0x10, s1, s7, $0xb8;
	[tilespmem:$0x5800] =	vst v63  }
0x1df: {  	s1 =	sld [smem:$0x7D8]  }
0x1e0: {  	[tilespmem:s10], [sflag:$0x1] =	stream.indirect.gather [hbm4b:s2+s7], $0x10, s0, s7, $0xb8;
	[tilespmem:$0x5800] =	vst v63  }
0x1e1: {  	_ = 	snop  }
0x1e2: {  	[tilespmem:s11], [sflag:$0x1] =	stream.indirect.gather [hbm4b:s2+s7], $0x10, s1, s7, $0xb8;
	[tilespmem:$0x5800] =	vst v63  }
0x1e3: {  	_ =	swait.ge [sflag:s6], $0x800  }
0x1e4: {  	[sflag:s6] =	ssyncset.done $0x0  }
0x1e5: {  	[sflag:s6] =	ssyncadd.s32 $0xFFFFF800  }
0x1e6: {  	_ =	swait.ge [sflag:s6], $0x800  }
0x1e7: {  	[sflag:s6] =	ssyncset.done $0x0  }
0x1e8: {  	[sflag:s6] =	ssyncadd.s32 $0xFFFFF800  }
0x1e9: {  	_ =	swait.ge [sflag:s6], $0x800  }
0x1ea: {  	[sflag:s6] =	ssyncset.done $0x0  }
0x1eb: {  	[sflag:s6] =	ssyncadd.s32 $0xFFFFF800  }
0x1ec: {  	_ =	swait.ge [sflag:s6], $0x800  }
0x1ed: {  	[sflag:s6] =	ssyncset.done $0x0  }
0x1ee: {  	s1 =	rddreg [dreg:$0x11];
	[sflag:s6] =	ssyncadd.s32 $0xFFFFF800  }
0x1ef: {  	[hbm4b:s1+s8] =	stream.strided.scatter [tilespmem:s4], [sflag:$0x2], $0x2000, s9, s8, $0x38;
	[tilespmem:$0x5800] =	vst v63  }
0x1f0: {  	_ =	swait.ge [sflag:s3], $0x2000  }
0x1f1: {  	s0 =	sld [smem:$0x7D9]  }
0x1f2: {  	[sflag:s3] =	ssyncset.done $0x0  }
0x1f3: {  	s1 =	sld [smem:$0x7DA];
	[sflag:s3] =	ssyncadd.s32 $0xFFFFE000  }
0x1f4: {  	[tilespmem:s4], [sflag:$0x1] =	stream.indirect.gather [hbm4b:s2+s7], $0x10, s0, s7, $0xb8;
	[tilespmem:$0x5800] =	vst v63  }
0x1f5: {  	s0 =	sld [smem:$0x7DB]  }
0x1f6: {  	[tilespmem:s5], [sflag:$0x1] =	stream.indirect.gather [hbm4b:s2+s7], $0x10, s1, s7, $0xb8;
	[tilespmem:$0x5800] =	vst v63  }
0x1f7: {  	s1 =	sld [smem:$0x7DC]  }
0x1f8: {  	[tilespmem:s10], [sflag:$0x1] =	stream.indirect.gather [hbm4b:s2+s7], $0x10, s0, s7, $0xb8;
	[tilespmem:$0x5800] =	vst v63  }
0x1f9: {  	_ = 	snop  }
0x1fa: {  	[tilespmem:s11], [sflag:$0x1] =	stream.indirect.gather [hbm4b:s2+s7], $0x10, s1, s7, $0xb8;
	[tilespmem:$0x5800] =	vst v63  }
0x1fb: {  	_ =	swait.ge [sflag:s6], $0x800  }
0x1fc: {  	[sflag:s6] =	ssyncset.done $0x0  }
0x1fd: {  	[sflag:s6] =	ssyncadd.s32 $0xFFFFF800  }
0x1fe: {  	_ =	swait.ge [sflag:s6], $0x800  }
0x1ff: {  	[sflag:s6] =	ssyncset.done $0x0  }
0x200: {  	[sflag:s6] =	ssyncadd.s32 $0xFFFFF800  }
0x201: {  	_ =	swait.ge [sflag:s6], $0x800  }
0x202: {  	[sflag:s6] =	ssyncset.done $0x0  }
0x203: {  	[sflag:s6] =	ssyncadd.s32 $0xFFFFF800  }
0x204: {  	_ =	swait.ge [sflag:s6], $0x800  }
0x205: {  	[sflag:s6] =	ssyncset.done $0x0  }
0x206: {  	s1 =	rddreg [dreg:$0x12];
	[sflag:s6] =	ssyncadd.s32 $0xFFFFF800  }
0x207: {  	[hbm4b:s1+s8] =	stream.strided.scatter [tilespmem:s4], [sflag:$0x2], $0x2000, s9, s8, $0x38;
	[tilespmem:$0x5800] =	vst v63  }
0x208: {  	_ =	swait.ge [sflag:s3], $0x2000  }
0x209: {  	s0 =	sld [smem:$0x7DD]  }
0x20a: {  	[sflag:s3] =	ssyncset.done $0x0  }
0x20b: {  	s1 =	sld [smem:$0x7DE];
	[sflag:s3] =	ssyncadd.s32 $0xFFFFE000  }
0x20c: {  	[tilespmem:s4], [sflag:$0x1] =	stream.indirect.gather [hbm4b:s2+s7], $0x10, s0, s7, $0xb8;
	[tilespmem:$0x5800] =	vst v63  }
0x20d: {  	s0 =	sld [smem:$0x7DF]  }
0x20e: {  	[tilespmem:s5], [sflag:$0x1] =	stream.indirect.gather [hbm4b:s2+s7], $0x10, s1, s7, $0xb8;
	[tilespmem:$0x5800] =	vst v63  }
0x20f: {  	s1 =	sld [smem:$0x7E0]  }
0x210: {  	[tilespmem:s10], [sflag:$0x1] =	stream.indirect.gather [hbm4b:s2+s7], $0x10, s0, s7, $0xb8;
	[tilespmem:$0x5800] =	vst v63  }
0x211: {  	_ = 	snop  }
0x212: {  	[tilespmem:s11], [sflag:$0x1] =	stream.indirect.gather [hbm4b:s2+s7], $0x10, s1, s7, $0xb8;
	[tilespmem:$0x5800] =	vst v63  }
0x213: {  	_ =	swait.ge [sflag:s6], $0x800  }
0x214: {  	[sflag:s6] =	ssyncset.done $0x0  }
0x215: {  	[sflag:s6] =	ssyncadd.s32 $0xFFFFF800  }
0x216: {  	_ =	swait.ge [sflag:s6], $0x800  }
0x217: {  	[sflag:s6] =	ssyncset.done $0x0  }
0x218: {  	[sflag:s6] =	ssyncadd.s32 $0xFFFFF800  }
0x219: {  	_ =	swait.ge [sflag:s6], $0x800  }
0x21a: {  	[sflag:s6] =	ssyncset.done $0x0  }
0x21b: {  	[sflag:s6] =	ssyncadd.s32 $0xFFFFF800  }
0x21c: {  	_ =	swait.ge [sflag:s6], $0x800  }
0x21d: {  	[sflag:s6] =	ssyncset.done $0x0  }
0x21e: {  	s1 =	rddreg [dreg:$0x13];
	[sflag:s6] =	ssyncadd.s32 $0xFFFFF800  }
0x21f: {  	[hbm4b:s1+s8] =	stream.strided.scatter [tilespmem:s4], [sflag:$0x2], $0x2000, s9, s8, $0x38;
	[tilespmem:$0x5800] =	vst v63  }
0x220: {  	_ =	swait.ge [sflag:s3], $0x2000  }
0x221: {  	s0 =	sld [smem:$0x7E1]  }
0x222: {  	[sflag:s3] =	ssyncset.done $0x0  }
0x223: {  	s1 =	sld [smem:$0x7E2];
	[sflag:s3] =	ssyncadd.s32 $0xFFFFE000  }
0x224: {  	[tilespmem:s4], [sflag:$0x1] =	stream.indirect.gather [hbm4b:s2+s7], $0x10, s0, s7, $0xb8;
	[tilespmem:$0x5800] =	vst v63  }
0x225: {  	s0 =	sld [smem:$0x7E3]  }
0x226: {  	[tilespmem:s5], [sflag:$0x1] =	stream.indirect.gather [hbm4b:s2+s7], $0x10, s1, s7, $0xb8;
	[tilespmem:$0x5800] =	vst v63  }
0x227: {  	s1 =	sld [smem:$0x7E4]  }
0x228: {  	[tilespmem:s10], [sflag:$0x1] =	stream.indirect.gather [hbm4b:s2+s7], $0x10, s0, s7, $0xb8;
	[tilespmem:$0x5800] =	vst v63  }
0x229: {  	_ = 	snop  }
0x22a: {  	[tilespmem:s11], [sflag:$0x1] =	stream.indirect.gather [hbm4b:s2+s7], $0x10, s1, s7, $0xb8;
	[tilespmem:$0x5800] =	vst v63  }
0x22b: {  	_ =	swait.ge [sflag:s6], $0x800  }
0x22c: {  	[sflag:s6] =	ssyncset.done $0x0  }
0x22d: {  	[sflag:s6] =	ssyncadd.s32 $0xFFFFF800  }
0x22e: {  	_ =	swait.ge [sflag:s6], $0x800  }
0x22f: {  	[sflag:s6] =	ssyncset.done $0x0  }
0x230: {  	[sflag:s6] =	ssyncadd.s32 $0xFFFFF800  }
0x231: {  	_ =	swait.ge [sflag:s6], $0x800  }
0x232: {  	[sflag:s6] =	ssyncset.done $0x0  }
0x233: {  	[sflag:s6] =	ssyncadd.s32 $0xFFFFF800  }
0x234: {  	_ =	swait.ge [sflag:s6], $0x800  }
0x235: {  	[sflag:s6] =	ssyncset.done $0x0  }
0x236: {  	s1 =	rddreg [dreg:$0x14];
	[sflag:s6] =	ssyncadd.s32 $0xFFFFF800  }
0x237: {  	[hbm4b:s1+s8] =	stream.strided.scatter [tilespmem:s4], [sflag:$0x2], $0x2000, s9, s8, $0x38;
	[tilespmem:$0x5800] =	vst v63  }
0x238: {  	_ =	swait.ge [sflag:s3], $0x2000  }
0x239: {  	s0 =	sld [smem:$0x7E5]  }
0x23a: {  	[sflag:s3] =	ssyncset.done $0x0  }
0x23b: {  	s1 =	sld [smem:$0x7E6];
	[sflag:s3] =	ssyncadd.s32 $0xFFFFE000  }
0x23c: {  	[tilespmem:s4], [sflag:$0x1] =	stream.indirect.gather [hbm4b:s2+s7], $0x10, s0, s7, $0xb8;
	[tilespmem:$0x5800] =	vst v63  }
0x23d: {  	s0 =	sld [smem:$0x7E7]  }
0x23e: {  	[tilespmem:s5], [sflag:$0x1] =	stream.indirect.gather [hbm4b:s2+s7], $0x10, s1, s7, $0xb8;
	[tilespmem:$0x5800] =	vst v63  }
0x23f: {  	s1 =	sld [smem:$0x7E8]  }
0x240: {  	[tilespmem:s10], [sflag:$0x1] =	stream.indirect.gather [hbm4b:s2+s7], $0x10, s0, s7, $0xb8;
	[tilespmem:$0x5800] =	vst v63  }
0x241: {  	_ = 	snop  }
0x242: {  	[tilespmem:s11], [sflag:$0x1] =	stream.indirect.gather [hbm4b:s2+s7], $0x10, s1, s7, $0xb8;
	[tilespmem:$0x5800] =	vst v63  }
0x243: {  	_ =	swait.ge [sflag:s6], $0x800  }
0x244: {  	[sflag:s6] =	ssyncset.done $0x0  }
0x245: {  	[sflag:s6] =	ssyncadd.s32 $0xFFFFF800  }
0x246: {  	_ =	swait.ge [sflag:s6], $0x800  }
0x247: {  	[sflag:s6] =	ssyncset.done $0x0  }
0x248: {  	[sflag:s6] =	ssyncadd.s32 $0xFFFFF800  }
0x249: {  	_ =	swait.ge [sflag:s6], $0x800  }
0x24a: {  	[sflag:s6] =	ssyncset.done $0x0  }
0x24b: {  	[sflag:s6] =	ssyncadd.s32 $0xFFFFF800  }
0x24c: {  	_ =	swait.ge [sflag:s6], $0x800  }
0x24d: {  	[sflag:s6] =	ssyncset.done $0x0  }
0x24e: {  	s1 =	rddreg [dreg:$0x15];
	[sflag:s6] =	ssyncadd.s32 $0xFFFFF800  }
0x24f: {  	[hbm4b:s1+s8] =	stream.strided.scatter [tilespmem:s4], [sflag:$0x2], $0x2000, s9, s8, $0x38;
	[tilespmem:$0x5800] =	vst v63  }
0x250: {  	_ =	swait.ge [sflag:s3], $0x2000  }
0x251: {  	s0 =	sld [smem:$0x7E9]  }
0x252: {  	[sflag:s3] =	ssyncset.done $0x0  }
0x253: {  	s1 =	sld [smem:$0x7EA];
	[sflag:s3] =	ssyncadd.s32 $0xFFFFE000  }
0x254: {  	[tilespmem:s4], [sflag:$0x1] =	stream.indirect.gather [hbm4b:s2+s7], $0x10, s0, s7, $0xb8;
	[tilespmem:$0x5800] =	vst v63  }
0x255: {  	s0 =	sld [smem:$0x7EB]  }
0x256: {  	[tilespmem:s5], [sflag:$0x1] =	stream.indirect.gather [hbm4b:s2+s7], $0x10, s1, s7, $0xb8;
	[tilespmem:$0x5800] =	vst v63  }
0x257: {  	s1 =	sld [smem:$0x7EC]  }
0x258: {  	[tilespmem:s10], [sflag:$0x1] =	stream.indirect.gather [hbm4b:s2+s7], $0x10, s0, s7, $0xb8;
	[tilespmem:$0x5800] =	vst v63  }
0x259: {  	_ = 	snop  }
0x25a: {  	[tilespmem:s11], [sflag:$0x1] =	stream.indirect.gather [hbm4b:s2+s7], $0x10, s1, s7, $0xb8;
	[tilespmem:$0x5800] =	vst v63  }
0x25b: {  	_ =	swait.ge [sflag:s6], $0x800  }
0x25c: {  	[sflag:s6] =	ssyncset.done $0x0  }
0x25d: {  	[sflag:s6] =	ssyncadd.s32 $0xFFFFF800  }
0x25e: {  	_ =	swait.ge [sflag:s6], $0x800  }
0x25f: {  	[sflag:s6] =	ssyncset.done $0x0  }
0x260: {  	[sflag:s6] =	ssyncadd.s32 $0xFFFFF800  }
0x261: {  	_ =	swait.ge [sflag:s6], $0x800  }
0x262: {  	[sflag:s6] =	ssyncset.done $0x0  }
0x263: {  	[sflag:s6] =	ssyncadd.s32 $0xFFFFF800  }
0x264: {  	_ =	swait.ge [sflag:s6], $0x800  }
0x265: {  	[sflag:s6] =	ssyncset.done $0x0  }
0x266: {  	s1 =	rddreg [dreg:$0x16];
	[sflag:s6] =	ssyncadd.s32 $0xFFFFF800  }
0x267: {  	[hbm4b:s1+s8] =	stream.strided.scatter [tilespmem:s4], [sflag:$0x2], $0x2000, s9, s8, $0x38;
	[tilespmem:$0x5800] =	vst v63  }
0x268: {  	_ =	swait.ge [sflag:s3], $0x2000  }
0x269: {  	s0 =	sld [smem:$0x7ED]  }
0x26a: {  	[sflag:s3] =	ssyncset.done $0x0  }
0x26b: {  	s1 =	sld [smem:$0x7EE];
	[sflag:s3] =	ssyncadd.s32 $0xFFFFE000  }
0x26c: {  	[tilespmem:s4], [sflag:$0x1] =	stream.indirect.gather [hbm4b:s2+s7], $0x10, s0, s7, $0xb8;
	[tilespmem:$0x5800] =	vst v63  }
0x26d: {  	s0 =	sld [smem:$0x7EF]  }
0x26e: {  	[tilespmem:s5], [sflag:$0x1] =	stream.indirect.gather [hbm4b:s2+s7], $0x10, s1, s7, $0xb8;
	[tilespmem:$0x5800] =	vst v63  }
0x26f: {  	s1 =	sld [smem:$0x7F0]  }
0x270: {  	[tilespmem:s10], [sflag:$0x1] =	stream.indirect.gather [hbm4b:s2+s7], $0x10, s0, s7, $0xb8;
	[tilespmem:$0x5800] =	vst v63  }
0x271: {  	_ = 	snop  }
0x272: {  	[tilespmem:s11], [sflag:$0x1] =	stream.indirect.gather [hbm4b:s2+s7], $0x10, s1, s7, $0xb8;
	[tilespmem:$0x5800] =	vst v63  }
0x273: {  	_ =	swait.ge [sflag:s6], $0x800  }
0x274: {  	[sflag:s6] =	ssyncset.done $0x0  }
0x275: {  	[sflag:s6] =	ssyncadd.s32 $0xFFFFF800  }
0x276: {  	_ =	swait.ge [sflag:s6], $0x800  }
0x277: {  	[sflag:s6] =	ssyncset.done $0x0  }
0x278: {  	[sflag:s6] =	ssyncadd.s32 $0xFFFFF800  }
0x279: {  	_ =	swait.ge [sflag:s6], $0x800  }
0x27a: {  	[sflag:s6] =	ssyncset.done $0x0  }
0x27b: {  	[sflag:s6] =	ssyncadd.s32 $0xFFFFF800  }
0x27c: {  	_ =	swait.ge [sflag:s6], $0x800  }
0x27d: {  	[sflag:s6] =	ssyncset.done $0x0  }
0x27e: {  	s1 =	rddreg [dreg:$0x17];
	[sflag:s6] =	ssyncadd.s32 $0xFFFFF800  }
0x27f: {  	[hbm4b:s1+s8] =	stream.strided.scatter [tilespmem:s4], [sflag:$0x2], $0x2000, s9, s8, $0x38;
	[tilespmem:$0x5800] =	vst v63  }
0x280: {  	_ =	swait.ge [sflag:s3], $0x2000  }
0x281: {  	s0 =	sld [smem:$0x7F1]  }
0x282: {  	[sflag:s3] =	ssyncset.done $0x0  }
0x283: {  	s1 =	sld [smem:$0x7F2];
	[sflag:s3] =	ssyncadd.s32 $0xFFFFE000  }
0x284: {  	[tilespmem:s4], [sflag:$0x1] =	stream.indirect.gather [hbm4b:s2+s7], $0x10, s0, s7, $0xb8;
	[tilespmem:$0x5800] =	vst v63  }
0x285: {  	s0 =	sld [smem:$0x7F3]  }
0x286: {  	[tilespmem:s5], [sflag:$0x1] =	stream.indirect.gather [hbm4b:s2+s7], $0x10, s1, s7, $0xb8;
	[tilespmem:$0x5800] =	vst v63  }
0x287: {  	s1 =	sld [smem:$0x7F4]  }
0x288: {  	[tilespmem:s10], [sflag:$0x1] =	stream.indirect.gather [hbm4b:s2+s7], $0x10, s0, s7, $0xb8;
	[tilespmem:$0x5800] =	vst v63  }
0x289: {  	_ = 	snop  }
0x28a: {  	[tilespmem:s11], [sflag:$0x1] =	stream.indirect.gather [hbm4b:s2+s7], $0x10, s1, s7, $0xb8;
	[tilespmem:$0x5800] =	vst v63  }
0x28b: {  	_ =	swait.ge [sflag:s6], $0x800  }
0x28c: {  	[sflag:s6] =	ssyncset.done $0x0  }
0x28d: {  	[sflag:s6] =	ssyncadd.s32 $0xFFFFF800  }
0x28e: {  	_ =	swait.ge [sflag:s6], $0x800  }
0x28f: {  	[sflag:s6] =	ssyncset.done $0x0  }
0x290: {  	[sflag:s6] =	ssyncadd.s32 $0xFFFFF800  }
0x291: {  	_ =	swait.ge [sflag:s6], $0x800  }
0x292: {  	[sflag:s6] =	ssyncset.done $0x0  }
0x293: {  	[sflag:s6] =	ssyncadd.s32 $0xFFFFF800  }
0x294: {  	_ =	swait.ge [sflag:s6], $0x800  }
0x295: {  	[sflag:s6] =	ssyncset.done $0x0  }
0x296: {  	s1 =	rddreg [dreg:$0x18];
	[sflag:s6] =	ssyncadd.s32 $0xFFFFF800  }
0x297: {  	[hbm4b:s1+s8] =	stream.strided.scatter [tilespmem:s4], [sflag:$0x2], $0x2000, s9, s8, $0x38;
	[tilespmem:$0x5800] =	vst v63  }
0x298: {  	_ =	swait.ge [sflag:s3], $0x2000  }
0x299: {  	s0 =	sld [smem:$0x7F5]  }
0x29a: {  	[sflag:s3] =	ssyncset.done $0x0  }
0x29b: {  	s1 =	sld [smem:$0x7F6];
	[sflag:s3] =	ssyncadd.s32 $0xFFFFE000  }
0x29c: {  	[tilespmem:s4], [sflag:$0x1] =	stream.indirect.gather [hbm4b:s2+s7], $0x10, s0, s7, $0xb8;
	[tilespmem:$0x5800] =	vst v63  }
0x29d: {  	s0 =	sld [smem:$0x7F7]  }
0x29e: {  	[tilespmem:s5], [sflag:$0x1] =	stream.indirect.gather [hbm4b:s2+s7], $0x10, s1, s7, $0xb8;
	[tilespmem:$0x5800] =	vst v63  }
0x29f: {  	s1 =	sld [smem:$0x7F8]  }
0x2a0: {  	[tilespmem:s10], [sflag:$0x1] =	stream.indirect.gather [hbm4b:s2+s7], $0x10, s0, s7, $0xb8;
	[tilespmem:$0x5800] =	vst v63  }
0x2a1: {  	_ = 	snop  }
0x2a2: {  	[tilespmem:s11], [sflag:$0x1] =	stream.indirect.gather [hbm4b:s2+s7], $0x10, s1, s7, $0xb8;
	[tilespmem:$0x5800] =	vst v63  }
0x2a3: {  	_ =	swait.ge [sflag:s6], $0x800  }
0x2a4: {  	[sflag:s6] =	ssyncset.done $0x0  }
0x2a5: {  	[sflag:s6] =	ssyncadd.s32 $0xFFFFF800  }
0x2a6: {  	_ =	swait.ge [sflag:s6], $0x800  }
0x2a7: {  	[sflag:s6] =	ssyncset.done $0x0  }
0x2a8: {  	[sflag:s6] =	ssyncadd.s32 $0xFFFFF800  }
0x2a9: {  	_ =	swait.ge [sflag:s6], $0x800  }
0x2aa: {  	[sflag:s6] =	ssyncset.done $0x0  }
0x2ab: {  	[sflag:s6] =	ssyncadd.s32 $0xFFFFF800  }
0x2ac: {  	_ =	swait.ge [sflag:s6], $0x800  }
0x2ad: {  	[sflag:s6] =	ssyncset.done $0x0  }
0x2ae: {  	s1 =	rddreg [dreg:$0x19];
	[sflag:s6] =	ssyncadd.s32 $0xFFFFF800  }
0x2af: {  	[hbm4b:s1+s8] =	stream.strided.scatter [tilespmem:s4], [sflag:$0x2], $0x2000, s9, s8, $0x38;
	[tilespmem:$0x5800] =	vst v63  }
0x2b0: {  	_ =	swait.ge [sflag:s3], $0x2000  }
0x2b1: {  	s0 =	sld [smem:$0x7F9]  }
0x2b2: {  	[sflag:s3] =	ssyncset.done $0x0  }
0x2b3: {  	s1 =	sld [smem:$0x7FA];
	[sflag:s3] =	ssyncadd.s32 $0xFFFFE000  }
0x2b4: {  	[tilespmem:s4], [sflag:$0x1] =	stream.indirect.gather [hbm4b:s2+s7], $0x10, s0, s7, $0xb8;
	[tilespmem:$0x5800] =	vst v63  }
0x2b5: {  	s0 =	sld [smem:$0x7FB]  }
0x2b6: {  	[tilespmem:s5], [sflag:$0x1] =	stream.indirect.gather [hbm4b:s2+s7], $0x10, s1, s7, $0xb8;
	[tilespmem:$0x5800] =	vst v63  }
0x2b7: {  	s1 =	sld [smem:$0x7FC]  }
0x2b8: {  	[tilespmem:s10], [sflag:$0x1] =	stream.indirect.gather [hbm4b:s2+s7], $0x10, s0, s7, $0xb8;
	[tilespmem:$0x5800] =	vst v63  }
0x2b9: {  	_ = 	snop  }
0x2ba: {  	[tilespmem:s11], [sflag:$0x1] =	stream.indirect.gather [hbm4b:s2+s7], $0x10, s1, s7, $0xb8;
	[tilespmem:$0x5800] =	vst v63  }
0x2bb: {  	_ =	swait.ge [sflag:s6], $0x800  }
0x2bc: {  	[sflag:s6] =	ssyncset.done $0x0  }
0x2bd: {  	[sflag:s6] =	ssyncadd.s32 $0xFFFFF800  }
0x2be: {  	_ =	swait.ge [sflag:s6], $0x800  }
0x2bf: {  	[sflag:s6] =	ssyncset.done $0x0  }
0x2c0: {  	[sflag:s6] =	ssyncadd.s32 $0xFFFFF800  }
0x2c1: {  	_ =	swait.ge [sflag:s6], $0x800  }
0x2c2: {  	[sflag:s6] =	ssyncset.done $0x0  }
0x2c3: {  	[sflag:s6] =	ssyncadd.s32 $0xFFFFF800  }
0x2c4: {  	_ =	swait.ge [sflag:s6], $0x800  }
0x2c5: {  	[sflag:s6] =	ssyncset.done $0x0  }
0x2c6: {  	s1 =	rddreg [dreg:$0x1a];
	[sflag:s6] =	ssyncadd.s32 $0xFFFFF800  }
0x2c7: {  	[hbm4b:s1+s8] =	stream.strided.scatter [tilespmem:s4], [sflag:$0x2], $0x2000, s9, s8, $0x38;
	[tilespmem:$0x5800] =	vst v63  }
0x2c8: {  	_ =	swait.ge [sflag:s3], $0x2000  }
0x2c9: {  	s1 =	sld [smem:$0x7FD]  }
0x2ca: {  	[sflag:s3] =	ssyncset.done $0x0  }
0x2cb: {  	[sflag:s3] =	ssyncadd.s32 $0xFFFFE000  }
0x2cc: {  	[tilespmem:s4], [sflag:$0x1] =	stream.indirect.gather [hbm4b:s2+s7], $0x10, s1, s7, $0xb8;
	[tilespmem:$0x5800] =	vst v63  }
0x2cd: {  	_ = 	snop  }
0x2ce: {  	[tilespmem:s5], [sflag:$0x1] =	stream.indirect.gather [hbm4b:s2+s7], $0x10, s25, s7, $0xb8;
	[tilespmem:$0x5800] =	vst v63  }
0x2cf: {  	_ = 	snop  }
0x2d0: {  	[tilespmem:s10], [sflag:$0x1] =	stream.indirect.gather [hbm4b:s2+s7], $0x10, s26, s7, $0xb8;
	[tilespmem:$0x5800] =	vst v63  }
0x2d1: {  	_ = 	snop  }
0x2d2: {  	[tilespmem:s11], [sflag:$0x1] =	stream.indirect.gather [hbm4b:s2+s7], $0x10, s17, s7, $0xb8;
	[tilespmem:$0x5800] =	vst v63  }
0x2d3: {  	_ =	swait.ge [sflag:s6], $0x800  }
0x2d4: {  	[sflag:s6] =	ssyncset.done $0x0  }
0x2d5: {  	[sflag:s6] =	ssyncadd.s32 $0xFFFFF800  }
0x2d6: {  	_ =	swait.ge [sflag:s6], $0x800  }
0x2d7: {  	[sflag:s6] =	ssyncset.done $0x0  }
0x2d8: {  	[sflag:s6] =	ssyncadd.s32 $0xFFFFF800  }
0x2d9: {  	_ =	swait.ge [sflag:s6], $0x800  }
0x2da: {  	[sflag:s6] =	ssyncset.done $0x0  }
0x2db: {  	[sflag:s6] =	ssyncadd.s32 $0xFFFFF800  }
0x2dc: {  	_ =	swait.ge [sflag:s6], $0x800  }
0x2dd: {  	[sflag:s6] =	ssyncset.done $0x0  }
0x2de: {  	s1 =	rddreg [dreg:$0x1b];
	[sflag:s6] =	ssyncadd.s32 $0xFFFFF800  }
0x2df: {  	[hbm4b:s1+s8] =	stream.strided.scatter [tilespmem:s4], [sflag:$0x2], $0x2000, s9, s8, $0x38;
	[tilespmem:$0x5800] =	vst v63  }
0x2e0: {  	_ =	swait.ge [sflag:s3], $0x2000  }
0x2e1: {  	[sflag:s3] =	ssyncset.done $0x0  }
0x2e2: {  	[sflag:s3] =	ssyncadd.s32 $0xFFFFE000  }
0x2e3: {  	[tilespmem:s4], [sflag:$0x1] =	stream.indirect.gather [hbm4b:s2+s7], $0x10, s21, s7, $0xb8;
	[tilespmem:$0x5800] =	vst v63  }
0x2e4: {  	_ = 	snop  }
0x2e5: {  	[tilespmem:s5], [sflag:$0x1] =	stream.indirect.gather [hbm4b:s2+s7], $0x10, s22, s7, $0xb8;
	[tilespmem:$0x5800] =	vst v63  }
0x2e6: {  	_ = 	snop  }
0x2e7: {  	[tilespmem:s10], [sflag:$0x1] =	stream.indirect.gather [hbm4b:s2+s7], $0x10, s23, s7, $0xb8;
	[tilespmem:$0x5800] =	vst v63  }
0x2e8: {  	_ = 	snop  }
0x2e9: {  	[tilespmem:s11], [sflag:$0x1] =	stream.indirect.gather [hbm4b:s2+s7], $0x10, s24, s7, $0xb8;
	[tilespmem:$0x5800] =	vst v63  }
0x2ea: {  	_ =	swait.ge [sflag:s6], $0x800  }
0x2eb: {  	[sflag:s6] =	ssyncset.done $0x0  }
0x2ec: {  	[sflag:s6] =	ssyncadd.s32 $0xFFFFF800  }
0x2ed: {  	_ =	swait.ge [sflag:s6], $0x800  }
0x2ee: {  	[sflag:s6] =	ssyncset.done $0x0  }
0x2ef: {  	[sflag:s6] =	ssyncadd.s32 $0xFFFFF800  }
0x2f0: {  	_ =	swait.ge [sflag:s6], $0x800  }
0x2f1: {  	[sflag:s6] =	ssyncset.done $0x0  }
0x2f2: {  	[sflag:s6] =	ssyncadd.s32 $0xFFFFF800  }
0x2f3: {  	_ =	swait.ge [sflag:s6], $0x800  }
0x2f4: {  	[sflag:s6] =	ssyncset.done $0x0  }
0x2f5: {  	s1 =	rddreg [dreg:$0x1c];
	[sflag:s6] =	ssyncadd.s32 $0xFFFFF800  }
0x2f6: {  	[hbm4b:s1+s8] =	stream.strided.scatter [tilespmem:s4], [sflag:$0x2], $0x2000, s9, s8, $0x38;
	[tilespmem:$0x5800] =	vst v63  }
0x2f7: {  	_ =	swait.ge [sflag:s3], $0x2000  }
0x2f8: {  	[sflag:s3] =	ssyncset.done $0x0  }
0x2f9: {  	s1 =	simm.s32 $0x3400;
	[sflag:s3] =	ssyncadd.s32 $0xFFFFE000  }
0x2fa: {  	[tilespmem:s4], [sflag:$0x1] =	stream.indirect.gather [hbm4b:s2+s7], $0x10, s1, s7, $0xb8;
	[tilespmem:$0x5800] =	vst v63  }
0x2fb: {  	_ = 	snop  }
0x2fc: {  	[tilespmem:s5], [sflag:$0x1] =	stream.indirect.gather [hbm4b:s2+s7], $0x10, s18, s7, $0xb8;
	[tilespmem:$0x5800] =	vst v63  }
0x2fd: {  	_ = 	snop  }
0x2fe: {  	[tilespmem:s10], [sflag:$0x1] =	stream.indirect.gather [hbm4b:s2+s7], $0x10, s19, s7, $0xb8;
	[tilespmem:$0x5800] =	vst v63  }
0x2ff: {  	_ = 	snop  }
0x300: {  	[tilespmem:s11], [sflag:$0x1] =	stream.indirect.gather [hbm4b:s2+s7], $0x10, s20, s7, $0xb8;
	[tilespmem:$0x5800] =	vst v63  }
0x301: {  	_ =	swait.ge [sflag:s6], $0x800  }
0x302: {  	[sflag:s6] =	ssyncset.done $0x0  }
0x303: {  	[sflag:s6] =	ssyncadd.s32 $0xFFFFF800  }
0x304: {  	_ =	swait.ge [sflag:s6], $0x800  }
0x305: {  	[sflag:s6] =	ssyncset.done $0x0  }
0x306: {  	[sflag:s6] =	ssyncadd.s32 $0xFFFFF800  }
0x307: {  	_ =	swait.ge [sflag:s6], $0x800  }
0x308: {  	[sflag:s6] =	ssyncset.done $0x0  }
0x309: {  	[sflag:s6] =	ssyncadd.s32 $0xFFFFF800  }
0x30a: {  	_ =	swait.ge [sflag:s6], $0x800  }
0x30b: {  	[sflag:s6] =	ssyncset.done $0x0  }
0x30c: {  	s1 =	rddreg [dreg:$0x1d];
	[sflag:s6] =	ssyncadd.s32 $0xFFFFF800  }
0x30d: {  	[hbm4b:s1+s8] =	stream.strided.scatter [tilespmem:s4], [sflag:$0x2], $0x2000, s9, s8, $0x38;
	[tilespmem:$0x5800] =	vst v63  }
0x30e: {  	_ =	swait.ge [sflag:s3], $0x2000  }
0x30f: {  	[sflag:s3] =	ssyncset.done $0x0  }
0x310: {  	[sflag:s3] =	ssyncadd.s32 $0xFFFFE000  }
0x311: {  	[tilespmem:s4], [sflag:$0x1] =	stream.indirect.gather [hbm4b:s2+s7], $0x10, s13, s7, $0xb8;
	[tilespmem:$0x5800] =	vst v63  }
0x312: {  	_ = 	snop  }
0x313: {  	[tilespmem:s5], [sflag:$0x1] =	stream.indirect.gather [hbm4b:s2+s7], $0x10, s14, s7, $0xb8;
	[tilespmem:$0x5800] =	vst v63  }
0x314: {  	_ = 	snop  }
0x315: {  	[tilespmem:s10], [sflag:$0x1] =	stream.indirect.gather [hbm4b:s2+s7], $0x10, s15, s7, $0xb8;
	[tilespmem:$0x5800] =	vst v63  }
0x316: {  	_ = 	snop  }
0x317: {  	[tilespmem:s11], [sflag:$0x1] =	stream.indirect.gather [hbm4b:s2+s7], $0x10, s16, s7, $0xb8;
	[tilespmem:$0x5800] =	vst v63  }
0x318: {  	_ =	swait.ge [sflag:s6], $0x800  }
0x319: {  	[sflag:s6] =	ssyncset.done $0x0  }
0x31a: {  	[sflag:s6] =	ssyncadd.s32 $0xFFFFF800  }
0x31b: {  	_ =	swait.ge [sflag:s6], $0x800  }
0x31c: {  	[sflag:s6] =	ssyncset.done $0x0  }
0x31d: {  	[sflag:s6] =	ssyncadd.s32 $0xFFFFF800  }
0x31e: {  	_ =	swait.ge [sflag:s6], $0x800  }
0x31f: {  	[sflag:s6] =	ssyncset.done $0x0  }
0x320: {  	[sflag:s6] =	ssyncadd.s32 $0xFFFFF800  }
0x321: {  	p1 =	sne.s32 s12, $0x1;
	_ =	swait.ge [sflag:s6], $0x800  }
.Ltmp1:
0x322: {  	[sflag:s6] =	ssyncset.done $0x0;
	(pc) =	sbr.rel @!p1 .LBB2_3-.Ltmp1, $4  }
0x323: {  	s1 =	rddreg [dreg:$0x1e];
	[sflag:s6] =	ssyncadd.s32 $0xFFFFF800  }
0x324: {  	[hbm4b:s1+s8] =	stream.strided.scatter [tilespmem:s4], [sflag:$0x2], $0x2000, s9, s8, $0x38;
	[tilespmem:$0x5800] =	vst v63  }
0x325: {  	p0 =	por $0x1, $0x1;
	_ =	swait.ge [sflag:s3], $0x2000  }
0x326: {  	s1 =	sadd.s32 $0xFFFFFFFF, s12;
	s0 =	rddreg [dreg:$0x2];
	[sflag:s3] =	ssyncset.done $0x0  }
.LBB2_4:
0x327: {  	[sflag:s3] =	ssyncadd.s32 $0xFFFFE000  }
0x328: {  	[tilespmem:s28], [sflag:$0x2] =	stream.strided.gather [hbm4b:s0+s31], $0x3800, s5, s31, $0x38;
	[tilespmem:$0x5800] =	vst v63  }
0x329: {  	_ =	swait.ge [sflag:s3], $0x3800  }
0x32a: {  	[sflag:s3] =	ssyncset.done $0x0  }
0x32b: {  	[sflag:s3] =	ssyncadd.s32 $0xFFFFC800  }
0x32c: {  	[tilespmem:s4], [sflag:$0x1] =	stream.indirect.gather [hbm4b:s30+s7], $0x10, s28, s7, $0xb8;
	[tilespmem:$0x5800] =	vst v63  }
0x32d: {  	s0 =	rddreg [dreg:$0x1f]  }
0x32e: {  	[tilespmem:s5], [sflag:$0x1] =	stream.indirect.gather [hbm4b:s30+s7], $0x10, s7, s7, $0xb8;
	[tilespmem:$0x5800] =	vst v63  }
0x32f: {  	s12 =	sld [smem:$0x7A1]  }
0x330: {  	[tilespmem:s10], [sflag:$0x1] =	stream.indirect.gather [hbm4b:s30+s7], $0x10, s0, s7, $0xb8;
	[tilespmem:$0x5800] =	vst v63  }
0x331: {  	_ = 	snop  }
0x332: {  	[tilespmem:s11], [sflag:$0x1] =	stream.indirect.gather [hbm4b:s30+s7], $0x10, s12, s7, $0xb8;
	[tilespmem:$0x5800] =	vst v63  }
0x333: {  	_ =	swait.ge [sflag:s6], $0x800  }
0x334: {  	[sflag:s6] =	ssyncset.done $0x0  }
0x335: {  	[sflag:s6] =	ssyncadd.s32 $0xFFFFF800  }
0x336: {  	_ =	swait.ge [sflag:s6], $0x800  }
0x337: {  	[sflag:s6] =	ssyncset.done $0x0  }
0x338: {  	[sflag:s6] =	ssyncadd.s32 $0xFFFFF800  }
0x339: {  	_ =	swait.ge [sflag:s6], $0x800  }
0x33a: {  	[sflag:s6] =	ssyncset.done $0x0  }
0x33b: {  	[sflag:s6] =	ssyncadd.s32 $0xFFFFF800  }
0x33c: {  	_ =	swait.ge [sflag:s6], $0x800  }
0x33d: {  	[sflag:s6] =	ssyncset.done $0x0  }
0x33e: {  	s12 =	rddreg [dreg:$0x3];
	[sflag:s6] =	ssyncadd.s32 $0xFFFFF800  }
0x33f: {  	[hbm4b:s12+s8] =	stream.strided.scatter [tilespmem:s4], [sflag:$0x2], $0x2000, s9, s8, $0x38;
	[tilespmem:$0x5800] =	vst v63  }
0x340: {  	_ =	swait.ge [sflag:s3], $0x2000  }
0x341: {  	[sflag:s3] =	ssyncset.done $0x0  }
0x342: {  	s0 =	sld [smem:$0x7A2];
	[sflag:s3] =	ssyncadd.s32 $0xFFFFE000  }
0x343: {  	[tilespmem:s4], [sflag:$0x1] =	stream.indirect.gather [hbm4b:s29+s7], $0x10, s31, s7, $0xb8;
	[tilespmem:$0x5800] =	vst v63  }
0x344: {  	s12 =	sld [smem:$0x7A3]  }
0x345: {  	[tilespmem:s5], [sflag:$0x1] =	stream.indirect.gather [hbm4b:s29+s7], $0x10, s0, s7, $0xb8;
	[tilespmem:$0x5800] =	vst v63  }
0x346: {  	s0 =	sld [smem:$0x7A4]  }
0x347: {  	[tilespmem:s10], [sflag:$0x1] =	stream.indirect.gather [hbm4b:s29+s7], $0x10, s12, s7, $0xb8;
	[tilespmem:$0x5800] =	vst v63  }
0x348: {  	_ = 	snop  }
0x349: {  	[tilespmem:s11], [sflag:$0x1] =	stream.indirect.gather [hbm4b:s29+s7], $0x10, s0, s7, $0xb8;
	[tilespmem:$0x5800] =	vst v63  }
0x34a: {  	_ =	swait.ge [sflag:s6], $0x800  }
0x34b: {  	[sflag:s6] =	ssyncset.done $0x0  }
0x34c: {  	[sflag:s6] =	ssyncadd.s32 $0xFFFFF800  }
0x34d: {  	_ =	swait.ge [sflag:s6], $0x800  }
0x34e: {  	[sflag:s6] =	ssyncset.done $0x0  }
0x34f: {  	[sflag:s6] =	ssyncadd.s32 $0xFFFFF800  }
0x350: {  	_ =	swait.ge [sflag:s6], $0x800  }
0x351: {  	[sflag:s6] =	ssyncset.done $0x0  }
0x352: {  	[sflag:s6] =	ssyncadd.s32 $0xFFFFF800  }
0x353: {  	_ =	swait.ge [sflag:s6], $0x800  }
0x354: {  	[sflag:s6] =	ssyncset.done $0x0  }
0x355: {  	s12 =	rddreg [dreg:$0x4];
	[sflag:s6] =	ssyncadd.s32 $0xFFFFF800  }
0x356: {  	[hbm4b:s12+s8] =	stream.strided.scatter [tilespmem:s4], [sflag:$0x2], $0x2000, s9, s8, $0x38;
	[tilespmem:$0x5800] =	vst v63  }
0x357: {  	_ =	swait.ge [sflag:s3], $0x2000  }
0x358: {  	s0 =	sld [smem:$0x7A5]  }
0x359: {  	[sflag:s3] =	ssyncset.done $0x0  }
0x35a: {  	s12 =	sld [smem:$0x7A6];
	[sflag:s3] =	ssyncadd.s32 $0xFFFFE000  }
0x35b: {  	[tilespmem:s4], [sflag:$0x1] =	stream.indirect.gather [hbm4b:s2+s7], $0x10, s0, s7, $0xb8;
	[tilespmem:$0x5800] =	vst v63  }
0x35c: {  	s0 =	sld [smem:$0x7A7]  }
0x35d: {  	[tilespmem:s5], [sflag:$0x1] =	stream.indirect.gather [hbm4b:s2+s7], $0x10, s12, s7, $0xb8;
	[tilespmem:$0x5800] =	vst v63  }
0x35e: {  	_ = 	snop  }
0x35f: {  	[tilespmem:s10], [sflag:$0x1] =	stream.indirect.gather [hbm4b:s2+s7], $0x10, s0, s7, $0xb8;
	[tilespmem:$0x5800] =	vst v63  }
0x360: {  	s0 =	sld [smem:$0x7A8];
	_ =	sdelay $0x2  }
0x361: {  	[tilespmem:s11], [sflag:$0x1] =	stream.indirect.gather [hbm4b:s2+s7], $0x10, s0, s7, $0xb8;
	[tilespmem:$0x5800] =	vst v63  }
0x362: {  	_ =	swait.ge [sflag:s6], $0x800  }
0x363: {  	[sflag:s6] =	ssyncset.done $0x0  }
0x364: {  	[sflag:s6] =	ssyncadd.s32 $0xFFFFF800  }
0x365: {  	_ =	swait.ge [sflag:s6], $0x800  }
0x366: {  	[sflag:s6] =	ssyncset.done $0x0  }
0x367: {  	[sflag:s6] =	ssyncadd.s32 $0xFFFFF800  }
0x368: {  	_ =	swait.ge [sflag:s6], $0x800  }
0x369: {  	[sflag:s6] =	ssyncset.done $0x0  }
0x36a: {  	[sflag:s6] =	ssyncadd.s32 $0xFFFFF800  }
0x36b: {  	_ =	swait.ge [sflag:s6], $0x800  }
0x36c: {  	[sflag:s6] =	ssyncset.done $0x0  }
0x36d: {  	s12 =	rddreg [dreg:$0x5];
	[sflag:s6] =	ssyncadd.s32 $0xFFFFF800  }
0x36e: {  	[hbm4b:s12+s8] =	stream.strided.scatter [tilespmem:s4], [sflag:$0x2], $0x2000, s9, s8, $0x38;
	[tilespmem:$0x5800] =	vst v63  }
0x36f: {  	_ =	swait.ge [sflag:s3], $0x2000  }
0x370: {  	s0 =	sld [smem:$0x7A9]  }
0x371: {  	[sflag:s3] =	ssyncset.done $0x0  }
0x372: {  	s12 =	sld [smem:$0x7AA];
	[sflag:s3] =	ssyncadd.s32 $0xFFFFE000  }
0x373: {  	[tilespmem:s4], [sflag:$0x1] =	stream.indirect.gather [hbm4b:s2+s7], $0x10, s0, s7, $0xb8;
	[tilespmem:$0x5800] =	vst v63  }
0x374: {  	s0 =	sld [smem:$0x7AB]  }
0x375: {  	[tilespmem:s5], [sflag:$0x1] =	stream.indirect.gather [hbm4b:s2+s7], $0x10, s12, s7, $0xb8;
	[tilespmem:$0x5800] =	vst v63  }
0x376: {  	s12 =	sld [smem:$0x7AC]  }
0x377: {  	[tilespmem:s10], [sflag:$0x1] =	stream.indirect.gather [hbm4b:s2+s7], $0x10, s0, s7, $0xb8;
	[tilespmem:$0x5800] =	vst v63  }
0x378: {  	_ = 	snop  }
0x379: {  	[tilespmem:s11], [sflag:$0x1] =	stream.indirect.gather [hbm4b:s2+s7], $0x10, s12, s7, $0xb8;
	[tilespmem:$0x5800] =	vst v63  }
0x37a: {  	_ =	swait.ge [sflag:s6], $0x800  }
0x37b: {  	[sflag:s6] =	ssyncset.done $0x0  }
0x37c: {  	[sflag:s6] =	ssyncadd.s32 $0xFFFFF800  }
0x37d: {  	_ =	swait.ge [sflag:s6], $0x800  }
0x37e: {  	[sflag:s6] =	ssyncset.done $0x0  }
0x37f: {  	[sflag:s6] =	ssyncadd.s32 $0xFFFFF800  }
0x380: {  	_ =	swait.ge [sflag:s6], $0x800  }
0x381: {  	[sflag:s6] =	ssyncset.done $0x0  }
0x382: {  	[sflag:s6] =	ssyncadd.s32 $0xFFFFF800  }
0x383: {  	_ =	swait.ge [sflag:s6], $0x800  }
0x384: {  	[sflag:s6] =	ssyncset.done $0x0  }
0x385: {  	s12 =	rddreg [dreg:$0x6];
	[sflag:s6] =	ssyncadd.s32 $0xFFFFF800  }
0x386: {  	[hbm4b:s12+s8] =	stream.strided.scatter [tilespmem:s4], [sflag:$0x2], $0x2000, s9, s8, $0x38;
	[tilespmem:$0x5800] =	vst v63  }
0x387: {  	_ =	swait.ge [sflag:s3], $0x2000  }
0x388: {  	s0 =	sld [smem:$0x7AD]  }
0x389: {  	[sflag:s3] =	ssyncset.done $0x0  }
0x38a: {  	s12 =	sld [smem:$0x7AE];
	[sflag:s3] =	ssyncadd.s32 $0xFFFFE000  }
0x38b: {  	[tilespmem:s4], [sflag:$0x1] =	stream.indirect.gather [hbm4b:s2+s7], $0x10, s0, s7, $0xb8;
	[tilespmem:$0x5800] =	vst v63  }
0x38c: {  	s0 =	sld [smem:$0x7AF]  }
0x38d: {  	[tilespmem:s5], [sflag:$0x1] =	stream.indirect.gather [hbm4b:s2+s7], $0x10, s12, s7, $0xb8;
	[tilespmem:$0x5800] =	vst v63  }
0x38e: {  	s12 =	sld [smem:$0x7B0]  }
0x38f: {  	[tilespmem:s10], [sflag:$0x1] =	stream.indirect.gather [hbm4b:s2+s7], $0x10, s0, s7, $0xb8;
	[tilespmem:$0x5800] =	vst v63  }
0x390: {  	_ = 	snop  }
0x391: {  	[tilespmem:s11], [sflag:$0x1] =	stream.indirect.gather [hbm4b:s2+s7], $0x10, s12, s7, $0xb8;
	[tilespmem:$0x5800] =	vst v63  }
0x392: {  	_ =	swait.ge [sflag:s6], $0x800  }
0x393: {  	[sflag:s6] =	ssyncset.done $0x0  }
0x394: {  	[sflag:s6] =	ssyncadd.s32 $0xFFFFF800  }
0x395: {  	_ =	swait.ge [sflag:s6], $0x800  }
0x396: {  	[sflag:s6] =	ssyncset.done $0x0  }
0x397: {  	[sflag:s6] =	ssyncadd.s32 $0xFFFFF800  }
0x398: {  	_ =	swait.ge [sflag:s6], $0x800  }
0x399: {  	[sflag:s6] =	ssyncset.done $0x0  }
0x39a: {  	[sflag:s6] =	ssyncadd.s32 $0xFFFFF800  }
0x39b: {  	_ =	swait.ge [sflag:s6], $0x800  }
0x39c: {  	[sflag:s6] =	ssyncset.done $0x0  }
0x39d: {  	s12 =	rddreg [dreg:$0x7];
	[sflag:s6] =	ssyncadd.s32 $0xFFFFF800  }
0x39e: {  	[hbm4b:s12+s8] =	stream.strided.scatter [tilespmem:s4], [sflag:$0x2], $0x2000, s9, s8, $0x38;
	[tilespmem:$0x5800] =	vst v63  }
0x39f: {  	_ =	swait.ge [sflag:s3], $0x2000  }
0x3a0: {  	s0 =	sld [smem:$0x7B1]  }
0x3a1: {  	[sflag:s3] =	ssyncset.done $0x0  }
0x3a2: {  	s12 =	sld [smem:$0x7B2];
	[sflag:s3] =	ssyncadd.s32 $0xFFFFE000  }
0x3a3: {  	[tilespmem:s4], [sflag:$0x1] =	stream.indirect.gather [hbm4b:s2+s7], $0x10, s0, s7, $0xb8;
	[tilespmem:$0x5800] =	vst v63  }
0x3a4: {  	s0 =	sld [smem:$0x7B3]  }
0x3a5: {  	[tilespmem:s5], [sflag:$0x1] =	stream.indirect.gather [hbm4b:s2+s7], $0x10, s12, s7, $0xb8;
	[tilespmem:$0x5800] =	vst v63  }
0x3a6: {  	s12 =	sld [smem:$0x7B4]  }
0x3a7: {  	[tilespmem:s10], [sflag:$0x1] =	stream.indirect.gather [hbm4b:s2+s7], $0x10, s0, s7, $0xb8;
	[tilespmem:$0x5800] =	vst v63  }
0x3a8: {  	_ = 	snop  }
0x3a9: {  	[tilespmem:s11], [sflag:$0x1] =	stream.indirect.gather [hbm4b:s2+s7], $0x10, s12, s7, $0xb8;
	[tilespmem:$0x5800] =	vst v63  }
0x3aa: {  	_ =	swait.ge [sflag:s6], $0x800  }
0x3ab: {  	[sflag:s6] =	ssyncset.done $0x0  }
0x3ac: {  	[sflag:s6] =	ssyncadd.s32 $0xFFFFF800  }
0x3ad: {  	_ =	swait.ge [sflag:s6], $0x800  }
0x3ae: {  	[sflag:s6] =	ssyncset.done $0x0  }
0x3af: {  	[sflag:s6] =	ssyncadd.s32 $0xFFFFF800  }
0x3b0: {  	_ =	swait.ge [sflag:s6], $0x800  }
0x3b1: {  	[sflag:s6] =	ssyncset.done $0x0  }
0x3b2: {  	[sflag:s6] =	ssyncadd.s32 $0xFFFFF800  }
0x3b3: {  	_ =	swait.ge [sflag:s6], $0x800  }
0x3b4: {  	[sflag:s6] =	ssyncset.done $0x0  }
0x3b5: {  	s12 =	rddreg [dreg:$0x8];
	[sflag:s6] =	ssyncadd.s32 $0xFFFFF800  }
0x3b6: {  	[hbm4b:s12+s8] =	stream.strided.scatter [tilespmem:s4], [sflag:$0x2], $0x2000, s9, s8, $0x38;
	[tilespmem:$0x5800] =	vst v63  }
0x3b7: {  	_ =	swait.ge [sflag:s3], $0x2000  }
0x3b8: {  	s0 =	sld [smem:$0x7B5]  }
0x3b9: {  	[sflag:s3] =	ssyncset.done $0x0  }
0x3ba: {  	s12 =	sld [smem:$0x7B6];
	[sflag:s3] =	ssyncadd.s32 $0xFFFFE000  }
0x3bb: {  	[tilespmem:s4], [sflag:$0x1] =	stream.indirect.gather [hbm4b:s2+s7], $0x10, s0, s7, $0xb8;
	[tilespmem:$0x5800] =	vst v63  }
0x3bc: {  	s0 =	sld [smem:$0x7B7]  }
0x3bd: {  	[tilespmem:s5], [sflag:$0x1] =	stream.indirect.gather [hbm4b:s2+s7], $0x10, s12, s7, $0xb8;
	[tilespmem:$0x5800] =	vst v63  }
0x3be: {  	s12 =	sld [smem:$0x7B8]  }
0x3bf: {  	[tilespmem:s10], [sflag:$0x1] =	stream.indirect.gather [hbm4b:s2+s7], $0x10, s0, s7, $0xb8;
	[tilespmem:$0x5800] =	vst v63  }
0x3c0: {  	_ = 	snop  }
0x3c1: {  	[tilespmem:s11], [sflag:$0x1] =	stream.indirect.gather [hbm4b:s2+s7], $0x10, s12, s7, $0xb8;
	[tilespmem:$0x5800] =	vst v63  }
0x3c2: {  	_ =	swait.ge [sflag:s6], $0x800  }
0x3c3: {  	[sflag:s6] =	ssyncset.done $0x0  }
0x3c4: {  	[sflag:s6] =	ssyncadd.s32 $0xFFFFF800  }
0x3c5: {  	_ =	swait.ge [sflag:s6], $0x800  }
0x3c6: {  	[sflag:s6] =	ssyncset.done $0x0  }
0x3c7: {  	[sflag:s6] =	ssyncadd.s32 $0xFFFFF800  }
0x3c8: {  	_ =	swait.ge [sflag:s6], $0x800  }
0x3c9: {  	[sflag:s6] =	ssyncset.done $0x0  }
0x3ca: {  	[sflag:s6] =	ssyncadd.s32 $0xFFFFF800  }
0x3cb: {  	_ =	swait.ge [sflag:s6], $0x800  }
0x3cc: {  	[sflag:s6] =	ssyncset.done $0x0  }
0x3cd: {  	s12 =	rddreg [dreg:$0x9];
	[sflag:s6] =	ssyncadd.s32 $0xFFFFF800  }
0x3ce: {  	[hbm4b:s12+s8] =	stream.strided.scatter [tilespmem:s4], [sflag:$0x2], $0x2000, s9, s8, $0x38;
	[tilespmem:$0x5800] =	vst v63  }
0x3cf: {  	_ =	swait.ge [sflag:s3], $0x2000  }
0x3d0: {  	s0 =	sld [smem:$0x7B9]  }
0x3d1: {  	[sflag:s3] =	ssyncset.done $0x0  }
0x3d2: {  	s12 =	sld [smem:$0x7BA];
	[sflag:s3] =	ssyncadd.s32 $0xFFFFE000  }
0x3d3: {  	[tilespmem:s4], [sflag:$0x1] =	stream.indirect.gather [hbm4b:s2+s7], $0x10, s0, s7, $0xb8;
	[tilespmem:$0x5800] =	vst v63  }
0x3d4: {  	s0 =	sld [smem:$0x7BB]  }
0x3d5: {  	[tilespmem:s5], [sflag:$0x1] =	stream.indirect.gather [hbm4b:s2+s7], $0x10, s12, s7, $0xb8;
	[tilespmem:$0x5800] =	vst v63  }
0x3d6: {  	s12 =	sld [smem:$0x7BC]  }
0x3d7: {  	[tilespmem:s10], [sflag:$0x1] =	stream.indirect.gather [hbm4b:s2+s7], $0x10, s0, s7, $0xb8;
	[tilespmem:$0x5800] =	vst v63  }
0x3d8: {  	_ = 	snop  }
0x3d9: {  	[tilespmem:s11], [sflag:$0x1] =	stream.indirect.gather [hbm4b:s2+s7], $0x10, s12, s7, $0xb8;
	[tilespmem:$0x5800] =	vst v63  }
0x3da: {  	_ =	swait.ge [sflag:s6], $0x800  }
0x3db: {  	[sflag:s6] =	ssyncset.done $0x0  }
0x3dc: {  	[sflag:s6] =	ssyncadd.s32 $0xFFFFF800  }
0x3dd: {  	_ =	swait.ge [sflag:s6], $0x800  }
0x3de: {  	[sflag:s6] =	ssyncset.done $0x0  }
0x3df: {  	[sflag:s6] =	ssyncadd.s32 $0xFFFFF800  }
0x3e0: {  	_ =	swait.ge [sflag:s6], $0x800  }
0x3e1: {  	[sflag:s6] =	ssyncset.done $0x0  }
0x3e2: {  	[sflag:s6] =	ssyncadd.s32 $0xFFFFF800  }
0x3e3: {  	_ =	swait.ge [sflag:s6], $0x800  }
0x3e4: {  	[sflag:s6] =	ssyncset.done $0x0  }
0x3e5: {  	s12 =	rddreg [dreg:$0xa];
	[sflag:s6] =	ssyncadd.s32 $0xFFFFF800  }
0x3e6: {  	[hbm4b:s12+s8] =	stream.strided.scatter [tilespmem:s4], [sflag:$0x2], $0x2000, s9, s8, $0x38;
	[tilespmem:$0x5800] =	vst v63  }
0x3e7: {  	_ =	swait.ge [sflag:s3], $0x2000  }
0x3e8: {  	s0 =	sld [smem:$0x7BD]  }
0x3e9: {  	[sflag:s3] =	ssyncset.done $0x0  }
0x3ea: {  	s12 =	sld [smem:$0x7BE];
	[sflag:s3] =	ssyncadd.s32 $0xFFFFE000  }
0x3eb: {  	[tilespmem:s4], [sflag:$0x1] =	stream.indirect.gather [hbm4b:s2+s7], $0x10, s0, s7, $0xb8;
	[tilespmem:$0x5800] =	vst v63  }
0x3ec: {  	s0 =	sld [smem:$0x7BF]  }
0x3ed: {  	[tilespmem:s5], [sflag:$0x1] =	stream.indirect.gather [hbm4b:s2+s7], $0x10, s12, s7, $0xb8;
	[tilespmem:$0x5800] =	vst v63  }
0x3ee: {  	s12 =	sld [smem:$0x7C0]  }
0x3ef: {  	[tilespmem:s10], [sflag:$0x1] =	stream.indirect.gather [hbm4b:s2+s7], $0x10, s0, s7, $0xb8;
	[tilespmem:$0x5800] =	vst v63  }
0x3f0: {  	_ = 	snop  }
0x3f1: {  	[tilespmem:s11], [sflag:$0x1] =	stream.indirect.gather [hbm4b:s2+s7], $0x10, s12, s7, $0xb8;
	[tilespmem:$0x5800] =	vst v63  }
0x3f2: {  	_ =	swait.ge [sflag:s6], $0x800  }
0x3f3: {  	[sflag:s6] =	ssyncset.done $0x0  }
0x3f4: {  	[sflag:s6] =	ssyncadd.s32 $0xFFFFF800  }
0x3f5: {  	_ =	swait.ge [sflag:s6], $0x800  }
0x3f6: {  	[sflag:s6] =	ssyncset.done $0x0  }
0x3f7: {  	[sflag:s6] =	ssyncadd.s32 $0xFFFFF800  }
0x3f8: {  	_ =	swait.ge [sflag:s6], $0x800  }
0x3f9: {  	[sflag:s6] =	ssyncset.done $0x0  }
0x3fa: {  	[sflag:s6] =	ssyncadd.s32 $0xFFFFF800  }
0x3fb: {  	_ =	swait.ge [sflag:s6], $0x800  }
0x3fc: {  	[sflag:s6] =	ssyncset.done $0x0  }
0x3fd: {  	s12 =	rddreg [dreg:$0xb];
	[sflag:s6] =	ssyncadd.s32 $0xFFFFF800  }
0x3fe: {  	[hbm4b:s12+s8] =	stream.strided.scatter [tilespmem:s4], [sflag:$0x2], $0x2000, s9, s8, $0x38;
	[tilespmem:$0x5800] =	vst v63  }
0x3ff: {  	_ =	swait.ge [sflag:s3], $0x2000  }
0x400: {  	s0 =	sld [smem:$0x7C1]  }
0x401: {  	[sflag:s3] =	ssyncset.done $0x0  }
0x402: {  	s12 =	sld [smem:$0x7C2];
	[sflag:s3] =	ssyncadd.s32 $0xFFFFE000  }
0x403: {  	[tilespmem:s4], [sflag:$0x1] =	stream.indirect.gather [hbm4b:s2+s7], $0x10, s0, s7, $0xb8;
	[tilespmem:$0x5800] =	vst v63  }
0x404: {  	s0 =	sld [smem:$0x7C3]  }
0x405: {  	[tilespmem:s5], [sflag:$0x1] =	stream.indirect.gather [hbm4b:s2+s7], $0x10, s12, s7, $0xb8;
	[tilespmem:$0x5800] =	vst v63  }
0x406: {  	s12 =	sld [smem:$0x7C4]  }
0x407: {  	[tilespmem:s10], [sflag:$0x1] =	stream.indirect.gather [hbm4b:s2+s7], $0x10, s0, s7, $0xb8;
	[tilespmem:$0x5800] =	vst v63  }
0x408: {  	_ = 	snop  }
0x409: {  	[tilespmem:s11], [sflag:$0x1] =	stream.indirect.gather [hbm4b:s2+s7], $0x10, s12, s7, $0xb8;
	[tilespmem:$0x5800] =	vst v63  }
0x40a: {  	_ =	swait.ge [sflag:s6], $0x800  }
0x40b: {  	[sflag:s6] =	ssyncset.done $0x0  }
0x40c: {  	[sflag:s6] =	ssyncadd.s32 $0xFFFFF800  }
0x40d: {  	_ =	swait.ge [sflag:s6], $0x800  }
0x40e: {  	[sflag:s6] =	ssyncset.done $0x0  }
0x40f: {  	[sflag:s6] =	ssyncadd.s32 $0xFFFFF800  }
0x410: {  	_ =	swait.ge [sflag:s6], $0x800  }
0x411: {  	[sflag:s6] =	ssyncset.done $0x0  }
0x412: {  	[sflag:s6] =	ssyncadd.s32 $0xFFFFF800  }
0x413: {  	_ =	swait.ge [sflag:s6], $0x800  }
0x414: {  	[sflag:s6] =	ssyncset.done $0x0  }
0x415: {  	s12 =	rddreg [dreg:$0xc];
	[sflag:s6] =	ssyncadd.s32 $0xFFFFF800  }
0x416: {  	[hbm4b:s12+s8] =	stream.strided.scatter [tilespmem:s4], [sflag:$0x2], $0x2000, s9, s8, $0x38;
	[tilespmem:$0x5800] =	vst v63  }
0x417: {  	_ =	swait.ge [sflag:s3], $0x2000  }
0x418: {  	s0 =	sld [smem:$0x7C5]  }
0x419: {  	[sflag:s3] =	ssyncset.done $0x0  }
0x41a: {  	s12 =	sld [smem:$0x7C6];
	[sflag:s3] =	ssyncadd.s32 $0xFFFFE000  }
0x41b: {  	[tilespmem:s4], [sflag:$0x1] =	stream.indirect.gather [hbm4b:s2+s7], $0x10, s0, s7, $0xb8;
	[tilespmem:$0x5800] =	vst v63  }
0x41c: {  	s0 =	sld [smem:$0x7C7]  }
0x41d: {  	[tilespmem:s5], [sflag:$0x1] =	stream.indirect.gather [hbm4b:s2+s7], $0x10, s12, s7, $0xb8;
	[tilespmem:$0x5800] =	vst v63  }
0x41e: {  	s12 =	sld [smem:$0x7C8]  }
0x41f: {  	[tilespmem:s10], [sflag:$0x1] =	stream.indirect.gather [hbm4b:s2+s7], $0x10, s0, s7, $0xb8;
	[tilespmem:$0x5800] =	vst v63  }
0x420: {  	_ = 	snop  }
0x421: {  	[tilespmem:s11], [sflag:$0x1] =	stream.indirect.gather [hbm4b:s2+s7], $0x10, s12, s7, $0xb8;
	[tilespmem:$0x5800] =	vst v63  }
0x422: {  	_ =	swait.ge [sflag:s6], $0x800  }
0x423: {  	[sflag:s6] =	ssyncset.done $0x0  }
0x424: {  	[sflag:s6] =	ssyncadd.s32 $0xFFFFF800  }
0x425: {  	_ =	swait.ge [sflag:s6], $0x800  }
0x426: {  	[sflag:s6] =	ssyncset.done $0x0  }
0x427: {  	[sflag:s6] =	ssyncadd.s32 $0xFFFFF800  }
0x428: {  	_ =	swait.ge [sflag:s6], $0x800  }
0x429: {  	[sflag:s6] =	ssyncset.done $0x0  }
0x42a: {  	[sflag:s6] =	ssyncadd.s32 $0xFFFFF800  }
0x42b: {  	_ =	swait.ge [sflag:s6], $0x800  }
0x42c: {  	[sflag:s6] =	ssyncset.done $0x0  }
0x42d: {  	s12 =	rddreg [dreg:$0xd];
	[sflag:s6] =	ssyncadd.s32 $0xFFFFF800  }
0x42e: {  	[hbm4b:s12+s8] =	stream.strided.scatter [tilespmem:s4], [sflag:$0x2], $0x2000, s9, s8, $0x38;
	[tilespmem:$0x5800] =	vst v63  }
0x42f: {  	_ =	swait.ge [sflag:s3], $0x2000  }
0x430: {  	s0 =	sld [smem:$0x7C9]  }
0x431: {  	[sflag:s3] =	ssyncset.done $0x0  }
0x432: {  	s12 =	sld [smem:$0x7CA];
	[sflag:s3] =	ssyncadd.s32 $0xFFFFE000  }
0x433: {  	[tilespmem:s4], [sflag:$0x1] =	stream.indirect.gather [hbm4b:s2+s7], $0x10, s0, s7, $0xb8;
	[tilespmem:$0x5800] =	vst v63  }
0x434: {  	s0 =	sld [smem:$0x7CB]  }
0x435: {  	[tilespmem:s5], [sflag:$0x1] =	stream.indirect.gather [hbm4b:s2+s7], $0x10, s12, s7, $0xb8;
	[tilespmem:$0x5800] =	vst v63  }
0x436: {  	s12 =	sld [smem:$0x7CC]  }
0x437: {  	[tilespmem:s10], [sflag:$0x1] =	stream.indirect.gather [hbm4b:s2+s7], $0x10, s0, s7, $0xb8;
	[tilespmem:$0x5800] =	vst v63  }
0x438: {  	_ = 	snop  }
0x439: {  	[tilespmem:s11], [sflag:$0x1] =	stream.indirect.gather [hbm4b:s2+s7], $0x10, s12, s7, $0xb8;
	[tilespmem:$0x5800] =	vst v63  }
0x43a: {  	_ =	swait.ge [sflag:s6], $0x800  }
0x43b: {  	[sflag:s6] =	ssyncset.done $0x0  }
0x43c: {  	[sflag:s6] =	ssyncadd.s32 $0xFFFFF800  }
0x43d: {  	_ =	swait.ge [sflag:s6], $0x800  }
0x43e: {  	[sflag:s6] =	ssyncset.done $0x0  }
0x43f: {  	[sflag:s6] =	ssyncadd.s32 $0xFFFFF800  }
0x440: {  	_ =	swait.ge [sflag:s6], $0x800  }
0x441: {  	[sflag:s6] =	ssyncset.done $0x0  }
0x442: {  	[sflag:s6] =	ssyncadd.s32 $0xFFFFF800  }
0x443: {  	_ =	swait.ge [sflag:s6], $0x800  }
0x444: {  	[sflag:s6] =	ssyncset.done $0x0  }
0x445: {  	s12 =	rddreg [dreg:$0xe];
	[sflag:s6] =	ssyncadd.s32 $0xFFFFF800  }
0x446: {  	[hbm4b:s12+s8] =	stream.strided.scatter [tilespmem:s4], [sflag:$0x2], $0x2000, s9, s8, $0x38;
	[tilespmem:$0x5800] =	vst v63  }
0x447: {  	_ =	swait.ge [sflag:s3], $0x2000  }
0x448: {  	s0 =	sld [smem:$0x7CD]  }
0x449: {  	[sflag:s3] =	ssyncset.done $0x0  }
0x44a: {  	s12 =	sld [smem:$0x7CE];
	[sflag:s3] =	ssyncadd.s32 $0xFFFFE000  }
0x44b: {  	[tilespmem:s4], [sflag:$0x1] =	stream.indirect.gather [hbm4b:s2+s7], $0x10, s0, s7, $0xb8;
	[tilespmem:$0x5800] =	vst v63  }
0x44c: {  	s0 =	sld [smem:$0x7CF]  }
0x44d: {  	[tilespmem:s5], [sflag:$0x1] =	stream.indirect.gather [hbm4b:s2+s7], $0x10, s12, s7, $0xb8;
	[tilespmem:$0x5800] =	vst v63  }
0x44e: {  	s12 =	sld [smem:$0x7D0]  }
0x44f: {  	[tilespmem:s10], [sflag:$0x1] =	stream.indirect.gather [hbm4b:s2+s7], $0x10, s0, s7, $0xb8;
	[tilespmem:$0x5800] =	vst v63  }
0x450: {  	_ = 	snop  }
0x451: {  	[tilespmem:s11], [sflag:$0x1] =	stream.indirect.gather [hbm4b:s2+s7], $0x10, s12, s7, $0xb8;
	[tilespmem:$0x5800] =	vst v63  }
0x452: {  	_ =	swait.ge [sflag:s6], $0x800  }
0x453: {  	[sflag:s6] =	ssyncset.done $0x0  }
0x454: {  	[sflag:s6] =	ssyncadd.s32 $0xFFFFF800  }
0x455: {  	_ =	swait.ge [sflag:s6], $0x800  }
0x456: {  	[sflag:s6] =	ssyncset.done $0x0  }
0x457: {  	[sflag:s6] =	ssyncadd.s32 $0xFFFFF800  }
0x458: {  	_ =	swait.ge [sflag:s6], $0x800  }
0x459: {  	[sflag:s6] =	ssyncset.done $0x0  }
0x45a: {  	[sflag:s6] =	ssyncadd.s32 $0xFFFFF800  }
0x45b: {  	_ =	swait.ge [sflag:s6], $0x800  }
0x45c: {  	[sflag:s6] =	ssyncset.done $0x0  }
0x45d: {  	s12 =	rddreg [dreg:$0xf];
	[sflag:s6] =	ssyncadd.s32 $0xFFFFF800  }
0x45e: {  	[hbm4b:s12+s8] =	stream.strided.scatter [tilespmem:s4], [sflag:$0x2], $0x2000, s9, s8, $0x38;
	[tilespmem:$0x5800] =	vst v63  }
0x45f: {  	_ =	swait.ge [sflag:s3], $0x2000  }
0x460: {  	s0 =	sld [smem:$0x7D1]  }
0x461: {  	[sflag:s3] =	ssyncset.done $0x0  }
0x462: {  	s12 =	sld [smem:$0x7D2];
	[sflag:s3] =	ssyncadd.s32 $0xFFFFE000  }
0x463: {  	[tilespmem:s4], [sflag:$0x1] =	stream.indirect.gather [hbm4b:s2+s7], $0x10, s0, s7, $0xb8;
	[tilespmem:$0x5800] =	vst v63  }
0x464: {  	s0 =	sld [smem:$0x7D3]  }
0x465: {  	[tilespmem:s5], [sflag:$0x1] =	stream.indirect.gather [hbm4b:s2+s7], $0x10, s12, s7, $0xb8;
	[tilespmem:$0x5800] =	vst v63  }
0x466: {  	s12 =	sld [smem:$0x7D4]  }
0x467: {  	[tilespmem:s10], [sflag:$0x1] =	stream.indirect.gather [hbm4b:s2+s7], $0x10, s0, s7, $0xb8;
	[tilespmem:$0x5800] =	vst v63  }
0x468: {  	_ = 	snop  }
0x469: {  	[tilespmem:s11], [sflag:$0x1] =	stream.indirect.gather [hbm4b:s2+s7], $0x10, s12, s7, $0xb8;
	[tilespmem:$0x5800] =	vst v63  }
0x46a: {  	_ =	swait.ge [sflag:s6], $0x800  }
0x46b: {  	[sflag:s6] =	ssyncset.done $0x0  }
0x46c: {  	[sflag:s6] =	ssyncadd.s32 $0xFFFFF800  }
0x46d: {  	_ =	swait.ge [sflag:s6], $0x800  }
0x46e: {  	[sflag:s6] =	ssyncset.done $0x0  }
0x46f: {  	[sflag:s6] =	ssyncadd.s32 $0xFFFFF800  }
0x470: {  	_ =	swait.ge [sflag:s6], $0x800  }
0x471: {  	[sflag:s6] =	ssyncset.done $0x0  }
0x472: {  	[sflag:s6] =	ssyncadd.s32 $0xFFFFF800  }
0x473: {  	_ =	swait.ge [sflag:s6], $0x800  }
0x474: {  	[sflag:s6] =	ssyncset.done $0x0  }
0x475: {  	s12 =	rddreg [dreg:$0x10];
	[sflag:s6] =	ssyncadd.s32 $0xFFFFF800  }
0x476: {  	[hbm4b:s12+s8] =	stream.strided.scatter [tilespmem:s4], [sflag:$0x2], $0x2000, s9, s8, $0x38;
	[tilespmem:$0x5800] =	vst v63  }
0x477: {  	_ =	swait.ge [sflag:s3], $0x2000  }
0x478: {  	s0 =	sld [smem:$0x7D5]  }
0x479: {  	[sflag:s3] =	ssyncset.done $0x0  }
0x47a: {  	s12 =	sld [smem:$0x7D6];
	[sflag:s3] =	ssyncadd.s32 $0xFFFFE000  }
0x47b: {  	[tilespmem:s4], [sflag:$0x1] =	stream.indirect.gather [hbm4b:s2+s7], $0x10, s0, s7, $0xb8;
	[tilespmem:$0x5800] =	vst v63  }
0x47c: {  	s0 =	sld [smem:$0x7D7]  }
0x47d: {  	[tilespmem:s5], [sflag:$0x1] =	stream.indirect.gather [hbm4b:s2+s7], $0x10, s12, s7, $0xb8;
	[tilespmem:$0x5800] =	vst v63  }
0x47e: {  	s12 =	sld [smem:$0x7D8]  }
0x47f: {  	[tilespmem:s10], [sflag:$0x1] =	stream.indirect.gather [hbm4b:s2+s7], $0x10, s0, s7, $0xb8;
	[tilespmem:$0x5800] =	vst v63  }
0x480: {  	_ = 	snop  }
0x481: {  	[tilespmem:s11], [sflag:$0x1] =	stream.indirect.gather [hbm4b:s2+s7], $0x10, s12, s7, $0xb8;
	[tilespmem:$0x5800] =	vst v63  }
0x482: {  	_ =	swait.ge [sflag:s6], $0x800  }
0x483: {  	[sflag:s6] =	ssyncset.done $0x0  }
0x484: {  	[sflag:s6] =	ssyncadd.s32 $0xFFFFF800  }
0x485: {  	_ =	swait.ge [sflag:s6], $0x800  }
0x486: {  	[sflag:s6] =	ssyncset.done $0x0  }
0x487: {  	[sflag:s6] =	ssyncadd.s32 $0xFFFFF800  }
0x488: {  	_ =	swait.ge [sflag:s6], $0x800  }
0x489: {  	[sflag:s6] =	ssyncset.done $0x0  }
0x48a: {  	[sflag:s6] =	ssyncadd.s32 $0xFFFFF800  }
0x48b: {  	_ =	swait.ge [sflag:s6], $0x800  }
0x48c: {  	[sflag:s6] =	ssyncset.done $0x0  }
0x48d: {  	s12 =	rddreg [dreg:$0x11];
	[sflag:s6] =	ssyncadd.s32 $0xFFFFF800  }
0x48e: {  	[hbm4b:s12+s8] =	stream.strided.scatter [tilespmem:s4], [sflag:$0x2], $0x2000, s9, s8, $0x38;
	[tilespmem:$0x5800] =	vst v63  }
0x48f: {  	_ =	swait.ge [sflag:s3], $0x2000  }
0x490: {  	s0 =	sld [smem:$0x7D9]  }
0x491: {  	[sflag:s3] =	ssyncset.done $0x0  }
0x492: {  	s12 =	sld [smem:$0x7DA];
	[sflag:s3] =	ssyncadd.s32 $0xFFFFE000  }
0x493: {  	[tilespmem:s4], [sflag:$0x1] =	stream.indirect.gather [hbm4b:s2+s7], $0x10, s0, s7, $0xb8;
	[tilespmem:$0x5800] =	vst v63  }
0x494: {  	s0 =	sld [smem:$0x7DB]  }
0x495: {  	[tilespmem:s5], [sflag:$0x1] =	stream.indirect.gather [hbm4b:s2+s7], $0x10, s12, s7, $0xb8;
	[tilespmem:$0x5800] =	vst v63  }
0x496: {  	s12 =	sld [smem:$0x7DC]  }
0x497: {  	[tilespmem:s10], [sflag:$0x1] =	stream.indirect.gather [hbm4b:s2+s7], $0x10, s0, s7, $0xb8;
	[tilespmem:$0x5800] =	vst v63  }
0x498: {  	_ = 	snop  }
0x499: {  	[tilespmem:s11], [sflag:$0x1] =	stream.indirect.gather [hbm4b:s2+s7], $0x10, s12, s7, $0xb8;
	[tilespmem:$0x5800] =	vst v63  }
0x49a: {  	_ =	swait.ge [sflag:s6], $0x800  }
0x49b: {  	[sflag:s6] =	ssyncset.done $0x0  }
0x49c: {  	[sflag:s6] =	ssyncadd.s32 $0xFFFFF800  }
0x49d: {  	_ =	swait.ge [sflag:s6], $0x800  }
0x49e: {  	[sflag:s6] =	ssyncset.done $0x0  }
0x49f: {  	[sflag:s6] =	ssyncadd.s32 $0xFFFFF800  }
0x4a0: {  	_ =	swait.ge [sflag:s6], $0x800  }
0x4a1: {  	[sflag:s6] =	ssyncset.done $0x0  }
0x4a2: {  	[sflag:s6] =	ssyncadd.s32 $0xFFFFF800  }
0x4a3: {  	_ =	swait.ge [sflag:s6], $0x800  }
0x4a4: {  	[sflag:s6] =	ssyncset.done $0x0  }
0x4a5: {  	s12 =	rddreg [dreg:$0x12];
	[sflag:s6] =	ssyncadd.s32 $0xFFFFF800  }
0x4a6: {  	[hbm4b:s12+s8] =	stream.strided.scatter [tilespmem:s4], [sflag:$0x2], $0x2000, s9, s8, $0x38;
	[tilespmem:$0x5800] =	vst v63  }
0x4a7: {  	_ =	swait.ge [sflag:s3], $0x2000  }
0x4a8: {  	s0 =	sld [smem:$0x7DD]  }
0x4a9: {  	[sflag:s3] =	ssyncset.done $0x0  }
0x4aa: {  	s12 =	sld [smem:$0x7DE];
	[sflag:s3] =	ssyncadd.s32 $0xFFFFE000  }
0x4ab: {  	[tilespmem:s4], [sflag:$0x1] =	stream.indirect.gather [hbm4b:s2+s7], $0x10, s0, s7, $0xb8;
	[tilespmem:$0x5800] =	vst v63  }
0x4ac: {  	s0 =	sld [smem:$0x7DF]  }
0x4ad: {  	[tilespmem:s5], [sflag:$0x1] =	stream.indirect.gather [hbm4b:s2+s7], $0x10, s12, s7, $0xb8;
	[tilespmem:$0x5800] =	vst v63  }
0x4ae: {  	s12 =	sld [smem:$0x7E0]  }
0x4af: {  	[tilespmem:s10], [sflag:$0x1] =	stream.indirect.gather [hbm4b:s2+s7], $0x10, s0, s7, $0xb8;
	[tilespmem:$0x5800] =	vst v63  }
0x4b0: {  	_ = 	snop  }
0x4b1: {  	[tilespmem:s11], [sflag:$0x1] =	stream.indirect.gather [hbm4b:s2+s7], $0x10, s12, s7, $0xb8;
	[tilespmem:$0x5800] =	vst v63  }
0x4b2: {  	_ =	swait.ge [sflag:s6], $0x800  }
0x4b3: {  	[sflag:s6] =	ssyncset.done $0x0  }
0x4b4: {  	[sflag:s6] =	ssyncadd.s32 $0xFFFFF800  }
0x4b5: {  	_ =	swait.ge [sflag:s6], $0x800  }
0x4b6: {  	[sflag:s6] =	ssyncset.done $0x0  }
0x4b7: {  	[sflag:s6] =	ssyncadd.s32 $0xFFFFF800  }
0x4b8: {  	_ =	swait.ge [sflag:s6], $0x800  }
0x4b9: {  	[sflag:s6] =	ssyncset.done $0x0  }
0x4ba: {  	[sflag:s6] =	ssyncadd.s32 $0xFFFFF800  }
0x4bb: {  	_ =	swait.ge [sflag:s6], $0x800  }
0x4bc: {  	[sflag:s6] =	ssyncset.done $0x0  }
0x4bd: {  	s12 =	rddreg [dreg:$0x13];
	[sflag:s6] =	ssyncadd.s32 $0xFFFFF800  }
0x4be: {  	[hbm4b:s12+s8] =	stream.strided.scatter [tilespmem:s4], [sflag:$0x2], $0x2000, s9, s8, $0x38;
	[tilespmem:$0x5800] =	vst v63  }
0x4bf: {  	_ =	swait.ge [sflag:s3], $0x2000  }
0x4c0: {  	s0 =	sld [smem:$0x7E1]  }
0x4c1: {  	[sflag:s3] =	ssyncset.done $0x0  }
0x4c2: {  	s12 =	sld [smem:$0x7E2];
	[sflag:s3] =	ssyncadd.s32 $0xFFFFE000  }
0x4c3: {  	[tilespmem:s4], [sflag:$0x1] =	stream.indirect.gather [hbm4b:s2+s7], $0x10, s0, s7, $0xb8;
	[tilespmem:$0x5800] =	vst v63  }
0x4c4: {  	s0 =	sld [smem:$0x7E3]  }
0x4c5: {  	[tilespmem:s5], [sflag:$0x1] =	stream.indirect.gather [hbm4b:s2+s7], $0x10, s12, s7, $0xb8;
	[tilespmem:$0x5800] =	vst v63  }
0x4c6: {  	s12 =	sld [smem:$0x7E4]  }
0x4c7: {  	[tilespmem:s10], [sflag:$0x1] =	stream.indirect.gather [hbm4b:s2+s7], $0x10, s0, s7, $0xb8;
	[tilespmem:$0x5800] =	vst v63  }
0x4c8: {  	_ = 	snop  }
0x4c9: {  	[tilespmem:s11], [sflag:$0x1] =	stream.indirect.gather [hbm4b:s2+s7], $0x10, s12, s7, $0xb8;
	[tilespmem:$0x5800] =	vst v63  }
0x4ca: {  	_ =	swait.ge [sflag:s6], $0x800  }
0x4cb: {  	[sflag:s6] =	ssyncset.done $0x0  }
0x4cc: {  	[sflag:s6] =	ssyncadd.s32 $0xFFFFF800  }
0x4cd: {  	_ =	swait.ge [sflag:s6], $0x800  }
0x4ce: {  	[sflag:s6] =	ssyncset.done $0x0  }
0x4cf: {  	[sflag:s6] =	ssyncadd.s32 $0xFFFFF800  }
0x4d0: {  	_ =	swait.ge [sflag:s6], $0x800  }
0x4d1: {  	[sflag:s6] =	ssyncset.done $0x0  }
0x4d2: {  	[sflag:s6] =	ssyncadd.s32 $0xFFFFF800  }
0x4d3: {  	_ =	swait.ge [sflag:s6], $0x800  }
0x4d4: {  	[sflag:s6] =	ssyncset.done $0x0  }
0x4d5: {  	s12 =	rddreg [dreg:$0x14];
	[sflag:s6] =	ssyncadd.s32 $0xFFFFF800  }
0x4d6: {  	[hbm4b:s12+s8] =	stream.strided.scatter [tilespmem:s4], [sflag:$0x2], $0x2000, s9, s8, $0x38;
	[tilespmem:$0x5800] =	vst v63  }
0x4d7: {  	_ =	swait.ge [sflag:s3], $0x2000  }
0x4d8: {  	s0 =	sld [smem:$0x7E5]  }
0x4d9: {  	[sflag:s3] =	ssyncset.done $0x0  }
0x4da: {  	s12 =	sld [smem:$0x7E6];
	[sflag:s3] =	ssyncadd.s32 $0xFFFFE000  }
0x4db: {  	[tilespmem:s4], [sflag:$0x1] =	stream.indirect.gather [hbm4b:s2+s7], $0x10, s0, s7, $0xb8;
	[tilespmem:$0x5800] =	vst v63  }
0x4dc: {  	s0 =	sld [smem:$0x7E7]  }
0x4dd: {  	[tilespmem:s5], [sflag:$0x1] =	stream.indirect.gather [hbm4b:s2+s7], $0x10, s12, s7, $0xb8;
	[tilespmem:$0x5800] =	vst v63  }
0x4de: {  	s12 =	sld [smem:$0x7E8]  }
0x4df: {  	[tilespmem:s10], [sflag:$0x1] =	stream.indirect.gather [hbm4b:s2+s7], $0x10, s0, s7, $0xb8;
	[tilespmem:$0x5800] =	vst v63  }
0x4e0: {  	_ = 	snop  }
0x4e1: {  	[tilespmem:s11], [sflag:$0x1] =	stream.indirect.gather [hbm4b:s2+s7], $0x10, s12, s7, $0xb8;
	[tilespmem:$0x5800] =	vst v63  }
0x4e2: {  	_ =	swait.ge [sflag:s6], $0x800  }
0x4e3: {  	[sflag:s6] =	ssyncset.done $0x0  }
0x4e4: {  	[sflag:s6] =	ssyncadd.s32 $0xFFFFF800  }
0x4e5: {  	_ =	swait.ge [sflag:s6], $0x800  }
0x4e6: {  	[sflag:s6] =	ssyncset.done $0x0  }
0x4e7: {  	[sflag:s6] =	ssyncadd.s32 $0xFFFFF800  }
0x4e8: {  	_ =	swait.ge [sflag:s6], $0x800  }
0x4e9: {  	[sflag:s6] =	ssyncset.done $0x0  }
0x4ea: {  	[sflag:s6] =	ssyncadd.s32 $0xFFFFF800  }
0x4eb: {  	_ =	swait.ge [sflag:s6], $0x800  }
0x4ec: {  	[sflag:s6] =	ssyncset.done $0x0  }
0x4ed: {  	s12 =	rddreg [dreg:$0x15];
	[sflag:s6] =	ssyncadd.s32 $0xFFFFF800  }
0x4ee: {  	[hbm4b:s12+s8] =	stream.strided.scatter [tilespmem:s4], [sflag:$0x2], $0x2000, s9, s8, $0x38;
	[tilespmem:$0x5800] =	vst v63  }
0x4ef: {  	_ =	swait.ge [sflag:s3], $0x2000  }
0x4f0: {  	s0 =	sld [smem:$0x7E9]  }
0x4f1: {  	[sflag:s3] =	ssyncset.done $0x0  }
0x4f2: {  	s12 =	sld [smem:$0x7EA];
	[sflag:s3] =	ssyncadd.s32 $0xFFFFE000  }
0x4f3: {  	[tilespmem:s4], [sflag:$0x1] =	stream.indirect.gather [hbm4b:s2+s7], $0x10, s0, s7, $0xb8;
	[tilespmem:$0x5800] =	vst v63  }
0x4f4: {  	s0 =	sld [smem:$0x7EB]  }
0x4f5: {  	[tilespmem:s5], [sflag:$0x1] =	stream.indirect.gather [hbm4b:s2+s7], $0x10, s12, s7, $0xb8;
	[tilespmem:$0x5800] =	vst v63  }
0x4f6: {  	s12 =	sld [smem:$0x7EC]  }
0x4f7: {  	[tilespmem:s10], [sflag:$0x1] =	stream.indirect.gather [hbm4b:s2+s7], $0x10, s0, s7, $0xb8;
	[tilespmem:$0x5800] =	vst v63  }
0x4f8: {  	_ = 	snop  }
0x4f9: {  	[tilespmem:s11], [sflag:$0x1] =	stream.indirect.gather [hbm4b:s2+s7], $0x10, s12, s7, $0xb8;
	[tilespmem:$0x5800] =	vst v63  }
0x4fa: {  	_ =	swait.ge [sflag:s6], $0x800  }
0x4fb: {  	[sflag:s6] =	ssyncset.done $0x0  }
0x4fc: {  	[sflag:s6] =	ssyncadd.s32 $0xFFFFF800  }
0x4fd: {  	_ =	swait.ge [sflag:s6], $0x800  }
0x4fe: {  	[sflag:s6] =	ssyncset.done $0x0  }
0x4ff: {  	[sflag:s6] =	ssyncadd.s32 $0xFFFFF800  }
0x500: {  	_ =	swait.ge [sflag:s6], $0x800  }
0x501: {  	[sflag:s6] =	ssyncset.done $0x0  }
0x502: {  	[sflag:s6] =	ssyncadd.s32 $0xFFFFF800  }
0x503: {  	_ =	swait.ge [sflag:s6], $0x800  }
0x504: {  	[sflag:s6] =	ssyncset.done $0x0  }
0x505: {  	s12 =	rddreg [dreg:$0x16];
	[sflag:s6] =	ssyncadd.s32 $0xFFFFF800  }
0x506: {  	[hbm4b:s12+s8] =	stream.strided.scatter [tilespmem:s4], [sflag:$0x2], $0x2000, s9, s8, $0x38;
	[tilespmem:$0x5800] =	vst v63  }
0x507: {  	_ =	swait.ge [sflag:s3], $0x2000  }
0x508: {  	s0 =	sld [smem:$0x7ED]  }
0x509: {  	[sflag:s3] =	ssyncset.done $0x0  }
0x50a: {  	s12 =	sld [smem:$0x7EE];
	[sflag:s3] =	ssyncadd.s32 $0xFFFFE000  }
0x50b: {  	[tilespmem:s4], [sflag:$0x1] =	stream.indirect.gather [hbm4b:s2+s7], $0x10, s0, s7, $0xb8;
	[tilespmem:$0x5800] =	vst v63  }
0x50c: {  	s0 =	sld [smem:$0x7EF]  }
0x50d: {  	[tilespmem:s5], [sflag:$0x1] =	stream.indirect.gather [hbm4b:s2+s7], $0x10, s12, s7, $0xb8;
	[tilespmem:$0x5800] =	vst v63  }
0x50e: {  	s12 =	sld [smem:$0x7F0]  }
0x50f: {  	[tilespmem:s10], [sflag:$0x1] =	stream.indirect.gather [hbm4b:s2+s7], $0x10, s0, s7, $0xb8;
	[tilespmem:$0x5800] =	vst v63  }
0x510: {  	_ = 	snop  }
0x511: {  	[tilespmem:s11], [sflag:$0x1] =	stream.indirect.gather [hbm4b:s2+s7], $0x10, s12, s7, $0xb8;
	[tilespmem:$0x5800] =	vst v63  }
0x512: {  	_ =	swait.ge [sflag:s6], $0x800  }
0x513: {  	[sflag:s6] =	ssyncset.done $0x0  }
0x514: {  	[sflag:s6] =	ssyncadd.s32 $0xFFFFF800  }
0x515: {  	_ =	swait.ge [sflag:s6], $0x800  }
0x516: {  	[sflag:s6] =	ssyncset.done $0x0  }
0x517: {  	[sflag:s6] =	ssyncadd.s32 $0xFFFFF800  }
0x518: {  	_ =	swait.ge [sflag:s6], $0x800  }
0x519: {  	[sflag:s6] =	ssyncset.done $0x0  }
0x51a: {  	[sflag:s6] =	ssyncadd.s32 $0xFFFFF800  }
0x51b: {  	_ =	swait.ge [sflag:s6], $0x800  }
0x51c: {  	[sflag:s6] =	ssyncset.done $0x0  }
0x51d: {  	s12 =	rddreg [dreg:$0x17];
	[sflag:s6] =	ssyncadd.s32 $0xFFFFF800  }
0x51e: {  	[hbm4b:s12+s8] =	stream.strided.scatter [tilespmem:s4], [sflag:$0x2], $0x2000, s9, s8, $0x38;
	[tilespmem:$0x5800] =	vst v63  }
0x51f: {  	_ =	swait.ge [sflag:s3], $0x2000  }
0x520: {  	s0 =	sld [smem:$0x7F1]  }
0x521: {  	[sflag:s3] =	ssyncset.done $0x0  }
0x522: {  	s12 =	sld [smem:$0x7F2];
	[sflag:s3] =	ssyncadd.s32 $0xFFFFE000  }
0x523: {  	[tilespmem:s4], [sflag:$0x1] =	stream.indirect.gather [hbm4b:s2+s7], $0x10, s0, s7, $0xb8;
	[tilespmem:$0x5800] =	vst v63  }
0x524: {  	s0 =	sld [smem:$0x7F3]  }
0x525: {  	[tilespmem:s5], [sflag:$0x1] =	stream.indirect.gather [hbm4b:s2+s7], $0x10, s12, s7, $0xb8;
	[tilespmem:$0x5800] =	vst v63  }
0x526: {  	s12 =	sld [smem:$0x7F4]  }
0x527: {  	[tilespmem:s10], [sflag:$0x1] =	stream.indirect.gather [hbm4b:s2+s7], $0x10, s0, s7, $0xb8;
	[tilespmem:$0x5800] =	vst v63  }
0x528: {  	_ = 	snop  }
0x529: {  	[tilespmem:s11], [sflag:$0x1] =	stream.indirect.gather [hbm4b:s2+s7], $0x10, s12, s7, $0xb8;
	[tilespmem:$0x5800] =	vst v63  }
0x52a: {  	_ =	swait.ge [sflag:s6], $0x800  }
0x52b: {  	[sflag:s6] =	ssyncset.done $0x0  }
0x52c: {  	[sflag:s6] =	ssyncadd.s32 $0xFFFFF800  }
0x52d: {  	_ =	swait.ge [sflag:s6], $0x800  }
0x52e: {  	[sflag:s6] =	ssyncset.done $0x0  }
0x52f: {  	[sflag:s6] =	ssyncadd.s32 $0xFFFFF800  }
0x530: {  	_ =	swait.ge [sflag:s6], $0x800  }
0x531: {  	[sflag:s6] =	ssyncset.done $0x0  }
0x532: {  	[sflag:s6] =	ssyncadd.s32 $0xFFFFF800  }
0x533: {  	_ =	swait.ge [sflag:s6], $0x800  }
0x534: {  	[sflag:s6] =	ssyncset.done $0x0  }
0x535: {  	s12 =	rddreg [dreg:$0x18];
	[sflag:s6] =	ssyncadd.s32 $0xFFFFF800  }
0x536: {  	[hbm4b:s12+s8] =	stream.strided.scatter [tilespmem:s4], [sflag:$0x2], $0x2000, s9, s8, $0x38;
	[tilespmem:$0x5800] =	vst v63  }
0x537: {  	_ =	swait.ge [sflag:s3], $0x2000  }
0x538: {  	s0 =	sld [smem:$0x7F5]  }
0x539: {  	[sflag:s3] =	ssyncset.done $0x0  }
0x53a: {  	s12 =	sld [smem:$0x7F6];
	[sflag:s3] =	ssyncadd.s32 $0xFFFFE000  }
0x53b: {  	[tilespmem:s4], [sflag:$0x1] =	stream.indirect.gather [hbm4b:s2+s7], $0x10, s0, s7, $0xb8;
	[tilespmem:$0x5800] =	vst v63  }
0x53c: {  	s0 =	sld [smem:$0x7F7]  }
0x53d: {  	[tilespmem:s5], [sflag:$0x1] =	stream.indirect.gather [hbm4b:s2+s7], $0x10, s12, s7, $0xb8;
	[tilespmem:$0x5800] =	vst v63  }
0x53e: {  	s12 =	sld [smem:$0x7F8]  }
0x53f: {  	[tilespmem:s10], [sflag:$0x1] =	stream.indirect.gather [hbm4b:s2+s7], $0x10, s0, s7, $0xb8;
	[tilespmem:$0x5800] =	vst v63  }
0x540: {  	_ = 	snop  }
0x541: {  	[tilespmem:s11], [sflag:$0x1] =	stream.indirect.gather [hbm4b:s2+s7], $0x10, s12, s7, $0xb8;
	[tilespmem:$0x5800] =	vst v63  }
0x542: {  	_ =	swait.ge [sflag:s6], $0x800  }
0x543: {  	[sflag:s6] =	ssyncset.done $0x0  }
0x544: {  	[sflag:s6] =	ssyncadd.s32 $0xFFFFF800  }
0x545: {  	_ =	swait.ge [sflag:s6], $0x800  }
0x546: {  	[sflag:s6] =	ssyncset.done $0x0  }
0x547: {  	[sflag:s6] =	ssyncadd.s32 $0xFFFFF800  }
0x548: {  	_ =	swait.ge [sflag:s6], $0x800  }
0x549: {  	[sflag:s6] =	ssyncset.done $0x0  }
0x54a: {  	[sflag:s6] =	ssyncadd.s32 $0xFFFFF800  }
0x54b: {  	_ =	swait.ge [sflag:s6], $0x800  }
0x54c: {  	[sflag:s6] =	ssyncset.done $0x0  }
0x54d: {  	s12 =	rddreg [dreg:$0x19];
	[sflag:s6] =	ssyncadd.s32 $0xFFFFF800  }
0x54e: {  	[hbm4b:s12+s8] =	stream.strided.scatter [tilespmem:s4], [sflag:$0x2], $0x2000, s9, s8, $0x38;
	[tilespmem:$0x5800] =	vst v63  }
0x54f: {  	_ =	swait.ge [sflag:s3], $0x2000  }
0x550: {  	s0 =	sld [smem:$0x7F9]  }
0x551: {  	[sflag:s3] =	ssyncset.done $0x0  }
0x552: {  	s12 =	sld [smem:$0x7FA];
	[sflag:s3] =	ssyncadd.s32 $0xFFFFE000  }
0x553: {  	[tilespmem:s4], [sflag:$0x1] =	stream.indirect.gather [hbm4b:s2+s7], $0x10, s0, s7, $0xb8;
	[tilespmem:$0x5800] =	vst v63  }
0x554: {  	s0 =	sld [smem:$0x7FB]  }
0x555: {  	[tilespmem:s5], [sflag:$0x1] =	stream.indirect.gather [hbm4b:s2+s7], $0x10, s12, s7, $0xb8;
	[tilespmem:$0x5800] =	vst v63  }
0x556: {  	s12 =	sld [smem:$0x7FC]  }
0x557: {  	[tilespmem:s10], [sflag:$0x1] =	stream.indirect.gather [hbm4b:s2+s7], $0x10, s0, s7, $0xb8;
	[tilespmem:$0x5800] =	vst v63  }
0x558: {  	_ = 	snop  }
0x559: {  	[tilespmem:s11], [sflag:$0x1] =	stream.indirect.gather [hbm4b:s2+s7], $0x10, s12, s7, $0xb8;
	[tilespmem:$0x5800] =	vst v63  }
0x55a: {  	_ =	swait.ge [sflag:s6], $0x800  }
0x55b: {  	[sflag:s6] =	ssyncset.done $0x0  }
0x55c: {  	[sflag:s6] =	ssyncadd.s32 $0xFFFFF800  }
0x55d: {  	_ =	swait.ge [sflag:s6], $0x800  }
0x55e: {  	[sflag:s6] =	ssyncset.done $0x0  }
0x55f: {  	[sflag:s6] =	ssyncadd.s32 $0xFFFFF800  }
0x560: {  	_ =	swait.ge [sflag:s6], $0x800  }
0x561: {  	[sflag:s6] =	ssyncset.done $0x0  }
0x562: {  	[sflag:s6] =	ssyncadd.s32 $0xFFFFF800  }
0x563: {  	_ =	swait.ge [sflag:s6], $0x800  }
0x564: {  	[sflag:s6] =	ssyncset.done $0x0  }
0x565: {  	s12 =	rddreg [dreg:$0x1a];
	[sflag:s6] =	ssyncadd.s32 $0xFFFFF800  }
0x566: {  	[hbm4b:s12+s8] =	stream.strided.scatter [tilespmem:s4], [sflag:$0x2], $0x2000, s9, s8, $0x38;
	[tilespmem:$0x5800] =	vst v63  }
0x567: {  	_ =	swait.ge [sflag:s3], $0x2000  }
0x568: {  	s12 =	sld [smem:$0x7FD]  }
0x569: {  	[sflag:s3] =	ssyncset.done $0x0  }
0x56a: {  	[sflag:s3] =	ssyncadd.s32 $0xFFFFE000  }
0x56b: {  	[tilespmem:s4], [sflag:$0x1] =	stream.indirect.gather [hbm4b:s2+s7], $0x10, s12, s7, $0xb8;
	[tilespmem:$0x5800] =	vst v63  }
0x56c: {  	_ = 	snop  }
0x56d: {  	[tilespmem:s5], [sflag:$0x1] =	stream.indirect.gather [hbm4b:s2+s7], $0x10, s25, s7, $0xb8;
	[tilespmem:$0x5800] =	vst v63  }
0x56e: {  	_ = 	snop  }
0x56f: {  	[tilespmem:s10], [sflag:$0x1] =	stream.indirect.gather [hbm4b:s2+s7], $0x10, s26, s7, $0xb8;
	[tilespmem:$0x5800] =	vst v63  }
0x570: {  	_ = 	snop  }
0x571: {  	[tilespmem:s11], [sflag:$0x1] =	stream.indirect.gather [hbm4b:s2+s7], $0x10, s17, s7, $0xb8;
	[tilespmem:$0x5800] =	vst v63  }
0x572: {  	_ =	swait.ge [sflag:s6], $0x800  }
0x573: {  	[sflag:s6] =	ssyncset.done $0x0  }
0x574: {  	[sflag:s6] =	ssyncadd.s32 $0xFFFFF800  }
0x575: {  	_ =	swait.ge [sflag:s6], $0x800  }
0x576: {  	[sflag:s6] =	ssyncset.done $0x0  }
0x577: {  	[sflag:s6] =	ssyncadd.s32 $0xFFFFF800  }
0x578: {  	_ =	swait.ge [sflag:s6], $0x800  }
0x579: {  	[sflag:s6] =	ssyncset.done $0x0  }
0x57a: {  	[sflag:s6] =	ssyncadd.s32 $0xFFFFF800  }
0x57b: {  	_ =	swait.ge [sflag:s6], $0x800  }
0x57c: {  	[sflag:s6] =	ssyncset.done $0x0  }
0x57d: {  	s12 =	rddreg [dreg:$0x1b];
	[sflag:s6] =	ssyncadd.s32 $0xFFFFF800  }
0x57e: {  	[hbm4b:s12+s8] =	stream.strided.scatter [tilespmem:s4], [sflag:$0x2], $0x2000, s9, s8, $0x38;
	[tilespmem:$0x5800] =	vst v63  }
0x57f: {  	_ =	swait.ge [sflag:s3], $0x2000  }
0x580: {  	[sflag:s3] =	ssyncset.done $0x0  }
0x581: {  	[sflag:s3] =	ssyncadd.s32 $0xFFFFE000  }
0x582: {  	[tilespmem:s4], [sflag:$0x1] =	stream.indirect.gather [hbm4b:s2+s7], $0x10, s21, s7, $0xb8;
	[tilespmem:$0x5800] =	vst v63  }
0x583: {  	_ = 	snop  }
0x584: {  	[tilespmem:s5], [sflag:$0x1] =	stream.indirect.gather [hbm4b:s2+s7], $0x10, s22, s7, $0xb8;
	[tilespmem:$0x5800] =	vst v63  }
0x585: {  	_ = 	snop  }
0x586: {  	[tilespmem:s10], [sflag:$0x1] =	stream.indirect.gather [hbm4b:s2+s7], $0x10, s23, s7, $0xb8;
	[tilespmem:$0x5800] =	vst v63  }
0x587: {  	_ = 	snop  }
0x588: {  	[tilespmem:s11], [sflag:$0x1] =	stream.indirect.gather [hbm4b:s2+s7], $0x10, s24, s7, $0xb8;
	[tilespmem:$0x5800] =	vst v63  }
0x589: {  	_ =	swait.ge [sflag:s6], $0x800  }
0x58a: {  	[sflag:s6] =	ssyncset.done $0x0  }
0x58b: {  	[sflag:s6] =	ssyncadd.s32 $0xFFFFF800  }
0x58c: {  	_ =	swait.ge [sflag:s6], $0x800  }
0x58d: {  	[sflag:s6] =	ssyncset.done $0x0  }
0x58e: {  	[sflag:s6] =	ssyncadd.s32 $0xFFFFF800  }
0x58f: {  	_ =	swait.ge [sflag:s6], $0x800  }
0x590: {  	[sflag:s6] =	ssyncset.done $0x0  }
0x591: {  	[sflag:s6] =	ssyncadd.s32 $0xFFFFF800  }
0x592: {  	_ =	swait.ge [sflag:s6], $0x800  }
0x593: {  	[sflag:s6] =	ssyncset.done $0x0  }
0x594: {  	s12 =	rddreg [dreg:$0x1c];
	[sflag:s6] =	ssyncadd.s32 $0xFFFFF800  }
0x595: {  	[hbm4b:s12+s8] =	stream.strided.scatter [tilespmem:s4], [sflag:$0x2], $0x2000, s9, s8, $0x38;
	[tilespmem:$0x5800] =	vst v63  }
0x596: {  	_ =	swait.ge [sflag:s3], $0x2000  }
0x597: {  	[sflag:s3] =	ssyncset.done $0x0  }
0x598: {  	s12 =	simm.s32 $0x3400;
	[sflag:s3] =	ssyncadd.s32 $0xFFFFE000  }
0x599: {  	[tilespmem:s4], [sflag:$0x1] =	stream.indirect.gather [hbm4b:s2+s7], $0x10, s12, s7, $0xb8;
	[tilespmem:$0x5800] =	vst v63  }
0x59a: {  	_ = 	snop  }
0x59b: {  	[tilespmem:s5], [sflag:$0x1] =	stream.indirect.gather [hbm4b:s2+s7], $0x10, s18, s7, $0xb8;
	[tilespmem:$0x5800] =	vst v63  }
0x59c: {  	_ = 	snop  }
0x59d: {  	[tilespmem:s10], [sflag:$0x1] =	stream.indirect.gather [hbm4b:s2+s7], $0x10, s19, s7, $0xb8;
	[tilespmem:$0x5800] =	vst v63  }
0x59e: {  	_ = 	snop  }
0x59f: {  	[tilespmem:s11], [sflag:$0x1] =	stream.indirect.gather [hbm4b:s2+s7], $0x10, s20, s7, $0xb8;
	[tilespmem:$0x5800] =	vst v63  }
0x5a0: {  	_ =	swait.ge [sflag:s6], $0x800  }
0x5a1: {  	[sflag:s6] =	ssyncset.done $0x0  }
0x5a2: {  	[sflag:s6] =	ssyncadd.s32 $0xFFFFF800  }
0x5a3: {  	_ =	swait.ge [sflag:s6], $0x800  }
0x5a4: {  	[sflag:s6] =	ssyncset.done $0x0  }
0x5a5: {  	[sflag:s6] =	ssyncadd.s32 $0xFFFFF800  }
0x5a6: {  	_ =	swait.ge [sflag:s6], $0x800  }
0x5a7: {  	[sflag:s6] =	ssyncset.done $0x0  }
0x5a8: {  	[sflag:s6] =	ssyncadd.s32 $0xFFFFF800  }
0x5a9: {  	_ =	swait.ge [sflag:s6], $0x800  }
0x5aa: {  	[sflag:s6] =	ssyncset.done $0x0  }
0x5ab: {  	s12 =	rddreg [dreg:$0x1d];
	[sflag:s6] =	ssyncadd.s32 $0xFFFFF800  }
0x5ac: {  	[hbm4b:s12+s8] =	stream.strided.scatter [tilespmem:s4], [sflag:$0x2], $0x2000, s9, s8, $0x38;
	[tilespmem:$0x5800] =	vst v63  }
0x5ad: {  	_ =	swait.ge [sflag:s3], $0x2000  }
0x5ae: {  	[sflag:s3] =	ssyncset.done $0x0  }
0x5af: {  	[sflag:s3] =	ssyncadd.s32 $0xFFFFE000  }
0x5b0: {  	[tilespmem:s4], [sflag:$0x1] =	stream.indirect.gather [hbm4b:s2+s7], $0x10, s13, s7, $0xb8;
	[tilespmem:$0x5800] =	vst v63  }
0x5b1: {  	_ = 	snop  }
0x5b2: {  	[tilespmem:s5], [sflag:$0x1] =	stream.indirect.gather [hbm4b:s2+s7], $0x10, s14, s7, $0xb8;
	[tilespmem:$0x5800] =	vst v63  }
0x5b3: {  	_ = 	snop  }
0x5b4: {  	[tilespmem:s10], [sflag:$0x1] =	stream.indirect.gather [hbm4b:s2+s7], $0x10, s15, s7, $0xb8;
	[tilespmem:$0x5800] =	vst v63  }
0x5b5: {  	_ = 	snop  }
0x5b6: {  	[tilespmem:s11], [sflag:$0x1] =	stream.indirect.gather [hbm4b:s2+s7], $0x10, s16, s7, $0xb8;
	[tilespmem:$0x5800] =	vst v63  }
0x5b7: {  	_ =	swait.ge [sflag:s6], $0x800  }
0x5b8: {  	[sflag:s6] =	ssyncset.done $0x0  }
0x5b9: {  	[sflag:s6] =	ssyncadd.s32 $0xFFFFF800  }
0x5ba: {  	_ =	swait.ge [sflag:s6], $0x800  }
0x5bb: {  	[sflag:s6] =	ssyncset.done $0x0  }
0x5bc: {  	[sflag:s6] =	ssyncadd.s32 $0xFFFFF800  }
0x5bd: {  	_ =	swait.ge [sflag:s6], $0x800  }
0x5be: {  	[sflag:s6] =	ssyncset.done $0x0  }
0x5bf: {  	[sflag:s6] =	ssyncadd.s32 $0xFFFFF800  }
0x5c0: {  	p1 =	sne.s32 s1, $0x1;
	_ =	swait.ge [sflag:s6], $0x800  }
.Ltmp2:
0x5c1: {  	[sflag:s6] =	ssyncset.done $0x0;
	(pc) =	sbr.rel @p1 .LBB2_4-.Ltmp2, $4  }
0x5c2: {  	s12 =	rddreg [dreg:$0x1e];
	[sflag:s6] =	ssyncadd.s32 $0xFFFFF800  }
0x5c3: {  	[hbm4b:s12+s8] =	stream.strided.scatter [tilespmem:s4], [sflag:$0x2], $0x2000, s9, s8, $0x38;
	[tilespmem:$0x5800] =	vst v63  }
0x5c4: {  	_ =	swait.ge [sflag:s3], $0x2000  }
0x5c5: {  	s1 =	sadd.s32 $0xFFFFFFFF, s1;
	s0 =	rddreg [dreg:$0x2];
	[sflag:s3] =	ssyncset.done $0x0  }
0x5c6: {  	s16 =	simm.s32 $0x3180;
	s26 =	simm.s32 $0x3100;
	s25 =	simm.s32 $0x3080  }
0x5c7: {  	s24 =	simm.s32 $0x3380;
	s23 =	simm.s32 $0x3300;
	s22 =	simm.s32 $0x3280  }
0x5c8: {  	s21 =	simm.s32 $0x3200;
	s20 =	simm.s32 $0x3580;
	s19 =	simm.s32 $0x3500  }
0x5c9: {  	s18 =	simm.s32 $0x3480;
	s17 =	simm.s32 $0x3400;
	s15 =	simm.s32 $0x3700  }
0x5ca: {  	s14 =	simm.s32 $0x3680;
	s13 =	simm.s32 $0x3600;
	s12 =	stileid.u32  }
.LBB2_6:
0x5cb: {  	[sflag:s3] =	ssyncadd.s32 @p0 $0xFFFFE000  }
0x5cc: {  	[tilespmem:s28], [sflag:$0x2] =	stream.strided.gather [hbm4b:s0+s31], $0x3800, s5, s31, $0x38;
	[tilespmem:$0x5800] =	vst v63  }
0x5cd: {  	_ =	swait.ge [sflag:s3], $0x3800  }
0x5ce: {  	[sflag:s3] =	ssyncset.done $0x0  }
0x5cf: {  	[sflag:s3] =	ssyncadd.s32 $0xFFFFC800  }
0x5d0: {  	[tilespmem:s4], [sflag:$0x1] =	stream.indirect.gather [hbm4b:s30+s7], $0x10, s28, s7, $0xb8;
	[tilespmem:$0x5800] =	vst v63  }
0x5d1: {  	s1 =	sld [smem:$0x7A1]  }
0x5d2: {  	[tilespmem:s5], [sflag:$0x1] =	stream.indirect.gather [hbm4b:s30+s7], $0x10, s7, s7, $0xb8;
	[tilespmem:$0x5800] =	vst v63  }
0x5d3: {  	s28 =	rddreg [dreg:$0x1f]  }
0x5d4: {  	[tilespmem:s10], [sflag:$0x1] =	stream.indirect.gather [hbm4b:s30+s7], $0x10, s28, s7, $0xb8;
	[tilespmem:$0x5800] =	vst v63  }
0x5d5: {  	_ = 	snop  }
0x5d6: {  	[tilespmem:s11], [sflag:$0x1] =	stream.indirect.gather [hbm4b:s30+s7], $0x10, s1, s7, $0xb8;
	[tilespmem:$0x5800] =	vst v63  }
0x5d7: {  	_ =	swait.ge [sflag:s6], $0x800  }
0x5d8: {  	[sflag:s6] =	ssyncset.done $0x0  }
0x5d9: {  	[sflag:s6] =	ssyncadd.s32 $0xFFFFF800  }
0x5da: {  	_ =	swait.ge [sflag:s6], $0x800  }
0x5db: {  	[sflag:s6] =	ssyncset.done $0x0  }
0x5dc: {  	[sflag:s6] =	ssyncadd.s32 $0xFFFFF800  }
0x5dd: {  	_ =	swait.ge [sflag:s6], $0x800  }
0x5de: {  	[sflag:s6] =	ssyncset.done $0x0  }
0x5df: {  	[sflag:s6] =	ssyncadd.s32 $0xFFFFF800  }
0x5e0: {  	_ =	swait.ge [sflag:s6], $0x800  }
0x5e1: {  	[sflag:s6] =	ssyncset.done $0x0  }
0x5e2: {  	s30 =	rddreg [dreg:$0x3];
	[sflag:s6] =	ssyncadd.s32 $0xFFFFF800  }
0x5e3: {  	[hbm4b:s30+s8] =	stream.strided.scatter [tilespmem:s4], [sflag:$0x2], $0x2000, s9, s8, $0x38;
	[tilespmem:$0x5800] =	vst v63  }
0x5e4: {  	_ =	swait.ge [sflag:s3], $0x2000  }
0x5e5: {  	[sflag:s3] =	ssyncset.done $0x0  }
0x5e6: {  	s1 =	sld [smem:$0x7A2];
	[sflag:s3] =	ssyncadd.s32 $0xFFFFE000  }
0x5e7: {  	[tilespmem:s4], [sflag:$0x1] =	stream.indirect.gather [hbm4b:s29+s7], $0x10, s31, s7, $0xb8;
	[tilespmem:$0x5800] =	vst v63  }
0x5e8: {  	s28 =	sld [smem:$0x7A3]  }
0x5e9: {  	[tilespmem:s5], [sflag:$0x1] =	stream.indirect.gather [hbm4b:s29+s7], $0x10, s1, s7, $0xb8;
	[tilespmem:$0x5800] =	vst v63  }
0x5ea: {  	s30 =	sld [smem:$0x7A4]  }
0x5eb: {  	[tilespmem:s10], [sflag:$0x1] =	stream.indirect.gather [hbm4b:s29+s7], $0x10, s28, s7, $0xb8;
	[tilespmem:$0x5800] =	vst v63  }
0x5ec: {  	_ = 	snop  }
0x5ed: {  	[tilespmem:s11], [sflag:$0x1] =	stream.indirect.gather [hbm4b:s29+s7], $0x10, s30, s7, $0xb8;
	[tilespmem:$0x5800] =	vst v63  }
0x5ee: {  	_ =	swait.ge [sflag:s6], $0x800  }
0x5ef: {  	[sflag:s6] =	ssyncset.done $0x0  }
0x5f0: {  	[sflag:s6] =	ssyncadd.s32 $0xFFFFF800  }
0x5f1: {  	_ =	swait.ge [sflag:s6], $0x800  }
0x5f2: {  	[sflag:s6] =	ssyncset.done $0x0  }
0x5f3: {  	[sflag:s6] =	ssyncadd.s32 $0xFFFFF800  }
0x5f4: {  	_ =	swait.ge [sflag:s6], $0x800  }
0x5f5: {  	[sflag:s6] =	ssyncset.done $0x0  }
0x5f6: {  	[sflag:s6] =	ssyncadd.s32 $0xFFFFF800  }
0x5f7: {  	_ =	swait.ge [sflag:s6], $0x800  }
0x5f8: {  	[sflag:s6] =	ssyncset.done $0x0  }
0x5f9: {  	s31 =	rddreg [dreg:$0x4];
	[sflag:s6] =	ssyncadd.s32 $0xFFFFF800  }
0x5fa: {  	[hbm4b:s31+s8] =	stream.strided.scatter [tilespmem:s4], [sflag:$0x2], $0x2000, s9, s8, $0x38;
	[tilespmem:$0x5800] =	vst v63  }
0x5fb: {  	_ =	swait.ge [sflag:s3], $0x2000  }
0x5fc: {  	s1 =	sld [smem:$0x7A5]  }
0x5fd: {  	[sflag:s3] =	ssyncset.done $0x0  }
0x5fe: {  	s28 =	sld [smem:$0x7A6];
	[sflag:s3] =	ssyncadd.s32 $0xFFFFE000  }
0x5ff: {  	[tilespmem:s4], [sflag:$0x1] =	stream.indirect.gather [hbm4b:s2+s7], $0x10, s1, s7, $0xb8;
	[tilespmem:$0x5800] =	vst v63  }
0x600: {  	s29 =	sld [smem:$0x7A7]  }
0x601: {  	[tilespmem:s5], [sflag:$0x1] =	stream.indirect.gather [hbm4b:s2+s7], $0x10, s28, s7, $0xb8;
	[tilespmem:$0x5800] =	vst v63  }
0x602: {  	s30 =	sld [smem:$0x7A8]  }
0x603: {  	[tilespmem:s10], [sflag:$0x1] =	stream.indirect.gather [hbm4b:s2+s7], $0x10, s29, s7, $0xb8;
	[tilespmem:$0x5800] =	vst v63  }
0x604: {  	_ = 	snop  }
0x605: {  	[tilespmem:s11], [sflag:$0x1] =	stream.indirect.gather [hbm4b:s2+s7], $0x10, s30, s7, $0xb8;
	[tilespmem:$0x5800] =	vst v63  }
0x606: {  	_ =	swait.ge [sflag:s6], $0x800  }
0x607: {  	[sflag:s6] =	ssyncset.done $0x0  }
0x608: {  	[sflag:s6] =	ssyncadd.s32 $0xFFFFF800  }
0x609: {  	_ =	swait.ge [sflag:s6], $0x800  }
0x60a: {  	[sflag:s6] =	ssyncset.done $0x0  }
0x60b: {  	[sflag:s6] =	ssyncadd.s32 $0xFFFFF800  }
0x60c: {  	_ =	swait.ge [sflag:s6], $0x800  }
0x60d: {  	[sflag:s6] =	ssyncset.done $0x0  }
0x60e: {  	[sflag:s6] =	ssyncadd.s32 $0xFFFFF800  }
0x60f: {  	_ =	swait.ge [sflag:s6], $0x800  }
0x610: {  	[sflag:s6] =	ssyncset.done $0x0  }
0x611: {  	s31 =	rddreg [dreg:$0x5];
	[sflag:s6] =	ssyncadd.s32 $0xFFFFF800  }
0x612: {  	[hbm4b:s31+s8] =	stream.strided.scatter [tilespmem:s4], [sflag:$0x2], $0x2000, s9, s8, $0x38;
	[tilespmem:$0x5800] =	vst v63  }
0x613: {  	_ =	swait.ge [sflag:s3], $0x2000  }
0x614: {  	s1 =	sld [smem:$0x7A9]  }
0x615: {  	[sflag:s3] =	ssyncset.done $0x0  }
0x616: {  	s28 =	sld [smem:$0x7AA];
	[sflag:s3] =	ssyncadd.s32 $0xFFFFE000  }
0x617: {  	[tilespmem:s4], [sflag:$0x1] =	stream.indirect.gather [hbm4b:s2+s7], $0x10, s1, s7, $0xb8;
	[tilespmem:$0x5800] =	vst v63  }
0x618: {  	s29 =	sld [smem:$0x7AB]  }
0x619: {  	[tilespmem:s5], [sflag:$0x1] =	stream.indirect.gather [hbm4b:s2+s7], $0x10, s28, s7, $0xb8;
	[tilespmem:$0x5800] =	vst v63  }
0x61a: {  	s30 =	sld [smem:$0x7AC]  }
0x61b: {  	[tilespmem:s10], [sflag:$0x1] =	stream.indirect.gather [hbm4b:s2+s7], $0x10, s29, s7, $0xb8;
	[tilespmem:$0x5800] =	vst v63  }
0x61c: {  	_ = 	snop  }
0x61d: {  	[tilespmem:s11], [sflag:$0x1] =	stream.indirect.gather [hbm4b:s2+s7], $0x10, s30, s7, $0xb8;
	[tilespmem:$0x5800] =	vst v63  }
0x61e: {  	_ =	swait.ge [sflag:s6], $0x800  }
0x61f: {  	[sflag:s6] =	ssyncset.done $0x0  }
0x620: {  	[sflag:s6] =	ssyncadd.s32 $0xFFFFF800  }
0x621: {  	_ =	swait.ge [sflag:s6], $0x800  }
0x622: {  	[sflag:s6] =	ssyncset.done $0x0  }
0x623: {  	[sflag:s6] =	ssyncadd.s32 $0xFFFFF800  }
0x624: {  	_ =	swait.ge [sflag:s6], $0x800  }
0x625: {  	[sflag:s6] =	ssyncset.done $0x0  }
0x626: {  	[sflag:s6] =	ssyncadd.s32 $0xFFFFF800  }
0x627: {  	_ =	swait.ge [sflag:s6], $0x800  }
0x628: {  	[sflag:s6] =	ssyncset.done $0x0  }
0x629: {  	s31 =	rddreg [dreg:$0x6];
	[sflag:s6] =	ssyncadd.s32 $0xFFFFF800  }
0x62a: {  	[hbm4b:s31+s8] =	stream.strided.scatter [tilespmem:s4], [sflag:$0x2], $0x2000, s9, s8, $0x38;
	[tilespmem:$0x5800] =	vst v63  }
0x62b: {  	_ =	swait.ge [sflag:s3], $0x2000  }
0x62c: {  	s1 =	sld [smem:$0x7AD]  }
0x62d: {  	[sflag:s3] =	ssyncset.done $0x0  }
0x62e: {  	s28 =	sld [smem:$0x7AE];
	[sflag:s3] =	ssyncadd.s32 $0xFFFFE000  }
0x62f: {  	[tilespmem:s4], [sflag:$0x1] =	stream.indirect.gather [hbm4b:s2+s7], $0x10, s1, s7, $0xb8;
	[tilespmem:$0x5800] =	vst v63  }
0x630: {  	s29 =	sld [smem:$0x7AF]  }
0x631: {  	[tilespmem:s5], [sflag:$0x1] =	stream.indirect.gather [hbm4b:s2+s7], $0x10, s28, s7, $0xb8;
	[tilespmem:$0x5800] =	vst v63  }
0x632: {  	s30 =	sld [smem:$0x7B0]  }
0x633: {  	[tilespmem:s10], [sflag:$0x1] =	stream.indirect.gather [hbm4b:s2+s7], $0x10, s29, s7, $0xb8;
	[tilespmem:$0x5800] =	vst v63  }
0x634: {  	_ = 	snop  }
0x635: {  	[tilespmem:s11], [sflag:$0x1] =	stream.indirect.gather [hbm4b:s2+s7], $0x10, s30, s7, $0xb8;
	[tilespmem:$0x5800] =	vst v63  }
0x636: {  	_ =	swait.ge [sflag:s6], $0x800  }
0x637: {  	[sflag:s6] =	ssyncset.done $0x0  }
0x638: {  	[sflag:s6] =	ssyncadd.s32 $0xFFFFF800  }
0x639: {  	_ =	swait.ge [sflag:s6], $0x800  }
0x63a: {  	[sflag:s6] =	ssyncset.done $0x0  }
0x63b: {  	[sflag:s6] =	ssyncadd.s32 $0xFFFFF800  }
0x63c: {  	_ =	swait.ge [sflag:s6], $0x800  }
0x63d: {  	[sflag:s6] =	ssyncset.done $0x0  }
0x63e: {  	[sflag:s6] =	ssyncadd.s32 $0xFFFFF800  }
0x63f: {  	_ =	swait.ge [sflag:s6], $0x800  }
0x640: {  	[sflag:s6] =	ssyncset.done $0x0  }
0x641: {  	s31 =	rddreg [dreg:$0x7];
	[sflag:s6] =	ssyncadd.s32 $0xFFFFF800  }
0x642: {  	[hbm4b:s31+s8] =	stream.strided.scatter [tilespmem:s4], [sflag:$0x2], $0x2000, s9, s8, $0x38;
	[tilespmem:$0x5800] =	vst v63  }
0x643: {  	_ =	swait.ge [sflag:s3], $0x2000  }
0x644: {  	s1 =	sld [smem:$0x7B1]  }
0x645: {  	[sflag:s3] =	ssyncset.done $0x0  }
0x646: {  	s28 =	sld [smem:$0x7B2];
	[sflag:s3] =	ssyncadd.s32 $0xFFFFE000  }
0x647: {  	[tilespmem:s4], [sflag:$0x1] =	stream.indirect.gather [hbm4b:s2+s7], $0x10, s1, s7, $0xb8;
	[tilespmem:$0x5800] =	vst v63  }
0x648: {  	s29 =	sld [smem:$0x7B3]  }
0x649: {  	[tilespmem:s5], [sflag:$0x1] =	stream.indirect.gather [hbm4b:s2+s7], $0x10, s28, s7, $0xb8;
	[tilespmem:$0x5800] =	vst v63  }
0x64a: {  	s30 =	sld [smem:$0x7B4]  }
0x64b: {  	[tilespmem:s10], [sflag:$0x1] =	stream.indirect.gather [hbm4b:s2+s7], $0x10, s29, s7, $0xb8;
	[tilespmem:$0x5800] =	vst v63  }
0x64c: {  	_ = 	snop  }
0x64d: {  	[tilespmem:s11], [sflag:$0x1] =	stream.indirect.gather [hbm4b:s2+s7], $0x10, s30, s7, $0xb8;
	[tilespmem:$0x5800] =	vst v63  }
0x64e: {  	_ =	swait.ge [sflag:s6], $0x800  }
0x64f: {  	[sflag:s6] =	ssyncset.done $0x0  }
0x650: {  	[sflag:s6] =	ssyncadd.s32 $0xFFFFF800  }
0x651: {  	_ =	swait.ge [sflag:s6], $0x800  }
0x652: {  	[sflag:s6] =	ssyncset.done $0x0  }
0x653: {  	[sflag:s6] =	ssyncadd.s32 $0xFFFFF800  }
0x654: {  	_ =	swait.ge [sflag:s6], $0x800  }
0x655: {  	[sflag:s6] =	ssyncset.done $0x0  }
0x656: {  	[sflag:s6] =	ssyncadd.s32 $0xFFFFF800  }
0x657: {  	_ =	swait.ge [sflag:s6], $0x800  }
0x658: {  	[sflag:s6] =	ssyncset.done $0x0  }
0x659: {  	s31 =	rddreg [dreg:$0x8];
	[sflag:s6] =	ssyncadd.s32 $0xFFFFF800  }
0x65a: {  	[hbm4b:s31+s8] =	stream.strided.scatter [tilespmem:s4], [sflag:$0x2], $0x2000, s9, s8, $0x38;
	[tilespmem:$0x5800] =	vst v63  }
0x65b: {  	_ =	swait.ge [sflag:s3], $0x2000  }
0x65c: {  	s1 =	sld [smem:$0x7B5]  }
0x65d: {  	[sflag:s3] =	ssyncset.done $0x0  }
0x65e: {  	s28 =	sld [smem:$0x7B6];
	[sflag:s3] =	ssyncadd.s32 $0xFFFFE000  }
0x65f: {  	[tilespmem:s4], [sflag:$0x1] =	stream.indirect.gather [hbm4b:s2+s7], $0x10, s1, s7, $0xb8;
	[tilespmem:$0x5800] =	vst v63  }
0x660: {  	s29 =	sld [smem:$0x7B7]  }
0x661: {  	[tilespmem:s5], [sflag:$0x1] =	stream.indirect.gather [hbm4b:s2+s7], $0x10, s28, s7, $0xb8;
	[tilespmem:$0x5800] =	vst v63  }
0x662: {  	s30 =	sld [smem:$0x7B8]  }
0x663: {  	[tilespmem:s10], [sflag:$0x1] =	stream.indirect.gather [hbm4b:s2+s7], $0x10, s29, s7, $0xb8;
	[tilespmem:$0x5800] =	vst v63  }
0x664: {  	_ = 	snop  }
0x665: {  	[tilespmem:s11], [sflag:$0x1] =	stream.indirect.gather [hbm4b:s2+s7], $0x10, s30, s7, $0xb8;
	[tilespmem:$0x5800] =	vst v63  }
0x666: {  	_ =	swait.ge [sflag:s6], $0x800  }
0x667: {  	[sflag:s6] =	ssyncset.done $0x0  }
0x668: {  	[sflag:s6] =	ssyncadd.s32 $0xFFFFF800  }
0x669: {  	_ =	swait.ge [sflag:s6], $0x800  }
0x66a: {  	[sflag:s6] =	ssyncset.done $0x0  }
0x66b: {  	[sflag:s6] =	ssyncadd.s32 $0xFFFFF800  }
0x66c: {  	_ =	swait.ge [sflag:s6], $0x800  }
0x66d: {  	[sflag:s6] =	ssyncset.done $0x0  }
0x66e: {  	[sflag:s6] =	ssyncadd.s32 $0xFFFFF800  }
0x66f: {  	_ =	swait.ge [sflag:s6], $0x800  }
0x670: {  	[sflag:s6] =	ssyncset.done $0x0  }
0x671: {  	s31 =	rddreg [dreg:$0x9];
	[sflag:s6] =	ssyncadd.s32 $0xFFFFF800  }
0x672: {  	[hbm4b:s31+s8] =	stream.strided.scatter [tilespmem:s4], [sflag:$0x2], $0x2000, s9, s8, $0x38;
	[tilespmem:$0x5800] =	vst v63  }
0x673: {  	_ =	swait.ge [sflag:s3], $0x2000  }
0x674: {  	s1 =	sld [smem:$0x7B9]  }
0x675: {  	[sflag:s3] =	ssyncset.done $0x0  }
0x676: {  	s28 =	sld [smem:$0x7BA];
	[sflag:s3] =	ssyncadd.s32 $0xFFFFE000  }
0x677: {  	[tilespmem:s4], [sflag:$0x1] =	stream.indirect.gather [hbm4b:s2+s7], $0x10, s1, s7, $0xb8;
	[tilespmem:$0x5800] =	vst v63  }
0x678: {  	s29 =	sld [smem:$0x7BB]  }
0x679: {  	[tilespmem:s5], [sflag:$0x1] =	stream.indirect.gather [hbm4b:s2+s7], $0x10, s28, s7, $0xb8;
	[tilespmem:$0x5800] =	vst v63  }
0x67a: {  	s30 =	sld [smem:$0x7BC]  }
0x67b: {  	[tilespmem:s10], [sflag:$0x1] =	stream.indirect.gather [hbm4b:s2+s7], $0x10, s29, s7, $0xb8;
	[tilespmem:$0x5800] =	vst v63  }
0x67c: {  	_ = 	snop  }
0x67d: {  	[tilespmem:s11], [sflag:$0x1] =	stream.indirect.gather [hbm4b:s2+s7], $0x10, s30, s7, $0xb8;
	[tilespmem:$0x5800] =	vst v63  }
0x67e: {  	_ =	swait.ge [sflag:s6], $0x800  }
0x67f: {  	[sflag:s6] =	ssyncset.done $0x0  }
0x680: {  	[sflag:s6] =	ssyncadd.s32 $0xFFFFF800  }
0x681: {  	_ =	swait.ge [sflag:s6], $0x800  }
0x682: {  	[sflag:s6] =	ssyncset.done $0x0  }
0x683: {  	[sflag:s6] =	ssyncadd.s32 $0xFFFFF800  }
0x684: {  	_ =	swait.ge [sflag:s6], $0x800  }
0x685: {  	[sflag:s6] =	ssyncset.done $0x0  }
0x686: {  	[sflag:s6] =	ssyncadd.s32 $0xFFFFF800  }
0x687: {  	_ =	swait.ge [sflag:s6], $0x800  }
0x688: {  	[sflag:s6] =	ssyncset.done $0x0  }
0x689: {  	s31 =	rddreg [dreg:$0xa];
	[sflag:s6] =	ssyncadd.s32 $0xFFFFF800  }
0x68a: {  	[hbm4b:s31+s8] =	stream.strided.scatter [tilespmem:s4], [sflag:$0x2], $0x2000, s9, s8, $0x38;
	[tilespmem:$0x5800] =	vst v63  }
0x68b: {  	_ =	swait.ge [sflag:s3], $0x2000  }
0x68c: {  	s1 =	sld [smem:$0x7BD]  }
0x68d: {  	[sflag:s3] =	ssyncset.done $0x0  }
0x68e: {  	s28 =	sld [smem:$0x7BE];
	[sflag:s3] =	ssyncadd.s32 $0xFFFFE000  }
0x68f: {  	[tilespmem:s4], [sflag:$0x1] =	stream.indirect.gather [hbm4b:s2+s7], $0x10, s1, s7, $0xb8;
	[tilespmem:$0x5800] =	vst v63  }
0x690: {  	s29 =	sld [smem:$0x7BF]  }
0x691: {  	[tilespmem:s5], [sflag:$0x1] =	stream.indirect.gather [hbm4b:s2+s7], $0x10, s28, s7, $0xb8;
	[tilespmem:$0x5800] =	vst v63  }
0x692: {  	s30 =	sld [smem:$0x7C0]  }
0x693: {  	[tilespmem:s10], [sflag:$0x1] =	stream.indirect.gather [hbm4b:s2+s7], $0x10, s29, s7, $0xb8;
	[tilespmem:$0x5800] =	vst v63  }
0x694: {  	_ = 	snop  }
0x695: {  	[tilespmem:s11], [sflag:$0x1] =	stream.indirect.gather [hbm4b:s2+s7], $0x10, s30, s7, $0xb8;
	[tilespmem:$0x5800] =	vst v63  }
0x696: {  	_ =	swait.ge [sflag:s6], $0x800  }
0x697: {  	[sflag:s6] =	ssyncset.done $0x0  }
0x698: {  	[sflag:s6] =	ssyncadd.s32 $0xFFFFF800  }
0x699: {  	_ =	swait.ge [sflag:s6], $0x800  }
0x69a: {  	[sflag:s6] =	ssyncset.done $0x0  }
0x69b: {  	[sflag:s6] =	ssyncadd.s32 $0xFFFFF800  }
0x69c: {  	_ =	swait.ge [sflag:s6], $0x800  }
0x69d: {  	[sflag:s6] =	ssyncset.done $0x0  }
0x69e: {  	[sflag:s6] =	ssyncadd.s32 $0xFFFFF800  }
0x69f: {  	_ =	swait.ge [sflag:s6], $0x800  }
0x6a0: {  	[sflag:s6] =	ssyncset.done $0x0  }
0x6a1: {  	s31 =	rddreg [dreg:$0xb];
	[sflag:s6] =	ssyncadd.s32 $0xFFFFF800  }
0x6a2: {  	[hbm4b:s31+s8] =	stream.strided.scatter [tilespmem:s4], [sflag:$0x2], $0x2000, s9, s8, $0x38;
	[tilespmem:$0x5800] =	vst v63  }
0x6a3: {  	_ =	swait.ge [sflag:s3], $0x2000  }
0x6a4: {  	s1 =	sld [smem:$0x7C1]  }
0x6a5: {  	[sflag:s3] =	ssyncset.done $0x0  }
0x6a6: {  	s28 =	sld [smem:$0x7C2];
	[sflag:s3] =	ssyncadd.s32 $0xFFFFE000  }
0x6a7: {  	[tilespmem:s4], [sflag:$0x1] =	stream.indirect.gather [hbm4b:s2+s7], $0x10, s1, s7, $0xb8;
	[tilespmem:$0x5800] =	vst v63  }
0x6a8: {  	s29 =	sld [smem:$0x7C3]  }
0x6a9: {  	[tilespmem:s5], [sflag:$0x1] =	stream.indirect.gather [hbm4b:s2+s7], $0x10, s28, s7, $0xb8;
	[tilespmem:$0x5800] =	vst v63  }
0x6aa: {  	s30 =	sld [smem:$0x7C4]  }
0x6ab: {  	[tilespmem:s10], [sflag:$0x1] =	stream.indirect.gather [hbm4b:s2+s7], $0x10, s29, s7, $0xb8;
	[tilespmem:$0x5800] =	vst v63  }
0x6ac: {  	_ = 	snop  }
0x6ad: {  	[tilespmem:s11], [sflag:$0x1] =	stream.indirect.gather [hbm4b:s2+s7], $0x10, s30, s7, $0xb8;
	[tilespmem:$0x5800] =	vst v63  }
0x6ae: {  	_ =	swait.ge [sflag:s6], $0x800  }
0x6af: {  	[sflag:s6] =	ssyncset.done $0x0  }
0x6b0: {  	[sflag:s6] =	ssyncadd.s32 $0xFFFFF800  }
0x6b1: {  	_ =	swait.ge [sflag:s6], $0x800  }
0x6b2: {  	[sflag:s6] =	ssyncset.done $0x0  }
0x6b3: {  	[sflag:s6] =	ssyncadd.s32 $0xFFFFF800  }
0x6b4: {  	_ =	swait.ge [sflag:s6], $0x800  }
0x6b5: {  	[sflag:s6] =	ssyncset.done $0x0  }
0x6b6: {  	[sflag:s6] =	ssyncadd.s32 $0xFFFFF800  }
0x6b7: {  	_ =	swait.ge [sflag:s6], $0x800  }
0x6b8: {  	[sflag:s6] =	ssyncset.done $0x0  }
0x6b9: {  	s31 =	rddreg [dreg:$0xc];
	[sflag:s6] =	ssyncadd.s32 $0xFFFFF800  }
0x6ba: {  	[hbm4b:s31+s8] =	stream.strided.scatter [tilespmem:s4], [sflag:$0x2], $0x2000, s9, s8, $0x38;
	[tilespmem:$0x5800] =	vst v63  }
0x6bb: {  	_ =	swait.ge [sflag:s3], $0x2000  }
0x6bc: {  	s1 =	sld [smem:$0x7C5]  }
0x6bd: {  	[sflag:s3] =	ssyncset.done $0x0  }
0x6be: {  	s28 =	sld [smem:$0x7C6];
	[sflag:s3] =	ssyncadd.s32 $0xFFFFE000  }
0x6bf: {  	[tilespmem:s4], [sflag:$0x1] =	stream.indirect.gather [hbm4b:s2+s7], $0x10, s1, s7, $0xb8;
	[tilespmem:$0x5800] =	vst v63  }
0x6c0: {  	s29 =	sld [smem:$0x7C7]  }
0x6c1: {  	[tilespmem:s5], [sflag:$0x1] =	stream.indirect.gather [hbm4b:s2+s7], $0x10, s28, s7, $0xb8;
	[tilespmem:$0x5800] =	vst v63  }
0x6c2: {  	s30 =	sld [smem:$0x7C8]  }
0x6c3: {  	[tilespmem:s10], [sflag:$0x1] =	stream.indirect.gather [hbm4b:s2+s7], $0x10, s29, s7, $0xb8;
	[tilespmem:$0x5800] =	vst v63  }
0x6c4: {  	_ = 	snop  }
0x6c5: {  	[tilespmem:s11], [sflag:$0x1] =	stream.indirect.gather [hbm4b:s2+s7], $0x10, s30, s7, $0xb8;
	[tilespmem:$0x5800] =	vst v63  }
0x6c6: {  	_ =	swait.ge [sflag:s6], $0x800  }
0x6c7: {  	[sflag:s6] =	ssyncset.done $0x0  }
0x6c8: {  	[sflag:s6] =	ssyncadd.s32 $0xFFFFF800  }
0x6c9: {  	_ =	swait.ge [sflag:s6], $0x800  }
0x6ca: {  	[sflag:s6] =	ssyncset.done $0x0  }
0x6cb: {  	[sflag:s6] =	ssyncadd.s32 $0xFFFFF800  }
0x6cc: {  	_ =	swait.ge [sflag:s6], $0x800  }
0x6cd: {  	[sflag:s6] =	ssyncset.done $0x0  }
0x6ce: {  	[sflag:s6] =	ssyncadd.s32 $0xFFFFF800  }
0x6cf: {  	_ =	swait.ge [sflag:s6], $0x800  }
0x6d0: {  	[sflag:s6] =	ssyncset.done $0x0  }
0x6d1: {  	s31 =	rddreg [dreg:$0xd];
	[sflag:s6] =	ssyncadd.s32 $0xFFFFF800  }
0x6d2: {  	[hbm4b:s31+s8] =	stream.strided.scatter [tilespmem:s4], [sflag:$0x2], $0x2000, s9, s8, $0x38;
	[tilespmem:$0x5800] =	vst v63  }
0x6d3: {  	_ =	swait.ge [sflag:s3], $0x2000  }
0x6d4: {  	s1 =	sld [smem:$0x7C9]  }
0x6d5: {  	[sflag:s3] =	ssyncset.done $0x0  }
0x6d6: {  	s28 =	sld [smem:$0x7CA];
	[sflag:s3] =	ssyncadd.s32 $0xFFFFE000  }
0x6d7: {  	[tilespmem:s4], [sflag:$0x1] =	stream.indirect.gather [hbm4b:s2+s7], $0x10, s1, s7, $0xb8;
	[tilespmem:$0x5800] =	vst v63  }
0x6d8: {  	s29 =	sld [smem:$0x7CB]  }
0x6d9: {  	[tilespmem:s5], [sflag:$0x1] =	stream.indirect.gather [hbm4b:s2+s7], $0x10, s28, s7, $0xb8;
	[tilespmem:$0x5800] =	vst v63  }
0x6da: {  	s30 =	sld [smem:$0x7CC]  }
0x6db: {  	[tilespmem:s10], [sflag:$0x1] =	stream.indirect.gather [hbm4b:s2+s7], $0x10, s29, s7, $0xb8;
	[tilespmem:$0x5800] =	vst v63  }
0x6dc: {  	_ = 	snop  }
0x6dd: {  	[tilespmem:s11], [sflag:$0x1] =	stream.indirect.gather [hbm4b:s2+s7], $0x10, s30, s7, $0xb8;
	[tilespmem:$0x5800] =	vst v63  }
0x6de: {  	_ =	swait.ge [sflag:s6], $0x800  }
0x6df: {  	[sflag:s6] =	ssyncset.done $0x0  }
0x6e0: {  	[sflag:s6] =	ssyncadd.s32 $0xFFFFF800  }
0x6e1: {  	_ =	swait.ge [sflag:s6], $0x800  }
0x6e2: {  	[sflag:s6] =	ssyncset.done $0x0  }
0x6e3: {  	[sflag:s6] =	ssyncadd.s32 $0xFFFFF800  }
0x6e4: {  	_ =	swait.ge [sflag:s6], $0x800  }
0x6e5: {  	[sflag:s6] =	ssyncset.done $0x0  }
0x6e6: {  	[sflag:s6] =	ssyncadd.s32 $0xFFFFF800  }
0x6e7: {  	_ =	swait.ge [sflag:s6], $0x800  }
0x6e8: {  	[sflag:s6] =	ssyncset.done $0x0  }
0x6e9: {  	s31 =	rddreg [dreg:$0xe];
	[sflag:s6] =	ssyncadd.s32 $0xFFFFF800  }
0x6ea: {  	[hbm4b:s31+s8] =	stream.strided.scatter [tilespmem:s4], [sflag:$0x2], $0x2000, s9, s8, $0x38;
	[tilespmem:$0x5800] =	vst v63  }
0x6eb: {  	_ =	swait.ge [sflag:s3], $0x2000  }
0x6ec: {  	s1 =	sld [smem:$0x7CD]  }
0x6ed: {  	[sflag:s3] =	ssyncset.done $0x0  }
0x6ee: {  	s28 =	sld [smem:$0x7CE];
	[sflag:s3] =	ssyncadd.s32 $0xFFFFE000  }
0x6ef: {  	[tilespmem:s4], [sflag:$0x1] =	stream.indirect.gather [hbm4b:s2+s7], $0x10, s1, s7, $0xb8;
	[tilespmem:$0x5800] =	vst v63  }
0x6f0: {  	s29 =	sld [smem:$0x7CF]  }
0x6f1: {  	[tilespmem:s5], [sflag:$0x1] =	stream.indirect.gather [hbm4b:s2+s7], $0x10, s28, s7, $0xb8;
	[tilespmem:$0x5800] =	vst v63  }
0x6f2: {  	s30 =	sld [smem:$0x7D0]  }
0x6f3: {  	[tilespmem:s10], [sflag:$0x1] =	stream.indirect.gather [hbm4b:s2+s7], $0x10, s29, s7, $0xb8;
	[tilespmem:$0x5800] =	vst v63  }
0x6f4: {  	_ = 	snop  }
0x6f5: {  	[tilespmem:s11], [sflag:$0x1] =	stream.indirect.gather [hbm4b:s2+s7], $0x10, s30, s7, $0xb8;
	[tilespmem:$0x5800] =	vst v63  }
0x6f6: {  	_ =	swait.ge [sflag:s6], $0x800  }
0x6f7: {  	[sflag:s6] =	ssyncset.done $0x0  }
0x6f8: {  	[sflag:s6] =	ssyncadd.s32 $0xFFFFF800  }
0x6f9: {  	_ =	swait.ge [sflag:s6], $0x800  }
0x6fa: {  	[sflag:s6] =	ssyncset.done $0x0  }
0x6fb: {  	[sflag:s6] =	ssyncadd.s32 $0xFFFFF800  }
0x6fc: {  	_ =	swait.ge [sflag:s6], $0x800  }
0x6fd: {  	[sflag:s6] =	ssyncset.done $0x0  }
0x6fe: {  	[sflag:s6] =	ssyncadd.s32 $0xFFFFF800  }
0x6ff: {  	_ =	swait.ge [sflag:s6], $0x800  }
0x700: {  	[sflag:s6] =	ssyncset.done $0x0  }
0x701: {  	s31 =	rddreg [dreg:$0xf];
	[sflag:s6] =	ssyncadd.s32 $0xFFFFF800  }
0x702: {  	[hbm4b:s31+s8] =	stream.strided.scatter [tilespmem:s4], [sflag:$0x2], $0x2000, s9, s8, $0x38;
	[tilespmem:$0x5800] =	vst v63  }
0x703: {  	_ =	swait.ge [sflag:s3], $0x2000  }
0x704: {  	s1 =	sld [smem:$0x7D1]  }
0x705: {  	[sflag:s3] =	ssyncset.done $0x0  }
0x706: {  	s28 =	sld [smem:$0x7D2];
	[sflag:s3] =	ssyncadd.s32 $0xFFFFE000  }
0x707: {  	[tilespmem:s4], [sflag:$0x1] =	stream.indirect.gather [hbm4b:s2+s7], $0x10, s1, s7, $0xb8;
	[tilespmem:$0x5800] =	vst v63  }
0x708: {  	s29 =	sld [smem:$0x7D3]  }
0x709: {  	[tilespmem:s5], [sflag:$0x1] =	stream.indirect.gather [hbm4b:s2+s7], $0x10, s28, s7, $0xb8;
	[tilespmem:$0x5800] =	vst v63  }
0x70a: {  	s30 =	sld [smem:$0x7D4]  }
0x70b: {  	[tilespmem:s10], [sflag:$0x1] =	stream.indirect.gather [hbm4b:s2+s7], $0x10, s29, s7, $0xb8;
	[tilespmem:$0x5800] =	vst v63  }
0x70c: {  	_ = 	snop  }
0x70d: {  	[tilespmem:s11], [sflag:$0x1] =	stream.indirect.gather [hbm4b:s2+s7], $0x10, s30, s7, $0xb8;
	[tilespmem:$0x5800] =	vst v63  }
0x70e: {  	_ =	swait.ge [sflag:s6], $0x800  }
0x70f: {  	[sflag:s6] =	ssyncset.done $0x0  }
0x710: {  	[sflag:s6] =	ssyncadd.s32 $0xFFFFF800  }
0x711: {  	_ =	swait.ge [sflag:s6], $0x800  }
0x712: {  	[sflag:s6] =	ssyncset.done $0x0  }
0x713: {  	[sflag:s6] =	ssyncadd.s32 $0xFFFFF800  }
0x714: {  	_ =	swait.ge [sflag:s6], $0x800  }
0x715: {  	[sflag:s6] =	ssyncset.done $0x0  }
0x716: {  	[sflag:s6] =	ssyncadd.s32 $0xFFFFF800  }
0x717: {  	_ =	swait.ge [sflag:s6], $0x800  }
0x718: {  	[sflag:s6] =	ssyncset.done $0x0  }
0x719: {  	s31 =	rddreg [dreg:$0x10];
	[sflag:s6] =	ssyncadd.s32 $0xFFFFF800  }
0x71a: {  	[hbm4b:s31+s8] =	stream.strided.scatter [tilespmem:s4], [sflag:$0x2], $0x2000, s9, s8, $0x38;
	[tilespmem:$0x5800] =	vst v63  }
0x71b: {  	_ =	swait.ge [sflag:s3], $0x2000  }
0x71c: {  	s1 =	sld [smem:$0x7D5]  }
0x71d: {  	[sflag:s3] =	ssyncset.done $0x0  }
0x71e: {  	s28 =	sld [smem:$0x7D6];
	[sflag:s3] =	ssyncadd.s32 $0xFFFFE000  }
0x71f: {  	[tilespmem:s4], [sflag:$0x1] =	stream.indirect.gather [hbm4b:s2+s7], $0x10, s1, s7, $0xb8;
	[tilespmem:$0x5800] =	vst v63  }
0x720: {  	s29 =	sld [smem:$0x7D7]  }
0x721: {  	[tilespmem:s5], [sflag:$0x1] =	stream.indirect.gather [hbm4b:s2+s7], $0x10, s28, s7, $0xb8;
	[tilespmem:$0x5800] =	vst v63  }
0x722: {  	s30 =	sld [smem:$0x7D8]  }
0x723: {  	[tilespmem:s10], [sflag:$0x1] =	stream.indirect.gather [hbm4b:s2+s7], $0x10, s29, s7, $0xb8;
	[tilespmem:$0x5800] =	vst v63  }
0x724: {  	_ = 	snop  }
0x725: {  	[tilespmem:s11], [sflag:$0x1] =	stream.indirect.gather [hbm4b:s2+s7], $0x10, s30, s7, $0xb8;
	[tilespmem:$0x5800] =	vst v63  }
0x726: {  	_ =	swait.ge [sflag:s6], $0x800  }
0x727: {  	[sflag:s6] =	ssyncset.done $0x0  }
0x728: {  	[sflag:s6] =	ssyncadd.s32 $0xFFFFF800  }
0x729: {  	_ =	swait.ge [sflag:s6], $0x800  }
0x72a: {  	[sflag:s6] =	ssyncset.done $0x0  }
0x72b: {  	[sflag:s6] =	ssyncadd.s32 $0xFFFFF800  }
0x72c: {  	_ =	swait.ge [sflag:s6], $0x800  }
0x72d: {  	[sflag:s6] =	ssyncset.done $0x0  }
0x72e: {  	[sflag:s6] =	ssyncadd.s32 $0xFFFFF800  }
0x72f: {  	_ =	swait.ge [sflag:s6], $0x800  }
0x730: {  	[sflag:s6] =	ssyncset.done $0x0  }
0x731: {  	s31 =	rddreg [dreg:$0x11];
	[sflag:s6] =	ssyncadd.s32 $0xFFFFF800  }
0x732: {  	[hbm4b:s31+s8] =	stream.strided.scatter [tilespmem:s4], [sflag:$0x2], $0x2000, s9, s8, $0x38;
	[tilespmem:$0x5800] =	vst v63  }
0x733: {  	_ =	swait.ge [sflag:s3], $0x2000  }
0x734: {  	s1 =	sld [smem:$0x7D9]  }
0x735: {  	[sflag:s3] =	ssyncset.done $0x0  }
0x736: {  	s28 =	sld [smem:$0x7DA];
	[sflag:s3] =	ssyncadd.s32 $0xFFFFE000  }
0x737: {  	[tilespmem:s4], [sflag:$0x1] =	stream.indirect.gather [hbm4b:s2+s7], $0x10, s1, s7, $0xb8;
	[tilespmem:$0x5800] =	vst v63  }
0x738: {  	s29 =	sld [smem:$0x7DB]  }
0x739: {  	[tilespmem:s5], [sflag:$0x1] =	stream.indirect.gather [hbm4b:s2+s7], $0x10, s28, s7, $0xb8;
	[tilespmem:$0x5800] =	vst v63  }
0x73a: {  	s30 =	sld [smem:$0x7DC]  }
0x73b: {  	[tilespmem:s10], [sflag:$0x1] =	stream.indirect.gather [hbm4b:s2+s7], $0x10, s29, s7, $0xb8;
	[tilespmem:$0x5800] =	vst v63  }
0x73c: {  	_ = 	snop  }
0x73d: {  	[tilespmem:s11], [sflag:$0x1] =	stream.indirect.gather [hbm4b:s2+s7], $0x10, s30, s7, $0xb8;
	[tilespmem:$0x5800] =	vst v63  }
0x73e: {  	_ =	swait.ge [sflag:s6], $0x800  }
0x73f: {  	[sflag:s6] =	ssyncset.done $0x0  }
0x740: {  	[sflag:s6] =	ssyncadd.s32 $0xFFFFF800  }
0x741: {  	_ =	swait.ge [sflag:s6], $0x800  }
0x742: {  	[sflag:s6] =	ssyncset.done $0x0  }
0x743: {  	[sflag:s6] =	ssyncadd.s32 $0xFFFFF800  }
0x744: {  	_ =	swait.ge [sflag:s6], $0x800  }
0x745: {  	[sflag:s6] =	ssyncset.done $0x0  }
0x746: {  	[sflag:s6] =	ssyncadd.s32 $0xFFFFF800  }
0x747: {  	_ =	swait.ge [sflag:s6], $0x800  }
0x748: {  	[sflag:s6] =	ssyncset.done $0x0  }
0x749: {  	s31 =	rddreg [dreg:$0x12];
	[sflag:s6] =	ssyncadd.s32 $0xFFFFF800  }
0x74a: {  	[hbm4b:s31+s8] =	stream.strided.scatter [tilespmem:s4], [sflag:$0x2], $0x2000, s9, s8, $0x38;
	[tilespmem:$0x5800] =	vst v63  }
0x74b: {  	_ =	swait.ge [sflag:s3], $0x2000  }
0x74c: {  	s1 =	sld [smem:$0x7DD]  }
0x74d: {  	[sflag:s3] =	ssyncset.done $0x0  }
0x74e: {  	s28 =	sld [smem:$0x7DE];
	[sflag:s3] =	ssyncadd.s32 $0xFFFFE000  }
0x74f: {  	[tilespmem:s4], [sflag:$0x1] =	stream.indirect.gather [hbm4b:s2+s7], $0x10, s1, s7, $0xb8;
	[tilespmem:$0x5800] =	vst v63  }
0x750: {  	s29 =	sld [smem:$0x7DF]  }
0x751: {  	[tilespmem:s5], [sflag:$0x1] =	stream.indirect.gather [hbm4b:s2+s7], $0x10, s28, s7, $0xb8;
	[tilespmem:$0x5800] =	vst v63  }
0x752: {  	s30 =	sld [smem:$0x7E0]  }
0x753: {  	[tilespmem:s10], [sflag:$0x1] =	stream.indirect.gather [hbm4b:s2+s7], $0x10, s29, s7, $0xb8;
	[tilespmem:$0x5800] =	vst v63  }
0x754: {  	_ = 	snop  }
0x755: {  	[tilespmem:s11], [sflag:$0x1] =	stream.indirect.gather [hbm4b:s2+s7], $0x10, s30, s7, $0xb8;
	[tilespmem:$0x5800] =	vst v63  }
0x756: {  	_ =	swait.ge [sflag:s6], $0x800  }
0x757: {  	[sflag:s6] =	ssyncset.done $0x0  }
0x758: {  	[sflag:s6] =	ssyncadd.s32 $0xFFFFF800  }
0x759: {  	_ =	swait.ge [sflag:s6], $0x800  }
0x75a: {  	[sflag:s6] =	ssyncset.done $0x0  }
0x75b: {  	[sflag:s6] =	ssyncadd.s32 $0xFFFFF800  }
0x75c: {  	_ =	swait.ge [sflag:s6], $0x800  }
0x75d: {  	[sflag:s6] =	ssyncset.done $0x0  }
0x75e: {  	[sflag:s6] =	ssyncadd.s32 $0xFFFFF800  }
0x75f: {  	_ =	swait.ge [sflag:s6], $0x800  }
0x760: {  	[sflag:s6] =	ssyncset.done $0x0  }
0x761: {  	s31 =	rddreg [dreg:$0x13];
	[sflag:s6] =	ssyncadd.s32 $0xFFFFF800  }
0x762: {  	[hbm4b:s31+s8] =	stream.strided.scatter [tilespmem:s4], [sflag:$0x2], $0x2000, s9, s8, $0x38;
	[tilespmem:$0x5800] =	vst v63  }
0x763: {  	_ =	swait.ge [sflag:s3], $0x2000  }
0x764: {  	s1 =	sld [smem:$0x7E1]  }
0x765: {  	[sflag:s3] =	ssyncset.done $0x0  }
0x766: {  	s28 =	sld [smem:$0x7E2];
	[sflag:s3] =	ssyncadd.s32 $0xFFFFE000  }
0x767: {  	[tilespmem:s4], [sflag:$0x1] =	stream.indirect.gather [hbm4b:s2+s7], $0x10, s1, s7, $0xb8;
	[tilespmem:$0x5800] =	vst v63  }
0x768: {  	s29 =	sld [smem:$0x7E3]  }
0x769: {  	[tilespmem:s5], [sflag:$0x1] =	stream.indirect.gather [hbm4b:s2+s7], $0x10, s28, s7, $0xb8;
	[tilespmem:$0x5800] =	vst v63  }
0x76a: {  	s30 =	sld [smem:$0x7E4]  }
0x76b: {  	[tilespmem:s10], [sflag:$0x1] =	stream.indirect.gather [hbm4b:s2+s7], $0x10, s29, s7, $0xb8;
	[tilespmem:$0x5800] =	vst v63  }
0x76c: {  	_ = 	snop  }
0x76d: {  	[tilespmem:s11], [sflag:$0x1] =	stream.indirect.gather [hbm4b:s2+s7], $0x10, s30, s7, $0xb8;
	[tilespmem:$0x5800] =	vst v63  }
0x76e: {  	_ =	swait.ge [sflag:s6], $0x800  }
0x76f: {  	[sflag:s6] =	ssyncset.done $0x0  }
0x770: {  	[sflag:s6] =	ssyncadd.s32 $0xFFFFF800  }
0x771: {  	_ =	swait.ge [sflag:s6], $0x800  }
0x772: {  	[sflag:s6] =	ssyncset.done $0x0  }
0x773: {  	[sflag:s6] =	ssyncadd.s32 $0xFFFFF800  }
0x774: {  	_ =	swait.ge [sflag:s6], $0x800  }
0x775: {  	[sflag:s6] =	ssyncset.done $0x0  }
0x776: {  	[sflag:s6] =	ssyncadd.s32 $0xFFFFF800  }
0x777: {  	_ =	swait.ge [sflag:s6], $0x800  }
0x778: {  	[sflag:s6] =	ssyncset.done $0x0  }
0x779: {  	s31 =	rddreg [dreg:$0x14];
	[sflag:s6] =	ssyncadd.s32 $0xFFFFF800  }
0x77a: {  	[hbm4b:s31+s8] =	stream.strided.scatter [tilespmem:s4], [sflag:$0x2], $0x2000, s9, s8, $0x38;
	[tilespmem:$0x5800] =	vst v63  }
0x77b: {  	_ =	swait.ge [sflag:s3], $0x2000  }
0x77c: {  	s1 =	sld [smem:$0x7E5]  }
0x77d: {  	[sflag:s3] =	ssyncset.done $0x0  }
0x77e: {  	s28 =	sld [smem:$0x7E6];
	[sflag:s3] =	ssyncadd.s32 $0xFFFFE000  }
0x77f: {  	[tilespmem:s4], [sflag:$0x1] =	stream.indirect.gather [hbm4b:s2+s7], $0x10, s1, s7, $0xb8;
	[tilespmem:$0x5800] =	vst v63  }
0x780: {  	s29 =	sld [smem:$0x7E7]  }
0x781: {  	[tilespmem:s5], [sflag:$0x1] =	stream.indirect.gather [hbm4b:s2+s7], $0x10, s28, s7, $0xb8;
	[tilespmem:$0x5800] =	vst v63  }
0x782: {  	s30 =	sld [smem:$0x7E8]  }
0x783: {  	[tilespmem:s10], [sflag:$0x1] =	stream.indirect.gather [hbm4b:s2+s7], $0x10, s29, s7, $0xb8;
	[tilespmem:$0x5800] =	vst v63  }
0x784: {  	_ = 	snop  }
0x785: {  	[tilespmem:s11], [sflag:$0x1] =	stream.indirect.gather [hbm4b:s2+s7], $0x10, s30, s7, $0xb8;
	[tilespmem:$0x5800] =	vst v63  }
0x786: {  	_ =	swait.ge [sflag:s6], $0x800  }
0x787: {  	[sflag:s6] =	ssyncset.done $0x0  }
0x788: {  	[sflag:s6] =	ssyncadd.s32 $0xFFFFF800  }
0x789: {  	_ =	swait.ge [sflag:s6], $0x800  }
0x78a: {  	[sflag:s6] =	ssyncset.done $0x0  }
0x78b: {  	[sflag:s6] =	ssyncadd.s32 $0xFFFFF800  }
0x78c: {  	_ =	swait.ge [sflag:s6], $0x800  }
0x78d: {  	[sflag:s6] =	ssyncset.done $0x0  }
0x78e: {  	[sflag:s6] =	ssyncadd.s32 $0xFFFFF800  }
0x78f: {  	_ =	swait.ge [sflag:s6], $0x800  }
0x790: {  	[sflag:s6] =	ssyncset.done $0x0  }
0x791: {  	s31 =	rddreg [dreg:$0x15];
	[sflag:s6] =	ssyncadd.s32 $0xFFFFF800  }
0x792: {  	[hbm4b:s31+s8] =	stream.strided.scatter [tilespmem:s4], [sflag:$0x2], $0x2000, s9, s8, $0x38;
	[tilespmem:$0x5800] =	vst v63  }
0x793: {  	_ =	swait.ge [sflag:s3], $0x2000  }
0x794: {  	s1 =	sld [smem:$0x7E9]  }
0x795: {  	[sflag:s3] =	ssyncset.done $0x0  }
0x796: {  	s28 =	sld [smem:$0x7EA];
	[sflag:s3] =	ssyncadd.s32 $0xFFFFE000  }
0x797: {  	[tilespmem:s4], [sflag:$0x1] =	stream.indirect.gather [hbm4b:s2+s7], $0x10, s1, s7, $0xb8;
	[tilespmem:$0x5800] =	vst v63  }
0x798: {  	s29 =	sld [smem:$0x7EB]  }
0x799: {  	[tilespmem:s5], [sflag:$0x1] =	stream.indirect.gather [hbm4b:s2+s7], $0x10, s28, s7, $0xb8;
	[tilespmem:$0x5800] =	vst v63  }
0x79a: {  	s30 =	sld [smem:$0x7EC]  }
0x79b: {  	[tilespmem:s10], [sflag:$0x1] =	stream.indirect.gather [hbm4b:s2+s7], $0x10, s29, s7, $0xb8;
	[tilespmem:$0x5800] =	vst v63  }
0x79c: {  	_ = 	snop  }
0x79d: {  	[tilespmem:s11], [sflag:$0x1] =	stream.indirect.gather [hbm4b:s2+s7], $0x10, s30, s7, $0xb8;
	[tilespmem:$0x5800] =	vst v63  }
0x79e: {  	_ =	swait.ge [sflag:s6], $0x800  }
0x79f: {  	[sflag:s6] =	ssyncset.done $0x0  }
0x7a0: {  	[sflag:s6] =	ssyncadd.s32 $0xFFFFF800  }
0x7a1: {  	_ =	swait.ge [sflag:s6], $0x800  }
0x7a2: {  	[sflag:s6] =	ssyncset.done $0x0  }
0x7a3: {  	[sflag:s6] =	ssyncadd.s32 $0xFFFFF800  }
0x7a4: {  	_ =	swait.ge [sflag:s6], $0x800  }
0x7a5: {  	[sflag:s6] =	ssyncset.done $0x0  }
0x7a6: {  	[sflag:s6] =	ssyncadd.s32 $0xFFFFF800  }
0x7a7: {  	_ =	swait.ge [sflag:s6], $0x800  }
0x7a8: {  	[sflag:s6] =	ssyncset.done $0x0  }
0x7a9: {  	s31 =	rddreg [dreg:$0x16];
	[sflag:s6] =	ssyncadd.s32 $0xFFFFF800  }
0x7aa: {  	[hbm4b:s31+s8] =	stream.strided.scatter [tilespmem:s4], [sflag:$0x2], $0x2000, s9, s8, $0x38;
	[tilespmem:$0x5800] =	vst v63  }
0x7ab: {  	_ =	swait.ge [sflag:s3], $0x2000  }
0x7ac: {  	s1 =	sld [smem:$0x7ED]  }
0x7ad: {  	[sflag:s3] =	ssyncset.done $0x0  }
0x7ae: {  	s28 =	sld [smem:$0x7EE];
	[sflag:s3] =	ssyncadd.s32 $0xFFFFE000  }
0x7af: {  	[tilespmem:s4], [sflag:$0x1] =	stream.indirect.gather [hbm4b:s2+s7], $0x10, s1, s7, $0xb8;
	[tilespmem:$0x5800] =	vst v63  }
0x7b0: {  	s29 =	sld [smem:$0x7EF]  }
0x7b1: {  	[tilespmem:s5], [sflag:$0x1] =	stream.indirect.gather [hbm4b:s2+s7], $0x10, s28, s7, $0xb8;
	[tilespmem:$0x5800] =	vst v63  }
0x7b2: {  	s30 =	sld [smem:$0x7F0]  }
0x7b3: {  	[tilespmem:s10], [sflag:$0x1] =	stream.indirect.gather [hbm4b:s2+s7], $0x10, s29, s7, $0xb8;
	[tilespmem:$0x5800] =	vst v63  }
0x7b4: {  	_ = 	snop  }
0x7b5: {  	[tilespmem:s11], [sflag:$0x1] =	stream.indirect.gather [hbm4b:s2+s7], $0x10, s30, s7, $0xb8;
	[tilespmem:$0x5800] =	vst v63  }
0x7b6: {  	_ =	swait.ge [sflag:s6], $0x800  }
0x7b7: {  	[sflag:s6] =	ssyncset.done $0x0  }
0x7b8: {  	[sflag:s6] =	ssyncadd.s32 $0xFFFFF800  }
0x7b9: {  	_ =	swait.ge [sflag:s6], $0x800  }
0x7ba: {  	[sflag:s6] =	ssyncset.done $0x0  }
0x7bb: {  	[sflag:s6] =	ssyncadd.s32 $0xFFFFF800  }
0x7bc: {  	_ =	swait.ge [sflag:s6], $0x800  }
0x7bd: {  	[sflag:s6] =	ssyncset.done $0x0  }
0x7be: {  	[sflag:s6] =	ssyncadd.s32 $0xFFFFF800  }
0x7bf: {  	_ =	swait.ge [sflag:s6], $0x800  }
0x7c0: {  	[sflag:s6] =	ssyncset.done $0x0  }
0x7c1: {  	s31 =	rddreg [dreg:$0x17];
	[sflag:s6] =	ssyncadd.s32 $0xFFFFF800  }
0x7c2: {  	[hbm4b:s31+s8] =	stream.strided.scatter [tilespmem:s4], [sflag:$0x2], $0x2000, s9, s8, $0x38;
	[tilespmem:$0x5800] =	vst v63  }
0x7c3: {  	_ =	swait.ge [sflag:s3], $0x2000  }
0x7c4: {  	s1 =	sld [smem:$0x7F1]  }
0x7c5: {  	[sflag:s3] =	ssyncset.done $0x0  }
0x7c6: {  	s28 =	sld [smem:$0x7F2];
	[sflag:s3] =	ssyncadd.s32 $0xFFFFE000  }
0x7c7: {  	[tilespmem:s4], [sflag:$0x1] =	stream.indirect.gather [hbm4b:s2+s7], $0x10, s1, s7, $0xb8;
	[tilespmem:$0x5800] =	vst v63  }
0x7c8: {  	s29 =	sld [smem:$0x7F3]  }
0x7c9: {  	[tilespmem:s5], [sflag:$0x1] =	stream.indirect.gather [hbm4b:s2+s7], $0x10, s28, s7, $0xb8;
	[tilespmem:$0x5800] =	vst v63  }
0x7ca: {  	s30 =	sld [smem:$0x7F4]  }
0x7cb: {  	[tilespmem:s10], [sflag:$0x1] =	stream.indirect.gather [hbm4b:s2+s7], $0x10, s29, s7, $0xb8;
	[tilespmem:$0x5800] =	vst v63  }
0x7cc: {  	_ = 	snop  }
0x7cd: {  	[tilespmem:s11], [sflag:$0x1] =	stream.indirect.gather [hbm4b:s2+s7], $0x10, s30, s7, $0xb8;
	[tilespmem:$0x5800] =	vst v63  }
0x7ce: {  	_ =	swait.ge [sflag:s6], $0x800  }
0x7cf: {  	[sflag:s6] =	ssyncset.done $0x0  }
0x7d0: {  	[sflag:s6] =	ssyncadd.s32 $0xFFFFF800  }
0x7d1: {  	_ =	swait.ge [sflag:s6], $0x800  }
0x7d2: {  	[sflag:s6] =	ssyncset.done $0x0  }
0x7d3: {  	[sflag:s6] =	ssyncadd.s32 $0xFFFFF800  }
0x7d4: {  	_ =	swait.ge [sflag:s6], $0x800  }
0x7d5: {  	[sflag:s6] =	ssyncset.done $0x0  }
0x7d6: {  	[sflag:s6] =	ssyncadd.s32 $0xFFFFF800  }
0x7d7: {  	_ =	swait.ge [sflag:s6], $0x800  }
0x7d8: {  	[sflag:s6] =	ssyncset.done $0x0  }
0x7d9: {  	s31 =	rddreg [dreg:$0x18];
	[sflag:s6] =	ssyncadd.s32 $0xFFFFF800  }
0x7da: {  	[hbm4b:s31+s8] =	stream.strided.scatter [tilespmem:s4], [sflag:$0x2], $0x2000, s9, s8, $0x38;
	[tilespmem:$0x5800] =	vst v63  }
0x7db: {  	_ =	swait.ge [sflag:s3], $0x2000  }
0x7dc: {  	s1 =	sld [smem:$0x7F5]  }
0x7dd: {  	[sflag:s3] =	ssyncset.done $0x0  }
0x7de: {  	s28 =	sld [smem:$0x7F6];
	[sflag:s3] =	ssyncadd.s32 $0xFFFFE000  }
0x7df: {  	[tilespmem:s4], [sflag:$0x1] =	stream.indirect.gather [hbm4b:s2+s7], $0x10, s1, s7, $0xb8;
	[tilespmem:$0x5800] =	vst v63  }
0x7e0: {  	s29 =	sld [smem:$0x7F7]  }
0x7e1: {  	[tilespmem:s5], [sflag:$0x1] =	stream.indirect.gather [hbm4b:s2+s7], $0x10, s28, s7, $0xb8;
	[tilespmem:$0x5800] =	vst v63  }
0x7e2: {  	s30 =	sld [smem:$0x7F8]  }
0x7e3: {  	[tilespmem:s10], [sflag:$0x1] =	stream.indirect.gather [hbm4b:s2+s7], $0x10, s29, s7, $0xb8;
	[tilespmem:$0x5800] =	vst v63  }
0x7e4: {  	_ = 	snop  }
0x7e5: {  	[tilespmem:s11], [sflag:$0x1] =	stream.indirect.gather [hbm4b:s2+s7], $0x10, s30, s7, $0xb8;
	[tilespmem:$0x5800] =	vst v63  }
0x7e6: {  	_ =	swait.ge [sflag:s6], $0x800  }
0x7e7: {  	[sflag:s6] =	ssyncset.done $0x0  }
0x7e8: {  	[sflag:s6] =	ssyncadd.s32 $0xFFFFF800  }
0x7e9: {  	_ =	swait.ge [sflag:s6], $0x800  }
0x7ea: {  	[sflag:s6] =	ssyncset.done $0x0  }
0x7eb: {  	[sflag:s6] =	ssyncadd.s32 $0xFFFFF800  }
0x7ec: {  	_ =	swait.ge [sflag:s6], $0x800  }
0x7ed: {  	[sflag:s6] =	ssyncset.done $0x0  }
0x7ee: {  	[sflag:s6] =	ssyncadd.s32 $0xFFFFF800  }
0x7ef: {  	_ =	swait.ge [sflag:s6], $0x800  }
0x7f0: {  	[sflag:s6] =	ssyncset.done $0x0  }
0x7f1: {  	s31 =	rddreg [dreg:$0x19];
	[sflag:s6] =	ssyncadd.s32 $0xFFFFF800  }
0x7f2: {  	[hbm4b:s31+s8] =	stream.strided.scatter [tilespmem:s4], [sflag:$0x2], $0x2000, s9, s8, $0x38;
	[tilespmem:$0x5800] =	vst v63  }
0x7f3: {  	_ =	swait.ge [sflag:s3], $0x2000  }
0x7f4: {  	s1 =	sld [smem:$0x7F9]  }
0x7f5: {  	[sflag:s3] =	ssyncset.done $0x0  }
0x7f6: {  	s28 =	sld [smem:$0x7FA];
	[sflag:s3] =	ssyncadd.s32 $0xFFFFE000  }
0x7f7: {  	[tilespmem:s4], [sflag:$0x1] =	stream.indirect.gather [hbm4b:s2+s7], $0x10, s1, s7, $0xb8;
	[tilespmem:$0x5800] =	vst v63  }
0x7f8: {  	s29 =	sld [smem:$0x7FB]  }
0x7f9: {  	[tilespmem:s5], [sflag:$0x1] =	stream.indirect.gather [hbm4b:s2+s7], $0x10, s28, s7, $0xb8;
	[tilespmem:$0x5800] =	vst v63  }
0x7fa: {  	s30 =	sld [smem:$0x7FC]  }
0x7fb: {  	[tilespmem:s10], [sflag:$0x1] =	stream.indirect.gather [hbm4b:s2+s7], $0x10, s29, s7, $0xb8;
	[tilespmem:$0x5800] =	vst v63  }
0x7fc: {  	_ = 	snop  }
0x7fd: {  	[tilespmem:s11], [sflag:$0x1] =	stream.indirect.gather [hbm4b:s2+s7], $0x10, s30, s7, $0xb8;
	[tilespmem:$0x5800] =	vst v63  }
0x7fe: {  	_ =	swait.ge [sflag:s6], $0x800  }
0x7ff: {  	[sflag:s6] =	ssyncset.done $0x0  }
0x800: {  	[sflag:s6] =	ssyncadd.s32 $0xFFFFF800  }
0x801: {  	_ =	swait.ge [sflag:s6], $0x800  }
0x802: {  	[sflag:s6] =	ssyncset.done $0x0  }
0x803: {  	[sflag:s6] =	ssyncadd.s32 $0xFFFFF800  }
0x804: {  	_ =	swait.ge [sflag:s6], $0x800  }
0x805: {  	[sflag:s6] =	ssyncset.done $0x0  }
0x806: {  	[sflag:s6] =	ssyncadd.s32 $0xFFFFF800  }
0x807: {  	_ =	swait.ge [sflag:s6], $0x800  }
0x808: {  	[sflag:s6] =	ssyncset.done $0x0  }
0x809: {  	s31 =	rddreg [dreg:$0x1a];
	[sflag:s6] =	ssyncadd.s32 $0xFFFFF800  }
0x80a: {  	[hbm4b:s31+s8] =	stream.strided.scatter [tilespmem:s4], [sflag:$0x2], $0x2000, s9, s8, $0x38;
	[tilespmem:$0x5800] =	vst v63  }
0x80b: {  	_ =	swait.ge [sflag:s3], $0x2000  }
0x80c: {  	s1 =	sld [smem:$0x7FD]  }
0x80d: {  	[sflag:s3] =	ssyncset.done $0x0  }
0x80e: {  	[sflag:s3] =	ssyncadd.s32 $0xFFFFE000  }
0x80f: {  	[tilespmem:s4], [sflag:$0x1] =	stream.indirect.gather [hbm4b:s2+s7], $0x10, s1, s7, $0xb8;
	[tilespmem:$0x5800] =	vst v63  }
0x810: {  	_ = 	snop  }
0x811: {  	[tilespmem:s5], [sflag:$0x1] =	stream.indirect.gather [hbm4b:s2+s7], $0x10, s25, s7, $0xb8;
	[tilespmem:$0x5800] =	vst v63  }
0x812: {  	_ = 	snop  }
0x813: {  	[tilespmem:s10], [sflag:$0x1] =	stream.indirect.gather [hbm4b:s2+s7], $0x10, s26, s7, $0xb8;
	[tilespmem:$0x5800] =	vst v63  }
0x814: {  	_ = 	snop  }
0x815: {  	[tilespmem:s11], [sflag:$0x1] =	stream.indirect.gather [hbm4b:s2+s7], $0x10, s16, s7, $0xb8;
	[tilespmem:$0x5800] =	vst v63  }
0x816: {  	_ =	swait.ge [sflag:s6], $0x800  }
0x817: {  	[sflag:s6] =	ssyncset.done $0x0  }
0x818: {  	[sflag:s6] =	ssyncadd.s32 $0xFFFFF800  }
0x819: {  	_ =	swait.ge [sflag:s6], $0x800  }
0x81a: {  	[sflag:s6] =	ssyncset.done $0x0  }
0x81b: {  	[sflag:s6] =	ssyncadd.s32 $0xFFFFF800  }
0x81c: {  	_ =	swait.ge [sflag:s6], $0x800  }
0x81d: {  	[sflag:s6] =	ssyncset.done $0x0  }
0x81e: {  	[sflag:s6] =	ssyncadd.s32 $0xFFFFF800  }
0x81f: {  	_ =	swait.ge [sflag:s6], $0x800  }
0x820: {  	[sflag:s6] =	ssyncset.done $0x0  }
0x821: {  	s26 =	rddreg [dreg:$0x1b];
	[sflag:s6] =	ssyncadd.s32 $0xFFFFF800  }
0x822: {  	[hbm4b:s26+s8] =	stream.strided.scatter [tilespmem:s4], [sflag:$0x2], $0x2000, s9, s8, $0x38;
	[tilespmem:$0x5800] =	vst v63  }
0x823: {  	_ =	swait.ge [sflag:s3], $0x2000  }
0x824: {  	[sflag:s3] =	ssyncset.done $0x0  }
0x825: {  	[sflag:s3] =	ssyncadd.s32 $0xFFFFE000  }
0x826: {  	[tilespmem:s4], [sflag:$0x1] =	stream.indirect.gather [hbm4b:s2+s7], $0x10, s21, s7, $0xb8;
	[tilespmem:$0x5800] =	vst v63  }
0x827: {  	_ = 	snop  }
0x828: {  	[tilespmem:s5], [sflag:$0x1] =	stream.indirect.gather [hbm4b:s2+s7], $0x10, s22, s7, $0xb8;
	[tilespmem:$0x5800] =	vst v63  }
0x829: {  	_ = 	snop  }
0x82a: {  	[tilespmem:s10], [sflag:$0x1] =	stream.indirect.gather [hbm4b:s2+s7], $0x10, s23, s7, $0xb8;
	[tilespmem:$0x5800] =	vst v63  }
0x82b: {  	_ = 	snop  }
0x82c: {  	[tilespmem:s11], [sflag:$0x1] =	stream.indirect.gather [hbm4b:s2+s7], $0x10, s24, s7, $0xb8;
	[tilespmem:$0x5800] =	vst v63  }
0x82d: {  	_ =	swait.ge [sflag:s6], $0x800  }
0x82e: {  	[sflag:s6] =	ssyncset.done $0x0  }
0x82f: {  	[sflag:s6] =	ssyncadd.s32 $0xFFFFF800  }
0x830: {  	_ =	swait.ge [sflag:s6], $0x800  }
0x831: {  	[sflag:s6] =	ssyncset.done $0x0  }
0x832: {  	[sflag:s6] =	ssyncadd.s32 $0xFFFFF800  }
0x833: {  	_ =	swait.ge [sflag:s6], $0x800  }
0x834: {  	[sflag:s6] =	ssyncset.done $0x0  }
0x835: {  	[sflag:s6] =	ssyncadd.s32 $0xFFFFF800  }
0x836: {  	_ =	swait.ge [sflag:s6], $0x800  }
0x837: {  	[sflag:s6] =	ssyncset.done $0x0  }
0x838: {  	s28 =	rddreg [dreg:$0x1c];
	[sflag:s6] =	ssyncadd.s32 $0xFFFFF800  }
0x839: {  	[hbm4b:s28+s8] =	stream.strided.scatter [tilespmem:s4], [sflag:$0x2], $0x2000, s9, s8, $0x38;
	[tilespmem:$0x5800] =	vst v63  }
0x83a: {  	_ =	swait.ge [sflag:s3], $0x2000  }
0x83b: {  	[sflag:s3] =	ssyncset.done $0x0  }
0x83c: {  	[sflag:s3] =	ssyncadd.s32 $0xFFFFE000  }
0x83d: {  	[tilespmem:s4], [sflag:$0x1] =	stream.indirect.gather [hbm4b:s2+s7], $0x10, s17, s7, $0xb8;
	[tilespmem:$0x5800] =	vst v63  }
0x83e: {  	_ = 	snop  }
0x83f: {  	[tilespmem:s5], [sflag:$0x1] =	stream.indirect.gather [hbm4b:s2+s7], $0x10, s18, s7, $0xb8;
	[tilespmem:$0x5800] =	vst v63  }
0x840: {  	_ = 	snop  }
0x841: {  	[tilespmem:s10], [sflag:$0x1] =	stream.indirect.gather [hbm4b:s2+s7], $0x10, s19, s7, $0xb8;
	[tilespmem:$0x5800] =	vst v63  }
0x842: {  	_ = 	snop  }
0x843: {  	[tilespmem:s11], [sflag:$0x1] =	stream.indirect.gather [hbm4b:s2+s7], $0x10, s20, s7, $0xb8;
	[tilespmem:$0x5800] =	vst v63  }
0x844: {  	_ =	swait.ge [sflag:s6], $0x800  }
0x845: {  	[sflag:s6] =	ssyncset.done $0x0  }
0x846: {  	[sflag:s6] =	ssyncadd.s32 $0xFFFFF800  }
0x847: {  	_ =	swait.ge [sflag:s6], $0x800  }
0x848: {  	[sflag:s6] =	ssyncset.done $0x0  }
0x849: {  	[sflag:s6] =	ssyncadd.s32 $0xFFFFF800  }
0x84a: {  	_ =	swait.ge [sflag:s6], $0x800  }
0x84b: {  	[sflag:s6] =	ssyncset.done $0x0  }
0x84c: {  	[sflag:s6] =	ssyncadd.s32 $0xFFFFF800  }
0x84d: {  	_ =	swait.ge [sflag:s6], $0x800  }
0x84e: {  	[sflag:s6] =	ssyncset.done $0x0  }
0x84f: {  	s29 =	rddreg [dreg:$0x1d];
	[sflag:s6] =	ssyncadd.s32 $0xFFFFF800  }
0x850: {  	[hbm4b:s29+s8] =	stream.strided.scatter [tilespmem:s4], [sflag:$0x2], $0x2000, s9, s8, $0x38;
	[tilespmem:$0x5800] =	vst v63  }
0x851: {  	_ =	swait.ge [sflag:s3], $0x2000  }
0x852: {  	[sflag:s3] =	ssyncset.done $0x0  }
0x853: {  	[sflag:s3] =	ssyncadd.s32 $0xFFFFE000  }
0x854: {  	[tilespmem:s4], [sflag:$0x1] =	stream.indirect.gather [hbm4b:s2+s7], $0x10, s13, s7, $0xb8;
	[tilespmem:$0x5800] =	vst v63  }
0x855: {  	_ = 	snop  }
0x856: {  	[tilespmem:s5], [sflag:$0x1] =	stream.indirect.gather [hbm4b:s2+s7], $0x10, s14, s7, $0xb8;
	[tilespmem:$0x5800] =	vst v63  }
0x857: {  	_ = 	snop  }
0x858: {  	[tilespmem:s10], [sflag:$0x1] =	stream.indirect.gather [hbm4b:s2+s7], $0x10, s15, s7, $0xb8;
	[tilespmem:$0x5800] =	vst v63  }
0x859: {  	s30 =	simm.s32 $0x3780  }
0x85a: {  	[tilespmem:s11], [sflag:$0x1] =	stream.indirect.gather [hbm4b:s2+s7], $0x10, s30, s7, $0xb8;
	[tilespmem:$0x5800] =	vst v63  }
0x85b: {  	_ =	swait.ge [sflag:s6], $0x800  }
0x85c: {  	[sflag:s6] =	ssyncset.done $0x0  }
0x85d: {  	[sflag:s6] =	ssyncadd.s32 $0xFFFFF800  }
0x85e: {  	_ =	swait.ge [sflag:s6], $0x800  }
0x85f: {  	[sflag:s6] =	ssyncset.done $0x0  }
0x860: {  	[sflag:s6] =	ssyncadd.s32 $0xFFFFF800  }
0x861: {  	_ =	swait.ge [sflag:s6], $0x800  }
0x862: {  	[sflag:s6] =	ssyncset.done $0x0  }
0x863: {  	[sflag:s6] =	ssyncadd.s32 $0xFFFFF800  }
0x864: {  	_ =	swait.ge [sflag:s6], $0x800  }
0x865: {  	[sflag:s6] =	ssyncset.done $0x0  }
0x866: {  	s31 =	rddreg [dreg:$0x1e];
	[sflag:s6] =	ssyncadd.s32 $0xFFFFF800  }
0x867: {  	[hbm4b:s31+s8] =	stream.strided.scatter [tilespmem:s4], [sflag:$0x2], $0x2000, s9, s8, $0x38;
	[tilespmem:$0x5800] =	vst v63  }
0x868: {  	_ =	swait.ge [sflag:s3], $0x2000  }
0x869: {  	[sflag:s3] =	ssyncset.done $0x0  }
0x86a: {  	[sflag:s3] =	ssyncadd.s32 $0xFFFFE000  }
0x86b: {  	_ =	sfence.sel $0x180000  }
0x86c: {  	[bflag:$0x0] =	sbarrier.arrive $0xFFFF  }
0x86d: {  	_ =	strace $0x90000047  }
0x86e: {  	[bflag:$0x2] =	sbarrier.arrive $0xFFFF  }
0x86f: {  	p0 =	sne.s32 s12, $0x0;
	s0 =	rddreg [dreg:$0x1]  }
0x870: {  	s0 =	sadd.s32 @!p0 $0x100000, s0  }
0x871: {  	[sflag:s0] =	ssyncadd.tile.s32 @!p0 $0x1;
	_ =	shalt  }
.LBB2_1:
.Ltmp3:
0x872: {  	s16 =	simm.s32 $0x3180;
	s26 =	simm.s32 $0x3100;
	(pc) =	sbr.rel .LBB2_6-.Ltmp3, $4  }
0x873: {  	s25 =	simm.s32 $0x3080;
	s24 =	simm.s32 $0x3380;
	s23 =	simm.s32 $0x3300  }
0x874: {  	s22 =	simm.s32 $0x3280;
	s21 =	simm.s32 $0x3200;
	s20 =	simm.s32 $0x3580  }
0x875: {  	s19 =	simm.s32 $0x3500;
	s18 =	simm.s32 $0x3480;
	s17 =	simm.s32 $0x3400  }
0x876: {  	s15 =	simm.s32 $0x3700;
	s14 =	simm.s32 $0x3680;
	s13 =	simm.s32 $0x3600  }
.LBB2_3:
0x877: {  	s16 =	simm.s32 $0x3180  }
.Ltmp4:
0x878: {  	s26 =	simm.s32 $0x3100;
	s25 =	simm.s32 $0x3080;
	(pc) =	sbr.rel .LBB2_6-.Ltmp4, $4  }
0x879: {  	s24 =	simm.s32 $0x3380;
	s23 =	simm.s32 $0x3300;
	s22 =	simm.s32 $0x3280  }
0x87a: {  	s21 =	simm.s32 $0x3200;
	s20 =	simm.s32 $0x3580;
	s19 =	simm.s32 $0x3500  }
0x87b: {  	s18 =	simm.s32 $0x3480;
	s17 =	simm.s32 $0x3400;
	s15 =	simm.s32 $0x3700  }
0x87c: {  	s14 =	simm.s32 $0x3680;
	s13 =	simm.s32 $0x3600;
	s12 =	stileid.u32  }
.Lfunc_end2:
_tile_overlayer_lowered:
.L_overlay_start_2:
0x87d: {  	(tag) =	ssettag $0x2  }
0x87e: {  	s0 =	rddreg [dreg:$0x0];
	s2 =	stileid.u32  }
0x87f: {  	s1 =	rddreg [dreg:$0x1];
	p0 =	sne.s32 s2, $0x0  }
0x880: {  	s3 =	rddreg [dreg:$0x2];
	[bflag:$0x3] =	sbarrier.arrive $0xFFFF;
	s2 =	simm.s32 @!p0 $0x1C02  }
0x881: {  	[timem:s3], [sflag:s2] =	dma.local @!p0 [hbm:s0], s1  }
0x882: {  	s0 =	simm.s32 @!p0 $0x2  }
0x883: {  	_ =	swait.ge @!p0 [sflag:s0], s1  }
0x884: {  	s1 =	ssub.s32 @!p0 $0x0, s1;
	[sflag:s0] =	ssyncset.done @!p0 $0x0  }
0x885: {  	[sflag:s0] =	ssyncadd.s32 @!p0 s1  }
0x886: {  	[bflag:$0x3] =	sbarrier.arrive $0xFFFF  }
0x887: {  	_ =	shalt  }

</sc_bundles>
